<compile_context>
chip_gen: v7x
topology: tpu7x:2x2x1
jax: 0.10.2.dev20260603
libtpu: 0.0.44.dev20260713+nightly
codegen_flags: <defaults>
</compile_context>

<pallas_src>
import functools

import jax
import jax.numpy as jnp
from jax import lax
from jax.experimental import pallas as pl
from jax.experimental.pallas import tpu as pltpu
from jax.experimental.pallas import tpu_sc as plsc

N = 10000
D = 128
K = 3
NC = 2
NS = 16
NW = NC * NS
N2 = 10240
RPT = N2 // NS
CB = 128
NCH = 84
NCHH = NCH // 2
EPW = NCH * CB
E2 = EPW * NW
BR = 320


def _mesh():
    return plsc.VectorSubcoreMesh(
        core_axis_name="c", subcore_axis_name="s",
        num_cores=NC, num_subcores=NS)


def _deg_body(dst4, dp_out, ei_v, ones_v, zb_v, db_v, accd):
    cid = lax.axis_index("c")
    sid = lax.axis_index("s")
    wid = sid * NC + cid
    z16 = jnp.zeros((16,), jnp.float32)
    o16 = jnp.ones((16,), jnp.float32)
    for i in range(CB // 16):
        ones_v[pl.ds(i * 16, 16)] = o16

    def fill(i, c):
        zb_v[pl.ds(i * 16, 16)] = z16
        return c

    lax.fori_loop(0, RPT // 16, fill, 0)
    pltpu.sync_copy(zb_v, accd.at[pl.ds(sid * RPT, RPT)])
    plsc.subcore_barrier()

    for h in range(2):
        pltpu.sync_copy(dst4.at[wid, h], ei_v)

        def step(j, c):
            pltpu.sync_copy(ones_v, accd.at[ei_v.at[j]], add=True)
            return c

        lax.fori_loop(0, NCHH, step, 0)
    plsc.subcore_barrier()
    pltpu.sync_copy(accd.at[pl.ds(sid * RPT, RPT)], db_v)
    pltpu.sync_copy(db_v, dp_out.at[cid, pl.ds(sid * RPT, RPT)])


_sc_deg = pl.kernel(
    _deg_body,
    out_type=jax.ShapeDtypeStruct((NC, N2), jnp.float32),
    mesh=_mesh(),
    scratch_types=[
        pltpu.VMEM((NCHH, CB), jnp.int32),
        pltpu.VMEM((CB,), jnp.float32),
        pltpu.VMEM((RPT,), jnp.float32),
        pltpu.VMEM((RPT,), jnp.float32),
        pltpu.VMEM_SHARED((N2,), jnp.float32),
    ],
)


def _hop_body(y_hbm, src4, dst4, p_out, src_v, dst_v, rows0, rows1, acc,
              gs0, gs1):
    cid = lax.axis_index("c")
    sid = lax.axis_index("s")
    wid = sid * NC + cid
    z16 = jnp.zeros((16,), jnp.float32)

    def zfill(r, c):
        for col in range(D // 16):
            rows0[r, pl.ds(col * 16, 16)] = z16
        return c

    lax.fori_loop(0, CB, zfill, 0)
    for b in range(RPT // CB):
        pltpu.sync_copy(rows0, acc.at[pl.ds(sid * RPT + b * CB, CB)])
    plsc.subcore_barrier()

    for h in range(2):
        pltpu.sync_copy(src4.at[wid, h], src_v)
        pltpu.sync_copy(dst4.at[wid, h], dst_v)
        pltpu.async_copy(y_hbm.at[src_v.at[0]], rows0, gs0)

        def pair(t, c):
            j0 = 2 * t
            pltpu.make_async_copy(
                y_hbm.at[src_v.at[j0]], rows0, gs0).wait()
            pltpu.async_copy(y_hbm.at[src_v.at[j0 + 1]], rows1, gs1)
            pltpu.sync_copy(rows0, acc.at[dst_v.at[j0]], add=True)
            pltpu.make_async_copy(
                y_hbm.at[src_v.at[j0 + 1]], rows1, gs1).wait()

            @pl.when(t < NCHH // 2 - 1)
            def _():
                pltpu.async_copy(y_hbm.at[src_v.at[j0 + 2]], rows0, gs0)

            pltpu.sync_copy(rows1, acc.at[dst_v.at[j0 + 1]], add=True)
            return c

        lax.fori_loop(0, NCHH // 2, pair, 0)
    plsc.subcore_barrier()
    for b in range(RPT // CB):
        base = sid * RPT + b * CB
        pltpu.sync_copy(acc.at[pl.ds(base, CB)], rows0)
        pltpu.sync_copy(rows0, p_out.at[cid, pl.ds(base, CB)])


_sc_hop = pl.kernel(
    _hop_body,
    out_type=jax.ShapeDtypeStruct((NC, N2, D), jnp.float32),
    mesh=_mesh(),
    scratch_types=[
        pltpu.VMEM((NCHH, CB), jnp.int32),
        pltpu.VMEM((NCHH, CB), jnp.int32),
        pltpu.VMEM((CB, D), jnp.float32),
        pltpu.VMEM((CB, D), jnp.float32),
        pltpu.VMEM_SHARED((N2, D), jnp.float32),
        pltpu.SemaphoreType.DMA,
        pltpu.SemaphoreType.DMA,
    ],
)


def _init_tc(dp_ref, x_ref, dinv_ref, y_ref):
    deg = dp_ref[0] + dp_ref[1]
    dinv = lax.rsqrt(jnp.maximum(deg, 1.0))
    dinv_ref[...] = dinv
    y_ref[...] = x_ref[...] * dinv


_tc_init = pl.pallas_call(
    _init_tc,
    grid=(N2 // BR,),
    in_specs=[
        pl.BlockSpec((NC, BR, 1), lambda i: (0, i, 0)),
        pl.BlockSpec((BR, D), lambda i: (i, 0)),
    ],
    out_specs=[
        pl.BlockSpec((BR, 1), lambda i: (i, 0)),
        pl.BlockSpec((BR, D), lambda i: (i, 0)),
    ],
    out_shape=[
        jax.ShapeDtypeStruct((N2, 1), jnp.float32),
        jax.ShapeDtypeStruct((N2, D), jnp.float32),
    ],
)


def _mid_tc(p_ref, s_ref, dinv_ref, s_out, y_out):
    dinv = dinv_ref[...]
    xn = (p_ref[0] + p_ref[1]) * dinv
    s_out[...] = s_ref[...] + xn
    y_out[...] = xn * dinv


_tc_mid = pl.pallas_call(
    _mid_tc,
    grid=(N2 // BR,),
    in_specs=[
        pl.BlockSpec((NC, BR, D), lambda i: (0, i, 0)),
        pl.BlockSpec((BR, D), lambda i: (i, 0)),
        pl.BlockSpec((BR, 1), lambda i: (i, 0)),
    ],
    out_specs=[
        pl.BlockSpec((BR, D), lambda i: (i, 0)),
        pl.BlockSpec((BR, D), lambda i: (i, 0)),
    ],
    out_shape=[
        jax.ShapeDtypeStruct((N2, D), jnp.float32),
        jax.ShapeDtypeStruct((N2, D), jnp.float32),
    ],
)


def _fin_tc(p_ref, s_ref, dinv_ref, s_out):
    xn = (p_ref[0] + p_ref[1]) * dinv_ref[...]
    s_out[...] = (s_ref[...] + xn) * (1.0 / (K + 1))


_tc_fin = pl.pallas_call(
    _fin_tc,
    grid=(N2 // BR,),
    in_specs=[
        pl.BlockSpec((NC, BR, D), lambda i: (0, i, 0)),
        pl.BlockSpec((BR, D), lambda i: (i, 0)),
        pl.BlockSpec((BR, 1), lambda i: (i, 0)),
    ],
    out_specs=pl.BlockSpec((BR, D), lambda i: (i, 0)),
    out_shape=jax.ShapeDtypeStruct((N2, D), jnp.float32),
)


def kernel(inputs, edge_index):
    src = edge_index[0].astype(jnp.int32)
    dst = edge_index[1].astype(jnp.int32)
    loop = jnp.arange(N, dtype=jnp.int32)
    npad = E2 - (src.shape[0] + N)
    pad = N + (jnp.arange(npad, dtype=jnp.int32) % (N2 - N))
    src3 = jnp.concatenate([src, loop, pad]).reshape(NW, 2, NCHH, CB)
    dst3 = jnp.concatenate([dst, loop, pad]).reshape(NW, 2, NCHH, CB)
    xpad = jnp.zeros((N2, D), jnp.float32).at[:N].set(inputs)

    dp = _sc_deg(dst3)
    dinvc, y = _tc_init(dp.reshape(NC, N2, 1), xpad)
    s = xpad
    for k in range(K):
        p = _sc_hop(y, src3, dst3)
        if k < K - 1:
            s, y = _tc_mid(p, s, dinvc)
        else:
            s = _tc_fin(p, s, dinvc)
    return s[:N]

# --- scband reference (transcript-rebuilt; emitter-appended) ---
"""Pipeline reference for scband-gcn-22952305229934 (READ-ONLY COPY).

The authoritative reference and input builder live on the scoring server;
editing this copy changes nothing except your own understanding.
"""

import jax, jax.numpy as jnp
import numpy as np

N = 10000
E = 320000
D = 128
K = 3


def setup_inputs(seed: int = 0) -> dict:
    key = jax.random.key(seed)
    k1, k2 = jax.random.split(key)
    inputs = jax.random.normal(k1, (N, D), dtype=jnp.float32)
    edge_index = jax.random.randint(k2, (2, E), 0, N, dtype=jnp.int32)
    return {"inputs": inputs, "edge_index": edge_index}


def _build_laplacian(edge_index):
    # cal_laplacian: symmetric-normalized adjacency with self-loops,
    # L = D^{-1/2} (A + I) D^{-1/2}, stored as (src, dst, w) COO triplets.
    src = edge_index[0]
    dst = edge_index[1]
    loop = jnp.arange(N, dtype=edge_index.dtype)
    src_all = jnp.concatenate([src, loop])
    dst_all = jnp.concatenate([dst, loop])
    deg = jnp.zeros((N,), dtype=jnp.float32).at[dst_all].add(1.0)
    dinv = 1.0 / jnp.sqrt(jnp.clip(deg, 1.0))
    w = dinv[src_all] * dinv[dst_all]
    return src_all, dst_all, w


def reference(inputs, edge_index):
    src_all, dst_all, w = _build_laplacian(edge_index)

    def spmm(x):
        # torch.sparse.mm(laplacian, x): gather rows by src, scale, scatter-add by dst
        msg = w[:, None] * jnp.take(x, src_all, axis=0)
        return jax.ops.segment_sum(msg, dst_all, num_segments=N)

    s = inputs
    x = inputs
    for _ in range(K):
        x = spmm(x)
        s = s + x
    return s / (K + 1)

if __name__ == "__main__":
    import jax
    _d = setup_inputs()
    print(jax.jit(kernel)(*tuple(_d.values())))

</pallas_src>

<mosaic_0001>
#map = affine_map<(d0, d1) -> (0, 0)>
#map1 = affine_map<(d0, d1) -> (0, 0, 0, 0)>
#map2 = affine_map<(d0, d1) -> (0, 0, 0)>
module attributes {stable_mosaic.version = 14 : i64} {
  func.func @_hop_body(%arg0: i32, %arg1: i32, %arg2: memref<10240x128xf32, #tpu.memory_space<hbm>>, %arg3: memref<32x2x42x128xi32, #tpu.memory_space<hbm>>, %arg4: memref<32x2x42x128xi32, #tpu.memory_space<hbm>>, %arg5: memref<2x10240x128xf32, #tpu.memory_space<hbm>>, %arg6: memref<42x128xi32, #tpu.memory_space<vmem>>, %arg7: memref<42x128xi32, #tpu.memory_space<vmem>>, %arg8: memref<128x128xf32, #tpu.memory_space<vmem>>, %arg9: memref<128x128xf32, #tpu.memory_space<vmem>>, %arg10: memref<10240x128xf32, #tpu.memory_space<vmem_shared>>, %arg11: memref<!tpu.dma_semaphore, #tpu.memory_space<semaphore_mem>>, %arg12: memref<!tpu.dma_semaphore, #tpu.memory_space<semaphore_mem>>) attributes {dimension_semantics = [#tpu.dimension_semantics<core_parallel>, #tpu.dimension_semantics<subcore_parallel>], iteration_bounds = array<i64: 2, 16>, scalar_prefetch = 0 : i64, scratch_operands = 7 : i64, tpu.core_type = #tpu.core_type<sc_vector_subcore>, window_params = [{transform_indices = #map}, {transform_indices = #map1}, {transform_indices = #map1}, {transform_indices = #map2}]} {
    %mul3A = arith.constant 2 : i32
    %mul3A_0 = arith.muli %arg1, %mul3A : i32
    %add3A = arith.addi %mul3A_0, %arg0 : i32
    %broadcast_in_dim3A = arith.constant 0.000000e+00 : f32
    %broadcast_in_dim3A_1 = vector.broadcast %broadcast_in_dim3A : f32 to vector<16xf32>
    %scan3A = arith.constant 0 : i32
    %scan3A_2 = arith.constant 0 : i32
    %scan3A_3 = arith.constant 128 : i32
    %scan3A_4 = arith.addi %scan3A_2, %scan3A_3 : i32
    %scan3A_5 = arith.constant 1 : i32
    scf.for %scan3A_76 = %scan3A_2 to %scan3A_4 step %scan3A_5  : i32 {
      %swap3A = arith.index_cast %scan3A_76 : i32 to index
      %swap3A_77 = arith.constant 0 : index
      %swap3A_78 = tpu.vector_load %arg8[%swap3A, %swap3A_77] {strides = array<i32>} : memref<128x128xf32, #tpu.memory_space<vmem>>, vector<1x16xf32>,
      %swap3A_79 = vector.shape_cast %swap3A_78 : vector<1x16xf32> to vector<16xf32>
      %swap3A_80 = vector.shape_cast %broadcast_in_dim3A_1 : vector<16xf32> to vector<1x16xf32>
      tpu.vector_store %arg8[%swap3A, %swap3A_77], %swap3A_80 {strides = array<i32>} : memref<128x128xf32, #tpu.memory_space<vmem>>, vector<1x16xf32>,
      %swap3A_81 = arith.index_cast %scan3A_76 : i32 to index
      %swap3A_82 = arith.constant 16 : index
      %swap3A_83 = tpu.vector_load %arg8[%swap3A_81, %swap3A_82] {strides = array<i32>} : memref<128x128xf32, #tpu.memory_space<vmem>>, vector<1x16xf32>,
      %swap3A_84 = vector.shape_cast %swap3A_83 : vector<1x16xf32> to vector<16xf32>
      %swap3A_85 = vector.shape_cast %broadcast_in_dim3A_1 : vector<16xf32> to vector<1x16xf32>
      tpu.vector_store %arg8[%swap3A_81, %swap3A_82], %swap3A_85 {strides = array<i32>} : memref<128x128xf32, #tpu.memory_space<vmem>>, vector<1x16xf32>,
      %swap3A_86 = arith.index_cast %scan3A_76 : i32 to index
      %swap3A_87 = arith.constant 32 : index
      %swap3A_88 = tpu.vector_load %arg8[%swap3A_86, %swap3A_87] {strides = array<i32>} : memref<128x128xf32, #tpu.memory_space<vmem>>, vector<1x16xf32>,
      %swap3A_89 = vector.shape_cast %swap3A_88 : vector<1x16xf32> to vector<16xf32>
      %swap3A_90 = vector.shape_cast %broadcast_in_dim3A_1 : vector<16xf32> to vector<1x16xf32>
      tpu.vector_store %arg8[%swap3A_86, %swap3A_87], %swap3A_90 {strides = array<i32>} : memref<128x128xf32, #tpu.memory_space<vmem>>, vector<1x16xf32>,
      %swap3A_91 = arith.index_cast %scan3A_76 : i32 to index
      %swap3A_92 = arith.constant 48 : index
      %swap3A_93 = tpu.vector_load %arg8[%swap3A_91, %swap3A_92] {strides = array<i32>} : memref<128x128xf32, #tpu.memory_space<vmem>>, vector<1x16xf32>,
      %swap3A_94 = vector.shape_cast %swap3A_93 : vector<1x16xf32> to vector<16xf32>
      %swap3A_95 = vector.shape_cast %broadcast_in_dim3A_1 : vector<16xf32> to vector<1x16xf32>
      tpu.vector_store %arg8[%swap3A_91, %swap3A_92], %swap3A_95 {strides = array<i32>} : memref<128x128xf32, #tpu.memory_space<vmem>>, vector<1x16xf32>,
      %swap3A_96 = arith.index_cast %scan3A_76 : i32 to index
      %swap3A_97 = arith.constant 64 : index
      %swap3A_98 = tpu.vector_load %arg8[%swap3A_96, %swap3A_97] {strides = array<i32>} : memref<128x128xf32, #tpu.memory_space<vmem>>, vector<1x16xf32>,
      %swap3A_99 = vector.shape_cast %swap3A_98 : vector<1x16xf32> to vector<16xf32>
      %swap3A_100 = vector.shape_cast %broadcast_in_dim3A_1 : vector<16xf32> to vector<1x16xf32>
      tpu.vector_store %arg8[%swap3A_96, %swap3A_97], %swap3A_100 {strides = array<i32>} : memref<128x128xf32, #tpu.memory_space<vmem>>, vector<1x16xf32>,
      %swap3A_101 = arith.index_cast %scan3A_76 : i32 to index
      %swap3A_102 = arith.constant 80 : index
      %swap3A_103 = tpu.vector_load %arg8[%swap3A_101, %swap3A_102] {strides = array<i32>} : memref<128x128xf32, #tpu.memory_space<vmem>>, vector<1x16xf32>,
      %swap3A_104 = vector.shape_cast %swap3A_103 : vector<1x16xf32> to vector<16xf32>
      %swap3A_105 = vector.shape_cast %broadcast_in_dim3A_1 : vector<16xf32> to vector<1x16xf32>
      tpu.vector_store %arg8[%swap3A_101, %swap3A_102], %swap3A_105 {strides = array<i32>} : memref<128x128xf32, #tpu.memory_space<vmem>>, vector<1x16xf32>,
      %swap3A_106 = arith.index_cast %scan3A_76 : i32 to index
      %swap3A_107 = arith.constant 96 : index
      %swap3A_108 = tpu.vector_load %arg8[%swap3A_106, %swap3A_107] {strides = array<i32>} : memref<128x128xf32, #tpu.memory_space<vmem>>, vector<1x16xf32>,
      %swap3A_109 = vector.shape_cast %swap3A_108 : vector<1x16xf32> to vector<16xf32>
      %swap3A_110 = vector.shape_cast %broadcast_in_dim3A_1 : vector<16xf32> to vector<1x16xf32>
      tpu.vector_store %arg8[%swap3A_106, %swap3A_107], %swap3A_110 {strides = array<i32>} : memref<128x128xf32, #tpu.memory_space<vmem>>, vector<1x16xf32>,
      %swap3A_111 = arith.index_cast %scan3A_76 : i32 to index
      %swap3A_112 = arith.constant 112 : index
      %swap3A_113 = tpu.vector_load %arg8[%swap3A_111, %swap3A_112] {strides = array<i32>} : memref<128x128xf32, #tpu.memory_space<vmem>>, vector<1x16xf32>,
      %swap3A_114 = vector.shape_cast %swap3A_113 : vector<1x16xf32> to vector<16xf32>
      %swap3A_115 = vector.shape_cast %broadcast_in_dim3A_1 : vector<16xf32> to vector<1x16xf32>
      tpu.vector_store %arg8[%swap3A_111, %swap3A_112], %swap3A_115 {strides = array<i32>} : memref<128x128xf32, #tpu.memory_space<vmem>>, vector<1x16xf32>,
    }
    %scan3A_6 = arith.constant 128 : i32
    %mul3A_7 = arith.constant 640 : i32
    %mul3A_8 = arith.muli %arg1, %mul3A_7 : i32
    %add3A_9 = arith.constant 0 : i32
    %add3A_10 = arith.addi %mul3A_8, %add3A_9 : i32
    "tpu.region"() ({
      %run_scoped3A_76 = tpu.sem_alloc : memref<!tpu.dma_semaphore, #tpu.memory_space<semaphore_mem>>
      %dma_start3A_77 = arith.constant 0 : i32
      %dma_start3A_78 = tpu.memref_slice %arg10[%add3A_10, %dma_start3A_77] : memref<10240x128xf32, #tpu.memory_space<vmem_shared>> -> memref<128x128xf32, #tpu.memory_space<vmem_shared>>
      %dma_start3A_79 = arith.constant 0 : i32
      %dma_start3A_80 = tpu.memref_slice %arg10[%add3A_10, %dma_start3A_79] : memref<10240x128xf32, #tpu.memory_space<vmem_shared>> -> memref<128x128xf32, #tpu.memory_space<vmem_shared>>
      tpu.enqueue_dma source(%arg8 : memref<128x128xf32, #tpu.memory_space<vmem>>) target(%dma_start3A_80 : memref<128x128xf32, #tpu.memory_space<vmem_shared>>) target_semaphore(%run_scoped3A_76 : memref<!tpu.dma_semaphore, #tpu.memory_space<semaphore_mem>>)
      %dma_wait3A = arith.constant 0 : i32
      %dma_wait3A_81 = tpu.memref_slice %arg10[%add3A_10, %dma_wait3A] : memref<10240x128xf32, #tpu.memory_space<vmem_shared>> -> memref<128x128xf32, #tpu.memory_space<vmem_shared>>
      %dma_wait3A_82 = arith.constant 0 : i32
      %dma_wait3A_83 = tpu.memref_slice %arg10[%add3A_10, %dma_wait3A_82] : memref<10240x128xf32, #tpu.memory_space<vmem_shared>> -> memref<128x128xf32, #tpu.memory_space<vmem_shared>>
      tpu.wait_dma2 semaphore(%run_scoped3A_76 : memref<!tpu.dma_semaphore, #tpu.memory_space<semaphore_mem>>) src(%arg8 : memref<128x128xf32, #tpu.memory_space<vmem>>) dst(%dma_wait3A_83 : memref<128x128xf32, #tpu.memory_space<vmem_shared>>)
      tpu.yield
    }) : () -> ()
    %mul3A_11 = arith.constant 640 : i32
    %mul3A_12 = arith.muli %arg1, %mul3A_11 : i32
    %add3A_13 = arith.constant 128 : i32
    %add3A_14 = arith.addi %mul3A_12, %add3A_13 : i32
    "tpu.region"() ({
      %run_scoped3A_76 = tpu.sem_alloc : memref<!tpu.dma_semaphore, #tpu.memory_space<semaphore_mem>>
      %dma_start3A_77 = arith.constant 0 : i32
      %dma_start3A_78 = tpu.memref_slice %arg10[%add3A_14, %dma_start3A_77] : memref<10240x128xf32, #tpu.memory_space<vmem_shared>> -> memref<128x128xf32, #tpu.memory_space<vmem_shared>>
      %dma_start3A_79 = arith.constant 0 : i32
      %dma_start3A_80 = tpu.memref_slice %arg10[%add3A_14, %dma_start3A_79] : memref<10240x128xf32, #tpu.memory_space<vmem_shared>> -> memref<128x128xf32, #tpu.memory_space<vmem_shared>>
      tpu.enqueue_dma source(%arg8 : memref<128x128xf32, #tpu.memory_space<vmem>>) target(%dma_start3A_80 : memref<128x128xf32, #tpu.memory_space<vmem_shared>>) target_semaphore(%run_scoped3A_76 : memref<!tpu.dma_semaphore, #tpu.memory_space<semaphore_mem>>)
      %dma_wait3A = arith.constant 0 : i32
      %dma_wait3A_81 = tpu.memref_slice %arg10[%add3A_14, %dma_wait3A] : memref<10240x128xf32, #tpu.memory_space<vmem_shared>> -> memref<128x128xf32, #tpu.memory_space<vmem_shared>>
      %dma_wait3A_82 = arith.constant 0 : i32
      %dma_wait3A_83 = tpu.memref_slice %arg10[%add3A_14, %dma_wait3A_82] : memref<10240x128xf32, #tpu.memory_space<vmem_shared>> -> memref<128x128xf32, #tpu.memory_space<vmem_shared>>
      tpu.wait_dma2 semaphore(%run_scoped3A_76 : memref<!tpu.dma_semaphore, #tpu.memory_space<semaphore_mem>>) src(%arg8 : memref<128x128xf32, #tpu.memory_space<vmem>>) dst(%dma_wait3A_83 : memref<128x128xf32, #tpu.memory_space<vmem_shared>>)
      tpu.yield
    }) : () -> ()
    %mul3A_15 = arith.constant 640 : i32
    %mul3A_16 = arith.muli %arg1, %mul3A_15 : i32
    %add3A_17 = arith.constant 256 : i32
    %add3A_18 = arith.addi %mul3A_16, %add3A_17 : i32
    "tpu.region"() ({
      %run_scoped3A_76 = tpu.sem_alloc : memref<!tpu.dma_semaphore, #tpu.memory_space<semaphore_mem>>
      %dma_start3A_77 = arith.constant 0 : i32
      %dma_start3A_78 = tpu.memref_slice %arg10[%add3A_18, %dma_start3A_77] : memref<10240x128xf32, #tpu.memory_space<vmem_shared>> -> memref<128x128xf32, #tpu.memory_space<vmem_shared>>
      %dma_start3A_79 = arith.constant 0 : i32
      %dma_start3A_80 = tpu.memref_slice %arg10[%add3A_18, %dma_start3A_79] : memref<10240x128xf32, #tpu.memory_space<vmem_shared>> -> memref<128x128xf32, #tpu.memory_space<vmem_shared>>
      tpu.enqueue_dma source(%arg8 : memref<128x128xf32, #tpu.memory_space<vmem>>) target(%dma_start3A_80 : memref<128x128xf32, #tpu.memory_space<vmem_shared>>) target_semaphore(%run_scoped3A_76 : memref<!tpu.dma_semaphore, #tpu.memory_space<semaphore_mem>>)
      %dma_wait3A = arith.constant 0 : i32
      %dma_wait3A_81 = tpu.memref_slice %arg10[%add3A_18, %dma_wait3A] : memref<10240x128xf32, #tpu.memory_space<vmem_shared>> -> memref<128x128xf32, #tpu.memory_space<vmem_shared>>
      %dma_wait3A_82 = arith.constant 0 : i32
      %dma_wait3A_83 = tpu.memref_slice %arg10[%add3A_18, %dma_wait3A_82] : memref<10240x128xf32, #tpu.memory_space<vmem_shared>> -> memref<128x128xf32, #tpu.memory_space<vmem_shared>>
      tpu.wait_dma2 semaphore(%run_scoped3A_76 : memref<!tpu.dma_semaphore, #tpu.memory_space<semaphore_mem>>) src(%arg8 : memref<128x128xf32, #tpu.memory_space<vmem>>) dst(%dma_wait3A_83 : memref<128x128xf32, #tpu.memory_space<vmem_shared>>)
      tpu.yield
    }) : () -> ()
    %mul3A_19 = arith.constant 640 : i32
    %mul3A_20 = arith.muli %arg1, %mul3A_19 : i32
    %add3A_21 = arith.constant 384 : i32
    %add3A_22 = arith.addi %mul3A_20, %add3A_21 : i32
    "tpu.region"() ({
      %run_scoped3A_76 = tpu.sem_alloc : memref<!tpu.dma_semaphore, #tpu.memory_space<semaphore_mem>>
      %dma_start3A_77 = arith.constant 0 : i32
      %dma_start3A_78 = tpu.memref_slice %arg10[%add3A_22, %dma_start3A_77] : memref<10240x128xf32, #tpu.memory_space<vmem_shared>> -> memref<128x128xf32, #tpu.memory_space<vmem_shared>>
      %dma_start3A_79 = arith.constant 0 : i32
      %dma_start3A_80 = tpu.memref_slice %arg10[%add3A_22, %dma_start3A_79] : memref<10240x128xf32, #tpu.memory_space<vmem_shared>> -> memref<128x128xf32, #tpu.memory_space<vmem_shared>>
      tpu.enqueue_dma source(%arg8 : memref<128x128xf32, #tpu.memory_space<vmem>>) target(%dma_start3A_80 : memref<128x128xf32, #tpu.memory_space<vmem_shared>>) target_semaphore(%run_scoped3A_76 : memref<!tpu.dma_semaphore, #tpu.memory_space<semaphore_mem>>)
      %dma_wait3A = arith.constant 0 : i32
      %dma_wait3A_81 = tpu.memref_slice %arg10[%add3A_22, %dma_wait3A] : memref<10240x128xf32, #tpu.memory_space<vmem_shared>> -> memref<128x128xf32, #tpu.memory_space<vmem_shared>>
      %dma_wait3A_82 = arith.constant 0 : i32
      %dma_wait3A_83 = tpu.memref_slice %arg10[%add3A_22, %dma_wait3A_82] : memref<10240x128xf32, #tpu.memory_space<vmem_shared>> -> memref<128x128xf32, #tpu.memory_space<vmem_shared>>
      tpu.wait_dma2 semaphore(%run_scoped3A_76 : memref<!tpu.dma_semaphore, #tpu.memory_space<semaphore_mem>>) src(%arg8 : memref<128x128xf32, #tpu.memory_space<vmem>>) dst(%dma_wait3A_83 : memref<128x128xf32, #tpu.memory_space<vmem_shared>>)
      tpu.yield
    }) : () -> ()
    %mul3A_23 = arith.constant 640 : i32
    %mul3A_24 = arith.muli %arg1, %mul3A_23 : i32
    %add3A_25 = arith.constant 512 : i32
    %add3A_26 = arith.addi %mul3A_24, %add3A_25 : i32
    "tpu.region"() ({
      %run_scoped3A_76 = tpu.sem_alloc : memref<!tpu.dma_semaphore, #tpu.memory_space<semaphore_mem>>
      %dma_start3A_77 = arith.constant 0 : i32
      %dma_start3A_78 = tpu.memref_slice %arg10[%add3A_26, %dma_start3A_77] : memref<10240x128xf32, #tpu.memory_space<vmem_shared>> -> memref<128x128xf32, #tpu.memory_space<vmem_shared>>
      %dma_start3A_79 = arith.constant 0 : i32
      %dma_start3A_80 = tpu.memref_slice %arg10[%add3A_26, %dma_start3A_79] : memref<10240x128xf32, #tpu.memory_space<vmem_shared>> -> memref<128x128xf32, #tpu.memory_space<vmem_shared>>
      tpu.enqueue_dma source(%arg8 : memref<128x128xf32, #tpu.memory_space<vmem>>) target(%dma_start3A_80 : memref<128x128xf32, #tpu.memory_space<vmem_shared>>) target_semaphore(%run_scoped3A_76 : memref<!tpu.dma_semaphore, #tpu.memory_space<semaphore_mem>>)
      %dma_wait3A = arith.constant 0 : i32
      %dma_wait3A_81 = tpu.memref_slice %arg10[%add3A_26, %dma_wait3A] : memref<10240x128xf32, #tpu.memory_space<vmem_shared>> -> memref<128x128xf32, #tpu.memory_space<vmem_shared>>
      %dma_wait3A_82 = arith.constant 0 : i32
      %dma_wait3A_83 = tpu.memref_slice %arg10[%add3A_26, %dma_wait3A_82] : memref<10240x128xf32, #tpu.memory_space<vmem_shared>> -> memref<128x128xf32, #tpu.memory_space<vmem_shared>>
      tpu.wait_dma2 semaphore(%run_scoped3A_76 : memref<!tpu.dma_semaphore, #tpu.memory_space<semaphore_mem>>) src(%arg8 : memref<128x128xf32, #tpu.memory_space<vmem>>) dst(%dma_wait3A_83 : memref<128x128xf32, #tpu.memory_space<vmem_shared>>)
      tpu.yield
    }) : () -> ()
    %barrier3A = arith.constant 0 : index
    tpu.barrier barrier_id(%barrier3A)
    %run_scoped3A = arith.constant 0 : i32
    "tpu.region"() ({
      %run_scoped3A_76 = tpu.sem_alloc : memref<!tpu.dma_semaphore, #tpu.memory_space<semaphore_mem>>
      %dma_start3A_77 = arith.constant 0 : i32
      %dma_start3A_78 = arith.constant 0 : i32
      %dma_start3A_79 = tpu.memref_slice %arg3[%add3A, %run_scoped3A, %dma_start3A_77, %dma_start3A_78] : memref<32x2x42x128xi32, #tpu.memory_space<hbm>> -> memref<1x1x42x128xi32, #tpu.memory_space<hbm>>
      %dma_start3A_80 = tpu.memref_squeeze %dma_start3A_79 : memref<1x1x42x128xi32, #tpu.memory_space<hbm>> -> memref<42x128xi32, #tpu.memory_space<hbm>>
      %dma_start3A_81 = arith.constant 0 : i32
      %dma_start3A_82 = arith.constant 0 : i32
      %dma_start3A_83 = tpu.memref_slice %arg3[%add3A, %run_scoped3A, %dma_start3A_81, %dma_start3A_82] : memref<32x2x42x128xi32, #tpu.memory_space<hbm>> -> memref<1x1x42x128xi32, #tpu.memory_space<hbm>>
      %dma_start3A_84 = tpu.memref_squeeze %dma_start3A_83 : memref<1x1x42x128xi32, #tpu.memory_space<hbm>> -> memref<42x128xi32, #tpu.memory_space<hbm>>
      tpu.enqueue_dma source(%dma_start3A_84 : memref<42x128xi32, #tpu.memory_space<hbm>>) target(%arg6 : memref<42x128xi32, #tpu.memory_space<vmem>>) target_semaphore(%run_scoped3A_76 : memref<!tpu.dma_semaphore, #tpu.memory_space<semaphore_mem>>)
      %dma_wait3A = arith.constant 0 : i32
      %dma_wait3A_85 = arith.constant 0 : i32
      %dma_wait3A_86 = tpu.memref_slice %arg3[%add3A, %run_scoped3A, %dma_wait3A, %dma_wait3A_85] : memref<32x2x42x128xi32, #tpu.memory_space<hbm>> -> memref<1x1x42x128xi32, #tpu.memory_space<hbm>>
      %dma_wait3A_87 = tpu.memref_squeeze %dma_wait3A_86 : memref<1x1x42x128xi32, #tpu.memory_space<hbm>> -> memref<42x128xi32, #tpu.memory_space<hbm>>
      %dma_wait3A_88 = arith.constant 0 : i32
      %dma_wait3A_89 = arith.constant 0 : i32
      %dma_wait3A_90 = tpu.memref_slice %arg3[%add3A, %run_scoped3A, %dma_wait3A_88, %dma_wait3A_89] : memref<32x2x42x128xi32, #tpu.memory_space<hbm>> -> memref<1x1x42x128xi32, #tpu.memory_space<hbm>>
      %dma_wait3A_91 = tpu.memref_squeeze %dma_wait3A_90 : memref<1x1x42x128xi32, #tpu.memory_space<hbm>> -> memref<42x128xi32, #tpu.memory_space<hbm>>
      tpu.wait_dma2 semaphore(%run_scoped3A_76 : memref<!tpu.dma_semaphore, #tpu.memory_space<semaphore_mem>>) src(%dma_wait3A_91 : memref<42x128xi32, #tpu.memory_space<hbm>>) dst(%arg6 : memref<42x128xi32, #tpu.memory_space<vmem>>)
      tpu.yield
    }) : () -> ()
    %run_scoped3A_27 = arith.constant 0 : i32
    "tpu.region"() ({
      %run_scoped3A_76 = tpu.sem_alloc : memref<!tpu.dma_semaphore, #tpu.memory_space<semaphore_mem>>
      %dma_start3A_77 = arith.constant 0 : i32
      %dma_start3A_78 = arith.constant 0 : i32
      %dma_start3A_79 = tpu.memref_slice %arg4[%add3A, %run_scoped3A_27, %dma_start3A_77, %dma_start3A_78] : memref<32x2x42x128xi32, #tpu.memory_space<hbm>> -> memref<1x1x42x128xi32, #tpu.memory_space<hbm>>
      %dma_start3A_80 = tpu.memref_squeeze %dma_start3A_79 : memref<1x1x42x128xi32, #tpu.memory_space<hbm>> -> memref<42x128xi32, #tpu.memory_space<hbm>>
      %dma_start3A_81 = arith.constant 0 : i32
      %dma_start3A_82 = arith.constant 0 : i32
      %dma_start3A_83 = tpu.memref_slice %arg4[%add3A, %run_scoped3A_27, %dma_start3A_81, %dma_start3A_82] : memref<32x2x42x128xi32, #tpu.memory_space<hbm>> -> memref<1x1x42x128xi32, #tpu.memory_space<hbm>>
      %dma_start3A_84 = tpu.memref_squeeze %dma_start3A_83 : memref<1x1x42x128xi32, #tpu.memory_space<hbm>> -> memref<42x128xi32, #tpu.memory_space<hbm>>
      tpu.enqueue_dma source(%dma_start3A_84 : memref<42x128xi32, #tpu.memory_space<hbm>>) target(%arg7 : memref<42x128xi32, #tpu.memory_space<vmem>>) target_semaphore(%run_scoped3A_76 : memref<!tpu.dma_semaphore, #tpu.memory_space<semaphore_mem>>)
      %dma_wait3A = arith.constant 0 : i32
      %dma_wait3A_85 = arith.constant 0 : i32
      %dma_wait3A_86 = tpu.memref_slice %arg4[%add3A, %run_scoped3A_27, %dma_wait3A, %dma_wait3A_85] : memref<32x2x42x128xi32, #tpu.memory_space<hbm>> -> memref<1x1x42x128xi32, #tpu.memory_space<hbm>>
      %dma_wait3A_87 = tpu.memref_squeeze %dma_wait3A_86 : memref<1x1x42x128xi32, #tpu.memory_space<hbm>> -> memref<42x128xi32, #tpu.memory_space<hbm>>
      %dma_wait3A_88 = arith.constant 0 : i32
      %dma_wait3A_89 = arith.constant 0 : i32
      %dma_wait3A_90 = tpu.memref_slice %arg4[%add3A, %run_scoped3A_27, %dma_wait3A_88, %dma_wait3A_89] : memref<32x2x42x128xi32, #tpu.memory_space<hbm>> -> memref<1x1x42x128xi32, #tpu.memory_space<hbm>>
      %dma_wait3A_91 = tpu.memref_squeeze %dma_wait3A_90 : memref<1x1x42x128xi32, #tpu.memory_space<hbm>> -> memref<42x128xi32, #tpu.memory_space<hbm>>
      tpu.wait_dma2 semaphore(%run_scoped3A_76 : memref<!tpu.dma_semaphore, #tpu.memory_space<semaphore_mem>>) src(%dma_wait3A_91 : memref<42x128xi32, #tpu.memory_space<hbm>>) dst(%arg7 : memref<42x128xi32, #tpu.memory_space<vmem>>)
      tpu.yield
    }) : () -> ()
    %dma_start3A = arith.constant 0 : i32
    %dma_start3A_28 = arith.constant 0 : i32
    %dma_start3A_29 = tpu.memref_slice %arg6[%dma_start3A, %dma_start3A_28] : memref<42x128xi32, #tpu.memory_space<vmem>> -> memref<1x128xi32, #tpu.memory_space<vmem>>
    %dma_start3A_30 = tpu.memref_squeeze %dma_start3A_29 : memref<1x128xi32, #tpu.memory_space<vmem>> -> memref<128xi32, #tpu.memory_space<vmem>>
    %dma_start3A_31 = arith.constant 0 : i32
    %dma_start3A_32 = arith.constant 0 : i32
    %dma_start3A_33 = tpu.memref_slice %arg2[%dma_start3A_31, %dma_start3A_32] : memref<10240x128xf32, #tpu.memory_space<hbm>> -> memref<10240x128xf32, #tpu.memory_space<hbm>>
    tpu.enqueue_indirect_dma source(%dma_start3A_33 : memref<10240x128xf32, #tpu.memory_space<hbm>>) target(%arg8 : memref<128x128xf32, #tpu.memory_space<vmem>>) offsets(%dma_start3A_30 : memref<128xi32, #tpu.memory_space<vmem>>) semaphore(%arg11 : memref<!tpu.dma_semaphore, #tpu.memory_space<semaphore_mem>>)
    %scan3A_34 = arith.constant 0 : i32
    %scan3A_35 = arith.constant 0 : i32
    %scan3A_36 = arith.constant 21 : i32
    %scan3A_37 = arith.addi %scan3A_35, %scan3A_36 : i32
    %scan3A_38 = arith.constant 1 : i32
    scf.for %scan3A_76 = %scan3A_35 to %scan3A_37 step %scan3A_38  : i32 {
      %mul3A_77 = arith.constant 2 : i32
      %mul3A_78 = arith.muli %mul3A_77, %scan3A_76 : i32
      %dma_wait3A = arith.constant 0 : i32
      %dma_wait3A_79 = tpu.memref_slice %arg6[%mul3A_78, %dma_wait3A] : memref<42x128xi32, #tpu.memory_space<vmem>> -> memref<1x128xi32, #tpu.memory_space<vmem>>
      %dma_wait3A_80 = tpu.memref_squeeze %dma_wait3A_79 : memref<1x128xi32, #tpu.memory_space<vmem>> -> memref<128xi32, #tpu.memory_space<vmem>>
      %dma_wait3A_81 = arith.constant 0 : i32
      %dma_wait3A_82 = arith.constant 0 : i32
      %dma_wait3A_83 = tpu.memref_slice %arg2[%dma_wait3A_81, %dma_wait3A_82] : memref<10240x128xf32, #tpu.memory_space<hbm>> -> memref<10240x128xf32, #tpu.memory_space<hbm>>
      tpu.wait_indirect_dma semaphore(%arg11 : memref<!tpu.dma_semaphore, #tpu.memory_space<semaphore_mem>>) src(%dma_wait3A_83 : memref<10240x128xf32, #tpu.memory_space<hbm>>) dst(%arg8 : memref<128x128xf32, #tpu.memory_space<vmem>>)
      %add3A_84 = arith.constant 1 : i32
      %add3A_85 = arith.addi %mul3A_78, %add3A_84 : i32
      %dma_start3A_86 = arith.constant 0 : i32
      %dma_start3A_87 = tpu.memref_slice %arg6[%add3A_85, %dma_start3A_86] : memref<42x128xi32, #tpu.memory_space<vmem>> -> memref<1x128xi32, #tpu.memory_space<vmem>>
      %dma_start3A_88 = tpu.memref_squeeze %dma_start3A_87 : memref<1x128xi32, #tpu.memory_space<vmem>> -> memref<128xi32, #tpu.memory_space<vmem>>
      %dma_start3A_89 = arith.constant 0 : i32
      %dma_start3A_90 = arith.constant 0 : i32
      %dma_start3A_91 = tpu.memref_slice %arg2[%dma_start3A_89, %dma_start3A_90] : memref<10240x128xf32, #tpu.memory_space<hbm>> -> memref<10240x128xf32, #tpu.memory_space<hbm>>
      tpu.enqueue_indirect_dma source(%dma_start3A_91 : memref<10240x128xf32, #tpu.memory_space<hbm>>) target(%arg9 : memref<128x128xf32, #tpu.memory_space<vmem>>) offsets(%dma_start3A_88 : memref<128xi32, #tpu.memory_space<vmem>>) semaphore(%arg12 : memref<!tpu.dma_semaphore, #tpu.memory_space<semaphore_mem>>)
      "tpu.region"() ({
        %run_scoped3A_104 = tpu.sem_alloc : memref<!tpu.dma_semaphore, #tpu.memory_space<semaphore_mem>>
        %dma_start3A_105 = arith.constant 0 : i32
        %dma_start3A_106 = tpu.memref_slice %arg7[%mul3A_78, %dma_start3A_105] : memref<42x128xi32, #tpu.memory_space<vmem>> -> memref<1x128xi32, #tpu.memory_space<vmem>>
        %dma_start3A_107 = tpu.memref_squeeze %dma_start3A_106 : memref<1x128xi32, #tpu.memory_space<vmem>> -> memref<128xi32, #tpu.memory_space<vmem>>
        %dma_start3A_108 = arith.constant 0 : i32
        %dma_start3A_109 = arith.constant 0 : i32
        %dma_start3A_110 = tpu.memref_slice %arg10[%dma_start3A_108, %dma_start3A_109] : memref<10240x128xf32, #tpu.memory_space<vmem_shared>> -> memref<10240x128xf32, #tpu.memory_space<vmem_shared>>
        tpu.enqueue_indirect_dma source(%arg8 : memref<128x128xf32, #tpu.memory_space<vmem>>) target(%dma_start3A_110 : memref<10240x128xf32, #tpu.memory_space<vmem_shared>>) offsets(%dma_start3A_107 : memref<128xi32, #tpu.memory_space<vmem>>) semaphore(%run_scoped3A_104 : memref<!tpu.dma_semaphore, #tpu.memory_space<semaphore_mem>>) {add = true}
        %dma_wait3A_111 = arith.constant 0 : i32
        %dma_wait3A_112 = tpu.memref_slice %arg7[%mul3A_78, %dma_wait3A_111] : memref<42x128xi32, #tpu.memory_space<vmem>> -> memref<1x128xi32, #tpu.memory_space<vmem>>
        %dma_wait3A_113 = tpu.memref_squeeze %dma_wait3A_112 : memref<1x128xi32, #tpu.memory_space<vmem>> -> memref<128xi32, #tpu.memory_space<vmem>>
        %dma_wait3A_114 = arith.constant 0 : i32
        %dma_wait3A_115 = arith.constant 0 : i32
        %dma_wait3A_116 = tpu.memref_slice %arg10[%dma_wait3A_114, %dma_wait3A_115] : memref<10240x128xf32, #tpu.memory_space<vmem_shared>> -> memref<10240x128xf32, #tpu.memory_space<vmem_shared>>
        tpu.wait_indirect_dma semaphore(%run_scoped3A_104 : memref<!tpu.dma_semaphore, #tpu.memory_space<semaphore_mem>>) src(%arg8 : memref<128x128xf32, #tpu.memory_space<vmem>>) dst(%dma_wait3A_116 : memref<10240x128xf32, #tpu.memory_space<vmem_shared>>)
        tpu.yield
      }) : () -> ()
      %add3A_92 = arith.constant 1 : i32
      %add3A_93 = arith.addi %mul3A_78, %add3A_92 : i32
      %dma_wait3A_94 = arith.constant 0 : i32
      %dma_wait3A_95 = tpu.memref_slice %arg6[%add3A_93, %dma_wait3A_94] : memref<42x128xi32, #tpu.memory_space<vmem>> -> memref<1x128xi32, #tpu.memory_space<vmem>>
      %dma_wait3A_96 = tpu.memref_squeeze %dma_wait3A_95 : memref<1x128xi32, #tpu.memory_space<vmem>> -> memref<128xi32, #tpu.memory_space<vmem>>
      %dma_wait3A_97 = arith.constant 0 : i32
      %dma_wait3A_98 = arith.constant 0 : i32
      %dma_wait3A_99 = tpu.memref_slice %arg2[%dma_wait3A_97, %dma_wait3A_98] : memref<10240x128xf32, #tpu.memory_space<hbm>> -> memref<10240x128xf32, #tpu.memory_space<hbm>>
      tpu.wait_indirect_dma semaphore(%arg12 : memref<!tpu.dma_semaphore, #tpu.memory_space<semaphore_mem>>) src(%dma_wait3A_99 : memref<10240x128xf32, #tpu.memory_space<hbm>>) dst(%arg9 : memref<128x128xf32, #tpu.memory_space<vmem>>)
      %lt3A = arith.constant 20 : i32
      %lt3A_100 = arith.cmpi slt, %scan3A_76, %lt3A : i32
      %convert_element_type3A = arith.extui %lt3A_100 : i1 to i32
      %cond3A = arith.constant 0 : i32
      %cond3A_101 = arith.cmpi ne, %convert_element_type3A, %cond3A : i32
      scf.if %cond3A_101 {
        %add3A_104 = arith.constant 2 : i32
        %add3A_105 = arith.addi %mul3A_78, %add3A_104 : i32
        %dma_start3A_106 = arith.constant 0 : i32
        %dma_start3A_107 = tpu.memref_slice %arg6[%add3A_105, %dma_start3A_106] : memref<42x128xi32, #tpu.memory_space<vmem>> -> memref<1x128xi32, #tpu.memory_space<vmem>>
        %dma_start3A_108 = tpu.memref_squeeze %dma_start3A_107 : memref<1x128xi32, #tpu.memory_space<vmem>> -> memref<128xi32, #tpu.memory_space<vmem>>
        %dma_start3A_109 = arith.constant 0 : i32
        %dma_start3A_110 = arith.constant 0 : i32
        %dma_start3A_111 = tpu.memref_slice %arg2[%dma_start3A_109, %dma_start3A_110] : memref<10240x128xf32, #tpu.memory_space<hbm>> -> memref<10240x128xf32, #tpu.memory_space<hbm>>
        tpu.enqueue_indirect_dma source(%dma_start3A_111 : memref<10240x128xf32, #tpu.memory_space<hbm>>) target(%arg8 : memref<128x128xf32, #tpu.memory_space<vmem>>) offsets(%dma_start3A_108 : memref<128xi32, #tpu.memory_space<vmem>>) semaphore(%arg11 : memref<!tpu.dma_semaphore, #tpu.memory_space<semaphore_mem>>)
      } else {
      }
      %add3A_102 = arith.constant 1 : i32
      %add3A_103 = arith.addi %mul3A_78, %add3A_102 : i32
      "tpu.region"() ({
        %run_scoped3A_104 = tpu.sem_alloc : memref<!tpu.dma_semaphore, #tpu.memory_space<semaphore_mem>>
        %dma_start3A_105 = arith.constant 0 : i32
        %dma_start3A_106 = tpu.memref_slice %arg7[%add3A_103, %dma_start3A_105] : memref<42x128xi32, #tpu.memory_space<vmem>> -> memref<1x128xi32, #tpu.memory_space<vmem>>
        %dma_start3A_107 = tpu.memref_squeeze %dma_start3A_106 : memref<1x128xi32, #tpu.memory_space<vmem>> -> memref<128xi32, #tpu.memory_space<vmem>>
        %dma_start3A_108 = arith.constant 0 : i32
        %dma_start3A_109 = arith.constant 0 : i32
        %dma_start3A_110 = tpu.memref_slice %arg10[%dma_start3A_108, %dma_start3A_109] : memref<10240x128xf32, #tpu.memory_space<vmem_shared>> -> memref<10240x128xf32, #tpu.memory_space<vmem_shared>>
        tpu.enqueue_indirect_dma source(%arg9 : memref<128x128xf32, #tpu.memory_space<vmem>>) target(%dma_start3A_110 : memref<10240x128xf32, #tpu.memory_space<vmem_shared>>) offsets(%dma_start3A_107 : memref<128xi32, #tpu.memory_space<vmem>>) semaphore(%run_scoped3A_104 : memref<!tpu.dma_semaphore, #tpu.memory_space<semaphore_mem>>) {add = true}
        %dma_wait3A_111 = arith.constant 0 : i32
        %dma_wait3A_112 = tpu.memref_slice %arg7[%add3A_103, %dma_wait3A_111] : memref<42x128xi32, #tpu.memory_space<vmem>> -> memref<1x128xi32, #tpu.memory_space<vmem>>
        %dma_wait3A_113 = tpu.memref_squeeze %dma_wait3A_112 : memref<1x128xi32, #tpu.memory_space<vmem>> -> memref<128xi32, #tpu.memory_space<vmem>>
        %dma_wait3A_114 = arith.constant 0 : i32
        %dma_wait3A_115 = arith.constant 0 : i32
        %dma_wait3A_116 = tpu.memref_slice %arg10[%dma_wait3A_114, %dma_wait3A_115] : memref<10240x128xf32, #tpu.memory_space<vmem_shared>> -> memref<10240x128xf32, #tpu.memory_space<vmem_shared>>
        tpu.wait_indirect_dma semaphore(%run_scoped3A_104 : memref<!tpu.dma_semaphore, #tpu.memory_space<semaphore_mem>>) src(%arg9 : memref<128x128xf32, #tpu.memory_space<vmem>>) dst(%dma_wait3A_116 : memref<10240x128xf32, #tpu.memory_space<vmem_shared>>)
        tpu.yield
      }) : () -> ()
    }
    %scan3A_39 = arith.constant 21 : i32
    %run_scoped3A_40 = arith.constant 1 : i32
    "tpu.region"() ({
      %run_scoped3A_76 = tpu.sem_alloc : memref<!tpu.dma_semaphore, #tpu.memory_space<semaphore_mem>>
      %dma_start3A_77 = arith.constant 0 : i32
      %dma_start3A_78 = arith.constant 0 : i32
      %dma_start3A_79 = tpu.memref_slice %arg3[%add3A, %run_scoped3A_40, %dma_start3A_77, %dma_start3A_78] : memref<32x2x42x128xi32, #tpu.memory_space<hbm>> -> memref<1x1x42x128xi32, #tpu.memory_space<hbm>>
      %dma_start3A_80 = tpu.memref_squeeze %dma_start3A_79 : memref<1x1x42x128xi32, #tpu.memory_space<hbm>> -> memref<42x128xi32, #tpu.memory_space<hbm>>
      %dma_start3A_81 = arith.constant 0 : i32
      %dma_start3A_82 = arith.constant 0 : i32
      %dma_start3A_83 = tpu.memref_slice %arg3[%add3A, %run_scoped3A_40, %dma_start3A_81, %dma_start3A_82] : memref<32x2x42x128xi32, #tpu.memory_space<hbm>> -> memref<1x1x42x128xi32, #tpu.memory_space<hbm>>
      %dma_start3A_84 = tpu.memref_squeeze %dma_start3A_83 : memref<1x1x42x128xi32, #tpu.memory_space<hbm>> -> memref<42x128xi32, #tpu.memory_space<hbm>>
      tpu.enqueue_dma source(%dma_start3A_84 : memref<42x128xi32, #tpu.memory_space<hbm>>) target(%arg6 : memref<42x128xi32, #tpu.memory_space<vmem>>) target_semaphore(%run_scoped3A_76 : memref<!tpu.dma_semaphore, #tpu.memory_space<semaphore_mem>>)
      %dma_wait3A = arith.constant 0 : i32
      %dma_wait3A_85 = arith.constant 0 : i32
      %dma_wait3A_86 = tpu.memref_slice %arg3[%add3A, %run_scoped3A_40, %dma_wait3A, %dma_wait3A_85] : memref<32x2x42x128xi32, #tpu.memory_space<hbm>> -> memref<1x1x42x128xi32, #tpu.memory_space<hbm>>
      %dma_wait3A_87 = tpu.memref_squeeze %dma_wait3A_86 : memref<1x1x42x128xi32, #tpu.memory_space<hbm>> -> memref<42x128xi32, #tpu.memory_space<hbm>>
      %dma_wait3A_88 = arith.constant 0 : i32
      %dma_wait3A_89 = arith.constant 0 : i32
      %dma_wait3A_90 = tpu.memref_slice %arg3[%add3A, %run_scoped3A_40, %dma_wait3A_88, %dma_wait3A_89] : memref<32x2x42x128xi32, #tpu.memory_space<hbm>> -> memref<1x1x42x128xi32, #tpu.memory_space<hbm>>
      %dma_wait3A_91 = tpu.memref_squeeze %dma_wait3A_90 : memref<1x1x42x128xi32, #tpu.memory_space<hbm>> -> memref<42x128xi32, #tpu.memory_space<hbm>>
      tpu.wait_dma2 semaphore(%run_scoped3A_76 : memref<!tpu.dma_semaphore, #tpu.memory_space<semaphore_mem>>) src(%dma_wait3A_91 : memref<42x128xi32, #tpu.memory_space<hbm>>) dst(%arg6 : memref<42x128xi32, #tpu.memory_space<vmem>>)
      tpu.yield
    }) : () -> ()
    %run_scoped3A_41 = arith.constant 1 : i32
    "tpu.region"() ({
      %run_scoped3A_76 = tpu.sem_alloc : memref<!tpu.dma_semaphore, #tpu.memory_space<semaphore_mem>>
      %dma_start3A_77 = arith.constant 0 : i32
      %dma_start3A_78 = arith.constant 0 : i32
      %dma_start3A_79 = tpu.memref_slice %arg4[%add3A, %run_scoped3A_41, %dma_start3A_77, %dma_start3A_78] : memref<32x2x42x128xi32, #tpu.memory_space<hbm>> -> memref<1x1x42x128xi32, #tpu.memory_space<hbm>>
      %dma_start3A_80 = tpu.memref_squeeze %dma_start3A_79 : memref<1x1x42x128xi32, #tpu.memory_space<hbm>> -> memref<42x128xi32, #tpu.memory_space<hbm>>
      %dma_start3A_81 = arith.constant 0 : i32
      %dma_start3A_82 = arith.constant 0 : i32
      %dma_start3A_83 = tpu.memref_slice %arg4[%add3A, %run_scoped3A_41, %dma_start3A_81, %dma_start3A_82] : memref<32x2x42x128xi32, #tpu.memory_space<hbm>> -> memref<1x1x42x128xi32, #tpu.memory_space<hbm>>
      %dma_start3A_84 = tpu.memref_squeeze %dma_start3A_83 : memref<1x1x42x128xi32, #tpu.memory_space<hbm>> -> memref<42x128xi32, #tpu.memory_space<hbm>>
      tpu.enqueue_dma source(%dma_start3A_84 : memref<42x128xi32, #tpu.memory_space<hbm>>) target(%arg7 : memref<42x128xi32, #tpu.memory_space<vmem>>) target_semaphore(%run_scoped3A_76 : memref<!tpu.dma_semaphore, #tpu.memory_space<semaphore_mem>>)
      %dma_wait3A = arith.constant 0 : i32
      %dma_wait3A_85 = arith.constant 0 : i32
      %dma_wait3A_86 = tpu.memref_slice %arg4[%add3A, %run_scoped3A_41, %dma_wait3A, %dma_wait3A_85] : memref<32x2x42x128xi32, #tpu.memory_space<hbm>> -> memref<1x1x42x128xi32, #tpu.memory_space<hbm>>
      %dma_wait3A_87 = tpu.memref_squeeze %dma_wait3A_86 : memref<1x1x42x128xi32, #tpu.memory_space<hbm>> -> memref<42x128xi32, #tpu.memory_space<hbm>>
      %dma_wait3A_88 = arith.constant 0 : i32
      %dma_wait3A_89 = arith.constant 0 : i32
      %dma_wait3A_90 = tpu.memref_slice %arg4[%add3A, %run_scoped3A_41, %dma_wait3A_88, %dma_wait3A_89] : memref<32x2x42x128xi32, #tpu.memory_space<hbm>> -> memref<1x1x42x128xi32, #tpu.memory_space<hbm>>
      %dma_wait3A_91 = tpu.memref_squeeze %dma_wait3A_90 : memref<1x1x42x128xi32, #tpu.memory_space<hbm>> -> memref<42x128xi32, #tpu.memory_space<hbm>>
      tpu.wait_dma2 semaphore(%run_scoped3A_76 : memref<!tpu.dma_semaphore, #tpu.memory_space<semaphore_mem>>) src(%dma_wait3A_91 : memref<42x128xi32, #tpu.memory_space<hbm>>) dst(%arg7 : memref<42x128xi32, #tpu.memory_space<vmem>>)
      tpu.yield
    }) : () -> ()
    %dma_start3A_42 = arith.constant 0 : i32
    %dma_start3A_43 = arith.constant 0 : i32
    %dma_start3A_44 = tpu.memref_slice %arg6[%dma_start3A_42, %dma_start3A_43] : memref<42x128xi32, #tpu.memory_space<vmem>> -> memref<1x128xi32, #tpu.memory_space<vmem>>
    %dma_start3A_45 = tpu.memref_squeeze %dma_start3A_44 : memref<1x128xi32, #tpu.memory_space<vmem>> -> memref<128xi32, #tpu.memory_space<vmem>>
    %dma_start3A_46 = arith.constant 0 : i32
    %dma_start3A_47 = arith.constant 0 : i32
    %dma_start3A_48 = tpu.memref_slice %arg2[%dma_start3A_46, %dma_start3A_47] : memref<10240x128xf32, #tpu.memory_space<hbm>> -> memref<10240x128xf32, #tpu.memory_space<hbm>>
    tpu.enqueue_indirect_dma source(%dma_start3A_48 : memref<10240x128xf32, #tpu.memory_space<hbm>>) target(%arg8 : memref<128x128xf32, #tpu.memory_space<vmem>>) offsets(%dma_start3A_45 : memref<128xi32, #tpu.memory_space<vmem>>) semaphore(%arg11 : memref<!tpu.dma_semaphore, #tpu.memory_space<semaphore_mem>>)
    %scan3A_49 = arith.constant 0 : i32
    %scan3A_50 = arith.constant 0 : i32
    %scan3A_51 = arith.constant 21 : i32
    %scan3A_52 = arith.addi %scan3A_50, %scan3A_51 : i32
    %scan3A_53 = arith.constant 1 : i32
    scf.for %scan3A_76 = %scan3A_50 to %scan3A_52 step %scan3A_53  : i32 {
      %mul3A_77 = arith.constant 2 : i32
      %mul3A_78 = arith.muli %mul3A_77, %scan3A_76 : i32
      %dma_wait3A = arith.constant 0 : i32
      %dma_wait3A_79 = tpu.memref_slice %arg6[%mul3A_78, %dma_wait3A] : memref<42x128xi32, #tpu.memory_space<vmem>> -> memref<1x128xi32, #tpu.memory_space<vmem>>
      %dma_wait3A_80 = tpu.memref_squeeze %dma_wait3A_79 : memref<1x128xi32, #tpu.memory_space<vmem>> -> memref<128xi32, #tpu.memory_space<vmem>>
      %dma_wait3A_81 = arith.constant 0 : i32
      %dma_wait3A_82 = arith.constant 0 : i32
      %dma_wait3A_83 = tpu.memref_slice %arg2[%dma_wait3A_81, %dma_wait3A_82] : memref<10240x128xf32, #tpu.memory_space<hbm>> -> memref<10240x128xf32, #tpu.memory_space<hbm>>
      tpu.wait_indirect_dma semaphore(%arg11 : memref<!tpu.dma_semaphore, #tpu.memory_space<semaphore_mem>>) src(%dma_wait3A_83 : memref<10240x128xf32, #tpu.memory_space<hbm>>) dst(%arg8 : memref<128x128xf32, #tpu.memory_space<vmem>>)
      %add3A_84 = arith.constant 1 : i32
      %add3A_85 = arith.addi %mul3A_78, %add3A_84 : i32
      %dma_start3A_86 = arith.constant 0 : i32
      %dma_start3A_87 = tpu.memref_slice %arg6[%add3A_85, %dma_start3A_86] : memref<42x128xi32, #tpu.memory_space<vmem>> -> memref<1x128xi32, #tpu.memory_space<vmem>>
      %dma_start3A_88 = tpu.memref_squeeze %dma_start3A_87 : memref<1x128xi32, #tpu.memory_space<vmem>> -> memref<128xi32, #tpu.memory_space<vmem>>
      %dma_start3A_89 = arith.constant 0 : i32
      %dma_start3A_90 = arith.constant 0 : i32
      %dma_start3A_91 = tpu.memref_slice %arg2[%dma_start3A_89, %dma_start3A_90] : memref<10240x128xf32, #tpu.memory_space<hbm>> -> memref<10240x128xf32, #tpu.memory_space<hbm>>
      tpu.enqueue_indirect_dma source(%dma_start3A_91 : memref<10240x128xf32, #tpu.memory_space<hbm>>) target(%arg9 : memref<128x128xf32, #tpu.memory_space<vmem>>) offsets(%dma_start3A_88 : memref<128xi32, #tpu.memory_space<vmem>>) semaphore(%arg12 : memref<!tpu.dma_semaphore, #tpu.memory_space<semaphore_mem>>)
      "tpu.region"() ({
        %run_scoped3A_104 = tpu.sem_alloc : memref<!tpu.dma_semaphore, #tpu.memory_space<semaphore_mem>>
        %dma_start3A_105 = arith.constant 0 : i32
        %dma_start3A_106 = tpu.memref_slice %arg7[%mul3A_78, %dma_start3A_105] : memref<42x128xi32, #tpu.memory_space<vmem>> -> memref<1x128xi32, #tpu.memory_space<vmem>>
        %dma_start3A_107 = tpu.memref_squeeze %dma_start3A_106 : memref<1x128xi32, #tpu.memory_space<vmem>> -> memref<128xi32, #tpu.memory_space<vmem>>
        %dma_start3A_108 = arith.constant 0 : i32
        %dma_start3A_109 = arith.constant 0 : i32
        %dma_start3A_110 = tpu.memref_slice %arg10[%dma_start3A_108, %dma_start3A_109] : memref<10240x128xf32, #tpu.memory_space<vmem_shared>> -> memref<10240x128xf32, #tpu.memory_space<vmem_shared>>
        tpu.enqueue_indirect_dma source(%arg8 : memref<128x128xf32, #tpu.memory_space<vmem>>) target(%dma_start3A_110 : memref<10240x128xf32, #tpu.memory_space<vmem_shared>>) offsets(%dma_start3A_107 : memref<128xi32, #tpu.memory_space<vmem>>) semaphore(%run_scoped3A_104 : memref<!tpu.dma_semaphore, #tpu.memory_space<semaphore_mem>>) {add = true}
        %dma_wait3A_111 = arith.constant 0 : i32
        %dma_wait3A_112 = tpu.memref_slice %arg7[%mul3A_78, %dma_wait3A_111] : memref<42x128xi32, #tpu.memory_space<vmem>> -> memref<1x128xi32, #tpu.memory_space<vmem>>
        %dma_wait3A_113 = tpu.memref_squeeze %dma_wait3A_112 : memref<1x128xi32, #tpu.memory_space<vmem>> -> memref<128xi32, #tpu.memory_space<vmem>>
        %dma_wait3A_114 = arith.constant 0 : i32
        %dma_wait3A_115 = arith.constant 0 : i32
        %dma_wait3A_116 = tpu.memref_slice %arg10[%dma_wait3A_114, %dma_wait3A_115] : memref<10240x128xf32, #tpu.memory_space<vmem_shared>> -> memref<10240x128xf32, #tpu.memory_space<vmem_shared>>
        tpu.wait_indirect_dma semaphore(%run_scoped3A_104 : memref<!tpu.dma_semaphore, #tpu.memory_space<semaphore_mem>>) src(%arg8 : memref<128x128xf32, #tpu.memory_space<vmem>>) dst(%dma_wait3A_116 : memref<10240x128xf32, #tpu.memory_space<vmem_shared>>)
        tpu.yield
      }) : () -> ()
      %add3A_92 = arith.constant 1 : i32
      %add3A_93 = arith.addi %mul3A_78, %add3A_92 : i32
      %dma_wait3A_94 = arith.constant 0 : i32
      %dma_wait3A_95 = tpu.memref_slice %arg6[%add3A_93, %dma_wait3A_94] : memref<42x128xi32, #tpu.memory_space<vmem>> -> memref<1x128xi32, #tpu.memory_space<vmem>>
      %dma_wait3A_96 = tpu.memref_squeeze %dma_wait3A_95 : memref<1x128xi32, #tpu.memory_space<vmem>> -> memref<128xi32, #tpu.memory_space<vmem>>
      %dma_wait3A_97 = arith.constant 0 : i32
      %dma_wait3A_98 = arith.constant 0 : i32
      %dma_wait3A_99 = tpu.memref_slice %arg2[%dma_wait3A_97, %dma_wait3A_98] : memref<10240x128xf32, #tpu.memory_space<hbm>> -> memref<10240x128xf32, #tpu.memory_space<hbm>>
      tpu.wait_indirect_dma semaphore(%arg12 : memref<!tpu.dma_semaphore, #tpu.memory_space<semaphore_mem>>) src(%dma_wait3A_99 : memref<10240x128xf32, #tpu.memory_space<hbm>>) dst(%arg9 : memref<128x128xf32, #tpu.memory_space<vmem>>)
      %lt3A = arith.constant 20 : i32
      %lt3A_100 = arith.cmpi slt, %scan3A_76, %lt3A : i32
      %convert_element_type3A = arith.extui %lt3A_100 : i1 to i32
      %cond3A = arith.constant 0 : i32
      %cond3A_101 = arith.cmpi ne, %convert_element_type3A, %cond3A : i32
      scf.if %cond3A_101 {
        %add3A_104 = arith.constant 2 : i32
        %add3A_105 = arith.addi %mul3A_78, %add3A_104 : i32
        %dma_start3A_106 = arith.constant 0 : i32
        %dma_start3A_107 = tpu.memref_slice %arg6[%add3A_105, %dma_start3A_106] : memref<42x128xi32, #tpu.memory_space<vmem>> -> memref<1x128xi32, #tpu.memory_space<vmem>>
        %dma_start3A_108 = tpu.memref_squeeze %dma_start3A_107 : memref<1x128xi32, #tpu.memory_space<vmem>> -> memref<128xi32, #tpu.memory_space<vmem>>
        %dma_start3A_109 = arith.constant 0 : i32
        %dma_start3A_110 = arith.constant 0 : i32
        %dma_start3A_111 = tpu.memref_slice %arg2[%dma_start3A_109, %dma_start3A_110] : memref<10240x128xf32, #tpu.memory_space<hbm>> -> memref<10240x128xf32, #tpu.memory_space<hbm>>
        tpu.enqueue_indirect_dma source(%dma_start3A_111 : memref<10240x128xf32, #tpu.memory_space<hbm>>) target(%arg8 : memref<128x128xf32, #tpu.memory_space<vmem>>) offsets(%dma_start3A_108 : memref<128xi32, #tpu.memory_space<vmem>>) semaphore(%arg11 : memref<!tpu.dma_semaphore, #tpu.memory_space<semaphore_mem>>)
      } else {
      }
      %add3A_102 = arith.constant 1 : i32
      %add3A_103 = arith.addi %mul3A_78, %add3A_102 : i32
      "tpu.region"() ({
        %run_scoped3A_104 = tpu.sem_alloc : memref<!tpu.dma_semaphore, #tpu.memory_space<semaphore_mem>>
        %dma_start3A_105 = arith.constant 0 : i32
        %dma_start3A_106 = tpu.memref_slice %arg7[%add3A_103, %dma_start3A_105] : memref<42x128xi32, #tpu.memory_space<vmem>> -> memref<1x128xi32, #tpu.memory_space<vmem>>
        %dma_start3A_107 = tpu.memref_squeeze %dma_start3A_106 : memref<1x128xi32, #tpu.memory_space<vmem>> -> memref<128xi32, #tpu.memory_space<vmem>>
        %dma_start3A_108 = arith.constant 0 : i32
        %dma_start3A_109 = arith.constant 0 : i32
        %dma_start3A_110 = tpu.memref_slice %arg10[%dma_start3A_108, %dma_start3A_109] : memref<10240x128xf32, #tpu.memory_space<vmem_shared>> -> memref<10240x128xf32, #tpu.memory_space<vmem_shared>>
        tpu.enqueue_indirect_dma source(%arg9 : memref<128x128xf32, #tpu.memory_space<vmem>>) target(%dma_start3A_110 : memref<10240x128xf32, #tpu.memory_space<vmem_shared>>) offsets(%dma_start3A_107 : memref<128xi32, #tpu.memory_space<vmem>>) semaphore(%run_scoped3A_104 : memref<!tpu.dma_semaphore, #tpu.memory_space<semaphore_mem>>) {add = true}
        %dma_wait3A_111 = arith.constant 0 : i32
        %dma_wait3A_112 = tpu.memref_slice %arg7[%add3A_103, %dma_wait3A_111] : memref<42x128xi32, #tpu.memory_space<vmem>> -> memref<1x128xi32, #tpu.memory_space<vmem>>
        %dma_wait3A_113 = tpu.memref_squeeze %dma_wait3A_112 : memref<1x128xi32, #tpu.memory_space<vmem>> -> memref<128xi32, #tpu.memory_space<vmem>>
        %dma_wait3A_114 = arith.constant 0 : i32
        %dma_wait3A_115 = arith.constant 0 : i32
        %dma_wait3A_116 = tpu.memref_slice %arg10[%dma_wait3A_114, %dma_wait3A_115] : memref<10240x128xf32, #tpu.memory_space<vmem_shared>> -> memref<10240x128xf32, #tpu.memory_space<vmem_shared>>
        tpu.wait_indirect_dma semaphore(%run_scoped3A_104 : memref<!tpu.dma_semaphore, #tpu.memory_space<semaphore_mem>>) src(%arg9 : memref<128x128xf32, #tpu.memory_space<vmem>>) dst(%dma_wait3A_116 : memref<10240x128xf32, #tpu.memory_space<vmem_shared>>)
        tpu.yield
      }) : () -> ()
    }
    %scan3A_54 = arith.constant 21 : i32
    %barrier3A_55 = arith.constant 0 : index
    tpu.barrier barrier_id(%barrier3A_55)
    %mul3A_56 = arith.constant 640 : i32
    %mul3A_57 = arith.muli %arg1, %mul3A_56 : i32
    %add3A_58 = arith.constant 0 : i32
    %add3A_59 = arith.addi %mul3A_57, %add3A_58 : i32
    "tpu.region"() ({
      %run_scoped3A_76 = tpu.sem_alloc : memref<!tpu.dma_semaphore, #tpu.memory_space<semaphore_mem>>
      %dma_start3A_77 = arith.constant 0 : i32
      %dma_start3A_78 = tpu.memref_slice %arg10[%add3A_59, %dma_start3A_77] : memref<10240x128xf32, #tpu.memory_space<vmem_shared>> -> memref<128x128xf32, #tpu.memory_space<vmem_shared>>
      %dma_start3A_79 = arith.constant 0 : i32
      %dma_start3A_80 = tpu.memref_slice %arg10[%add3A_59, %dma_start3A_79] : memref<10240x128xf32, #tpu.memory_space<vmem_shared>> -> memref<128x128xf32, #tpu.memory_space<vmem_shared>>
      tpu.enqueue_dma source(%dma_start3A_80 : memref<128x128xf32, #tpu.memory_space<vmem_shared>>) target(%arg8 : memref<128x128xf32, #tpu.memory_space<vmem>>) target_semaphore(%run_scoped3A_76 : memref<!tpu.dma_semaphore, #tpu.memory_space<semaphore_mem>>)
      %dma_wait3A = arith.constant 0 : i32
      %dma_wait3A_81 = tpu.memref_slice %arg10[%add3A_59, %dma_wait3A] : memref<10240x128xf32, #tpu.memory_space<vmem_shared>> -> memref<128x128xf32, #tpu.memory_space<vmem_shared>>
      %dma_wait3A_82 = arith.constant 0 : i32
      %dma_wait3A_83 = tpu.memref_slice %arg10[%add3A_59, %dma_wait3A_82] : memref<10240x128xf32, #tpu.memory_space<vmem_shared>> -> memref<128x128xf32, #tpu.memory_space<vmem_shared>>
      tpu.wait_dma2 semaphore(%run_scoped3A_76 : memref<!tpu.dma_semaphore, #tpu.memory_space<semaphore_mem>>) src(%dma_wait3A_83 : memref<128x128xf32, #tpu.memory_space<vmem_shared>>) dst(%arg8 : memref<128x128xf32, #tpu.memory_space<vmem>>)
      tpu.yield
    }) : () -> ()
    "tpu.region"() ({
      %run_scoped3A_76 = tpu.sem_alloc : memref<!tpu.dma_semaphore, #tpu.memory_space<semaphore_mem>>
      %dma_start3A_77 = arith.constant 0 : i32
      %dma_start3A_78 = tpu.memref_slice %arg5[%arg0, %add3A_59, %dma_start3A_77] : memref<2x10240x128xf32, #tpu.memory_space<hbm>> -> memref<1x128x128xf32, #tpu.memory_space<hbm>>
      %dma_start3A_79 = tpu.memref_squeeze %dma_start3A_78 : memref<1x128x128xf32, #tpu.memory_space<hbm>> -> memref<128x128xf32, #tpu.memory_space<hbm>>
      %dma_start3A_80 = arith.constant 0 : i32
      %dma_start3A_81 = tpu.memref_slice %arg5[%arg0, %add3A_59, %dma_start3A_80] : memref<2x10240x128xf32, #tpu.memory_space<hbm>> -> memref<1x128x128xf32, #tpu.memory_space<hbm>>
      %dma_start3A_82 = tpu.memref_squeeze %dma_start3A_81 : memref<1x128x128xf32, #tpu.memory_space<hbm>> -> memref<128x128xf32, #tpu.memory_space<hbm>>
      tpu.enqueue_dma source(%arg8 : memref<128x128xf32, #tpu.memory_space<vmem>>) target(%dma_start3A_82 : memref<128x128xf32, #tpu.memory_space<hbm>>) target_semaphore(%run_scoped3A_76 : memref<!tpu.dma_semaphore, #tpu.memory_space<semaphore_mem>>)
      %dma_wait3A = arith.constant 0 : i32
      %dma_wait3A_83 = tpu.memref_slice %arg5[%arg0, %add3A_59, %dma_wait3A] : memref<2x10240x128xf32, #tpu.memory_space<hbm>> -> memref<1x128x128xf32, #tpu.memory_space<hbm>>
      %dma_wait3A_84 = tpu.memref_squeeze %dma_wait3A_83 : memref<1x128x128xf32, #tpu.memory_space<hbm>> -> memref<128x128xf32, #tpu.memory_space<hbm>>
      %dma_wait3A_85 = arith.constant 0 : i32
      %dma_wait3A_86 = tpu.memref_slice %arg5[%arg0, %add3A_59, %dma_wait3A_85] : memref<2x10240x128xf32, #tpu.memory_space<hbm>> -> memref<1x128x128xf32, #tpu.memory_space<hbm>>
      %dma_wait3A_87 = tpu.memref_squeeze %dma_wait3A_86 : memref<1x128x128xf32, #tpu.memory_space<hbm>> -> memref<128x128xf32, #tpu.memory_space<hbm>>
      tpu.wait_dma2 semaphore(%run_scoped3A_76 : memref<!tpu.dma_semaphore, #tpu.memory_space<semaphore_mem>>) src(%arg8 : memref<128x128xf32, #tpu.memory_space<vmem>>) dst(%dma_wait3A_87 : memref<128x128xf32, #tpu.memory_space<hbm>>)
      tpu.yield
    }) : () -> ()
    %mul3A_60 = arith.constant 640 : i32
    %mul3A_61 = arith.muli %arg1, %mul3A_60 : i32
    %add3A_62 = arith.constant 128 : i32
    %add3A_63 = arith.addi %mul3A_61, %add3A_62 : i32
    "tpu.region"() ({
      %run_scoped3A_76 = tpu.sem_alloc : memref<!tpu.dma_semaphore, #tpu.memory_space<semaphore_mem>>
      %dma_start3A_77 = arith.constant 0 : i32
      %dma_start3A_78 = tpu.memref_slice %arg10[%add3A_63, %dma_start3A_77] : memref<10240x128xf32, #tpu.memory_space<vmem_shared>> -> memref<128x128xf32, #tpu.memory_space<vmem_shared>>
      %dma_start3A_79 = arith.constant 0 : i32
      %dma_start3A_80 = tpu.memref_slice %arg10[%add3A_63, %dma_start3A_79] : memref<10240x128xf32, #tpu.memory_space<vmem_shared>> -> memref<128x128xf32, #tpu.memory_space<vmem_shared>>
      tpu.enqueue_dma source(%dma_start3A_80 : memref<128x128xf32, #tpu.memory_space<vmem_shared>>) target(%arg8 : memref<128x128xf32, #tpu.memory_space<vmem>>) target_semaphore(%run_scoped3A_76 : memref<!tpu.dma_semaphore, #tpu.memory_space<semaphore_mem>>)
      %dma_wait3A = arith.constant 0 : i32
      %dma_wait3A_81 = tpu.memref_slice %arg10[%add3A_63, %dma_wait3A] : memref<10240x128xf32, #tpu.memory_space<vmem_shared>> -> memref<128x128xf32, #tpu.memory_space<vmem_shared>>
      %dma_wait3A_82 = arith.constant 0 : i32
      %dma_wait3A_83 = tpu.memref_slice %arg10[%add3A_63, %dma_wait3A_82] : memref<10240x128xf32, #tpu.memory_space<vmem_shared>> -> memref<128x128xf32, #tpu.memory_space<vmem_shared>>
      tpu.wait_dma2 semaphore(%run_scoped3A_76 : memref<!tpu.dma_semaphore, #tpu.memory_space<semaphore_mem>>) src(%dma_wait3A_83 : memref<128x128xf32, #tpu.memory_space<vmem_shared>>) dst(%arg8 : memref<128x128xf32, #tpu.memory_space<vmem>>)
      tpu.yield
    }) : () -> ()
    "tpu.region"() ({
      %run_scoped3A_76 = tpu.sem_alloc : memref<!tpu.dma_semaphore, #tpu.memory_space<semaphore_mem>>
      %dma_start3A_77 = arith.constant 0 : i32
      %dma_start3A_78 = tpu.memref_slice %arg5[%arg0, %add3A_63, %dma_start3A_77] : memref<2x10240x128xf32, #tpu.memory_space<hbm>> -> memref<1x128x128xf32, #tpu.memory_space<hbm>>
      %dma_start3A_79 = tpu.memref_squeeze %dma_start3A_78 : memref<1x128x128xf32, #tpu.memory_space<hbm>> -> memref<128x128xf32, #tpu.memory_space<hbm>>
      %dma_start3A_80 = arith.constant 0 : i32
      %dma_start3A_81 = tpu.memref_slice %arg5[%arg0, %add3A_63, %dma_start3A_80] : memref<2x10240x128xf32, #tpu.memory_space<hbm>> -> memref<1x128x128xf32, #tpu.memory_space<hbm>>
      %dma_start3A_82 = tpu.memref_squeeze %dma_start3A_81 : memref<1x128x128xf32, #tpu.memory_space<hbm>> -> memref<128x128xf32, #tpu.memory_space<hbm>>
      tpu.enqueue_dma source(%arg8 : memref<128x128xf32, #tpu.memory_space<vmem>>) target(%dma_start3A_82 : memref<128x128xf32, #tpu.memory_space<hbm>>) target_semaphore(%run_scoped3A_76 : memref<!tpu.dma_semaphore, #tpu.memory_space<semaphore_mem>>)
      %dma_wait3A = arith.constant 0 : i32
      %dma_wait3A_83 = tpu.memref_slice %arg5[%arg0, %add3A_63, %dma_wait3A] : memref<2x10240x128xf32, #tpu.memory_space<hbm>> -> memref<1x128x128xf32, #tpu.memory_space<hbm>>
      %dma_wait3A_84 = tpu.memref_squeeze %dma_wait3A_83 : memref<1x128x128xf32, #tpu.memory_space<hbm>> -> memref<128x128xf32, #tpu.memory_space<hbm>>
      %dma_wait3A_85 = arith.constant 0 : i32
      %dma_wait3A_86 = tpu.memref_slice %arg5[%arg0, %add3A_63, %dma_wait3A_85] : memref<2x10240x128xf32, #tpu.memory_space<hbm>> -> memref<1x128x128xf32, #tpu.memory_space<hbm>>
      %dma_wait3A_87 = tpu.memref_squeeze %dma_wait3A_86 : memref<1x128x128xf32, #tpu.memory_space<hbm>> -> memref<128x128xf32, #tpu.memory_space<hbm>>
      tpu.wait_dma2 semaphore(%run_scoped3A_76 : memref<!tpu.dma_semaphore, #tpu.memory_space<semaphore_mem>>) src(%arg8 : memref<128x128xf32, #tpu.memory_space<vmem>>) dst(%dma_wait3A_87 : memref<128x128xf32, #tpu.memory_space<hbm>>)
      tpu.yield
    }) : () -> ()
    %mul3A_64 = arith.constant 640 : i32
    %mul3A_65 = arith.muli %arg1, %mul3A_64 : i32
    %add3A_66 = arith.constant 256 : i32
    %add3A_67 = arith.addi %mul3A_65, %add3A_66 : i32
    "tpu.region"() ({
      %run_scoped3A_76 = tpu.sem_alloc : memref<!tpu.dma_semaphore, #tpu.memory_space<semaphore_mem>>
      %dma_start3A_77 = arith.constant 0 : i32
      %dma_start3A_78 = tpu.memref_slice %arg10[%add3A_67, %dma_start3A_77] : memref<10240x128xf32, #tpu.memory_space<vmem_shared>> -> memref<128x128xf32, #tpu.memory_space<vmem_shared>>
      %dma_start3A_79 = arith.constant 0 : i32
      %dma_start3A_80 = tpu.memref_slice %arg10[%add3A_67, %dma_start3A_79] : memref<10240x128xf32, #tpu.memory_space<vmem_shared>> -> memref<128x128xf32, #tpu.memory_space<vmem_shared>>
      tpu.enqueue_dma source(%dma_start3A_80 : memref<128x128xf32, #tpu.memory_space<vmem_shared>>) target(%arg8 : memref<128x128xf32, #tpu.memory_space<vmem>>) target_semaphore(%run_scoped3A_76 : memref<!tpu.dma_semaphore, #tpu.memory_space<semaphore_mem>>)
      %dma_wait3A = arith.constant 0 : i32
      %dma_wait3A_81 = tpu.memref_slice %arg10[%add3A_67, %dma_wait3A] : memref<10240x128xf32, #tpu.memory_space<vmem_shared>> -> memref<128x128xf32, #tpu.memory_space<vmem_shared>>
      %dma_wait3A_82 = arith.constant 0 : i32
      %dma_wait3A_83 = tpu.memref_slice %arg10[%add3A_67, %dma_wait3A_82] : memref<10240x128xf32, #tpu.memory_space<vmem_shared>> -> memref<128x128xf32, #tpu.memory_space<vmem_shared>>
      tpu.wait_dma2 semaphore(%run_scoped3A_76 : memref<!tpu.dma_semaphore, #tpu.memory_space<semaphore_mem>>) src(%dma_wait3A_83 : memref<128x128xf32, #tpu.memory_space<vmem_shared>>) dst(%arg8 : memref<128x128xf32, #tpu.memory_space<vmem>>)
      tpu.yield
    }) : () -> ()
    "tpu.region"() ({
      %run_scoped3A_76 = tpu.sem_alloc : memref<!tpu.dma_semaphore, #tpu.memory_space<semaphore_mem>>
      %dma_start3A_77 = arith.constant 0 : i32
      %dma_start3A_78 = tpu.memref_slice %arg5[%arg0, %add3A_67, %dma_start3A_77] : memref<2x10240x128xf32, #tpu.memory_space<hbm>> -> memref<1x128x128xf32, #tpu.memory_space<hbm>>
      %dma_start3A_79 = tpu.memref_squeeze %dma_start3A_78 : memref<1x128x128xf32, #tpu.memory_space<hbm>> -> memref<128x128xf32, #tpu.memory_space<hbm>>
      %dma_start3A_80 = arith.constant 0 : i32
      %dma_start3A_81 = tpu.memref_slice %arg5[%arg0, %add3A_67, %dma_start3A_80] : memref<2x10240x128xf32, #tpu.memory_space<hbm>> -> memref<1x128x128xf32, #tpu.memory_space<hbm>>
      %dma_start3A_82 = tpu.memref_squeeze %dma_start3A_81 : memref<1x128x128xf32, #tpu.memory_space<hbm>> -> memref<128x128xf32, #tpu.memory_space<hbm>>
      tpu.enqueue_dma source(%arg8 : memref<128x128xf32, #tpu.memory_space<vmem>>) target(%dma_start3A_82 : memref<128x128xf32, #tpu.memory_space<hbm>>) target_semaphore(%run_scoped3A_76 : memref<!tpu.dma_semaphore, #tpu.memory_space<semaphore_mem>>)
      %dma_wait3A = arith.constant 0 : i32
      %dma_wait3A_83 = tpu.memref_slice %arg5[%arg0, %add3A_67, %dma_wait3A] : memref<2x10240x128xf32, #tpu.memory_space<hbm>> -> memref<1x128x128xf32, #tpu.memory_space<hbm>>
      %dma_wait3A_84 = tpu.memref_squeeze %dma_wait3A_83 : memref<1x128x128xf32, #tpu.memory_space<hbm>> -> memref<128x128xf32, #tpu.memory_space<hbm>>
      %dma_wait3A_85 = arith.constant 0 : i32
      %dma_wait3A_86 = tpu.memref_slice %arg5[%arg0, %add3A_67, %dma_wait3A_85] : memref<2x10240x128xf32, #tpu.memory_space<hbm>> -> memref<1x128x128xf32, #tpu.memory_space<hbm>>
      %dma_wait3A_87 = tpu.memref_squeeze %dma_wait3A_86 : memref<1x128x128xf32, #tpu.memory_space<hbm>> -> memref<128x128xf32, #tpu.memory_space<hbm>>
      tpu.wait_dma2 semaphore(%run_scoped3A_76 : memref<!tpu.dma_semaphore, #tpu.memory_space<semaphore_mem>>) src(%arg8 : memref<128x128xf32, #tpu.memory_space<vmem>>) dst(%dma_wait3A_87 : memref<128x128xf32, #tpu.memory_space<hbm>>)
      tpu.yield
    }) : () -> ()
    %mul3A_68 = arith.constant 640 : i32
    %mul3A_69 = arith.muli %arg1, %mul3A_68 : i32
    %add3A_70 = arith.constant 384 : i32
    %add3A_71 = arith.addi %mul3A_69, %add3A_70 : i32
    "tpu.region"() ({
      %run_scoped3A_76 = tpu.sem_alloc : memref<!tpu.dma_semaphore, #tpu.memory_space<semaphore_mem>>
      %dma_start3A_77 = arith.constant 0 : i32
      %dma_start3A_78 = tpu.memref_slice %arg10[%add3A_71, %dma_start3A_77] : memref<10240x128xf32, #tpu.memory_space<vmem_shared>> -> memref<128x128xf32, #tpu.memory_space<vmem_shared>>
      %dma_start3A_79 = arith.constant 0 : i32
      %dma_start3A_80 = tpu.memref_slice %arg10[%add3A_71, %dma_start3A_79] : memref<10240x128xf32, #tpu.memory_space<vmem_shared>> -> memref<128x128xf32, #tpu.memory_space<vmem_shared>>
      tpu.enqueue_dma source(%dma_start3A_80 : memref<128x128xf32, #tpu.memory_space<vmem_shared>>) target(%arg8 : memref<128x128xf32, #tpu.memory_space<vmem>>) target_semaphore(%run_scoped3A_76 : memref<!tpu.dma_semaphore, #tpu.memory_space<semaphore_mem>>)
      %dma_wait3A = arith.constant 0 : i32
      %dma_wait3A_81 = tpu.memref_slice %arg10[%add3A_71, %dma_wait3A] : memref<10240x128xf32, #tpu.memory_space<vmem_shared>> -> memref<128x128xf32, #tpu.memory_space<vmem_shared>>
      %dma_wait3A_82 = arith.constant 0 : i32
      %dma_wait3A_83 = tpu.memref_slice %arg10[%add3A_71, %dma_wait3A_82] : memref<10240x128xf32, #tpu.memory_space<vmem_shared>> -> memref<128x128xf32, #tpu.memory_space<vmem_shared>>
      tpu.wait_dma2 semaphore(%run_scoped3A_76 : memref<!tpu.dma_semaphore, #tpu.memory_space<semaphore_mem>>) src(%dma_wait3A_83 : memref<128x128xf32, #tpu.memory_space<vmem_shared>>) dst(%arg8 : memref<128x128xf32, #tpu.memory_space<vmem>>)
      tpu.yield
    }) : () -> ()
    "tpu.region"() ({
      %run_scoped3A_76 = tpu.sem_alloc : memref<!tpu.dma_semaphore, #tpu.memory_space<semaphore_mem>>
      %dma_start3A_77 = arith.constant 0 : i32
      %dma_start3A_78 = tpu.memref_slice %arg5[%arg0, %add3A_71, %dma_start3A_77] : memref<2x10240x128xf32, #tpu.memory_space<hbm>> -> memref<1x128x128xf32, #tpu.memory_space<hbm>>
      %dma_start3A_79 = tpu.memref_squeeze %dma_start3A_78 : memref<1x128x128xf32, #tpu.memory_space<hbm>> -> memref<128x128xf32, #tpu.memory_space<hbm>>
      %dma_start3A_80 = arith.constant 0 : i32
      %dma_start3A_81 = tpu.memref_slice %arg5[%arg0, %add3A_71, %dma_start3A_80] : memref<2x10240x128xf32, #tpu.memory_space<hbm>> -> memref<1x128x128xf32, #tpu.memory_space<hbm>>
      %dma_start3A_82 = tpu.memref_squeeze %dma_start3A_81 : memref<1x128x128xf32, #tpu.memory_space<hbm>> -> memref<128x128xf32, #tpu.memory_space<hbm>>
      tpu.enqueue_dma source(%arg8 : memref<128x128xf32, #tpu.memory_space<vmem>>) target(%dma_start3A_82 : memref<128x128xf32, #tpu.memory_space<hbm>>) target_semaphore(%run_scoped3A_76 : memref<!tpu.dma_semaphore, #tpu.memory_space<semaphore_mem>>)
      %dma_wait3A = arith.constant 0 : i32
      %dma_wait3A_83 = tpu.memref_slice %arg5[%arg0, %add3A_71, %dma_wait3A] : memref<2x10240x128xf32, #tpu.memory_space<hbm>> -> memref<1x128x128xf32, #tpu.memory_space<hbm>>
      %dma_wait3A_84 = tpu.memref_squeeze %dma_wait3A_83 : memref<1x128x128xf32, #tpu.memory_space<hbm>> -> memref<128x128xf32, #tpu.memory_space<hbm>>
      %dma_wait3A_85 = arith.constant 0 : i32
      %dma_wait3A_86 = tpu.memref_slice %arg5[%arg0, %add3A_71, %dma_wait3A_85] : memref<2x10240x128xf32, #tpu.memory_space<hbm>> -> memref<1x128x128xf32, #tpu.memory_space<hbm>>
      %dma_wait3A_87 = tpu.memref_squeeze %dma_wait3A_86 : memref<1x128x128xf32, #tpu.memory_space<hbm>> -> memref<128x128xf32, #tpu.memory_space<hbm>>
      tpu.wait_dma2 semaphore(%run_scoped3A_76 : memref<!tpu.dma_semaphore, #tpu.memory_space<semaphore_mem>>) src(%arg8 : memref<128x128xf32, #tpu.memory_space<vmem>>) dst(%dma_wait3A_87 : memref<128x128xf32, #tpu.memory_space<hbm>>)
      tpu.yield
    }) : () -> ()
    %mul3A_72 = arith.constant 640 : i32
    %mul3A_73 = arith.muli %arg1, %mul3A_72 : i32
    %add3A_74 = arith.constant 512 : i32
    %add3A_75 = arith.addi %mul3A_73, %add3A_74 : i32
    "tpu.region"() ({
      %run_scoped3A_76 = tpu.sem_alloc : memref<!tpu.dma_semaphore, #tpu.memory_space<semaphore_mem>>
      %dma_start3A_77 = arith.constant 0 : i32
      %dma_start3A_78 = tpu.memref_slice %arg10[%add3A_75, %dma_start3A_77] : memref<10240x128xf32, #tpu.memory_space<vmem_shared>> -> memref<128x128xf32, #tpu.memory_space<vmem_shared>>
      %dma_start3A_79 = arith.constant 0 : i32
      %dma_start3A_80 = tpu.memref_slice %arg10[%add3A_75, %dma_start3A_79] : memref<10240x128xf32, #tpu.memory_space<vmem_shared>> -> memref<128x128xf32, #tpu.memory_space<vmem_shared>>
      tpu.enqueue_dma source(%dma_start3A_80 : memref<128x128xf32, #tpu.memory_space<vmem_shared>>) target(%arg8 : memref<128x128xf32, #tpu.memory_space<vmem>>) target_semaphore(%run_scoped3A_76 : memref<!tpu.dma_semaphore, #tpu.memory_space<semaphore_mem>>)
      %dma_wait3A = arith.constant 0 : i32
      %dma_wait3A_81 = tpu.memref_slice %arg10[%add3A_75, %dma_wait3A] : memref<10240x128xf32, #tpu.memory_space<vmem_shared>> -> memref<128x128xf32, #tpu.memory_space<vmem_shared>>
      %dma_wait3A_82 = arith.constant 0 : i32
      %dma_wait3A_83 = tpu.memref_slice %arg10[%add3A_75, %dma_wait3A_82] : memref<10240x128xf32, #tpu.memory_space<vmem_shared>> -> memref<128x128xf32, #tpu.memory_space<vmem_shared>>
      tpu.wait_dma2 semaphore(%run_scoped3A_76 : memref<!tpu.dma_semaphore, #tpu.memory_space<semaphore_mem>>) src(%dma_wait3A_83 : memref<128x128xf32, #tpu.memory_space<vmem_shared>>) dst(%arg8 : memref<128x128xf32, #tpu.memory_space<vmem>>)
      tpu.yield
    }) : () -> ()
    "tpu.region"() ({
      %run_scoped3A_76 = tpu.sem_alloc : memref<!tpu.dma_semaphore, #tpu.memory_space<semaphore_mem>>
      %dma_start3A_77 = arith.constant 0 : i32
      %dma_start3A_78 = tpu.memref_slice %arg5[%arg0, %add3A_75, %dma_start3A_77] : memref<2x10240x128xf32, #tpu.memory_space<hbm>> -> memref<1x128x128xf32, #tpu.memory_space<hbm>>
      %dma_start3A_79 = tpu.memref_squeeze %dma_start3A_78 : memref<1x128x128xf32, #tpu.memory_space<hbm>> -> memref<128x128xf32, #tpu.memory_space<hbm>>
      %dma_start3A_80 = arith.constant 0 : i32
      %dma_start3A_81 = tpu.memref_slice %arg5[%arg0, %add3A_75, %dma_start3A_80] : memref<2x10240x128xf32, #tpu.memory_space<hbm>> -> memref<1x128x128xf32, #tpu.memory_space<hbm>>
      %dma_start3A_82 = tpu.memref_squeeze %dma_start3A_81 : memref<1x128x128xf32, #tpu.memory_space<hbm>> -> memref<128x128xf32, #tpu.memory_space<hbm>>
      tpu.enqueue_dma source(%arg8 : memref<128x128xf32, #tpu.memory_space<vmem>>) target(%dma_start3A_82 : memref<128x128xf32, #tpu.memory_space<hbm>>) target_semaphore(%run_scoped3A_76 : memref<!tpu.dma_semaphore, #tpu.memory_space<semaphore_mem>>)
      %dma_wait3A = arith.constant 0 : i32
      %dma_wait3A_83 = tpu.memref_slice %arg5[%arg0, %add3A_75, %dma_wait3A] : memref<2x10240x128xf32, #tpu.memory_space<hbm>> -> memref<1x128x128xf32, #tpu.memory_space<hbm>>
      %dma_wait3A_84 = tpu.memref_squeeze %dma_wait3A_83 : memref<1x128x128xf32, #tpu.memory_space<hbm>> -> memref<128x128xf32, #tpu.memory_space<hbm>>
      %dma_wait3A_85 = arith.constant 0 : i32
      %dma_wait3A_86 = tpu.memref_slice %arg5[%arg0, %add3A_75, %dma_wait3A_85] : memref<2x10240x128xf32, #tpu.memory_space<hbm>> -> memref<1x128x128xf32, #tpu.memory_space<hbm>>
      %dma_wait3A_87 = tpu.memref_squeeze %dma_wait3A_86 : memref<1x128x128xf32, #tpu.memory_space<hbm>> -> memref<128x128xf32, #tpu.memory_space<hbm>>
      tpu.wait_dma2 semaphore(%run_scoped3A_76 : memref<!tpu.dma_semaphore, #tpu.memory_space<semaphore_mem>>) src(%arg8 : memref<128x128xf32, #tpu.memory_space<vmem>>) dst(%dma_wait3A_87 : memref<128x128xf32, #tpu.memory_space<hbm>>)
      tpu.yield
    }) : () -> ()
    return
  }
}

#map = affine_map<(d0, d1) -> (0, 0)>
#map1 = affine_map<(d0, d1) -> (0, 0, 0, 0)>
#map2 = affine_map<(d0, d1) -> (0, 0, 0)>
module attributes {stable_mosaic.version = 14 : i64} {
  func.func @_hop_body(%arg0: i32, %arg1: i32, %arg2: memref<10240x128xf32, #tpu.memory_space<hbm>>, %arg3: memref<32x2x42x128xi32, #tpu.memory_space<hbm>>, %arg4: memref<32x2x42x128xi32, #tpu.memory_space<hbm>>, %arg5: memref<2x10240x128xf32, #tpu.memory_space<hbm>>, %arg6: memref<42x128xi32, #tpu.memory_space<vmem>>, %arg7: memref<42x128xi32, #tpu.memory_space<vmem>>, %arg8: memref<128x128xf32, #tpu.memory_space<vmem>>, %arg9: memref<128x128xf32, #tpu.memory_space<vmem>>, %arg10: memref<10240x128xf32, #tpu.memory_space<vmem_shared>>, %arg11: memref<!tpu.dma_semaphore, #tpu.memory_space<semaphore_mem>>, %arg12: memref<!tpu.dma_semaphore, #tpu.memory_space<semaphore_mem>>) attributes {dimension_semantics = [#tpu.dimension_semantics<core_parallel>, #tpu.dimension_semantics<subcore_parallel>], iteration_bounds = array<i64: 2, 16>, scalar_prefetch = 0 : i64, scratch_operands = 7 : i64, tpu.core_type = #tpu.core_type<sc_vector_subcore>, window_params = [{transform_indices = #map}, {transform_indices = #map1}, {transform_indices = #map1}, {transform_indices = #map2}]} {
    %mul3A = arith.constant 2 : i32
    %mul3A_0 = arith.muli %arg1, %mul3A : i32
    %add3A = arith.addi %mul3A_0, %arg0 : i32
    %broadcast_in_dim3A = arith.constant 0.000000e+00 : f32
    %broadcast_in_dim3A_1 = vector.broadcast %broadcast_in_dim3A : f32 to vector<16xf32>
    %scan3A = arith.constant 0 : i32
    %scan3A_2 = arith.constant 0 : i32
    %scan3A_3 = arith.constant 128 : i32
    %scan3A_4 = arith.addi %scan3A_2, %scan3A_3 : i32
    %scan3A_5 = arith.constant 1 : i32
    scf.for %scan3A_76 = %scan3A_2 to %scan3A_4 step %scan3A_5  : i32 {
      %swap3A = arith.index_cast %scan3A_76 : i32 to index
      %swap3A_77 = arith.constant 0 : index
      %swap3A_78 = tpu.vector_load %arg8[%swap3A, %swap3A_77] {strides = array<i32>} : memref<128x128xf32, #tpu.memory_space<vmem>>, vector<1x16xf32>,
      %swap3A_79 = vector.shape_cast %swap3A_78 : vector<1x16xf32> to vector<16xf32>
      %swap3A_80 = vector.shape_cast %broadcast_in_dim3A_1 : vector<16xf32> to vector<1x16xf32>
      tpu.vector_store %arg8[%swap3A, %swap3A_77], %swap3A_80 {strides = array<i32>} : memref<128x128xf32, #tpu.memory_space<vmem>>, vector<1x16xf32>,
      %swap3A_81 = arith.index_cast %scan3A_76 : i32 to index
      %swap3A_82 = arith.constant 16 : index
      %swap3A_83 = tpu.vector_load %arg8[%swap3A_81, %swap3A_82] {strides = array<i32>} : memref<128x128xf32, #tpu.memory_space<vmem>>, vector<1x16xf32>,
      %swap3A_84 = vector.shape_cast %swap3A_83 : vector<1x16xf32> to vector<16xf32>
      %swap3A_85 = vector.shape_cast %broadcast_in_dim3A_1 : vector<16xf32> to vector<1x16xf32>
      tpu.vector_store %arg8[%swap3A_81, %swap3A_82], %swap3A_85 {strides = array<i32>} : memref<128x128xf32, #tpu.memory_space<vmem>>, vector<1x16xf32>,
      %swap3A_86 = arith.index_cast %scan3A_76 : i32 to index
      %swap3A_87 = arith.constant 32 : index
      %swap3A_88 = tpu.vector_load %arg8[%swap3A_86, %swap3A_87] {strides = array<i32>} : memref<128x128xf32, #tpu.memory_space<vmem>>, vector<1x16xf32>,
      %swap3A_89 = vector.shape_cast %swap3A_88 : vector<1x16xf32> to vector<16xf32>
      %swap3A_90 = vector.shape_cast %broadcast_in_dim3A_1 : vector<16xf32> to vector<1x16xf32>
      tpu.vector_store %arg8[%swap3A_86, %swap3A_87], %swap3A_90 {strides = array<i32>} : memref<128x128xf32, #tpu.memory_space<vmem>>, vector<1x16xf32>,
      %swap3A_91 = arith.index_cast %scan3A_76 : i32 to index
      %swap3A_92 = arith.constant 48 : index
      %swap3A_93 = tpu.vector_load %arg8[%swap3A_91, %swap3A_92] {strides = array<i32>} : memref<128x128xf32, #tpu.memory_space<vmem>>, vector<1x16xf32>,
      %swap3A_94 = vector.shape_cast %swap3A_93 : vector<1x16xf32> to vector<16xf32>
      %swap3A_95 = vector.shape_cast %broadcast_in_dim3A_1 : vector<16xf32> to vector<1x16xf32>
      tpu.vector_store %arg8[%swap3A_91, %swap3A_92], %swap3A_95 {strides = array<i32>} : memref<128x128xf32, #tpu.memory_space<vmem>>, vector<1x16xf32>,
      %swap3A_96 = arith.index_cast %scan3A_76 : i32 to index
      %swap3A_97 = arith.constant 64 : index
      %swap3A_98 = tpu.vector_load %arg8[%swap3A_96, %swap3A_97] {strides = array<i32>} : memref<128x128xf32, #tpu.memory_space<vmem>>, vector<1x16xf32>,
      %swap3A_99 = vector.shape_cast %swap3A_98 : vector<1x16xf32> to vector<16xf32>
      %swap3A_100 = vector.shape_cast %broadcast_in_dim3A_1 : vector<16xf32> to vector<1x16xf32>
      tpu.vector_store %arg8[%swap3A_96, %swap3A_97], %swap3A_100 {strides = array<i32>} : memref<128x128xf32, #tpu.memory_space<vmem>>, vector<1x16xf32>,
      %swap3A_101 = arith.index_cast %scan3A_76 : i32 to index
      %swap3A_102 = arith.constant 80 : index
      %swap3A_103 = tpu.vector_load %arg8[%swap3A_101, %swap3A_102] {strides = array<i32>} : memref<128x128xf32, #tpu.memory_space<vmem>>, vector<1x16xf32>,
      %swap3A_104 = vector.shape_cast %swap3A_103 : vector<1x16xf32> to vector<16xf32>
      %swap3A_105 = vector.shape_cast %broadcast_in_dim3A_1 : vector<16xf32> to vector<1x16xf32>
      tpu.vector_store %arg8[%swap3A_101, %swap3A_102], %swap3A_105 {strides = array<i32>} : memref<128x128xf32, #tpu.memory_space<vmem>>, vector<1x16xf32>,
      %swap3A_106 = arith.index_cast %scan3A_76 : i32 to index
      %swap3A_107 = arith.constant 96 : index
      %swap3A_108 = tpu.vector_load %arg8[%swap3A_106, %swap3A_107] {strides = array<i32>} : memref<128x128xf32, #tpu.memory_space<vmem>>, vector<1x16xf32>,
      %swap3A_109 = vector.shape_cast %swap3A_108 : vector<1x16xf32> to vector<16xf32>
      %swap3A_110 = vector.shape_cast %broadcast_in_dim3A_1 : vector<16xf32> to vector<1x16xf32>
      tpu.vector_store %arg8[%swap3A_106, %swap3A_107], %swap3A_110 {strides = array<i32>} : memref<128x128xf32, #tpu.memory_space<vmem>>, vector<1x16xf32>,
      %swap3A_111 = arith.index_cast %scan3A_76 : i32 to index
      %swap3A_112 = arith.constant 112 : index
      %swap3A_113 = tpu.vector_load %arg8[%swap3A_111, %swap3A_112] {strides = array<i32>} : memref<128x128xf32, #tpu.memory_space<vmem>>, vector<1x16xf32>,
      %swap3A_114 = vector.shape_cast %swap3A_113 : vector<1x16xf32> to vector<16xf32>
      %swap3A_115 = vector.shape_cast %broadcast_in_dim3A_1 : vector<16xf32> to vector<1x16xf32>
      tpu.vector_store %arg8[%swap3A_111, %swap3A_112], %swap3A_115 {strides = array<i32>} : memref<128x128xf32, #tpu.memory_space<vmem>>, vector<1x16xf32>,
    }
    %scan3A_6 = arith.constant 128 : i32
    %mul3A_7 = arith.constant 640 : i32
    %mul3A_8 = arith.muli %arg1, %mul3A_7 : i32
    %add3A_9 = arith.constant 0 : i32
    %add3A_10 = arith.addi %mul3A_8, %add3A_9 : i32
    "tpu.region"() ({
      %run_scoped3A_76 = tpu.sem_alloc : memref<!tpu.dma_semaphore, #tpu.memory_space<semaphore_mem>>
      %dma_start3A_77 = arith.constant 0 : i32
      %dma_start3A_78 = tpu.memref_slice %arg10[%add3A_10, %dma_start3A_77] : memref<10240x128xf32, #tpu.memory_space<vmem_shared>> -> memref<128x128xf32, #tpu.memory_space<vmem_shared>>
      %dma_start3A_79 = arith.constant 0 : i32
      %dma_start3A_80 = tpu.memref_slice %arg10[%add3A_10, %dma_start3A_79] : memref<10240x128xf32, #tpu.memory_space<vmem_shared>> -> memref<128x128xf32, #tpu.memory_space<vmem_shared>>
      tpu.enqueue_dma source(%arg8 : memref<128x128xf32, #tpu.memory_space<vmem>>) target(%dma_start3A_80 : memref<128x128xf32, #tpu.memory_space<vmem_shared>>) target_semaphore(%run_scoped3A_76 : memref<!tpu.dma_semaphore, #tpu.memory_space<semaphore_mem>>)
      %dma_wait3A = arith.constant 0 : i32
      %dma_wait3A_81 = tpu.memref_slice %arg10[%add3A_10, %dma_wait3A] : memref<10240x128xf32, #tpu.memory_space<vmem_shared>> -> memref<128x128xf32, #tpu.memory_space<vmem_shared>>
      %dma_wait3A_82 = arith.constant 0 : i32
      %dma_wait3A_83 = tpu.memref_slice %arg10[%add3A_10, %dma_wait3A_82] : memref<10240x128xf32, #tpu.memory_space<vmem_shared>> -> memref<128x128xf32, #tpu.memory_space<vmem_shared>>
      tpu.wait_dma2 semaphore(%run_scoped3A_76 : memref<!tpu.dma_semaphore, #tpu.memory_space<semaphore_mem>>) src(%arg8 : memref<128x128xf32, #tpu.memory_space<vmem>>) dst(%dma_wait3A_83 : memref<128x128xf32, #tpu.memory_space<vmem_shared>>)
      tpu.yield
    }) : () -> ()
    %mul3A_11 = arith.constant 640 : i32
    %mul3A_12 = arith.muli %arg1, %mul3A_11 : i32
    %add3A_13 = arith.constant 128 : i32
    %add3A_14 = arith.addi %mul3A_12, %add3A_13 : i32
    "tpu.region"() ({
      %run_scoped3A_76 = tpu.sem_alloc : memref<!tpu.dma_semaphore, #tpu.memory_space<semaphore_mem>>
      %dma_start3A_77 = arith.constant 0 : i32
      %dma_start3A_78 = tpu.memref_slice %arg10[%add3A_14, %dma_start3A_77] : memref<10240x128xf32, #tpu.memory_space<vmem_shared>> -> memref<128x128xf32, #tpu.memory_space<vmem_shared>>
      %dma_start3A_79 = arith.constant 0 : i32
      %dma_start3A_80 = tpu.memref_slice %arg10[%add3A_14, %dma_start3A_79] : memref<10240x128xf32, #tpu.memory_space<vmem_shared>> -> memref<128x128xf32, #tpu.memory_space<vmem_shared>>
      tpu.enqueue_dma source(%arg8 : memref<128x128xf32, #tpu.memory_space<vmem>>) target(%dma_start3A_80 : memref<128x128xf32, #tpu.memory_space<vmem_shared>>) target_semaphore(%run_scoped3A_76 : memref<!tpu.dma_semaphore, #tpu.memory_space<semaphore_mem>>)
      %dma_wait3A = arith.constant 0 : i32
      %dma_wait3A_81 = tpu.memref_slice %arg10[%add3A_14, %dma_wait3A] : memref<10240x128xf32, #tpu.memory_space<vmem_shared>> -> memref<128x128xf32, #tpu.memory_space<vmem_shared>>
      %dma_wait3A_82 = arith.constant 0 : i32
      %dma_wait3A_83 = tpu.memref_slice %arg10[%add3A_14, %dma_wait3A_82] : memref<10240x128xf32, #tpu.memory_space<vmem_shared>> -> memref<128x128xf32, #tpu.memory_space<vmem_shared>>
      tpu.wait_dma2 semaphore(%run_scoped3A_76 : memref<!tpu.dma_semaphore, #tpu.memory_space<semaphore_mem>>) src(%arg8 : memref<128x128xf32, #tpu.memory_space<vmem>>) dst(%dma_wait3A_83 : memref<128x128xf32, #tpu.memory_space<vmem_shared>>)
      tpu.yield
    }) : () -> ()
    %mul3A_15 = arith.constant 640 : i32
    %mul3A_16 = arith.muli %arg1, %mul3A_15 : i32
    %add3A_17 = arith.constant 256 : i32
    %add3A_18 = arith.addi %mul3A_16, %add3A_17 : i32
    "tpu.region"() ({
      %run_scoped3A_76 = tpu.sem_alloc : memref<!tpu.dma_semaphore, #tpu.memory_space<semaphore_mem>>
      %dma_start3A_77 = arith.constant 0 : i32
      %dma_start3A_78 = tpu.memref_slice %arg10[%add3A_18, %dma_start3A_77] : memref<10240x128xf32, #tpu.memory_space<vmem_shared>> -> memref<128x128xf32, #tpu.memory_space<vmem_shared>>
      %dma_start3A_79 = arith.constant 0 : i32
      %dma_start3A_80 = tpu.memref_slice %arg10[%add3A_18, %dma_start3A_79] : memref<10240x128xf32, #tpu.memory_space<vmem_shared>> -> memref<128x128xf32, #tpu.memory_space<vmem_shared>>
      tpu.enqueue_dma source(%arg8 : memref<128x128xf32, #tpu.memory_space<vmem>>) target(%dma_start3A_80 : memref<128x128xf32, #tpu.memory_space<vmem_shared>>) target_semaphore(%run_scoped3A_76 : memref<!tpu.dma_semaphore, #tpu.memory_space<semaphore_mem>>)
      %dma_wait3A = arith.constant 0 : i32
      %dma_wait3A_81 = tpu.memref_slice %arg10[%add3A_18, %dma_wait3A] : memref<10240x128xf32, #tpu.memory_space<vmem_shared>> -> memref<128x128xf32, #tpu.memory_space<vmem_shared>>
      %dma_wait3A_82 = arith.constant 0 : i32
      %dma_wait3A_83 = tpu.memref_slice %arg10[%add3A_18, %dma_wait3A_82] : memref<10240x128xf32, #tpu.memory_space<vmem_shared>> -> memref<128x128xf32, #tpu.memory_space<vmem_shared>>
      tpu.wait_dma2 semaphore(%run_scoped3A_76 : memref<!tpu.dma_semaphore, #tpu.memory_space<semaphore_mem>>) src(%arg8 : memref<128x128xf32, #tpu.memory_space<vmem>>) dst(%dma_wait3A_83 : memref<128x128xf32, #tpu.memory_space<vmem_shared>>)
      tpu.yield
    }) : () -> ()
    %mul3A_19 = arith.constant 640 : i32
    %mul3A_20 = arith.muli %arg1, %mul3A_19 : i32
    %add3A_21 = arith.constant 384 : i32
    %add3A_22 = arith.addi %mul3A_20, %add3A_21 : i32
    "tpu.region"() ({
      %run_scoped3A_76 = tpu.sem_alloc : memref<!tpu.dma_semaphore, #tpu.memory_space<semaphore_mem>>
      %dma_start3A_77 = arith.constant 0 : i32
      %dma_start3A_78 = tpu.memref_slice %arg10[%add3A_22, %dma_start3A_77] : memref<10240x128xf32, #tpu.memory_space<vmem_shared>> -> memref<128x128xf32, #tpu.memory_space<vmem_shared>>
      %dma_start3A_79 = arith.constant 0 : i32
      %dma_start3A_80 = tpu.memref_slice %arg10[%add3A_22, %dma_start3A_79] : memref<10240x128xf32, #tpu.memory_space<vmem_shared>> -> memref<128x128xf32, #tpu.memory_space<vmem_shared>>
      tpu.enqueue_dma source(%arg8 : memref<128x128xf32, #tpu.memory_space<vmem>>) target(%dma_start3A_80 : memref<128x128xf32, #tpu.memory_space<vmem_shared>>) target_semaphore(%run_scoped3A_76 : memref<!tpu.dma_semaphore, #tpu.memory_space<semaphore_mem>>)
      %dma_wait3A = arith.constant 0 : i32
      %dma_wait3A_81 = tpu.memref_slice %arg10[%add3A_22, %dma_wait3A] : memref<10240x128xf32, #tpu.memory_space<vmem_shared>> -> memref<128x128xf32, #tpu.memory_space<vmem_shared>>
      %dma_wait3A_82 = arith.constant 0 : i32
      %dma_wait3A_83 = tpu.memref_slice %arg10[%add3A_22, %dma_wait3A_82] : memref<10240x128xf32, #tpu.memory_space<vmem_shared>> -> memref<128x128xf32, #tpu.memory_space<vmem_shared>>
      tpu.wait_dma2 semaphore(%run_scoped3A_76 : memref<!tpu.dma_semaphore, #tpu.memory_space<semaphore_mem>>) src(%arg8 : memref<128x128xf32, #tpu.memory_space<vmem>>) dst(%dma_wait3A_83 : memref<128x128xf32, #tpu.memory_space<vmem_shared>>)
      tpu.yield
    }) : () -> ()
    %mul3A_23 = arith.constant 640 : i32
    %mul3A_24 = arith.muli %arg1, %mul3A_23 : i32
    %add3A_25 = arith.constant 512 : i32
    %add3A_26 = arith.addi %mul3A_24, %add3A_25 : i32
    "tpu.region"() ({
      %run_scoped3A_76 = tpu.sem_alloc : memref<!tpu.dma_semaphore, #tpu.memory_space<semaphore_mem>>
      %dma_start3A_77 = arith.constant 0 : i32
      %dma_start3A_78 = tpu.memref_slice %arg10[%add3A_26, %dma_start3A_77] : memref<10240x128xf32, #tpu.memory_space<vmem_shared>> -> memref<128x128xf32, #tpu.memory_space<vmem_shared>>
      %dma_start3A_79 = arith.constant 0 : i32
      %dma_start3A_80 = tpu.memref_slice %arg10[%add3A_26, %dma_start3A_79] : memref<10240x128xf32, #tpu.memory_space<vmem_shared>> -> memref<128x128xf32, #tpu.memory_space<vmem_shared>>
      tpu.enqueue_dma source(%arg8 : memref<128x128xf32, #tpu.memory_space<vmem>>) target(%dma_start3A_80 : memref<128x128xf32, #tpu.memory_space<vmem_shared>>) target_semaphore(%run_scoped3A_76 : memref<!tpu.dma_semaphore, #tpu.memory_space<semaphore_mem>>)
      %dma_wait3A = arith.constant 0 : i32
      %dma_wait3A_81 = tpu.memref_slice %arg10[%add3A_26, %dma_wait3A] : memref<10240x128xf32, #tpu.memory_space<vmem_shared>> -> memref<128x128xf32, #tpu.memory_space<vmem_shared>>
      %dma_wait3A_82 = arith.constant 0 : i32
      %dma_wait3A_83 = tpu.memref_slice %arg10[%add3A_26, %dma_wait3A_82] : memref<10240x128xf32, #tpu.memory_space<vmem_shared>> -> memref<128x128xf32, #tpu.memory_space<vmem_shared>>
      tpu.wait_dma2 semaphore(%run_scoped3A_76 : memref<!tpu.dma_semaphore, #tpu.memory_space<semaphore_mem>>) src(%arg8 : memref<128x128xf32, #tpu.memory_space<vmem>>) dst(%dma_wait3A_83 : memref<128x128xf32, #tpu.memory_space<vmem_shared>>)
      tpu.yield
    }) : () -> ()
    %barrier3A = arith.constant 0 : index
    tpu.barrier barrier_id(%barrier3A)
    %run_scoped3A = arith.constant 0 : i32
    "tpu.region"() ({
      %run_scoped3A_76 = tpu.sem_alloc : memref<!tpu.dma_semaphore, #tpu.memory_space<semaphore_mem>>
      %dma_start3A_77 = arith.constant 0 : i32
      %dma_start3A_78 = arith.constant 0 : i32
      %dma_start3A_79 = tpu.memref_slice %arg3[%add3A, %run_scoped3A, %dma_start3A_77, %dma_start3A_78] : memref<32x2x42x128xi32, #tpu.memory_space<hbm>> -> memref<1x1x42x128xi32, #tpu.memory_space<hbm>>
      %dma_start3A_80 = tpu.memref_squeeze %dma_start3A_79 : memref<1x1x42x128xi32, #tpu.memory_space<hbm>> -> memref<42x128xi32, #tpu.memory_space<hbm>>
      %dma_start3A_81 = arith.constant 0 : i32
      %dma_start3A_82 = arith.constant 0 : i32
      %dma_start3A_83 = tpu.memref_slice %arg3[%add3A, %run_scoped3A, %dma_start3A_81, %dma_start3A_82] : memref<32x2x42x128xi32, #tpu.memory_space<hbm>> -> memref<1x1x42x128xi32, #tpu.memory_space<hbm>>
      %dma_start3A_84 = tpu.memref_squeeze %dma_start3A_83 : memref<1x1x42x128xi32, #tpu.memory_space<hbm>> -> memref<42x128xi32, #tpu.memory_space<hbm>>
      tpu.enqueue_dma source(%dma_start3A_84 : memref<42x128xi32, #tpu.memory_space<hbm>>) target(%arg6 : memref<42x128xi32, #tpu.memory_space<vmem>>) target_semaphore(%run_scoped3A_76 : memref<!tpu.dma_semaphore, #tpu.memory_space<semaphore_mem>>)
      %dma_wait3A = arith.constant 0 : i32
      %dma_wait3A_85 = arith.constant 0 : i32
      %dma_wait3A_86 = tpu.memref_slice %arg3[%add3A, %run_scoped3A, %dma_wait3A, %dma_wait3A_85] : memref<32x2x42x128xi32, #tpu.memory_space<hbm>> -> memref<1x1x42x128xi32, #tpu.memory_space<hbm>>
      %dma_wait3A_87 = tpu.memref_squeeze %dma_wait3A_86 : memref<1x1x42x128xi32, #tpu.memory_space<hbm>> -> memref<42x128xi32, #tpu.memory_space<hbm>>
      %dma_wait3A_88 = arith.constant 0 : i32
      %dma_wait3A_89 = arith.constant 0 : i32
      %dma_wait3A_90 = tpu.memref_slice %arg3[%add3A, %run_scoped3A, %dma_wait3A_88, %dma_wait3A_89] : memref<32x2x42x128xi32, #tpu.memory_space<hbm>> -> memref<1x1x42x128xi32, #tpu.memory_space<hbm>>
      %dma_wait3A_91 = tpu.memref_squeeze %dma_wait3A_90 : memref<1x1x42x128xi32, #tpu.memory_space<hbm>> -> memref<42x128xi32, #tpu.memory_space<hbm>>
      tpu.wait_dma2 semaphore(%run_scoped3A_76 : memref<!tpu.dma_semaphore, #tpu.memory_space<semaphore_mem>>) src(%dma_wait3A_91 : memref<42x128xi32, #tpu.memory_space<hbm>>) dst(%arg6 : memref<42x128xi32, #tpu.memory_space<vmem>>)
      tpu.yield
    }) : () -> ()
    %run_scoped3A_27 = arith.constant 0 : i32
    "tpu.region"() ({
      %run_scoped3A_76 = tpu.sem_alloc : memref<!tpu.dma_semaphore, #tpu.memory_space<semaphore_mem>>
      %dma_start3A_77 = arith.constant 0 : i32
      %dma_start3A_78 = arith.constant 0 : i32
      %dma_start3A_79 = tpu.memref_slice %arg4[%add3A, %run_scoped3A_27, %dma_start3A_77, %dma_start3A_78] : memref<32x2x42x128xi32, #tpu.memory_space<hbm>> -> memref<1x1x42x128xi32, #tpu.memory_space<hbm>>
      %dma_start3A_80 = tpu.memref_squeeze %dma_start3A_79 : memref<1x1x42x128xi32, #tpu.memory_space<hbm>> -> memref<42x128xi32, #tpu.memory_space<hbm>>
      %dma_start3A_81 = arith.constant 0 : i32
      %dma_start3A_82 = arith.constant 0 : i32
      %dma_start3A_83 = tpu.memref_slice %arg4[%add3A, %run_scoped3A_27, %dma_start3A_81, %dma_start3A_82] : memref<32x2x42x128xi32, #tpu.memory_space<hbm>> -> memref<1x1x42x128xi32, #tpu.memory_space<hbm>>
      %dma_start3A_84 = tpu.memref_squeeze %dma_start3A_83 : memref<1x1x42x128xi32, #tpu.memory_space<hbm>> -> memref<42x128xi32, #tpu.memory_space<hbm>>
      tpu.enqueue_dma source(%dma_start3A_84 : memref<42x128xi32, #tpu.memory_space<hbm>>) target(%arg7 : memref<42x128xi32, #tpu.memory_space<vmem>>) target_semaphore(%run_scoped3A_76 : memref<!tpu.dma_semaphore, #tpu.memory_space<semaphore_mem>>)
      %dma_wait3A = arith.constant 0 : i32
      %dma_wait3A_85 = arith.constant 0 : i32
      %dma_wait3A_86 = tpu.memref_slice %arg4[%add3A, %run_scoped3A_27, %dma_wait3A, %dma_wait3A_85] : memref<32x2x42x128xi32, #tpu.memory_space<hbm>> -> memref<1x1x42x128xi32, #tpu.memory_space<hbm>>
      %dma_wait3A_87 = tpu.memref_squeeze %dma_wait3A_86 : memref<1x1x42x128xi32, #tpu.memory_space<hbm>> -> memref<42x128xi32, #tpu.memory_space<hbm>>
      %dma_wait3A_88 = arith.constant 0 : i32
      %dma_wait3A_89 = arith.constant 0 : i32
      %dma_wait3A_90 = tpu.memref_slice %arg4[%add3A, %run_scoped3A_27, %dma_wait3A_88, %dma_wait3A_89] : memref<32x2x42x128xi32, #tpu.memory_space<hbm>> -> memref<1x1x42x128xi32, #tpu.memory_space<hbm>>
      %dma_wait3A_91 = tpu.memref_squeeze %dma_wait3A_90 : memref<1x1x42x128xi32, #tpu.memory_space<hbm>> -> memref<42x128xi32, #tpu.memory_space<hbm>>
      tpu.wait_dma2 semaphore(%run_scoped3A_76 : memref<!tpu.dma_semaphore, #tpu.memory_space<semaphore_mem>>) src(%dma_wait3A_91 : memref<42x128xi32, #tpu.memory_space<hbm>>) dst(%arg7 : memref<42x128xi32, #tpu.memory_space<vmem>>)
      tpu.yield
    }) : () -> ()
    %dma_start3A = arith.constant 0 : i32
    %dma_start3A_28 = arith.constant 0 : i32
    %dma_start3A_29 = tpu.memref_slice %arg6[%dma_start3A, %dma_start3A_28] : memref<42x128xi32, #tpu.memory_space<vmem>> -> memref<1x128xi32, #tpu.memory_space<vmem>>
    %dma_start3A_30 = tpu.memref_squeeze %dma_start3A_29 : memref<1x128xi32, #tpu.memory_space<vmem>> -> memref<128xi32, #tpu.memory_space<vmem>>
    %dma_start3A_31 = arith.constant 0 : i32
    %dma_start3A_32 = arith.constant 0 : i32
    %dma_start3A_33 = tpu.memref_slice %arg2[%dma_start3A_31, %dma_start3A_32] : memref<10240x128xf32, #tpu.memory_space<hbm>> -> memref<10240x128xf32, #tpu.memory_space<hbm>>
    tpu.enqueue_indirect_dma source(%dma_start3A_33 : memref<10240x128xf32, #tpu.memory_space<hbm>>) target(%arg8 : memref<128x128xf32, #tpu.memory_space<vmem>>) offsets(%dma_start3A_30 : memref<128xi32, #tpu.memory_space<vmem>>) semaphore(%arg11 : memref<!tpu.dma_semaphore, #tpu.memory_space<semaphore_mem>>)
    %scan3A_34 = arith.constant 0 : i32
    %scan3A_35 = arith.constant 0 : i32
    %scan3A_36 = arith.constant 21 : i32
    %scan3A_37 = arith.addi %scan3A_35, %scan3A_36 : i32
    %scan3A_38 = arith.constant 1 : i32
    scf.for %scan3A_76 = %scan3A_35 to %scan3A_37 step %scan3A_38  : i32 {
      %mul3A_77 = arith.constant 2 : i32
      %mul3A_78 = arith.muli %mul3A_77, %scan3A_76 : i32
      %dma_wait3A = arith.constant 0 : i32
      %dma_wait3A_79 = tpu.memref_slice %arg6[%mul3A_78, %dma_wait3A] : memref<42x128xi32, #tpu.memory_space<vmem>> -> memref<1x128xi32, #tpu.memory_space<vmem>>
      %dma_wait3A_80 = tpu.memref_squeeze %dma_wait3A_79 : memref<1x128xi32, #tpu.memory_space<vmem>> -> memref<128xi32, #tpu.memory_space<vmem>>
      %dma_wait3A_81 = arith.constant 0 : i32
      %dma_wait3A_82 = arith.constant 0 : i32
      %dma_wait3A_83 = tpu.memref_slice %arg2[%dma_wait3A_81, %dma_wait3A_82] : memref<10240x128xf32, #tpu.memory_space<hbm>> -> memref<10240x128xf32, #tpu.memory_space<hbm>>
      tpu.wait_indirect_dma semaphore(%arg11 : memref<!tpu.dma_semaphore, #tpu.memory_space<semaphore_mem>>) src(%dma_wait3A_83 : memref<10240x128xf32, #tpu.memory_space<hbm>>) dst(%arg8 : memref<128x128xf32, #tpu.memory_space<vmem>>)
      %add3A_84 = arith.constant 1 : i32
      %add3A_85 = arith.addi %mul3A_78, %add3A_84 : i32
      %dma_start3A_86 = arith.constant 0 : i32
      %dma_start3A_87 = tpu.memref_slice %arg6[%add3A_85, %dma_start3A_86] : memref<42x128xi32, #tpu.memory_space<vmem>> -> memref<1x128xi32, #tpu.memory_space<vmem>>
      %dma_start3A_88 = tpu.memref_squeeze %dma_start3A_87 : memref<1x128xi32, #tpu.memory_space<vmem>> -> memref<128xi32, #tpu.memory_space<vmem>>
      %dma_start3A_89 = arith.constant 0 : i32
      %dma_start3A_90 = arith.constant 0 : i32
      %dma_start3A_91 = tpu.memref_slice %arg2[%dma_start3A_89, %dma_start3A_90] : memref<10240x128xf32, #tpu.memory_space<hbm>> -> memref<10240x128xf32, #tpu.memory_space<hbm>>
      tpu.enqueue_indirect_dma source(%dma_start3A_91 : memref<10240x128xf32, #tpu.memory_space<hbm>>) target(%arg9 : memref<128x128xf32, #tpu.memory_space<vmem>>) offsets(%dma_start3A_88 : memref<128xi32, #tpu.memory_space<vmem>>) semaphore(%arg12 : memref<!tpu.dma_semaphore, #tpu.memory_space<semaphore_mem>>)
      "tpu.region"() ({
        %run_scoped3A_104 = tpu.sem_alloc : memref<!tpu.dma_semaphore, #tpu.memory_space<semaphore_mem>>
        %dma_start3A_105 = arith.constant 0 : i32
        %dma_start3A_106 = tpu.memref_slice %arg7[%mul3A_78, %dma_start3A_105] : memref<42x128xi32, #tpu.memory_space<vmem>> -> memref<1x128xi32, #tpu.memory_space<vmem>>
        %dma_start3A_107 = tpu.memref_squeeze %dma_start3A_106 : memref<1x128xi32, #tpu.memory_space<vmem>> -> memref<128xi32, #tpu.memory_space<vmem>>
        %dma_start3A_108 = arith.constant 0 : i32
        %dma_start3A_109 = arith.constant 0 : i32
        %dma_start3A_110 = tpu.memref_slice %arg10[%dma_start3A_108, %dma_start3A_109] : memref<10240x128xf32, #tpu.memory_space<vmem_shared>> -> memref<10240x128xf32, #tpu.memory_space<vmem_shared>>
        tpu.enqueue_indirect_dma source(%arg8 : memref<128x128xf32, #tpu.memory_space<vmem>>) target(%dma_start3A_110 : memref<10240x128xf32, #tpu.memory_space<vmem_shared>>) offsets(%dma_start3A_107 : memref<128xi32, #tpu.memory_space<vmem>>) semaphore(%run_scoped3A_104 : memref<!tpu.dma_semaphore, #tpu.memory_space<semaphore_mem>>) {add = true}
        %dma_wait3A_111 = arith.constant 0 : i32
        %dma_wait3A_112 = tpu.memref_slice %arg7[%mul3A_78, %dma_wait3A_111] : memref<42x128xi32, #tpu.memory_space<vmem>> -> memref<1x128xi32, #tpu.memory_space<vmem>>
        %dma_wait3A_113 = tpu.memref_squeeze %dma_wait3A_112 : memref<1x128xi32, #tpu.memory_space<vmem>> -> memref<128xi32, #tpu.memory_space<vmem>>
        %dma_wait3A_114 = arith.constant 0 : i32
        %dma_wait3A_115 = arith.constant 0 : i32
        %dma_wait3A_116 = tpu.memref_slice %arg10[%dma_wait3A_114, %dma_wait3A_115] : memref<10240x128xf32, #tpu.memory_space<vmem_shared>> -> memref<10240x128xf32, #tpu.memory_space<vmem_shared>>
        tpu.wait_indirect_dma semaphore(%run_scoped3A_104 : memref<!tpu.dma_semaphore, #tpu.memory_space<semaphore_mem>>) src(%arg8 : memref<128x128xf32, #tpu.memory_space<vmem>>) dst(%dma_wait3A_116 : memref<10240x128xf32, #tpu.memory_space<vmem_shared>>)
        tpu.yield
      }) : () -> ()
      %add3A_92 = arith.constant 1 : i32
      %add3A_93 = arith.addi %mul3A_78, %add3A_92 : i32
      %dma_wait3A_94 = arith.constant 0 : i32
      %dma_wait3A_95 = tpu.memref_slice %arg6[%add3A_93, %dma_wait3A_94] : memref<42x128xi32, #tpu.memory_space<vmem>> -> memref<1x128xi32, #tpu.memory_space<vmem>>
      %dma_wait3A_96 = tpu.memref_squeeze %dma_wait3A_95 : memref<1x128xi32, #tpu.memory_space<vmem>> -> memref<128xi32, #tpu.memory_space<vmem>>
      %dma_wait3A_97 = arith.constant 0 : i32
      %dma_wait3A_98 = arith.constant 0 : i32
      %dma_wait3A_99 = tpu.memref_slice %arg2[%dma_wait3A_97, %dma_wait3A_98] : memref<10240x128xf32, #tpu.memory_space<hbm>> -> memref<10240x128xf32, #tpu.memory_space<hbm>>
      tpu.wait_indirect_dma semaphore(%arg12 : memref<!tpu.dma_semaphore, #tpu.memory_space<semaphore_mem>>) src(%dma_wait3A_99 : memref<10240x128xf32, #tpu.memory_space<hbm>>) dst(%arg9 : memref<128x128xf32, #tpu.memory_space<vmem>>)
      %lt3A = arith.constant 20 : i32
      %lt3A_100 = arith.cmpi slt, %scan3A_76, %lt3A : i32
      %convert_element_type3A = arith.extui %lt3A_100 : i1 to i32
      %cond3A = arith.constant 0 : i32
      %cond3A_101 = arith.cmpi ne, %convert_element_type3A, %cond3A : i32
      scf.if %cond3A_101 {
        %add3A_104 = arith.constant 2 : i32
        %add3A_105 = arith.addi %mul3A_78, %add3A_104 : i32
        %dma_start3A_106 = arith.constant 0 : i32
        %dma_start3A_107 = tpu.memref_slice %arg6[%add3A_105, %dma_start3A_106] : memref<42x128xi32, #tpu.memory_space<vmem>> -> memref<1x128xi32, #tpu.memory_space<vmem>>
        %dma_start3A_108 = tpu.memref_squeeze %dma_start3A_107 : memref<1x128xi32, #tpu.memory_space<vmem>> -> memref<128xi32, #tpu.memory_space<vmem>>
        %dma_start3A_109 = arith.constant 0 : i32
        %dma_start3A_110 = arith.constant 0 : i32
        %dma_start3A_111 = tpu.memref_slice %arg2[%dma_start3A_109, %dma_start3A_110] : memref<10240x128xf32, #tpu.memory_space<hbm>> -> memref<10240x128xf32, #tpu.memory_space<hbm>>
        tpu.enqueue_indirect_dma source(%dma_start3A_111 : memref<10240x128xf32, #tpu.memory_space<hbm>>) target(%arg8 : memref<128x128xf32, #tpu.memory_space<vmem>>) offsets(%dma_start3A_108 : memref<128xi32, #tpu.memory_space<vmem>>) semaphore(%arg11 : memref<!tpu.dma_semaphore, #tpu.memory_space<semaphore_mem>>)
      } else {
      }
      %add3A_102 = arith.constant 1 : i32
      %add3A_103 = arith.addi %mul3A_78, %add3A_102 : i32
      "tpu.region"() ({
        %run_scoped3A_104 = tpu.sem_alloc : memref<!tpu.dma_semaphore, #tpu.memory_space<semaphore_mem>>
        %dma_start3A_105 = arith.constant 0 : i32
        %dma_start3A_106 = tpu.memref_slice %arg7[%add3A_103, %dma_start3A_105] : memref<42x128xi32, #tpu.memory_space<vmem>> -> memref<1x128xi32, #tpu.memory_space<vmem>>
        %dma_start3A_107 = tpu.memref_squeeze %dma_start3A_106 : memref<1x128xi32, #tpu.memory_space<vmem>> -> memref<128xi32, #tpu.memory_space<vmem>>
        %dma_start3A_108 = arith.constant 0 : i32
        %dma_start3A_109 = arith.constant 0 : i32
        %dma_start3A_110 = tpu.memref_slice %arg10[%dma_start3A_108, %dma_start3A_109] : memref<10240x128xf32, #tpu.memory_space<vmem_shared>> -> memref<10240x128xf32, #tpu.memory_space<vmem_shared>>
        tpu.enqueue_indirect_dma source(%arg9 : memref<128x128xf32, #tpu.memory_space<vmem>>) target(%dma_start3A_110 : memref<10240x128xf32, #tpu.memory_space<vmem_shared>>) offsets(%dma_start3A_107 : memref<128xi32, #tpu.memory_space<vmem>>) semaphore(%run_scoped3A_104 : memref<!tpu.dma_semaphore, #tpu.memory_space<semaphore_mem>>) {add = true}
        %dma_wait3A_111 = arith.constant 0 : i32
        %dma_wait3A_112 = tpu.memref_slice %arg7[%add3A_103, %dma_wait3A_111] : memref<42x128xi32, #tpu.memory_space<vmem>> -> memref<1x128xi32, #tpu.memory_space<vmem>>
        %dma_wait3A_113 = tpu.memref_squeeze %dma_wait3A_112 : memref<1x128xi32, #tpu.memory_space<vmem>> -> memref<128xi32, #tpu.memory_space<vmem>>
        %dma_wait3A_114 = arith.constant 0 : i32
        %dma_wait3A_115 = arith.constant 0 : i32
        %dma_wait3A_116 = tpu.memref_slice %arg10[%dma_wait3A_114, %dma_wait3A_115] : memref<10240x128xf32, #tpu.memory_space<vmem_shared>> -> memref<10240x128xf32, #tpu.memory_space<vmem_shared>>
        tpu.wait_indirect_dma semaphore(%run_scoped3A_104 : memref<!tpu.dma_semaphore, #tpu.memory_space<semaphore_mem>>) src(%arg9 : memref<128x128xf32, #tpu.memory_space<vmem>>) dst(%dma_wait3A_116 : memref<10240x128xf32, #tpu.memory_space<vmem_shared>>)
        tpu.yield
      }) : () -> ()
    }
    %scan3A_39 = arith.constant 21 : i32
    %run_scoped3A_40 = arith.constant 1 : i32
    "tpu.region"() ({
      %run_scoped3A_76 = tpu.sem_alloc : memref<!tpu.dma_semaphore, #tpu.memory_space<semaphore_mem>>
      %dma_start3A_77 = arith.constant 0 : i32
      %dma_start3A_78 = arith.constant 0 : i32
      %dma_start3A_79 = tpu.memref_slice %arg3[%add3A, %run_scoped3A_40, %dma_start3A_77, %dma_start3A_78] : memref<32x2x42x128xi32, #tpu.memory_space<hbm>> -> memref<1x1x42x128xi32, #tpu.memory_space<hbm>>
      %dma_start3A_80 = tpu.memref_squeeze %dma_start3A_79 : memref<1x1x42x128xi32, #tpu.memory_space<hbm>> -> memref<42x128xi32, #tpu.memory_space<hbm>>
      %dma_start3A_81 = arith.constant 0 : i32
      %dma_start3A_82 = arith.constant 0 : i32
      %dma_start3A_83 = tpu.memref_slice %arg3[%add3A, %run_scoped3A_40, %dma_start3A_81, %dma_start3A_82] : memref<32x2x42x128xi32, #tpu.memory_space<hbm>> -> memref<1x1x42x128xi32, #tpu.memory_space<hbm>>
      %dma_start3A_84 = tpu.memref_squeeze %dma_start3A_83 : memref<1x1x42x128xi32, #tpu.memory_space<hbm>> -> memref<42x128xi32, #tpu.memory_space<hbm>>
      tpu.enqueue_dma source(%dma_start3A_84 : memref<42x128xi32, #tpu.memory_space<hbm>>) target(%arg6 : memref<42x128xi32, #tpu.memory_space<vmem>>) target_semaphore(%run_scoped3A_76 : memref<!tpu.dma_semaphore, #tpu.memory_space<semaphore_mem>>)
      %dma_wait3A = arith.constant 0 : i32
      %dma_wait3A_85 = arith.constant 0 : i32
      %dma_wait3A_86 = tpu.memref_slice %arg3[%add3A, %run_scoped3A_40, %dma_wait3A, %dma_wait3A_85] : memref<32x2x42x128xi32, #tpu.memory_space<hbm>> -> memref<1x1x42x128xi32, #tpu.memory_space<hbm>>
      %dma_wait3A_87 = tpu.memref_squeeze %dma_wait3A_86 : memref<1x1x42x128xi32, #tpu.memory_space<hbm>> -> memref<42x128xi32, #tpu.memory_space<hbm>>
      %dma_wait3A_88 = arith.constant 0 : i32
      %dma_wait3A_89 = arith.constant 0 : i32
      %dma_wait3A_90 = tpu.memref_slice %arg3[%add3A, %run_scoped3A_40, %dma_wait3A_88, %dma_wait3A_89] : memref<32x2x42x128xi32, #tpu.memory_space<hbm>> -> memref<1x1x42x128xi32, #tpu.memory_space<hbm>>
      %dma_wait3A_91 = tpu.memref_squeeze %dma_wait3A_90 : memref<1x1x42x128xi32, #tpu.memory_space<hbm>> -> memref<42x128xi32, #tpu.memory_space<hbm>>
      tpu.wait_dma2 semaphore(%run_scoped3A_76 : memref<!tpu.dma_semaphore, #tpu.memory_space<semaphore_mem>>) src(%dma_wait3A_91 : memref<42x128xi32, #tpu.memory_space<hbm>>) dst(%arg6 : memref<42x128xi32, #tpu.memory_space<vmem>>)
      tpu.yield
    }) : () -> ()
    %run_scoped3A_41 = arith.constant 1 : i32
    "tpu.region"() ({
      %run_scoped3A_76 = tpu.sem_alloc : memref<!tpu.dma_semaphore, #tpu.memory_space<semaphore_mem>>
      %dma_start3A_77 = arith.constant 0 : i32
      %dma_start3A_78 = arith.constant 0 : i32
      %dma_start3A_79 = tpu.memref_slice %arg4[%add3A, %run_scoped3A_41, %dma_start3A_77, %dma_start3A_78] : memref<32x2x42x128xi32, #tpu.memory_space<hbm>> -> memref<1x1x42x128xi32, #tpu.memory_space<hbm>>
      %dma_start3A_80 = tpu.memref_squeeze %dma_start3A_79 : memref<1x1x42x128xi32, #tpu.memory_space<hbm>> -> memref<42x128xi32, #tpu.memory_space<hbm>>
      %dma_start3A_81 = arith.constant 0 : i32
      %dma_start3A_82 = arith.constant 0 : i32
      %dma_start3A_83 = tpu.memref_slice %arg4[%add3A, %run_scoped3A_41, %dma_start3A_81, %dma_start3A_82] : memref<32x2x42x128xi32, #tpu.memory_space<hbm>> -> memref<1x1x42x128xi32, #tpu.memory_space<hbm>>
      %dma_start3A_84 = tpu.memref_squeeze %dma_start3A_83 : memref<1x1x42x128xi32, #tpu.memory_space<hbm>> -> memref<42x128xi32, #tpu.memory_space<hbm>>
      tpu.enqueue_dma source(%dma_start3A_84 : memref<42x128xi32, #tpu.memory_space<hbm>>) target(%arg7 : memref<42x128xi32, #tpu.memory_space<vmem>>) target_semaphore(%run_scoped3A_76 : memref<!tpu.dma_semaphore, #tpu.memory_space<semaphore_mem>>)
      %dma_wait3A = arith.constant 0 : i32
      %dma_wait3A_85 = arith.constant 0 : i32
      %dma_wait3A_86 = tpu.memref_slice %arg4[%add3A, %run_scoped3A_41, %dma_wait3A, %dma_wait3A_85] : memref<32x2x42x128xi32, #tpu.memory_space<hbm>> -> memref<1x1x42x128xi32, #tpu.memory_space<hbm>>
      %dma_wait3A_87 = tpu.memref_squeeze %dma_wait3A_86 : memref<1x1x42x128xi32, #tpu.memory_space<hbm>> -> memref<42x128xi32, #tpu.memory_space<hbm>>
      %dma_wait3A_88 = arith.constant 0 : i32
      %dma_wait3A_89 = arith.constant 0 : i32
      %dma_wait3A_90 = tpu.memref_slice %arg4[%add3A, %run_scoped3A_41, %dma_wait3A_88, %dma_wait3A_89] : memref<32x2x42x128xi32, #tpu.memory_space<hbm>> -> memref<1x1x42x128xi32, #tpu.memory_space<hbm>>
      %dma_wait3A_91 = tpu.memref_squeeze %dma_wait3A_90 : memref<1x1x42x128xi32, #tpu.memory_space<hbm>> -> memref<42x128xi32, #tpu.memory_space<hbm>>
      tpu.wait_dma2 semaphore(%run_scoped3A_76 : memref<!tpu.dma_semaphore, #tpu.memory_space<semaphore_mem>>) src(%dma_wait3A_91 : memref<42x128xi32, #tpu.memory_space<hbm>>) dst(%arg7 : memref<42x128xi32, #tpu.memory_space<vmem>>)
      tpu.yield
    }) : () -> ()
    %dma_start3A_42 = arith.constant 0 : i32
    %dma_start3A_43 = arith.constant 0 : i32
    %dma_start3A_44 = tpu.memref_slice %arg6[%dma_start3A_42, %dma_start3A_43] : memref<42x128xi32, #tpu.memory_space<vmem>> -> memref<1x128xi32, #tpu.memory_space<vmem>>
    %dma_start3A_45 = tpu.memref_squeeze %dma_start3A_44 : memref<1x128xi32, #tpu.memory_space<vmem>> -> memref<128xi32, #tpu.memory_space<vmem>>
    %dma_start3A_46 = arith.constant 0 : i32
    %dma_start3A_47 = arith.constant 0 : i32
    %dma_start3A_48 = tpu.memref_slice %arg2[%dma_start3A_46, %dma_start3A_47] : memref<10240x128xf32, #tpu.memory_space<hbm>> -> memref<10240x128xf32, #tpu.memory_space<hbm>>
    tpu.enqueue_indirect_dma source(%dma_start3A_48 : memref<10240x128xf32, #tpu.memory_space<hbm>>) target(%arg8 : memref<128x128xf32, #tpu.memory_space<vmem>>) offsets(%dma_start3A_45 : memref<128xi32, #tpu.memory_space<vmem>>) semaphore(%arg11 : memref<!tpu.dma_semaphore, #tpu.memory_space<semaphore_mem>>)
    %scan3A_49 = arith.constant 0 : i32
    %scan3A_50 = arith.constant 0 : i32
    %scan3A_51 = arith.constant 21 : i32
    %scan3A_52 = arith.addi %scan3A_50, %scan3A_51 : i32
    %scan3A_53 = arith.constant 1 : i32
    scf.for %scan3A_76 = %scan3A_50 to %scan3A_52 step %scan3A_53  : i32 {
      %mul3A_77 = arith.constant 2 : i32
      %mul3A_78 = arith.muli %mul3A_77, %scan3A_76 : i32
      %dma_wait3A = arith.constant 0 : i32
      %dma_wait3A_79 = tpu.memref_slice %arg6[%mul3A_78, %dma_wait3A] : memref<42x128xi32, #tpu.memory_space<vmem>> -> memref<1x128xi32, #tpu.memory_space<vmem>>
      %dma_wait3A_80 = tpu.memref_squeeze %dma_wait3A_79 : memref<1x128xi32, #tpu.memory_space<vmem>> -> memref<128xi32, #tpu.memory_space<vmem>>
      %dma_wait3A_81 = arith.constant 0 : i32
      %dma_wait3A_82 = arith.constant 0 : i32
      %dma_wait3A_83 = tpu.memref_slice %arg2[%dma_wait3A_81, %dma_wait3A_82] : memref<10240x128xf32, #tpu.memory_space<hbm>> -> memref<10240x128xf32, #tpu.memory_space<hbm>>
      tpu.wait_indirect_dma semaphore(%arg11 : memref<!tpu.dma_semaphore, #tpu.memory_space<semaphore_mem>>) src(%dma_wait3A_83 : memref<10240x128xf32, #tpu.memory_space<hbm>>) dst(%arg8 : memref<128x128xf32, #tpu.memory_space<vmem>>)
      %add3A_84 = arith.constant 1 : i32
      %add3A_85 = arith.addi %mul3A_78, %add3A_84 : i32
      %dma_start3A_86 = arith.constant 0 : i32
      %dma_start3A_87 = tpu.memref_slice %arg6[%add3A_85, %dma_start3A_86] : memref<42x128xi32, #tpu.memory_space<vmem>> -> memref<1x128xi32, #tpu.memory_space<vmem>>
      %dma_start3A_88 = tpu.memref_squeeze %dma_start3A_87 : memref<1x128xi32, #tpu.memory_space<vmem>> -> memref<128xi32, #tpu.memory_space<vmem>>
      %dma_start3A_89 = arith.constant 0 : i32
      %dma_start3A_90 = arith.constant 0 : i32
      %dma_start3A_91 = tpu.memref_slice %arg2[%dma_start3A_89, %dma_start3A_90] : memref<10240x128xf32, #tpu.memory_space<hbm>> -> memref<10240x128xf32, #tpu.memory_space<hbm>>
      tpu.enqueue_indirect_dma source(%dma_start3A_91 : memref<10240x128xf32, #tpu.memory_space<hbm>>) target(%arg9 : memref<128x128xf32, #tpu.memory_space<vmem>>) offsets(%dma_start3A_88 : memref<128xi32, #tpu.memory_space<vmem>>) semaphore(%arg12 : memref<!tpu.dma_semaphore, #tpu.memory_space<semaphore_mem>>)
      "tpu.region"() ({
        %run_scoped3A_104 = tpu.sem_alloc : memref<!tpu.dma_semaphore, #tpu.memory_space<semaphore_mem>>
        %dma_start3A_105 = arith.constant 0 : i32
        %dma_start3A_106 = tpu.memref_slice %arg7[%mul3A_78, %dma_start3A_105] : memref<42x128xi32, #tpu.memory_space<vmem>> -> memref<1x128xi32, #tpu.memory_space<vmem>>
        %dma_start3A_107 = tpu.memref_squeeze %dma_start3A_106 : memref<1x128xi32, #tpu.memory_space<vmem>> -> memref<128xi32, #tpu.memory_space<vmem>>
        %dma_start3A_108 = arith.constant 0 : i32
        %dma_start3A_109 = arith.constant 0 : i32
        %dma_start3A_110 = tpu.memref_slice %arg10[%dma_start3A_108, %dma_start3A_109] : memref<10240x128xf32, #tpu.memory_space<vmem_shared>> -> memref<10240x128xf32, #tpu.memory_space<vmem_shared>>
        tpu.enqueue_indirect_dma source(%arg8 : memref<128x128xf32, #tpu.memory_space<vmem>>) target(%dma_start3A_110 : memref<10240x128xf32, #tpu.memory_space<vmem_shared>>) offsets(%dma_start3A_107 : memref<128xi32, #tpu.memory_space<vmem>>) semaphore(%run_scoped3A_104 : memref<!tpu.dma_semaphore, #tpu.memory_space<semaphore_mem>>) {add = true}
        %dma_wait3A_111 = arith.constant 0 : i32
        %dma_wait3A_112 = tpu.memref_slice %arg7[%mul3A_78, %dma_wait3A_111] : memref<42x128xi32, #tpu.memory_space<vmem>> -> memref<1x128xi32, #tpu.memory_space<vmem>>
        %dma_wait3A_113 = tpu.memref_squeeze %dma_wait3A_112 : memref<1x128xi32, #tpu.memory_space<vmem>> -> memref<128xi32, #tpu.memory_space<vmem>>
        %dma_wait3A_114 = arith.constant 0 : i32
        %dma_wait3A_115 = arith.constant 0 : i32
        %dma_wait3A_116 = tpu.memref_slice %arg10[%dma_wait3A_114, %dma_wait3A_115] : memref<10240x128xf32, #tpu.memory_space<vmem_shared>> -> memref<10240x128xf32, #tpu.memory_space<vmem_shared>>
        tpu.wait_indirect_dma semaphore(%run_scoped3A_104 : memref<!tpu.dma_semaphore, #tpu.memory_space<semaphore_mem>>) src(%arg8 : memref<128x128xf32, #tpu.memory_space<vmem>>) dst(%dma_wait3A_116 : memref<10240x128xf32, #tpu.memory_space<vmem_shared>>)
        tpu.yield
      }) : () -> ()
      %add3A_92 = arith.constant 1 : i32
      %add3A_93 = arith.addi %mul3A_78, %add3A_92 : i32
      %dma_wait3A_94 = arith.constant 0 : i32
      %dma_wait3A_95 = tpu.memref_slice %arg6[%add3A_93, %dma_wait3A_94] : memref<42x128xi32, #tpu.memory_space<vmem>> -> memref<1x128xi32, #tpu.memory_space<vmem>>
      %dma_wait3A_96 = tpu.memref_squeeze %dma_wait3A_95 : memref<1x128xi32, #tpu.memory_space<vmem>> -> memref<128xi32, #tpu.memory_space<vmem>>
      %dma_wait3A_97 = arith.constant 0 : i32
      %dma_wait3A_98 = arith.constant 0 : i32
      %dma_wait3A_99 = tpu.memref_slice %arg2[%dma_wait3A_97, %dma_wait3A_98] : memref<10240x128xf32, #tpu.memory_space<hbm>> -> memref<10240x128xf32, #tpu.memory_space<hbm>>
      tpu.wait_indirect_dma semaphore(%arg12 : memref<!tpu.dma_semaphore, #tpu.memory_space<semaphore_mem>>) src(%dma_wait3A_99 : memref<10240x128xf32, #tpu.memory_space<hbm>>) dst(%arg9 : memref<128x128xf32, #tpu.memory_space<vmem>>)
      %lt3A = arith.constant 20 : i32
      %lt3A_100 = arith.cmpi slt, %scan3A_76, %lt3A : i32
      %convert_element_type3A = arith.extui %lt3A_100 : i1 to i32
      %cond3A = arith.constant 0 : i32
      %cond3A_101 = arith.cmpi ne, %convert_element_type3A, %cond3A : i32
      scf.if %cond3A_101 {
        %add3A_104 = arith.constant 2 : i32
        %add3A_105 = arith.addi %mul3A_78, %add3A_104 : i32
        %dma_start3A_106 = arith.constant 0 : i32
        %dma_start3A_107 = tpu.memref_slice %arg6[%add3A_105, %dma_start3A_106] : memref<42x128xi32, #tpu.memory_space<vmem>> -> memref<1x128xi32, #tpu.memory_space<vmem>>
        %dma_start3A_108 = tpu.memref_squeeze %dma_start3A_107 : memref<1x128xi32, #tpu.memory_space<vmem>> -> memref<128xi32, #tpu.memory_space<vmem>>
        %dma_start3A_109 = arith.constant 0 : i32
        %dma_start3A_110 = arith.constant 0 : i32
        %dma_start3A_111 = tpu.memref_slice %arg2[%dma_start3A_109, %dma_start3A_110] : memref<10240x128xf32, #tpu.memory_space<hbm>> -> memref<10240x128xf32, #tpu.memory_space<hbm>>
        tpu.enqueue_indirect_dma source(%dma_start3A_111 : memref<10240x128xf32, #tpu.memory_space<hbm>>) target(%arg8 : memref<128x128xf32, #tpu.memory_space<vmem>>) offsets(%dma_start3A_108 : memref<128xi32, #tpu.memory_space<vmem>>) semaphore(%arg11 : memref<!tpu.dma_semaphore, #tpu.memory_space<semaphore_mem>>)
      } else {
      }
      %add3A_102 = arith.constant 1 : i32
      %add3A_103 = arith.addi %mul3A_78, %add3A_102 : i32
      "tpu.region"() ({
        %run_scoped3A_104 = tpu.sem_alloc : memref<!tpu.dma_semaphore, #tpu.memory_space<semaphore_mem>>
        %dma_start3A_105 = arith.constant 0 : i32
        %dma_start3A_106 = tpu.memref_slice %arg7[%add3A_103, %dma_start3A_105] : memref<42x128xi32, #tpu.memory_space<vmem>> -> memref<1x128xi32, #tpu.memory_space<vmem>>
        %dma_start3A_107 = tpu.memref_squeeze %dma_start3A_106 : memref<1x128xi32, #tpu.memory_space<vmem>> -> memref<128xi32, #tpu.memory_space<vmem>>
        %dma_start3A_108 = arith.constant 0 : i32
        %dma_start3A_109 = arith.constant 0 : i32
        %dma_start3A_110 = tpu.memref_slice %arg10[%dma_start3A_108, %dma_start3A_109] : memref<10240x128xf32, #tpu.memory_space<vmem_shared>> -> memref<10240x128xf32, #tpu.memory_space<vmem_shared>>
        tpu.enqueue_indirect_dma source(%arg9 : memref<128x128xf32, #tpu.memory_space<vmem>>) target(%dma_start3A_110 : memref<10240x128xf32, #tpu.memory_space<vmem_shared>>) offsets(%dma_start3A_107 : memref<128xi32, #tpu.memory_space<vmem>>) semaphore(%run_scoped3A_104 : memref<!tpu.dma_semaphore, #tpu.memory_space<semaphore_mem>>) {add = true}
        %dma_wait3A_111 = arith.constant 0 : i32
        %dma_wait3A_112 = tpu.memref_slice %arg7[%add3A_103, %dma_wait3A_111] : memref<42x128xi32, #tpu.memory_space<vmem>> -> memref<1x128xi32, #tpu.memory_space<vmem>>
        %dma_wait3A_113 = tpu.memref_squeeze %dma_wait3A_112 : memref<1x128xi32, #tpu.memory_space<vmem>> -> memref<128xi32, #tpu.memory_space<vmem>>
        %dma_wait3A_114 = arith.constant 0 : i32
        %dma_wait3A_115 = arith.constant 0 : i32
        %dma_wait3A_116 = tpu.memref_slice %arg10[%dma_wait3A_114, %dma_wait3A_115] : memref<10240x128xf32, #tpu.memory_space<vmem_shared>> -> memref<10240x128xf32, #tpu.memory_space<vmem_shared>>
        tpu.wait_indirect_dma semaphore(%run_scoped3A_104 : memref<!tpu.dma_semaphore, #tpu.memory_space<semaphore_mem>>) src(%arg9 : memref<128x128xf32, #tpu.memory_space<vmem>>) dst(%dma_wait3A_116 : memref<10240x128xf32, #tpu.memory_space<vmem_shared>>)
        tpu.yield
      }) : () -> ()
    }
    %scan3A_54 = arith.constant 21 : i32
    %barrier3A_55 = arith.constant 0 : index
    tpu.barrier barrier_id(%barrier3A_55)
    %mul3A_56 = arith.constant 640 : i32
    %mul3A_57 = arith.muli %arg1, %mul3A_56 : i32
    %add3A_58 = arith.constant 0 : i32
    %add3A_59 = arith.addi %mul3A_57, %add3A_58 : i32
    "tpu.region"() ({
      %run_scoped3A_76 = tpu.sem_alloc : memref<!tpu.dma_semaphore, #tpu.memory_space<semaphore_mem>>
      %dma_start3A_77 = arith.constant 0 : i32
      %dma_start3A_78 = tpu.memref_slice %arg10[%add3A_59, %dma_start3A_77] : memref<10240x128xf32, #tpu.memory_space<vmem_shared>> -> memref<128x128xf32, #tpu.memory_space<vmem_shared>>
      %dma_start3A_79 = arith.constant 0 : i32
      %dma_start3A_80 = tpu.memref_slice %arg10[%add3A_59, %dma_start3A_79] : memref<10240x128xf32, #tpu.memory_space<vmem_shared>> -> memref<128x128xf32, #tpu.memory_space<vmem_shared>>
      tpu.enqueue_dma source(%dma_start3A_80 : memref<128x128xf32, #tpu.memory_space<vmem_shared>>) target(%arg8 : memref<128x128xf32, #tpu.memory_space<vmem>>) target_semaphore(%run_scoped3A_76 : memref<!tpu.dma_semaphore, #tpu.memory_space<semaphore_mem>>)
      %dma_wait3A = arith.constant 0 : i32
      %dma_wait3A_81 = tpu.memref_slice %arg10[%add3A_59, %dma_wait3A] : memref<10240x128xf32, #tpu.memory_space<vmem_shared>> -> memref<128x128xf32, #tpu.memory_space<vmem_shared>>
      %dma_wait3A_82 = arith.constant 0 : i32
      %dma_wait3A_83 = tpu.memref_slice %arg10[%add3A_59, %dma_wait3A_82] : memref<10240x128xf32, #tpu.memory_space<vmem_shared>> -> memref<128x128xf32, #tpu.memory_space<vmem_shared>>
      tpu.wait_dma2 semaphore(%run_scoped3A_76 : memref<!tpu.dma_semaphore, #tpu.memory_space<semaphore_mem>>) src(%dma_wait3A_83 : memref<128x128xf32, #tpu.memory_space<vmem_shared>>) dst(%arg8 : memref<128x128xf32, #tpu.memory_space<vmem>>)
      tpu.yield
    }) : () -> ()
    "tpu.region"() ({
      %run_scoped3A_76 = tpu.sem_alloc : memref<!tpu.dma_semaphore, #tpu.memory_space<semaphore_mem>>
      %dma_start3A_77 = arith.constant 0 : i32
      %dma_start3A_78 = tpu.memref_slice %arg5[%arg0, %add3A_59, %dma_start3A_77] : memref<2x10240x128xf32, #tpu.memory_space<hbm>> -> memref<1x128x128xf32, #tpu.memory_space<hbm>>
      %dma_start3A_79 = tpu.memref_squeeze %dma_start3A_78 : memref<1x128x128xf32, #tpu.memory_space<hbm>> -> memref<128x128xf32, #tpu.memory_space<hbm>>
      %dma_start3A_80 = arith.constant 0 : i32
      %dma_start3A_81 = tpu.memref_slice %arg5[%arg0, %add3A_59, %dma_start3A_80] : memref<2x10240x128xf32, #tpu.memory_space<hbm>> -> memref<1x128x128xf32, #tpu.memory_space<hbm>>
      %dma_start3A_82 = tpu.memref_squeeze %dma_start3A_81 : memref<1x128x128xf32, #tpu.memory_space<hbm>> -> memref<128x128xf32, #tpu.memory_space<hbm>>
      tpu.enqueue_dma source(%arg8 : memref<128x128xf32, #tpu.memory_space<vmem>>) target(%dma_start3A_82 : memref<128x128xf32, #tpu.memory_space<hbm>>) target_semaphore(%run_scoped3A_76 : memref<!tpu.dma_semaphore, #tpu.memory_space<semaphore_mem>>)
      %dma_wait3A = arith.constant 0 : i32
      %dma_wait3A_83 = tpu.memref_slice %arg5[%arg0, %add3A_59, %dma_wait3A] : memref<2x10240x128xf32, #tpu.memory_space<hbm>> -> memref<1x128x128xf32, #tpu.memory_space<hbm>>
      %dma_wait3A_84 = tpu.memref_squeeze %dma_wait3A_83 : memref<1x128x128xf32, #tpu.memory_space<hbm>> -> memref<128x128xf32, #tpu.memory_space<hbm>>
      %dma_wait3A_85 = arith.constant 0 : i32
      %dma_wait3A_86 = tpu.memref_slice %arg5[%arg0, %add3A_59, %dma_wait3A_85] : memref<2x10240x128xf32, #tpu.memory_space<hbm>> -> memref<1x128x128xf32, #tpu.memory_space<hbm>>
      %dma_wait3A_87 = tpu.memref_squeeze %dma_wait3A_86 : memref<1x128x128xf32, #tpu.memory_space<hbm>> -> memref<128x128xf32, #tpu.memory_space<hbm>>
      tpu.wait_dma2 semaphore(%run_scoped3A_76 : memref<!tpu.dma_semaphore, #tpu.memory_space<semaphore_mem>>) src(%arg8 : memref<128x128xf32, #tpu.memory_space<vmem>>) dst(%dma_wait3A_87 : memref<128x128xf32, #tpu.memory_space<hbm>>)
      tpu.yield
    }) : () -> ()
    %mul3A_60 = arith.constant 640 : i32
    %mul3A_61 = arith.muli %arg1, %mul3A_60 : i32
    %add3A_62 = arith.constant 128 : i32
    %add3A_63 = arith.addi %mul3A_61, %add3A_62 : i32
    "tpu.region"() ({
      %run_scoped3A_76 = tpu.sem_alloc : memref<!tpu.dma_semaphore, #tpu.memory_space<semaphore_mem>>
      %dma_start3A_77 = arith.constant 0 : i32
      %dma_start3A_78 = tpu.memref_slice %arg10[%add3A_63, %dma_start3A_77] : memref<10240x128xf32, #tpu.memory_space<vmem_shared>> -> memref<128x128xf32, #tpu.memory_space<vmem_shared>>
      %dma_start3A_79 = arith.constant 0 : i32
      %dma_start3A_80 = tpu.memref_slice %arg10[%add3A_63, %dma_start3A_79] : memref<10240x128xf32, #tpu.memory_space<vmem_shared>> -> memref<128x128xf32, #tpu.memory_space<vmem_shared>>
      tpu.enqueue_dma source(%dma_start3A_80 : memref<128x128xf32, #tpu.memory_space<vmem_shared>>) target(%arg8 : memref<128x128xf32, #tpu.memory_space<vmem>>) target_semaphore(%run_scoped3A_76 : memref<!tpu.dma_semaphore, #tpu.memory_space<semaphore_mem>>)
      %dma_wait3A = arith.constant 0 : i32
      %dma_wait3A_81 = tpu.memref_slice %arg10[%add3A_63, %dma_wait3A] : memref<10240x128xf32, #tpu.memory_space<vmem_shared>> -> memref<128x128xf32, #tpu.memory_space<vmem_shared>>
      %dma_wait3A_82 = arith.constant 0 : i32
      %dma_wait3A_83 = tpu.memref_slice %arg10[%add3A_63, %dma_wait3A_82] : memref<10240x128xf32, #tpu.memory_space<vmem_shared>> -> memref<128x128xf32, #tpu.memory_space<vmem_shared>>
      tpu.wait_dma2 semaphore(%run_scoped3A_76 : memref<!tpu.dma_semaphore, #tpu.memory_space<semaphore_mem>>) src(%dma_wait3A_83 : memref<128x128xf32, #tpu.memory_space<vmem_shared>>) dst(%arg8 : memref<128x128xf32, #tpu.memory_space<vmem>>)
      tpu.yield
    }) : () -> ()
    "tpu.region"() ({
      %run_scoped3A_76 = tpu.sem_alloc : memref<!tpu.dma_semaphore, #tpu.memory_space<semaphore_mem>>
      %dma_start3A_77 = arith.constant 0 : i32
      %dma_start3A_78 = tpu.memref_slice %arg5[%arg0, %add3A_63, %dma_start3A_77] : memref<2x10240x128xf32, #tpu.memory_space<hbm>> -> memref<1x128x128xf32, #tpu.memory_space<hbm>>
      %dma_start3A_79 = tpu.memref_squeeze %dma_start3A_78 : memref<1x128x128xf32, #tpu.memory_space<hbm>> -> memref<128x128xf32, #tpu.memory_space<hbm>>
      %dma_start3A_80 = arith.constant 0 : i32
      %dma_start3A_81 = tpu.memref_slice %arg5[%arg0, %add3A_63, %dma_start3A_80] : memref<2x10240x128xf32, #tpu.memory_space<hbm>> -> memref<1x128x128xf32, #tpu.memory_space<hbm>>
      %dma_start3A_82 = tpu.memref_squeeze %dma_start3A_81 : memref<1x128x128xf32, #tpu.memory_space<hbm>> -> memref<128x128xf32, #tpu.memory_space<hbm>>
      tpu.enqueue_dma source(%arg8 : memref<128x128xf32, #tpu.memory_space<vmem>>) target(%dma_start3A_82 : memref<128x128xf32, #tpu.memory_space<hbm>>) target_semaphore(%run_scoped3A_76 : memref<!tpu.dma_semaphore, #tpu.memory_space<semaphore_mem>>)
      %dma_wait3A = arith.constant 0 : i32
      %dma_wait3A_83 = tpu.memref_slice %arg5[%arg0, %add3A_63, %dma_wait3A] : memref<2x10240x128xf32, #tpu.memory_space<hbm>> -> memref<1x128x128xf32, #tpu.memory_space<hbm>>
      %dma_wait3A_84 = tpu.memref_squeeze %dma_wait3A_83 : memref<1x128x128xf32, #tpu.memory_space<hbm>> -> memref<128x128xf32, #tpu.memory_space<hbm>>
      %dma_wait3A_85 = arith.constant 0 : i32
      %dma_wait3A_86 = tpu.memref_slice %arg5[%arg0, %add3A_63, %dma_wait3A_85] : memref<2x10240x128xf32, #tpu.memory_space<hbm>> -> memref<1x128x128xf32, #tpu.memory_space<hbm>>
      %dma_wait3A_87 = tpu.memref_squeeze %dma_wait3A_86 : memref<1x128x128xf32, #tpu.memory_space<hbm>> -> memref<128x128xf32, #tpu.memory_space<hbm>>
      tpu.wait_dma2 semaphore(%run_scoped3A_76 : memref<!tpu.dma_semaphore, #tpu.memory_space<semaphore_mem>>) src(%arg8 : memref<128x128xf32, #tpu.memory_space<vmem>>) dst(%dma_wait3A_87 : memref<128x128xf32, #tpu.memory_space<hbm>>)
      tpu.yield
    }) : () -> ()
    %mul3A_64 = arith.constant 640 : i32
    %mul3A_65 = arith.muli %arg1, %mul3A_64 : i32
    %add3A_66 = arith.constant 256 : i32
    %add3A_67 = arith.addi %mul3A_65, %add3A_66 : i32
    "tpu.region"() ({
      %run_scoped3A_76 = tpu.sem_alloc : memref<!tpu.dma_semaphore, #tpu.memory_space<semaphore_mem>>
      %dma_start3A_77 = arith.constant 0 : i32
      %dma_start3A_78 = tpu.memref_slice %arg10[%add3A_67, %dma_start3A_77] : memref<10240x128xf32, #tpu.memory_space<vmem_shared>> -> memref<128x128xf32, #tpu.memory_space<vmem_shared>>
      %dma_start3A_79 = arith.constant 0 : i32
      %dma_start3A_80 = tpu.memref_slice %arg10[%add3A_67, %dma_start3A_79] : memref<10240x128xf32, #tpu.memory_space<vmem_shared>> -> memref<128x128xf32, #tpu.memory_space<vmem_shared>>
      tpu.enqueue_dma source(%dma_start3A_80 : memref<128x128xf32, #tpu.memory_space<vmem_shared>>) target(%arg8 : memref<128x128xf32, #tpu.memory_space<vmem>>) target_semaphore(%run_scoped3A_76 : memref<!tpu.dma_semaphore, #tpu.memory_space<semaphore_mem>>)
      %dma_wait3A = arith.constant 0 : i32
      %dma_wait3A_81 = tpu.memref_slice %arg10[%add3A_67, %dma_wait3A] : memref<10240x128xf32, #tpu.memory_space<vmem_shared>> -> memref<128x128xf32, #tpu.memory_space<vmem_shared>>
      %dma_wait3A_82 = arith.constant 0 : i32
      %dma_wait3A_83 = tpu.memref_slice %arg10[%add3A_67, %dma_wait3A_82] : memref<10240x128xf32, #tpu.memory_space<vmem_shared>> -> memref<128x128xf32, #tpu.memory_space<vmem_shared>>
      tpu.wait_dma2 semaphore(%run_scoped3A_76 : memref<!tpu.dma_semaphore, #tpu.memory_space<semaphore_mem>>) src(%dma_wait3A_83 : memref<128x128xf32, #tpu.memory_space<vmem_shared>>) dst(%arg8 : memref<128x128xf32, #tpu.memory_space<vmem>>)
      tpu.yield
    }) : () -> ()
    "tpu.region"() ({
      %run_scoped3A_76 = tpu.sem_alloc : memref<!tpu.dma_semaphore, #tpu.memory_space<semaphore_mem>>
      %dma_start3A_77 = arith.constant 0 : i32
      %dma_start3A_78 = tpu.memref_slice %arg5[%arg0, %add3A_67, %dma_start3A_77] : memref<2x10240x128xf32, #tpu.memory_space<hbm>> -> memref<1x128x128xf32, #tpu.memory_space<hbm>>
      %dma_start3A_79 = tpu.memref_squeeze %dma_start3A_78 : memref<1x128x128xf32, #tpu.memory_space<hbm>> -> memref<128x128xf32, #tpu.memory_space<hbm>>
      %dma_start3A_80 = arith.constant 0 : i32
      %dma_start3A_81 = tpu.memref_slice %arg5[%arg0, %add3A_67, %dma_start3A_80] : memref<2x10240x128xf32, #tpu.memory_space<hbm>> -> memref<1x128x128xf32, #tpu.memory_space<hbm>>
      %dma_start3A_82 = tpu.memref_squeeze %dma_start3A_81 : memref<1x128x128xf32, #tpu.memory_space<hbm>> -> memref<128x128xf32, #tpu.memory_space<hbm>>
      tpu.enqueue_dma source(%arg8 : memref<128x128xf32, #tpu.memory_space<vmem>>) target(%dma_start3A_82 : memref<128x128xf32, #tpu.memory_space<hbm>>) target_semaphore(%run_scoped3A_76 : memref<!tpu.dma_semaphore, #tpu.memory_space<semaphore_mem>>)
      %dma_wait3A = arith.constant 0 : i32
      %dma_wait3A_83 = tpu.memref_slice %arg5[%arg0, %add3A_67, %dma_wait3A] : memref<2x10240x128xf32, #tpu.memory_space<hbm>> -> memref<1x128x128xf32, #tpu.memory_space<hbm>>
      %dma_wait3A_84 = tpu.memref_squeeze %dma_wait3A_83 : memref<1x128x128xf32, #tpu.memory_space<hbm>> -> memref<128x128xf32, #tpu.memory_space<hbm>>
      %dma_wait3A_85 = arith.constant 0 : i32
      %dma_wait3A_86 = tpu.memref_slice %arg5[%arg0, %add3A_67, %dma_wait3A_85] : memref<2x10240x128xf32, #tpu.memory_space<hbm>> -> memref<1x128x128xf32, #tpu.memory_space<hbm>>
      %dma_wait3A_87 = tpu.memref_squeeze %dma_wait3A_86 : memref<1x128x128xf32, #tpu.memory_space<hbm>> -> memref<128x128xf32, #tpu.memory_space<hbm>>
      tpu.wait_dma2 semaphore(%run_scoped3A_76 : memref<!tpu.dma_semaphore, #tpu.memory_space<semaphore_mem>>) src(%arg8 : memref<128x128xf32, #tpu.memory_space<vmem>>) dst(%dma_wait3A_87 : memref<128x128xf32, #tpu.memory_space<hbm>>)
      tpu.yield
    }) : () -> ()
    %mul3A_68 = arith.constant 640 : i32
    %mul3A_69 = arith.muli %arg1, %mul3A_68 : i32
    %add3A_70 = arith.constant 384 : i32
    %add3A_71 = arith.addi %mul3A_69, %add3A_70 : i32
    "tpu.region"() ({
      %run_scoped3A_76 = tpu.sem_alloc : memref<!tpu.dma_semaphore, #tpu.memory_space<semaphore_mem>>
      %dma_start3A_77 = arith.constant 0 : i32
      %dma_start3A_78 = tpu.memref_slice %arg10[%add3A_71, %dma_start3A_77] : memref<10240x128xf32, #tpu.memory_space<vmem_shared>> -> memref<128x128xf32, #tpu.memory_space<vmem_shared>>
      %dma_start3A_79 = arith.constant 0 : i32
      %dma_start3A_80 = tpu.memref_slice %arg10[%add3A_71, %dma_start3A_79] : memref<10240x128xf32, #tpu.memory_space<vmem_shared>> -> memref<128x128xf32, #tpu.memory_space<vmem_shared>>
      tpu.enqueue_dma source(%dma_start3A_80 : memref<128x128xf32, #tpu.memory_space<vmem_shared>>) target(%arg8 : memref<128x128xf32, #tpu.memory_space<vmem>>) target_semaphore(%run_scoped3A_76 : memref<!tpu.dma_semaphore, #tpu.memory_space<semaphore_mem>>)
      %dma_wait3A = arith.constant 0 : i32
      %dma_wait3A_81 = tpu.memref_slice %arg10[%add3A_71, %dma_wait3A] : memref<10240x128xf32, #tpu.memory_space<vmem_shared>> -> memref<128x128xf32, #tpu.memory_space<vmem_shared>>
      %dma_wait3A_82 = arith.constant 0 : i32
      %dma_wait3A_83 = tpu.memref_slice %arg10[%add3A_71, %dma_wait3A_82] : memref<10240x128xf32, #tpu.memory_space<vmem_shared>> -> memref<128x128xf32, #tpu.memory_space<vmem_shared>>
      tpu.wait_dma2 semaphore(%run_scoped3A_76 : memref<!tpu.dma_semaphore, #tpu.memory_space<semaphore_mem>>) src(%dma_wait3A_83 : memref<128x128xf32, #tpu.memory_space<vmem_shared>>) dst(%arg8 : memref<128x128xf32, #tpu.memory_space<vmem>>)
      tpu.yield
    }) : () -> ()
    "tpu.region"() ({
      %run_scoped3A_76 = tpu.sem_alloc : memref<!tpu.dma_semaphore, #tpu.memory_space<semaphore_mem>>
      %dma_start3A_77 = arith.constant 0 : i32
      %dma_start3A_78 = tpu.memref_slice %arg5[%arg0, %add3A_71, %dma_start3A_77] : memref<2x10240x128xf32, #tpu.memory_space<hbm>> -> memref<1x128x128xf32, #tpu.memory_space<hbm>>
      %dma_start3A_79 = tpu.memref_squeeze %dma_start3A_78 : memref<1x128x128xf32, #tpu.memory_space<hbm>> -> memref<128x128xf32, #tpu.memory_space<hbm>>
      %dma_start3A_80 = arith.constant 0 : i32
      %dma_start3A_81 = tpu.memref_slice %arg5[%arg0, %add3A_71, %dma_start3A_80] : memref<2x10240x128xf32, #tpu.memory_space<hbm>> -> memref<1x128x128xf32, #tpu.memory_space<hbm>>
      %dma_start3A_82 = tpu.memref_squeeze %dma_start3A_81 : memref<1x128x128xf32, #tpu.memory_space<hbm>> -> memref<128x128xf32, #tpu.memory_space<hbm>>
      tpu.enqueue_dma source(%arg8 : memref<128x128xf32, #tpu.memory_space<vmem>>) target(%dma_start3A_82 : memref<128x128xf32, #tpu.memory_space<hbm>>) target_semaphore(%run_scoped3A_76 : memref<!tpu.dma_semaphore, #tpu.memory_space<semaphore_mem>>)
      %dma_wait3A = arith.constant 0 : i32
      %dma_wait3A_83 = tpu.memref_slice %arg5[%arg0, %add3A_71, %dma_wait3A] : memref<2x10240x128xf32, #tpu.memory_space<hbm>> -> memref<1x128x128xf32, #tpu.memory_space<hbm>>
      %dma_wait3A_84 = tpu.memref_squeeze %dma_wait3A_83 : memref<1x128x128xf32, #tpu.memory_space<hbm>> -> memref<128x128xf32, #tpu.memory_space<hbm>>
      %dma_wait3A_85 = arith.constant 0 : i32
      %dma_wait3A_86 = tpu.memref_slice %arg5[%arg0, %add3A_71, %dma_wait3A_85] : memref<2x10240x128xf32, #tpu.memory_space<hbm>> -> memref<1x128x128xf32, #tpu.memory_space<hbm>>
      %dma_wait3A_87 = tpu.memref_squeeze %dma_wait3A_86 : memref<1x128x128xf32, #tpu.memory_space<hbm>> -> memref<128x128xf32, #tpu.memory_space<hbm>>
      tpu.wait_dma2 semaphore(%run_scoped3A_76 : memref<!tpu.dma_semaphore, #tpu.memory_space<semaphore_mem>>) src(%arg8 : memref<128x128xf32, #tpu.memory_space<vmem>>) dst(%dma_wait3A_87 : memref<128x128xf32, #tpu.memory_space<hbm>>)
      tpu.yield
    }) : () -> ()
    %mul3A_72 = arith.constant 640 : i32
    %mul3A_73 = arith.muli %arg1, %mul3A_72 : i32
    %add3A_74 = arith.constant 512 : i32
    %add3A_75 = arith.addi %mul3A_73, %add3A_74 : i32
    "tpu.region"() ({
      %run_scoped3A_76 = tpu.sem_alloc : memref<!tpu.dma_semaphore, #tpu.memory_space<semaphore_mem>>
      %dma_start3A_77 = arith.constant 0 : i32
      %dma_start3A_78 = tpu.memref_slice %arg10[%add3A_75, %dma_start3A_77] : memref<10240x128xf32, #tpu.memory_space<vmem_shared>> -> memref<128x128xf32, #tpu.memory_space<vmem_shared>>
      %dma_start3A_79 = arith.constant 0 : i32
      %dma_start3A_80 = tpu.memref_slice %arg10[%add3A_75, %dma_start3A_79] : memref<10240x128xf32, #tpu.memory_space<vmem_shared>> -> memref<128x128xf32, #tpu.memory_space<vmem_shared>>
      tpu.enqueue_dma source(%dma_start3A_80 : memref<128x128xf32, #tpu.memory_space<vmem_shared>>) target(%arg8 : memref<128x128xf32, #tpu.memory_space<vmem>>) target_semaphore(%run_scoped3A_76 : memref<!tpu.dma_semaphore, #tpu.memory_space<semaphore_mem>>)
      %dma_wait3A = arith.constant 0 : i32
      %dma_wait3A_81 = tpu.memref_slice %arg10[%add3A_75, %dma_wait3A] : memref<10240x128xf32, #tpu.memory_space<vmem_shared>> -> memref<128x128xf32, #tpu.memory_space<vmem_shared>>
      %dma_wait3A_82 = arith.constant 0 : i32
      %dma_wait3A_83 = tpu.memref_slice %arg10[%add3A_75, %dma_wait3A_82] : memref<10240x128xf32, #tpu.memory_space<vmem_shared>> -> memref<128x128xf32, #tpu.memory_space<vmem_shared>>
      tpu.wait_dma2 semaphore(%run_scoped3A_76 : memref<!tpu.dma_semaphore, #tpu.memory_space<semaphore_mem>>) src(%dma_wait3A_83 : memref<128x128xf32, #tpu.memory_space<vmem_shared>>) dst(%arg8 : memref<128x128xf32, #tpu.memory_space<vmem>>)
      tpu.yield
    }) : () -> ()
    "tpu.region"() ({
      %run_scoped3A_76 = tpu.sem_alloc : memref<!tpu.dma_semaphore, #tpu.memory_space<semaphore_mem>>
      %dma_start3A_77 = arith.constant 0 : i32
      %dma_start3A_78 = tpu.memref_slice %arg5[%arg0, %add3A_75, %dma_start3A_77] : memref<2x10240x128xf32, #tpu.memory_space<hbm>> -> memref<1x128x128xf32, #tpu.memory_space<hbm>>
      %dma_start3A_79 = tpu.memref_squeeze %dma_start3A_78 : memref<1x128x128xf32, #tpu.memory_space<hbm>> -> memref<128x128xf32, #tpu.memory_space<hbm>>
      %dma_start3A_80 = arith.constant 0 : i32
      %dma_start3A_81 = tpu.memref_slice %arg5[%arg0, %add3A_75, %dma_start3A_80] : memref<2x10240x128xf32, #tpu.memory_space<hbm>> -> memref<1x128x128xf32, #tpu.memory_space<hbm>>
      %dma_start3A_82 = tpu.memref_squeeze %dma_start3A_81 : memref<1x128x128xf32, #tpu.memory_space<hbm>> -> memref<128x128xf32, #tpu.memory_space<hbm>>
      tpu.enqueue_dma source(%arg8 : memref<128x128xf32, #tpu.memory_space<vmem>>) target(%dma_start3A_82 : memref<128x128xf32, #tpu.memory_space<hbm>>) target_semaphore(%run_scoped3A_76 : memref<!tpu.dma_semaphore, #tpu.memory_space<semaphore_mem>>)
      %dma_wait3A = arith.constant 0 : i32
      %dma_wait3A_83 = tpu.memref_slice %arg5[%arg0, %add3A_75, %dma_wait3A] : memref<2x10240x128xf32, #tpu.memory_space<hbm>> -> memref<1x128x128xf32, #tpu.memory_space<hbm>>
      %dma_wait3A_84 = tpu.memref_squeeze %dma_wait3A_83 : memref<1x128x128xf32, #tpu.memory_space<hbm>> -> memref<128x128xf32, #tpu.memory_space<hbm>>
      %dma_wait3A_85 = arith.constant 0 : i32
      %dma_wait3A_86 = tpu.memref_slice %arg5[%arg0, %add3A_75, %dma_wait3A_85] : memref<2x10240x128xf32, #tpu.memory_space<hbm>> -> memref<1x128x128xf32, #tpu.memory_space<hbm>>
      %dma_wait3A_87 = tpu.memref_squeeze %dma_wait3A_86 : memref<1x128x128xf32, #tpu.memory_space<hbm>> -> memref<128x128xf32, #tpu.memory_space<hbm>>
      tpu.wait_dma2 semaphore(%run_scoped3A_76 : memref<!tpu.dma_semaphore, #tpu.memory_space<semaphore_mem>>) src(%arg8 : memref<128x128xf32, #tpu.memory_space<vmem>>) dst(%dma_wait3A_87 : memref<128x128xf32, #tpu.memory_space<hbm>>)
      tpu.yield
    }) : () -> ()
    return
  }
}

#map = affine_map<(d0, d1) -> (0, 0)>
#map1 = affine_map<(d0, d1) -> (0, 0, 0, 0)>
#map2 = affine_map<(d0, d1) -> (0, 0, 0)>
module attributes {stable_mosaic.version = 14 : i64} {
  func.func @_hop_body(%arg0: i32, %arg1: i32, %arg2: memref<10240x128xf32, #tpu.memory_space<hbm>>, %arg3: memref<32x2x42x128xi32, #tpu.memory_space<hbm>>, %arg4: memref<32x2x42x128xi32, #tpu.memory_space<hbm>>, %arg5: memref<2x10240x128xf32, #tpu.memory_space<hbm>>, %arg6: memref<42x128xi32, #tpu.memory_space<vmem>>, %arg7: memref<42x128xi32, #tpu.memory_space<vmem>>, %arg8: memref<128x128xf32, #tpu.memory_space<vmem>>, %arg9: memref<128x128xf32, #tpu.memory_space<vmem>>, %arg10: memref<10240x128xf32, #tpu.memory_space<vmem_shared>>, %arg11: memref<!tpu.dma_semaphore, #tpu.memory_space<semaphore_mem>>, %arg12: memref<!tpu.dma_semaphore, #tpu.memory_space<semaphore_mem>>) attributes {dimension_semantics = [#tpu.dimension_semantics<core_parallel>, #tpu.dimension_semantics<subcore_parallel>], iteration_bounds = array<i64: 2, 16>, scalar_prefetch = 0 : i64, scratch_operands = 7 : i64, tpu.core_type = #tpu.core_type<sc_vector_subcore>, window_params = [{transform_indices = #map}, {transform_indices = #map1}, {transform_indices = #map1}, {transform_indices = #map2}]} {
    %mul3A = arith.constant 2 : i32
    %mul3A_0 = arith.muli %arg1, %mul3A : i32
    %add3A = arith.addi %mul3A_0, %arg0 : i32
    %broadcast_in_dim3A = arith.constant 0.000000e+00 : f32
    %broadcast_in_dim3A_1 = vector.broadcast %broadcast_in_dim3A : f32 to vector<16xf32>
    %scan3A = arith.constant 0 : i32
    %scan3A_2 = arith.constant 0 : i32
    %scan3A_3 = arith.constant 128 : i32
    %scan3A_4 = arith.addi %scan3A_2, %scan3A_3 : i32
    %scan3A_5 = arith.constant 1 : i32
    scf.for %scan3A_76 = %scan3A_2 to %scan3A_4 step %scan3A_5  : i32 {
      %swap3A = arith.index_cast %scan3A_76 : i32 to index
      %swap3A_77 = arith.constant 0 : index
      %swap3A_78 = tpu.vector_load %arg8[%swap3A, %swap3A_77] {strides = array<i32>} : memref<128x128xf32, #tpu.memory_space<vmem>>, vector<1x16xf32>,
      %swap3A_79 = vector.shape_cast %swap3A_78 : vector<1x16xf32> to vector<16xf32>
      %swap3A_80 = vector.shape_cast %broadcast_in_dim3A_1 : vector<16xf32> to vector<1x16xf32>
      tpu.vector_store %arg8[%swap3A, %swap3A_77], %swap3A_80 {strides = array<i32>} : memref<128x128xf32, #tpu.memory_space<vmem>>, vector<1x16xf32>,
      %swap3A_81 = arith.index_cast %scan3A_76 : i32 to index
      %swap3A_82 = arith.constant 16 : index
      %swap3A_83 = tpu.vector_load %arg8[%swap3A_81, %swap3A_82] {strides = array<i32>} : memref<128x128xf32, #tpu.memory_space<vmem>>, vector<1x16xf32>,
      %swap3A_84 = vector.shape_cast %swap3A_83 : vector<1x16xf32> to vector<16xf32>
      %swap3A_85 = vector.shape_cast %broadcast_in_dim3A_1 : vector<16xf32> to vector<1x16xf32>
      tpu.vector_store %arg8[%swap3A_81, %swap3A_82], %swap3A_85 {strides = array<i32>} : memref<128x128xf32, #tpu.memory_space<vmem>>, vector<1x16xf32>,
      %swap3A_86 = arith.index_cast %scan3A_76 : i32 to index
      %swap3A_87 = arith.constant 32 : index
      %swap3A_88 = tpu.vector_load %arg8[%swap3A_86, %swap3A_87] {strides = array<i32>} : memref<128x128xf32, #tpu.memory_space<vmem>>, vector<1x16xf32>,
      %swap3A_89 = vector.shape_cast %swap3A_88 : vector<1x16xf32> to vector<16xf32>
      %swap3A_90 = vector.shape_cast %broadcast_in_dim3A_1 : vector<16xf32> to vector<1x16xf32>
      tpu.vector_store %arg8[%swap3A_86, %swap3A_87], %swap3A_90 {strides = array<i32>} : memref<128x128xf32, #tpu.memory_space<vmem>>, vector<1x16xf32>,
      %swap3A_91 = arith.index_cast %scan3A_76 : i32 to index
      %swap3A_92 = arith.constant 48 : index
      %swap3A_93 = tpu.vector_load %arg8[%swap3A_91, %swap3A_92] {strides = array<i32>} : memref<128x128xf32, #tpu.memory_space<vmem>>, vector<1x16xf32>,
      %swap3A_94 = vector.shape_cast %swap3A_93 : vector<1x16xf32> to vector<16xf32>
      %swap3A_95 = vector.shape_cast %broadcast_in_dim3A_1 : vector<16xf32> to vector<1x16xf32>
      tpu.vector_store %arg8[%swap3A_91, %swap3A_92], %swap3A_95 {strides = array<i32>} : memref<128x128xf32, #tpu.memory_space<vmem>>, vector<1x16xf32>,
      %swap3A_96 = arith.index_cast %scan3A_76 : i32 to index
      %swap3A_97 = arith.constant 64 : index
      %swap3A_98 = tpu.vector_load %arg8[%swap3A_96, %swap3A_97] {strides = array<i32>} : memref<128x128xf32, #tpu.memory_space<vmem>>, vector<1x16xf32>,
      %swap3A_99 = vector.shape_cast %swap3A_98 : vector<1x16xf32> to vector<16xf32>
      %swap3A_100 = vector.shape_cast %broadcast_in_dim3A_1 : vector<16xf32> to vector<1x16xf32>
      tpu.vector_store %arg8[%swap3A_96, %swap3A_97], %swap3A_100 {strides = array<i32>} : memref<128x128xf32, #tpu.memory_space<vmem>>, vector<1x16xf32>,
      %swap3A_101 = arith.index_cast %scan3A_76 : i32 to index
      %swap3A_102 = arith.constant 80 : index
      %swap3A_103 = tpu.vector_load %arg8[%swap3A_101, %swap3A_102] {strides = array<i32>} : memref<128x128xf32, #tpu.memory_space<vmem>>, vector<1x16xf32>,
      %swap3A_104 = vector.shape_cast %swap3A_103 : vector<1x16xf32> to vector<16xf32>
      %swap3A_105 = vector.shape_cast %broadcast_in_dim3A_1 : vector<16xf32> to vector<1x16xf32>
      tpu.vector_store %arg8[%swap3A_101, %swap3A_102], %swap3A_105 {strides = array<i32>} : memref<128x128xf32, #tpu.memory_space<vmem>>, vector<1x16xf32>,
      %swap3A_106 = arith.index_cast %scan3A_76 : i32 to index
      %swap3A_107 = arith.constant 96 : index
      %swap3A_108 = tpu.vector_load %arg8[%swap3A_106, %swap3A_107] {strides = array<i32>} : memref<128x128xf32, #tpu.memory_space<vmem>>, vector<1x16xf32>,
      %swap3A_109 = vector.shape_cast %swap3A_108 : vector<1x16xf32> to vector<16xf32>
      %swap3A_110 = vector.shape_cast %broadcast_in_dim3A_1 : vector<16xf32> to vector<1x16xf32>
      tpu.vector_store %arg8[%swap3A_106, %swap3A_107], %swap3A_110 {strides = array<i32>} : memref<128x128xf32, #tpu.memory_space<vmem>>, vector<1x16xf32>,
      %swap3A_111 = arith.index_cast %scan3A_76 : i32 to index
      %swap3A_112 = arith.constant 112 : index
      %swap3A_113 = tpu.vector_load %arg8[%swap3A_111, %swap3A_112] {strides = array<i32>} : memref<128x128xf32, #tpu.memory_space<vmem>>, vector<1x16xf32>,
      %swap3A_114 = vector.shape_cast %swap3A_113 : vector<1x16xf32> to vector<16xf32>
      %swap3A_115 = vector.shape_cast %broadcast_in_dim3A_1 : vector<16xf32> to vector<1x16xf32>
      tpu.vector_store %arg8[%swap3A_111, %swap3A_112], %swap3A_115 {strides = array<i32>} : memref<128x128xf32, #tpu.memory_space<vmem>>, vector<1x16xf32>,
    }
    %scan3A_6 = arith.constant 128 : i32
    %mul3A_7 = arith.constant 640 : i32
    %mul3A_8 = arith.muli %arg1, %mul3A_7 : i32
    %add3A_9 = arith.constant 0 : i32
    %add3A_10 = arith.addi %mul3A_8, %add3A_9 : i32
    "tpu.region"() ({
      %run_scoped3A_76 = tpu.sem_alloc : memref<!tpu.dma_semaphore, #tpu.memory_space<semaphore_mem>>
      %dma_start3A_77 = arith.constant 0 : i32
      %dma_start3A_78 = tpu.memref_slice %arg10[%add3A_10, %dma_start3A_77] : memref<10240x128xf32, #tpu.memory_space<vmem_shared>> -> memref<128x128xf32, #tpu.memory_space<vmem_shared>>
      %dma_start3A_79 = arith.constant 0 : i32
      %dma_start3A_80 = tpu.memref_slice %arg10[%add3A_10, %dma_start3A_79] : memref<10240x128xf32, #tpu.memory_space<vmem_shared>> -> memref<128x128xf32, #tpu.memory_space<vmem_shared>>
      tpu.enqueue_dma source(%arg8 : memref<128x128xf32, #tpu.memory_space<vmem>>) target(%dma_start3A_80 : memref<128x128xf32, #tpu.memory_space<vmem_shared>>) target_semaphore(%run_scoped3A_76 : memref<!tpu.dma_semaphore, #tpu.memory_space<semaphore_mem>>)
      %dma_wait3A = arith.constant 0 : i32
      %dma_wait3A_81 = tpu.memref_slice %arg10[%add3A_10, %dma_wait3A] : memref<10240x128xf32, #tpu.memory_space<vmem_shared>> -> memref<128x128xf32, #tpu.memory_space<vmem_shared>>
      %dma_wait3A_82 = arith.constant 0 : i32
      %dma_wait3A_83 = tpu.memref_slice %arg10[%add3A_10, %dma_wait3A_82] : memref<10240x128xf32, #tpu.memory_space<vmem_shared>> -> memref<128x128xf32, #tpu.memory_space<vmem_shared>>
      tpu.wait_dma2 semaphore(%run_scoped3A_76 : memref<!tpu.dma_semaphore, #tpu.memory_space<semaphore_mem>>) src(%arg8 : memref<128x128xf32, #tpu.memory_space<vmem>>) dst(%dma_wait3A_83 : memref<128x128xf32, #tpu.memory_space<vmem_shared>>)
      tpu.yield
    }) : () -> ()
    %mul3A_11 = arith.constant 640 : i32
    %mul3A_12 = arith.muli %arg1, %mul3A_11 : i32
    %add3A_13 = arith.constant 128 : i32
    %add3A_14 = arith.addi %mul3A_12, %add3A_13 : i32
    "tpu.region"() ({
      %run_scoped3A_76 = tpu.sem_alloc : memref<!tpu.dma_semaphore, #tpu.memory_space<semaphore_mem>>
      %dma_start3A_77 = arith.constant 0 : i32
      %dma_start3A_78 = tpu.memref_slice %arg10[%add3A_14, %dma_start3A_77] : memref<10240x128xf32, #tpu.memory_space<vmem_shared>> -> memref<128x128xf32, #tpu.memory_space<vmem_shared>>
      %dma_start3A_79 = arith.constant 0 : i32
      %dma_start3A_80 = tpu.memref_slice %arg10[%add3A_14, %dma_start3A_79] : memref<10240x128xf32, #tpu.memory_space<vmem_shared>> -> memref<128x128xf32, #tpu.memory_space<vmem_shared>>
      tpu.enqueue_dma source(%arg8 : memref<128x128xf32, #tpu.memory_space<vmem>>) target(%dma_start3A_80 : memref<128x128xf32, #tpu.memory_space<vmem_shared>>) target_semaphore(%run_scoped3A_76 : memref<!tpu.dma_semaphore, #tpu.memory_space<semaphore_mem>>)
      %dma_wait3A = arith.constant 0 : i32
      %dma_wait3A_81 = tpu.memref_slice %arg10[%add3A_14, %dma_wait3A] : memref<10240x128xf32, #tpu.memory_space<vmem_shared>> -> memref<128x128xf32, #tpu.memory_space<vmem_shared>>
      %dma_wait3A_82 = arith.constant 0 : i32
      %dma_wait3A_83 = tpu.memref_slice %arg10[%add3A_14, %dma_wait3A_82] : memref<10240x128xf32, #tpu.memory_space<vmem_shared>> -> memref<128x128xf32, #tpu.memory_space<vmem_shared>>
      tpu.wait_dma2 semaphore(%run_scoped3A_76 : memref<!tpu.dma_semaphore, #tpu.memory_space<semaphore_mem>>) src(%arg8 : memref<128x128xf32, #tpu.memory_space<vmem>>) dst(%dma_wait3A_83 : memref<128x128xf32, #tpu.memory_space<vmem_shared>>)
      tpu.yield
    }) : () -> ()
    %mul3A_15 = arith.constant 640 : i32
    %mul3A_16 = arith.muli %arg1, %mul3A_15 : i32
    %add3A_17 = arith.constant 256 : i32
    %add3A_18 = arith.addi %mul3A_16, %add3A_17 : i32
    "tpu.region"() ({
      %run_scoped3A_76 = tpu.sem_alloc : memref<!tpu.dma_semaphore, #tpu.memory_space<semaphore_mem>>
      %dma_start3A_77 = arith.constant 0 : i32
      %dma_start3A_78 = tpu.memref_slice %arg10[%add3A_18, %dma_start3A_77] : memref<10240x128xf32, #tpu.memory_space<vmem_shared>> -> memref<128x128xf32, #tpu.memory_space<vmem_shared>>
      %dma_start3A_79 = arith.constant 0 : i32
      %dma_start3A_80 = tpu.memref_slice %arg10[%add3A_18, %dma_start3A_79] : memref<10240x128xf32, #tpu.memory_space<vmem_shared>> -> memref<128x128xf32, #tpu.memory_space<vmem_shared>>
      tpu.enqueue_dma source(%arg8 : memref<128x128xf32, #tpu.memory_space<vmem>>) target(%dma_start3A_80 : memref<128x128xf32, #tpu.memory_space<vmem_shared>>) target_semaphore(%run_scoped3A_76 : memref<!tpu.dma_semaphore, #tpu.memory_space<semaphore_mem>>)
      %dma_wait3A = arith.constant 0 : i32
      %dma_wait3A_81 = tpu.memref_slice %arg10[%add3A_18, %dma_wait3A] : memref<10240x128xf32, #tpu.memory_space<vmem_shared>> -> memref<128x128xf32, #tpu.memory_space<vmem_shared>>
      %dma_wait3A_82 = arith.constant 0 : i32
      %dma_wait3A_83 = tpu.memref_slice %arg10[%add3A_18, %dma_wait3A_82] : memref<10240x128xf32, #tpu.memory_space<vmem_shared>> -> memref<128x128xf32, #tpu.memory_space<vmem_shared>>
      tpu.wait_dma2 semaphore(%run_scoped3A_76 : memref<!tpu.dma_semaphore, #tpu.memory_space<semaphore_mem>>) src(%arg8 : memref<128x128xf32, #tpu.memory_space<vmem>>) dst(%dma_wait3A_83 : memref<128x128xf32, #tpu.memory_space<vmem_shared>>)
      tpu.yield
    }) : () -> ()
    %mul3A_19 = arith.constant 640 : i32
    %mul3A_20 = arith.muli %arg1, %mul3A_19 : i32
    %add3A_21 = arith.constant 384 : i32
    %add3A_22 = arith.addi %mul3A_20, %add3A_21 : i32
    "tpu.region"() ({
      %run_scoped3A_76 = tpu.sem_alloc : memref<!tpu.dma_semaphore, #tpu.memory_space<semaphore_mem>>
      %dma_start3A_77 = arith.constant 0 : i32
      %dma_start3A_78 = tpu.memref_slice %arg10[%add3A_22, %dma_start3A_77] : memref<10240x128xf32, #tpu.memory_space<vmem_shared>> -> memref<128x128xf32, #tpu.memory_space<vmem_shared>>
      %dma_start3A_79 = arith.constant 0 : i32
      %dma_start3A_80 = tpu.memref_slice %arg10[%add3A_22, %dma_start3A_79] : memref<10240x128xf32, #tpu.memory_space<vmem_shared>> -> memref<128x128xf32, #tpu.memory_space<vmem_shared>>
      tpu.enqueue_dma source(%arg8 : memref<128x128xf32, #tpu.memory_space<vmem>>) target(%dma_start3A_80 : memref<128x128xf32, #tpu.memory_space<vmem_shared>>) target_semaphore(%run_scoped3A_76 : memref<!tpu.dma_semaphore, #tpu.memory_space<semaphore_mem>>)
      %dma_wait3A = arith.constant 0 : i32
      %dma_wait3A_81 = tpu.memref_slice %arg10[%add3A_22, %dma_wait3A] : memref<10240x128xf32, #tpu.memory_space<vmem_shared>> -> memref<128x128xf32, #tpu.memory_space<vmem_shared>>
      %dma_wait3A_82 = arith.constant 0 : i32
      %dma_wait3A_83 = tpu.memref_slice %arg10[%add3A_22, %dma_wait3A_82] : memref<10240x128xf32, #tpu.memory_space<vmem_shared>> -> memref<128x128xf32, #tpu.memory_space<vmem_shared>>
      tpu.wait_dma2 semaphore(%run_scoped3A_76 : memref<!tpu.dma_semaphore, #tpu.memory_space<semaphore_mem>>) src(%arg8 : memref<128x128xf32, #tpu.memory_space<vmem>>) dst(%dma_wait3A_83 : memref<128x128xf32, #tpu.memory_space<vmem_shared>>)
      tpu.yield
    }) : () -> ()
    %mul3A_23 = arith.constant 640 : i32
    %mul3A_24 = arith.muli %arg1, %mul3A_23 : i32
    %add3A_25 = arith.constant 512 : i32
    %add3A_26 = arith.addi %mul3A_24, %add3A_25 : i32
    "tpu.region"() ({
      %run_scoped3A_76 = tpu.sem_alloc : memref<!tpu.dma_semaphore, #tpu.memory_space<semaphore_mem>>
      %dma_start3A_77 = arith.constant 0 : i32
      %dma_start3A_78 = tpu.memref_slice %arg10[%add3A_26, %dma_start3A_77] : memref<10240x128xf32, #tpu.memory_space<vmem_shared>> -> memref<128x128xf32, #tpu.memory_space<vmem_shared>>
      %dma_start3A_79 = arith.constant 0 : i32
      %dma_start3A_80 = tpu.memref_slice %arg10[%add3A_26, %dma_start3A_79] : memref<10240x128xf32, #tpu.memory_space<vmem_shared>> -> memref<128x128xf32, #tpu.memory_space<vmem_shared>>
      tpu.enqueue_dma source(%arg8 : memref<128x128xf32, #tpu.memory_space<vmem>>) target(%dma_start3A_80 : memref<128x128xf32, #tpu.memory_space<vmem_shared>>) target_semaphore(%run_scoped3A_76 : memref<!tpu.dma_semaphore, #tpu.memory_space<semaphore_mem>>)
      %dma_wait3A = arith.constant 0 : i32
      %dma_wait3A_81 = tpu.memref_slice %arg10[%add3A_26, %dma_wait3A] : memref<10240x128xf32, #tpu.memory_space<vmem_shared>> -> memref<128x128xf32, #tpu.memory_space<vmem_shared>>
      %dma_wait3A_82 = arith.constant 0 : i32
      %dma_wait3A_83 = tpu.memref_slice %arg10[%add3A_26, %dma_wait3A_82] : memref<10240x128xf32, #tpu.memory_space<vmem_shared>> -> memref<128x128xf32, #tpu.memory_space<vmem_shared>>
      tpu.wait_dma2 semaphore(%run_scoped3A_76 : memref<!tpu.dma_semaphore, #tpu.memory_space<semaphore_mem>>) src(%arg8 : memref<128x128xf32, #tpu.memory_space<vmem>>) dst(%dma_wait3A_83 : memref<128x128xf32, #tpu.memory_space<vmem_shared>>)
      tpu.yield
    }) : () -> ()
    %barrier3A = arith.constant 0 : index
    tpu.barrier barrier_id(%barrier3A)
    %run_scoped3A = arith.constant 0 : i32
    "tpu.region"() ({
      %run_scoped3A_76 = tpu.sem_alloc : memref<!tpu.dma_semaphore, #tpu.memory_space<semaphore_mem>>
      %dma_start3A_77 = arith.constant 0 : i32
      %dma_start3A_78 = arith.constant 0 : i32
      %dma_start3A_79 = tpu.memref_slice %arg3[%add3A, %run_scoped3A, %dma_start3A_77, %dma_start3A_78] : memref<32x2x42x128xi32, #tpu.memory_space<hbm>> -> memref<1x1x42x128xi32, #tpu.memory_space<hbm>>
      %dma_start3A_80 = tpu.memref_squeeze %dma_start3A_79 : memref<1x1x42x128xi32, #tpu.memory_space<hbm>> -> memref<42x128xi32, #tpu.memory_space<hbm>>
      %dma_start3A_81 = arith.constant 0 : i32
      %dma_start3A_82 = arith.constant 0 : i32
      %dma_start3A_83 = tpu.memref_slice %arg3[%add3A, %run_scoped3A, %dma_start3A_81, %dma_start3A_82] : memref<32x2x42x128xi32, #tpu.memory_space<hbm>> -> memref<1x1x42x128xi32, #tpu.memory_space<hbm>>
      %dma_start3A_84 = tpu.memref_squeeze %dma_start3A_83 : memref<1x1x42x128xi32, #tpu.memory_space<hbm>> -> memref<42x128xi32, #tpu.memory_space<hbm>>
      tpu.enqueue_dma source(%dma_start3A_84 : memref<42x128xi32, #tpu.memory_space<hbm>>) target(%arg6 : memref<42x128xi32, #tpu.memory_space<vmem>>) target_semaphore(%run_scoped3A_76 : memref<!tpu.dma_semaphore, #tpu.memory_space<semaphore_mem>>)
      %dma_wait3A = arith.constant 0 : i32
      %dma_wait3A_85 = arith.constant 0 : i32
      %dma_wait3A_86 = tpu.memref_slice %arg3[%add3A, %run_scoped3A, %dma_wait3A, %dma_wait3A_85] : memref<32x2x42x128xi32, #tpu.memory_space<hbm>> -> memref<1x1x42x128xi32, #tpu.memory_space<hbm>>
      %dma_wait3A_87 = tpu.memref_squeeze %dma_wait3A_86 : memref<1x1x42x128xi32, #tpu.memory_space<hbm>> -> memref<42x128xi32, #tpu.memory_space<hbm>>
      %dma_wait3A_88 = arith.constant 0 : i32
      %dma_wait3A_89 = arith.constant 0 : i32
      %dma_wait3A_90 = tpu.memref_slice %arg3[%add3A, %run_scoped3A, %dma_wait3A_88, %dma_wait3A_89] : memref<32x2x42x128xi32, #tpu.memory_space<hbm>> -> memref<1x1x42x128xi32, #tpu.memory_space<hbm>>
      %dma_wait3A_91 = tpu.memref_squeeze %dma_wait3A_90 : memref<1x1x42x128xi32, #tpu.memory_space<hbm>> -> memref<42x128xi32, #tpu.memory_space<hbm>>
      tpu.wait_dma2 semaphore(%run_scoped3A_76 : memref<!tpu.dma_semaphore, #tpu.memory_space<semaphore_mem>>) src(%dma_wait3A_91 : memref<42x128xi32, #tpu.memory_space<hbm>>) dst(%arg6 : memref<42x128xi32, #tpu.memory_space<vmem>>)
      tpu.yield
    }) : () -> ()
    %run_scoped3A_27 = arith.constant 0 : i32
    "tpu.region"() ({
      %run_scoped3A_76 = tpu.sem_alloc : memref<!tpu.dma_semaphore, #tpu.memory_space<semaphore_mem>>
      %dma_start3A_77 = arith.constant 0 : i32
      %dma_start3A_78 = arith.constant 0 : i32
      %dma_start3A_79 = tpu.memref_slice %arg4[%add3A, %run_scoped3A_27, %dma_start3A_77, %dma_start3A_78] : memref<32x2x42x128xi32, #tpu.memory_space<hbm>> -> memref<1x1x42x128xi32, #tpu.memory_space<hbm>>
      %dma_start3A_80 = tpu.memref_squeeze %dma_start3A_79 : memref<1x1x42x128xi32, #tpu.memory_space<hbm>> -> memref<42x128xi32, #tpu.memory_space<hbm>>
      %dma_start3A_81 = arith.constant 0 : i32
      %dma_start3A_82 = arith.constant 0 : i32
      %dma_start3A_83 = tpu.memref_slice %arg4[%add3A, %run_scoped3A_27, %dma_start3A_81, %dma_start3A_82] : memref<32x2x42x128xi32, #tpu.memory_space<hbm>> -> memref<1x1x42x128xi32, #tpu.memory_space<hbm>>
      %dma_start3A_84 = tpu.memref_squeeze %dma_start3A_83 : memref<1x1x42x128xi32, #tpu.memory_space<hbm>> -> memref<42x128xi32, #tpu.memory_space<hbm>>
      tpu.enqueue_dma source(%dma_start3A_84 : memref<42x128xi32, #tpu.memory_space<hbm>>) target(%arg7 : memref<42x128xi32, #tpu.memory_space<vmem>>) target_semaphore(%run_scoped3A_76 : memref<!tpu.dma_semaphore, #tpu.memory_space<semaphore_mem>>)
      %dma_wait3A = arith.constant 0 : i32
      %dma_wait3A_85 = arith.constant 0 : i32
      %dma_wait3A_86 = tpu.memref_slice %arg4[%add3A, %run_scoped3A_27, %dma_wait3A, %dma_wait3A_85] : memref<32x2x42x128xi32, #tpu.memory_space<hbm>> -> memref<1x1x42x128xi32, #tpu.memory_space<hbm>>
      %dma_wait3A_87 = tpu.memref_squeeze %dma_wait3A_86 : memref<1x1x42x128xi32, #tpu.memory_space<hbm>> -> memref<42x128xi32, #tpu.memory_space<hbm>>
      %dma_wait3A_88 = arith.constant 0 : i32
      %dma_wait3A_89 = arith.constant 0 : i32
      %dma_wait3A_90 = tpu.memref_slice %arg4[%add3A, %run_scoped3A_27, %dma_wait3A_88, %dma_wait3A_89] : memref<32x2x42x128xi32, #tpu.memory_space<hbm>> -> memref<1x1x42x128xi32, #tpu.memory_space<hbm>>
      %dma_wait3A_91 = tpu.memref_squeeze %dma_wait3A_90 : memref<1x1x42x128xi32, #tpu.memory_space<hbm>> -> memref<42x128xi32, #tpu.memory_space<hbm>>
      tpu.wait_dma2 semaphore(%run_scoped3A_76 : memref<!tpu.dma_semaphore, #tpu.memory_space<semaphore_mem>>) src(%dma_wait3A_91 : memref<42x128xi32, #tpu.memory_space<hbm>>) dst(%arg7 : memref<42x128xi32, #tpu.memory_space<vmem>>)
      tpu.yield
    }) : () -> ()
    %dma_start3A = arith.constant 0 : i32
    %dma_start3A_28 = arith.constant 0 : i32
    %dma_start3A_29 = tpu.memref_slice %arg6[%dma_start3A, %dma_start3A_28] : memref<42x128xi32, #tpu.memory_space<vmem>> -> memref<1x128xi32, #tpu.memory_space<vmem>>
    %dma_start3A_30 = tpu.memref_squeeze %dma_start3A_29 : memref<1x128xi32, #tpu.memory_space<vmem>> -> memref<128xi32, #tpu.memory_space<vmem>>
    %dma_start3A_31 = arith.constant 0 : i32
    %dma_start3A_32 = arith.constant 0 : i32
    %dma_start3A_33 = tpu.memref_slice %arg2[%dma_start3A_31, %dma_start3A_32] : memref<10240x128xf32, #tpu.memory_space<hbm>> -> memref<10240x128xf32, #tpu.memory_space<hbm>>
    tpu.enqueue_indirect_dma source(%dma_start3A_33 : memref<10240x128xf32, #tpu.memory_space<hbm>>) target(%arg8 : memref<128x128xf32, #tpu.memory_space<vmem>>) offsets(%dma_start3A_30 : memref<128xi32, #tpu.memory_space<vmem>>) semaphore(%arg11 : memref<!tpu.dma_semaphore, #tpu.memory_space<semaphore_mem>>)
    %scan3A_34 = arith.constant 0 : i32
    %scan3A_35 = arith.constant 0 : i32
    %scan3A_36 = arith.constant 21 : i32
    %scan3A_37 = arith.addi %scan3A_35, %scan3A_36 : i32
    %scan3A_38 = arith.constant 1 : i32
    scf.for %scan3A_76 = %scan3A_35 to %scan3A_37 step %scan3A_38  : i32 {
      %mul3A_77 = arith.constant 2 : i32
      %mul3A_78 = arith.muli %mul3A_77, %scan3A_76 : i32
      %dma_wait3A = arith.constant 0 : i32
      %dma_wait3A_79 = tpu.memref_slice %arg6[%mul3A_78, %dma_wait3A] : memref<42x128xi32, #tpu.memory_space<vmem>> -> memref<1x128xi32, #tpu.memory_space<vmem>>
      %dma_wait3A_80 = tpu.memref_squeeze %dma_wait3A_79 : memref<1x128xi32, #tpu.memory_space<vmem>> -> memref<128xi32, #tpu.memory_space<vmem>>
      %dma_wait3A_81 = arith.constant 0 : i32
      %dma_wait3A_82 = arith.constant 0 : i32
      %dma_wait3A_83 = tpu.memref_slice %arg2[%dma_wait3A_81, %dma_wait3A_82] : memref<10240x128xf32, #tpu.memory_space<hbm>> -> memref<10240x128xf32, #tpu.memory_space<hbm>>
      tpu.wait_indirect_dma semaphore(%arg11 : memref<!tpu.dma_semaphore, #tpu.memory_space<semaphore_mem>>) src(%dma_wait3A_83 : memref<10240x128xf32, #tpu.memory_space<hbm>>) dst(%arg8 : memref<128x128xf32, #tpu.memory_space<vmem>>)
      %add3A_84 = arith.constant 1 : i32
      %add3A_85 = arith.addi %mul3A_78, %add3A_84 : i32
      %dma_start3A_86 = arith.constant 0 : i32
      %dma_start3A_87 = tpu.memref_slice %arg6[%add3A_85, %dma_start3A_86] : memref<42x128xi32, #tpu.memory_space<vmem>> -> memref<1x128xi32, #tpu.memory_space<vmem>>
      %dma_start3A_88 = tpu.memref_squeeze %dma_start3A_87 : memref<1x128xi32, #tpu.memory_space<vmem>> -> memref<128xi32, #tpu.memory_space<vmem>>
      %dma_start3A_89 = arith.constant 0 : i32
      %dma_start3A_90 = arith.constant 0 : i32
      %dma_start3A_91 = tpu.memref_slice %arg2[%dma_start3A_89, %dma_start3A_90] : memref<10240x128xf32, #tpu.memory_space<hbm>> -> memref<10240x128xf32, #tpu.memory_space<hbm>>
      tpu.enqueue_indirect_dma source(%dma_start3A_91 : memref<10240x128xf32, #tpu.memory_space<hbm>>) target(%arg9 : memref<128x128xf32, #tpu.memory_space<vmem>>) offsets(%dma_start3A_88 : memref<128xi32, #tpu.memory_space<vmem>>) semaphore(%arg12 : memref<!tpu.dma_semaphore, #tpu.memory_space<semaphore_mem>>)
      "tpu.region"() ({
        %run_scoped3A_104 = tpu.sem_alloc : memref<!tpu.dma_semaphore, #tpu.memory_space<semaphore_mem>>
        %dma_start3A_105 = arith.constant 0 : i32
        %dma_start3A_106 = tpu.memref_slice %arg7[%mul3A_78, %dma_start3A_105] : memref<42x128xi32, #tpu.memory_space<vmem>> -> memref<1x128xi32, #tpu.memory_space<vmem>>
        %dma_start3A_107 = tpu.memref_squeeze %dma_start3A_106 : memref<1x128xi32, #tpu.memory_space<vmem>> -> memref<128xi32, #tpu.memory_space<vmem>>
        %dma_start3A_108 = arith.constant 0 : i32
        %dma_start3A_109 = arith.constant 0 : i32
        %dma_start3A_110 = tpu.memref_slice %arg10[%dma_start3A_108, %dma_start3A_109] : memref<10240x128xf32, #tpu.memory_space<vmem_shared>> -> memref<10240x128xf32, #tpu.memory_space<vmem_shared>>
        tpu.enqueue_indirect_dma source(%arg8 : memref<128x128xf32, #tpu.memory_space<vmem>>) target(%dma_start3A_110 : memref<10240x128xf32, #tpu.memory_space<vmem_shared>>) offsets(%dma_start3A_107 : memref<128xi32, #tpu.memory_space<vmem>>) semaphore(%run_scoped3A_104 : memref<!tpu.dma_semaphore, #tpu.memory_space<semaphore_mem>>) {add = true}
        %dma_wait3A_111 = arith.constant 0 : i32
        %dma_wait3A_112 = tpu.memref_slice %arg7[%mul3A_78, %dma_wait3A_111] : memref<42x128xi32, #tpu.memory_space<vmem>> -> memref<1x128xi32, #tpu.memory_space<vmem>>
        %dma_wait3A_113 = tpu.memref_squeeze %dma_wait3A_112 : memref<1x128xi32, #tpu.memory_space<vmem>> -> memref<128xi32, #tpu.memory_space<vmem>>
        %dma_wait3A_114 = arith.constant 0 : i32
        %dma_wait3A_115 = arith.constant 0 : i32
        %dma_wait3A_116 = tpu.memref_slice %arg10[%dma_wait3A_114, %dma_wait3A_115] : memref<10240x128xf32, #tpu.memory_space<vmem_shared>> -> memref<10240x128xf32, #tpu.memory_space<vmem_shared>>
        tpu.wait_indirect_dma semaphore(%run_scoped3A_104 : memref<!tpu.dma_semaphore, #tpu.memory_space<semaphore_mem>>) src(%arg8 : memref<128x128xf32, #tpu.memory_space<vmem>>) dst(%dma_wait3A_116 : memref<10240x128xf32, #tpu.memory_space<vmem_shared>>)
        tpu.yield
      }) : () -> ()
      %add3A_92 = arith.constant 1 : i32
      %add3A_93 = arith.addi %mul3A_78, %add3A_92 : i32
      %dma_wait3A_94 = arith.constant 0 : i32
      %dma_wait3A_95 = tpu.memref_slice %arg6[%add3A_93, %dma_wait3A_94] : memref<42x128xi32, #tpu.memory_space<vmem>> -> memref<1x128xi32, #tpu.memory_space<vmem>>
      %dma_wait3A_96 = tpu.memref_squeeze %dma_wait3A_95 : memref<1x128xi32, #tpu.memory_space<vmem>> -> memref<128xi32, #tpu.memory_space<vmem>>
      %dma_wait3A_97 = arith.constant 0 : i32
      %dma_wait3A_98 = arith.constant 0 : i32
      %dma_wait3A_99 = tpu.memref_slice %arg2[%dma_wait3A_97, %dma_wait3A_98] : memref<10240x128xf32, #tpu.memory_space<hbm>> -> memref<10240x128xf32, #tpu.memory_space<hbm>>
      tpu.wait_indirect_dma semaphore(%arg12 : memref<!tpu.dma_semaphore, #tpu.memory_space<semaphore_mem>>) src(%dma_wait3A_99 : memref<10240x128xf32, #tpu.memory_space<hbm>>) dst(%arg9 : memref<128x128xf32, #tpu.memory_space<vmem>>)
      %lt3A = arith.constant 20 : i32
      %lt3A_100 = arith.cmpi slt, %scan3A_76, %lt3A : i32
      %convert_element_type3A = arith.extui %lt3A_100 : i1 to i32
      %cond3A = arith.constant 0 : i32
      %cond3A_101 = arith.cmpi ne, %convert_element_type3A, %cond3A : i32
      scf.if %cond3A_101 {
        %add3A_104 = arith.constant 2 : i32
        %add3A_105 = arith.addi %mul3A_78, %add3A_104 : i32
        %dma_start3A_106 = arith.constant 0 : i32
        %dma_start3A_107 = tpu.memref_slice %arg6[%add3A_105, %dma_start3A_106] : memref<42x128xi32, #tpu.memory_space<vmem>> -> memref<1x128xi32, #tpu.memory_space<vmem>>
        %dma_start3A_108 = tpu.memref_squeeze %dma_start3A_107 : memref<1x128xi32, #tpu.memory_space<vmem>> -> memref<128xi32, #tpu.memory_space<vmem>>
        %dma_start3A_109 = arith.constant 0 : i32
        %dma_start3A_110 = arith.constant 0 : i32
        %dma_start3A_111 = tpu.memref_slice %arg2[%dma_start3A_109, %dma_start3A_110] : memref<10240x128xf32, #tpu.memory_space<hbm>> -> memref<10240x128xf32, #tpu.memory_space<hbm>>
        tpu.enqueue_indirect_dma source(%dma_start3A_111 : memref<10240x128xf32, #tpu.memory_space<hbm>>) target(%arg8 : memref<128x128xf32, #tpu.memory_space<vmem>>) offsets(%dma_start3A_108 : memref<128xi32, #tpu.memory_space<vmem>>) semaphore(%arg11 : memref<!tpu.dma_semaphore, #tpu.memory_space<semaphore_mem>>)
      } else {
      }
      %add3A_102 = arith.constant 1 : i32
      %add3A_103 = arith.addi %mul3A_78, %add3A_102 : i32
      "tpu.region"() ({
        %run_scoped3A_104 = tpu.sem_alloc : memref<!tpu.dma_semaphore, #tpu.memory_space<semaphore_mem>>
        %dma_start3A_105 = arith.constant 0 : i32
        %dma_start3A_106 = tpu.memref_slice %arg7[%add3A_103, %dma_start3A_105] : memref<42x128xi32, #tpu.memory_space<vmem>> -> memref<1x128xi32, #tpu.memory_space<vmem>>
        %dma_start3A_107 = tpu.memref_squeeze %dma_start3A_106 : memref<1x128xi32, #tpu.memory_space<vmem>> -> memref<128xi32, #tpu.memory_space<vmem>>
        %dma_start3A_108 = arith.constant 0 : i32
        %dma_start3A_109 = arith.constant 0 : i32
        %dma_start3A_110 = tpu.memref_slice %arg10[%dma_start3A_108, %dma_start3A_109] : memref<10240x128xf32, #tpu.memory_space<vmem_shared>> -> memref<10240x128xf32, #tpu.memory_space<vmem_shared>>
        tpu.enqueue_indirect_dma source(%arg9 : memref<128x128xf32, #tpu.memory_space<vmem>>) target(%dma_start3A_110 : memref<10240x128xf32, #tpu.memory_space<vmem_shared>>) offsets(%dma_start3A_107 : memref<128xi32, #tpu.memory_space<vmem>>) semaphore(%run_scoped3A_104 : memref<!tpu.dma_semaphore, #tpu.memory_space<semaphore_mem>>) {add = true}
        %dma_wait3A_111 = arith.constant 0 : i32
        %dma_wait3A_112 = tpu.memref_slice %arg7[%add3A_103, %dma_wait3A_111] : memref<42x128xi32, #tpu.memory_space<vmem>> -> memref<1x128xi32, #tpu.memory_space<vmem>>
        %dma_wait3A_113 = tpu.memref_squeeze %dma_wait3A_112 : memref<1x128xi32, #tpu.memory_space<vmem>> -> memref<128xi32, #tpu.memory_space<vmem>>
        %dma_wait3A_114 = arith.constant 0 : i32
        %dma_wait3A_115 = arith.constant 0 : i32
        %dma_wait3A_116 = tpu.memref_slice %arg10[%dma_wait3A_114, %dma_wait3A_115] : memref<10240x128xf32, #tpu.memory_space<vmem_shared>> -> memref<10240x128xf32, #tpu.memory_space<vmem_shared>>
        tpu.wait_indirect_dma semaphore(%run_scoped3A_104 : memref<!tpu.dma_semaphore, #tpu.memory_space<semaphore_mem>>) src(%arg9 : memref<128x128xf32, #tpu.memory_space<vmem>>) dst(%dma_wait3A_116 : memref<10240x128xf32, #tpu.memory_space<vmem_shared>>)
        tpu.yield
      }) : () -> ()
    }
    %scan3A_39 = arith.constant 21 : i32
    %run_scoped3A_40 = arith.constant 1 : i32
    "tpu.region"() ({
      %run_scoped3A_76 = tpu.sem_alloc : memref<!tpu.dma_semaphore, #tpu.memory_space<semaphore_mem>>
      %dma_start3A_77 = arith.constant 0 : i32
      %dma_start3A_78 = arith.constant 0 : i32
      %dma_start3A_79 = tpu.memref_slice %arg3[%add3A, %run_scoped3A_40, %dma_start3A_77, %dma_start3A_78] : memref<32x2x42x128xi32, #tpu.memory_space<hbm>> -> memref<1x1x42x128xi32, #tpu.memory_space<hbm>>
      %dma_start3A_80 = tpu.memref_squeeze %dma_start3A_79 : memref<1x1x42x128xi32, #tpu.memory_space<hbm>> -> memref<42x128xi32, #tpu.memory_space<hbm>>
      %dma_start3A_81 = arith.constant 0 : i32
      %dma_start3A_82 = arith.constant 0 : i32
      %dma_start3A_83 = tpu.memref_slice %arg3[%add3A, %run_scoped3A_40, %dma_start3A_81, %dma_start3A_82] : memref<32x2x42x128xi32, #tpu.memory_space<hbm>> -> memref<1x1x42x128xi32, #tpu.memory_space<hbm>>
      %dma_start3A_84 = tpu.memref_squeeze %dma_start3A_83 : memref<1x1x42x128xi32, #tpu.memory_space<hbm>> -> memref<42x128xi32, #tpu.memory_space<hbm>>
      tpu.enqueue_dma source(%dma_start3A_84 : memref<42x128xi32, #tpu.memory_space<hbm>>) target(%arg6 : memref<42x128xi32, #tpu.memory_space<vmem>>) target_semaphore(%run_scoped3A_76 : memref<!tpu.dma_semaphore, #tpu.memory_space<semaphore_mem>>)
      %dma_wait3A = arith.constant 0 : i32
      %dma_wait3A_85 = arith.constant 0 : i32
      %dma_wait3A_86 = tpu.memref_slice %arg3[%add3A, %run_scoped3A_40, %dma_wait3A, %dma_wait3A_85] : memref<32x2x42x128xi32, #tpu.memory_space<hbm>> -> memref<1x1x42x128xi32, #tpu.memory_space<hbm>>
      %dma_wait3A_87 = tpu.memref_squeeze %dma_wait3A_86 : memref<1x1x42x128xi32, #tpu.memory_space<hbm>> -> memref<42x128xi32, #tpu.memory_space<hbm>>
      %dma_wait3A_88 = arith.constant 0 : i32
      %dma_wait3A_89 = arith.constant 0 : i32
      %dma_wait3A_90 = tpu.memref_slice %arg3[%add3A, %run_scoped3A_40, %dma_wait3A_88, %dma_wait3A_89] : memref<32x2x42x128xi32, #tpu.memory_space<hbm>> -> memref<1x1x42x128xi32, #tpu.memory_space<hbm>>
      %dma_wait3A_91 = tpu.memref_squeeze %dma_wait3A_90 : memref<1x1x42x128xi32, #tpu.memory_space<hbm>> -> memref<42x128xi32, #tpu.memory_space<hbm>>
      tpu.wait_dma2 semaphore(%run_scoped3A_76 : memref<!tpu.dma_semaphore, #tpu.memory_space<semaphore_mem>>) src(%dma_wait3A_91 : memref<42x128xi32, #tpu.memory_space<hbm>>) dst(%arg6 : memref<42x128xi32, #tpu.memory_space<vmem>>)
      tpu.yield
    }) : () -> ()
    %run_scoped3A_41 = arith.constant 1 : i32
    "tpu.region"() ({
      %run_scoped3A_76 = tpu.sem_alloc : memref<!tpu.dma_semaphore, #tpu.memory_space<semaphore_mem>>
      %dma_start3A_77 = arith.constant 0 : i32
      %dma_start3A_78 = arith.constant 0 : i32
      %dma_start3A_79 = tpu.memref_slice %arg4[%add3A, %run_scoped3A_41, %dma_start3A_77, %dma_start3A_78] : memref<32x2x42x128xi32, #tpu.memory_space<hbm>> -> memref<1x1x42x128xi32, #tpu.memory_space<hbm>>
      %dma_start3A_80 = tpu.memref_squeeze %dma_start3A_79 : memref<1x1x42x128xi32, #tpu.memory_space<hbm>> -> memref<42x128xi32, #tpu.memory_space<hbm>>
      %dma_start3A_81 = arith.constant 0 : i32
      %dma_start3A_82 = arith.constant 0 : i32
      %dma_start3A_83 = tpu.memref_slice %arg4[%add3A, %run_scoped3A_41, %dma_start3A_81, %dma_start3A_82] : memref<32x2x42x128xi32, #tpu.memory_space<hbm>> -> memref<1x1x42x128xi32, #tpu.memory_space<hbm>>
      %dma_start3A_84 = tpu.memref_squeeze %dma_start3A_83 : memref<1x1x42x128xi32, #tpu.memory_space<hbm>> -> memref<42x128xi32, #tpu.memory_space<hbm>>
      tpu.enqueue_dma source(%dma_start3A_84 : memref<42x128xi32, #tpu.memory_space<hbm>>) target(%arg7 : memref<42x128xi32, #tpu.memory_space<vmem>>) target_semaphore(%run_scoped3A_76 : memref<!tpu.dma_semaphore, #tpu.memory_space<semaphore_mem>>)
      %dma_wait3A = arith.constant 0 : i32
      %dma_wait3A_85 = arith.constant 0 : i32
      %dma_wait3A_86 = tpu.memref_slice %arg4[%add3A, %run_scoped3A_41, %dma_wait3A, %dma_wait3A_85] : memref<32x2x42x128xi32, #tpu.memory_space<hbm>> -> memref<1x1x42x128xi32, #tpu.memory_space<hbm>>
      %dma_wait3A_87 = tpu.memref_squeeze %dma_wait3A_86 : memref<1x1x42x128xi32, #tpu.memory_space<hbm>> -> memref<42x128xi32, #tpu.memory_space<hbm>>
      %dma_wait3A_88 = arith.constant 0 : i32
      %dma_wait3A_89 = arith.constant 0 : i32
      %dma_wait3A_90 = tpu.memref_slice %arg4[%add3A, %run_scoped3A_41, %dma_wait3A_88, %dma_wait3A_89] : memref<32x2x42x128xi32, #tpu.memory_space<hbm>> -> memref<1x1x42x128xi32, #tpu.memory_space<hbm>>
      %dma_wait3A_91 = tpu.memref_squeeze %dma_wait3A_90 : memref<1x1x42x128xi32, #tpu.memory_space<hbm>> -> memref<42x128xi32, #tpu.memory_space<hbm>>
      tpu.wait_dma2 semaphore(%run_scoped3A_76 : memref<!tpu.dma_semaphore, #tpu.memory_space<semaphore_mem>>) src(%dma_wait3A_91 : memref<42x128xi32, #tpu.memory_space<hbm>>) dst(%arg7 : memref<42x128xi32, #tpu.memory_space<vmem>>)
      tpu.yield
    }) : () -> ()
    %dma_start3A_42 = arith.constant 0 : i32
    %dma_start3A_43 = arith.constant 0 : i32
    %dma_start3A_44 = tpu.memref_slice %arg6[%dma_start3A_42, %dma_start3A_43] : memref<42x128xi32, #tpu.memory_space<vmem>> -> memref<1x128xi32, #tpu.memory_space<vmem>>
    %dma_start3A_45 = tpu.memref_squeeze %dma_start3A_44 : memref<1x128xi32, #tpu.memory_space<vmem>> -> memref<128xi32, #tpu.memory_space<vmem>>
    %dma_start3A_46 = arith.constant 0 : i32
    %dma_start3A_47 = arith.constant 0 : i32
    %dma_start3A_48 = tpu.memref_slice %arg2[%dma_start3A_46, %dma_start3A_47] : memref<10240x128xf32, #tpu.memory_space<hbm>> -> memref<10240x128xf32, #tpu.memory_space<hbm>>
    tpu.enqueue_indirect_dma source(%dma_start3A_48 : memref<10240x128xf32, #tpu.memory_space<hbm>>) target(%arg8 : memref<128x128xf32, #tpu.memory_space<vmem>>) offsets(%dma_start3A_45 : memref<128xi32, #tpu.memory_space<vmem>>) semaphore(%arg11 : memref<!tpu.dma_semaphore, #tpu.memory_space<semaphore_mem>>)
    %scan3A_49 = arith.constant 0 : i32
    %scan3A_50 = arith.constant 0 : i32
    %scan3A_51 = arith.constant 21 : i32
    %scan3A_52 = arith.addi %scan3A_50, %scan3A_51 : i32
    %scan3A_53 = arith.constant 1 : i32
    scf.for %scan3A_76 = %scan3A_50 to %scan3A_52 step %scan3A_53  : i32 {
      %mul3A_77 = arith.constant 2 : i32
      %mul3A_78 = arith.muli %mul3A_77, %scan3A_76 : i32
      %dma_wait3A = arith.constant 0 : i32
      %dma_wait3A_79 = tpu.memref_slice %arg6[%mul3A_78, %dma_wait3A] : memref<42x128xi32, #tpu.memory_space<vmem>> -> memref<1x128xi32, #tpu.memory_space<vmem>>
      %dma_wait3A_80 = tpu.memref_squeeze %dma_wait3A_79 : memref<1x128xi32, #tpu.memory_space<vmem>> -> memref<128xi32, #tpu.memory_space<vmem>>
      %dma_wait3A_81 = arith.constant 0 : i32
      %dma_wait3A_82 = arith.constant 0 : i32
      %dma_wait3A_83 = tpu.memref_slice %arg2[%dma_wait3A_81, %dma_wait3A_82] : memref<10240x128xf32, #tpu.memory_space<hbm>> -> memref<10240x128xf32, #tpu.memory_space<hbm>>
      tpu.wait_indirect_dma semaphore(%arg11 : memref<!tpu.dma_semaphore, #tpu.memory_space<semaphore_mem>>) src(%dma_wait3A_83 : memref<10240x128xf32, #tpu.memory_space<hbm>>) dst(%arg8 : memref<128x128xf32, #tpu.memory_space<vmem>>)
      %add3A_84 = arith.constant 1 : i32
      %add3A_85 = arith.addi %mul3A_78, %add3A_84 : i32
      %dma_start3A_86 = arith.constant 0 : i32
      %dma_start3A_87 = tpu.memref_slice %arg6[%add3A_85, %dma_start3A_86] : memref<42x128xi32, #tpu.memory_space<vmem>> -> memref<1x128xi32, #tpu.memory_space<vmem>>
      %dma_start3A_88 = tpu.memref_squeeze %dma_start3A_87 : memref<1x128xi32, #tpu.memory_space<vmem>> -> memref<128xi32, #tpu.memory_space<vmem>>
      %dma_start3A_89 = arith.constant 0 : i32
      %dma_start3A_90 = arith.constant 0 : i32
      %dma_start3A_91 = tpu.memref_slice %arg2[%dma_start3A_89, %dma_start3A_90] : memref<10240x128xf32, #tpu.memory_space<hbm>> -> memref<10240x128xf32, #tpu.memory_space<hbm>>
      tpu.enqueue_indirect_dma source(%dma_start3A_91 : memref<10240x128xf32, #tpu.memory_space<hbm>>) target(%arg9 : memref<128x128xf32, #tpu.memory_space<vmem>>) offsets(%dma_start3A_88 : memref<128xi32, #tpu.memory_space<vmem>>) semaphore(%arg12 : memref<!tpu.dma_semaphore, #tpu.memory_space<semaphore_mem>>)
      "tpu.region"() ({
        %run_scoped3A_104 = tpu.sem_alloc : memref<!tpu.dma_semaphore, #tpu.memory_space<semaphore_mem>>
        %dma_start3A_105 = arith.constant 0 : i32
        %dma_start3A_106 = tpu.memref_slice %arg7[%mul3A_78, %dma_start3A_105] : memref<42x128xi32, #tpu.memory_space<vmem>> -> memref<1x128xi32, #tpu.memory_space<vmem>>
        %dma_start3A_107 = tpu.memref_squeeze %dma_start3A_106 : memref<1x128xi32, #tpu.memory_space<vmem>> -> memref<128xi32, #tpu.memory_space<vmem>>
        %dma_start3A_108 = arith.constant 0 : i32
        %dma_start3A_109 = arith.constant 0 : i32
        %dma_start3A_110 = tpu.memref_slice %arg10[%dma_start3A_108, %dma_start3A_109] : memref<10240x128xf32, #tpu.memory_space<vmem_shared>> -> memref<10240x128xf32, #tpu.memory_space<vmem_shared>>
        tpu.enqueue_indirect_dma source(%arg8 : memref<128x128xf32, #tpu.memory_space<vmem>>) target(%dma_start3A_110 : memref<10240x128xf32, #tpu.memory_space<vmem_shared>>) offsets(%dma_start3A_107 : memref<128xi32, #tpu.memory_space<vmem>>) semaphore(%run_scoped3A_104 : memref<!tpu.dma_semaphore, #tpu.memory_space<semaphore_mem>>) {add = true}
        %dma_wait3A_111 = arith.constant 0 : i32
        %dma_wait3A_112 = tpu.memref_slice %arg7[%mul3A_78, %dma_wait3A_111] : memref<42x128xi32, #tpu.memory_space<vmem>> -> memref<1x128xi32, #tpu.memory_space<vmem>>
        %dma_wait3A_113 = tpu.memref_squeeze %dma_wait3A_112 : memref<1x128xi32, #tpu.memory_space<vmem>> -> memref<128xi32, #tpu.memory_space<vmem>>
        %dma_wait3A_114 = arith.constant 0 : i32
        %dma_wait3A_115 = arith.constant 0 : i32
        %dma_wait3A_116 = tpu.memref_slice %arg10[%dma_wait3A_114, %dma_wait3A_115] : memref<10240x128xf32, #tpu.memory_space<vmem_shared>> -> memref<10240x128xf32, #tpu.memory_space<vmem_shared>>
        tpu.wait_indirect_dma semaphore(%run_scoped3A_104 : memref<!tpu.dma_semaphore, #tpu.memory_space<semaphore_mem>>) src(%arg8 : memref<128x128xf32, #tpu.memory_space<vmem>>) dst(%dma_wait3A_116 : memref<10240x128xf32, #tpu.memory_space<vmem_shared>>)
        tpu.yield
      }) : () -> ()
      %add3A_92 = arith.constant 1 : i32
      %add3A_93 = arith.addi %mul3A_78, %add3A_92 : i32
      %dma_wait3A_94 = arith.constant 0 : i32
      %dma_wait3A_95 = tpu.memref_slice %arg6[%add3A_93, %dma_wait3A_94] : memref<42x128xi32, #tpu.memory_space<vmem>> -> memref<1x128xi32, #tpu.memory_space<vmem>>
      %dma_wait3A_96 = tpu.memref_squeeze %dma_wait3A_95 : memref<1x128xi32, #tpu.memory_space<vmem>> -> memref<128xi32, #tpu.memory_space<vmem>>
      %dma_wait3A_97 = arith.constant 0 : i32
      %dma_wait3A_98 = arith.constant 0 : i32
      %dma_wait3A_99 = tpu.memref_slice %arg2[%dma_wait3A_97, %dma_wait3A_98] : memref<10240x128xf32, #tpu.memory_space<hbm>> -> memref<10240x128xf32, #tpu.memory_space<hbm>>
      tpu.wait_indirect_dma semaphore(%arg12 : memref<!tpu.dma_semaphore, #tpu.memory_space<semaphore_mem>>) src(%dma_wait3A_99 : memref<10240x128xf32, #tpu.memory_space<hbm>>) dst(%arg9 : memref<128x128xf32, #tpu.memory_space<vmem>>)
      %lt3A = arith.constant 20 : i32
      %lt3A_100 = arith.cmpi slt, %scan3A_76, %lt3A : i32
      %convert_element_type3A = arith.extui %lt3A_100 : i1 to i32
      %cond3A = arith.constant 0 : i32
      %cond3A_101 = arith.cmpi ne, %convert_element_type3A, %cond3A : i32
      scf.if %cond3A_101 {
        %add3A_104 = arith.constant 2 : i32
        %add3A_105 = arith.addi %mul3A_78, %add3A_104 : i32
        %dma_start3A_106 = arith.constant 0 : i32
        %dma_start3A_107 = tpu.memref_slice %arg6[%add3A_105, %dma_start3A_106] : memref<42x128xi32, #tpu.memory_space<vmem>> -> memref<1x128xi32, #tpu.memory_space<vmem>>
        %dma_start3A_108 = tpu.memref_squeeze %dma_start3A_107 : memref<1x128xi32, #tpu.memory_space<vmem>> -> memref<128xi32, #tpu.memory_space<vmem>>
        %dma_start3A_109 = arith.constant 0 : i32
        %dma_start3A_110 = arith.constant 0 : i32
        %dma_start3A_111 = tpu.memref_slice %arg2[%dma_start3A_109, %dma_start3A_110] : memref<10240x128xf32, #tpu.memory_space<hbm>> -> memref<10240x128xf32, #tpu.memory_space<hbm>>
        tpu.enqueue_indirect_dma source(%dma_start3A_111 : memref<10240x128xf32, #tpu.memory_space<hbm>>) target(%arg8 : memref<128x128xf32, #tpu.memory_space<vmem>>) offsets(%dma_start3A_108 : memref<128xi32, #tpu.memory_space<vmem>>) semaphore(%arg11 : memref<!tpu.dma_semaphore, #tpu.memory_space<semaphore_mem>>)
      } else {
      }
      %add3A_102 = arith.constant 1 : i32
      %add3A_103 = arith.addi %mul3A_78, %add3A_102 : i32
      "tpu.region"() ({
        %run_scoped3A_104 = tpu.sem_alloc : memref<!tpu.dma_semaphore, #tpu.memory_space<semaphore_mem>>
        %dma_start3A_105 = arith.constant 0 : i32
        %dma_start3A_106 = tpu.memref_slice %arg7[%add3A_103, %dma_start3A_105] : memref<42x128xi32, #tpu.memory_space<vmem>> -> memref<1x128xi32, #tpu.memory_space<vmem>>
        %dma_start3A_107 = tpu.memref_squeeze %dma_start3A_106 : memref<1x128xi32, #tpu.memory_space<vmem>> -> memref<128xi32, #tpu.memory_space<vmem>>
        %dma_start3A_108 = arith.constant 0 : i32
        %dma_start3A_109 = arith.constant 0 : i32
        %dma_start3A_110 = tpu.memref_slice %arg10[%dma_start3A_108, %dma_start3A_109] : memref<10240x128xf32, #tpu.memory_space<vmem_shared>> -> memref<10240x128xf32, #tpu.memory_space<vmem_shared>>
        tpu.enqueue_indirect_dma source(%arg9 : memref<128x128xf32, #tpu.memory_space<vmem>>) target(%dma_start3A_110 : memref<10240x128xf32, #tpu.memory_space<vmem_shared>>) offsets(%dma_start3A_107 : memref<128xi32, #tpu.memory_space<vmem>>) semaphore(%run_scoped3A_104 : memref<!tpu.dma_semaphore, #tpu.memory_space<semaphore_mem>>) {add = true}
        %dma_wait3A_111 = arith.constant 0 : i32
        %dma_wait3A_112 = tpu.memref_slice %arg7[%add3A_103, %dma_wait3A_111] : memref<42x128xi32, #tpu.memory_space<vmem>> -> memref<1x128xi32, #tpu.memory_space<vmem>>
        %dma_wait3A_113 = tpu.memref_squeeze %dma_wait3A_112 : memref<1x128xi32, #tpu.memory_space<vmem>> -> memref<128xi32, #tpu.memory_space<vmem>>
        %dma_wait3A_114 = arith.constant 0 : i32
        %dma_wait3A_115 = arith.constant 0 : i32
        %dma_wait3A_116 = tpu.memref_slice %arg10[%dma_wait3A_114, %dma_wait3A_115] : memref<10240x128xf32, #tpu.memory_space<vmem_shared>> -> memref<10240x128xf32, #tpu.memory_space<vmem_shared>>
        tpu.wait_indirect_dma semaphore(%run_scoped3A_104 : memref<!tpu.dma_semaphore, #tpu.memory_space<semaphore_mem>>) src(%arg9 : memref<128x128xf32, #tpu.memory_space<vmem>>) dst(%dma_wait3A_116 : memref<10240x128xf32, #tpu.memory_space<vmem_shared>>)
        tpu.yield
      }) : () -> ()
    }
    %scan3A_54 = arith.constant 21 : i32
    %barrier3A_55 = arith.constant 0 : index
    tpu.barrier barrier_id(%barrier3A_55)
    %mul3A_56 = arith.constant 640 : i32
    %mul3A_57 = arith.muli %arg1, %mul3A_56 : i32
    %add3A_58 = arith.constant 0 : i32
    %add3A_59 = arith.addi %mul3A_57, %add3A_58 : i32
    "tpu.region"() ({
      %run_scoped3A_76 = tpu.sem_alloc : memref<!tpu.dma_semaphore, #tpu.memory_space<semaphore_mem>>
      %dma_start3A_77 = arith.constant 0 : i32
      %dma_start3A_78 = tpu.memref_slice %arg10[%add3A_59, %dma_start3A_77] : memref<10240x128xf32, #tpu.memory_space<vmem_shared>> -> memref<128x128xf32, #tpu.memory_space<vmem_shared>>
      %dma_start3A_79 = arith.constant 0 : i32
      %dma_start3A_80 = tpu.memref_slice %arg10[%add3A_59, %dma_start3A_79] : memref<10240x128xf32, #tpu.memory_space<vmem_shared>> -> memref<128x128xf32, #tpu.memory_space<vmem_shared>>
      tpu.enqueue_dma source(%dma_start3A_80 : memref<128x128xf32, #tpu.memory_space<vmem_shared>>) target(%arg8 : memref<128x128xf32, #tpu.memory_space<vmem>>) target_semaphore(%run_scoped3A_76 : memref<!tpu.dma_semaphore, #tpu.memory_space<semaphore_mem>>)
      %dma_wait3A = arith.constant 0 : i32
      %dma_wait3A_81 = tpu.memref_slice %arg10[%add3A_59, %dma_wait3A] : memref<10240x128xf32, #tpu.memory_space<vmem_shared>> -> memref<128x128xf32, #tpu.memory_space<vmem_shared>>
      %dma_wait3A_82 = arith.constant 0 : i32
      %dma_wait3A_83 = tpu.memref_slice %arg10[%add3A_59, %dma_wait3A_82] : memref<10240x128xf32, #tpu.memory_space<vmem_shared>> -> memref<128x128xf32, #tpu.memory_space<vmem_shared>>
      tpu.wait_dma2 semaphore(%run_scoped3A_76 : memref<!tpu.dma_semaphore, #tpu.memory_space<semaphore_mem>>) src(%dma_wait3A_83 : memref<128x128xf32, #tpu.memory_space<vmem_shared>>) dst(%arg8 : memref<128x128xf32, #tpu.memory_space<vmem>>)
      tpu.yield
    }) : () -> ()
    "tpu.region"() ({
      %run_scoped3A_76 = tpu.sem_alloc : memref<!tpu.dma_semaphore, #tpu.memory_space<semaphore_mem>>
      %dma_start3A_77 = arith.constant 0 : i32
      %dma_start3A_78 = tpu.memref_slice %arg5[%arg0, %add3A_59, %dma_start3A_77] : memref<2x10240x128xf32, #tpu.memory_space<hbm>> -> memref<1x128x128xf32, #tpu.memory_space<hbm>>
      %dma_start3A_79 = tpu.memref_squeeze %dma_start3A_78 : memref<1x128x128xf32, #tpu.memory_space<hbm>> -> memref<128x128xf32, #tpu.memory_space<hbm>>
      %dma_start3A_80 = arith.constant 0 : i32
      %dma_start3A_81 = tpu.memref_slice %arg5[%arg0, %add3A_59, %dma_start3A_80] : memref<2x10240x128xf32, #tpu.memory_space<hbm>> -> memref<1x128x128xf32, #tpu.memory_space<hbm>>
      %dma_start3A_82 = tpu.memref_squeeze %dma_start3A_81 : memref<1x128x128xf32, #tpu.memory_space<hbm>> -> memref<128x128xf32, #tpu.memory_space<hbm>>
      tpu.enqueue_dma source(%arg8 : memref<128x128xf32, #tpu.memory_space<vmem>>) target(%dma_start3A_82 : memref<128x128xf32, #tpu.memory_space<hbm>>) target_semaphore(%run_scoped3A_76 : memref<!tpu.dma_semaphore, #tpu.memory_space<semaphore_mem>>)
      %dma_wait3A = arith.constant 0 : i32
      %dma_wait3A_83 = tpu.memref_slice %arg5[%arg0, %add3A_59, %dma_wait3A] : memref<2x10240x128xf32, #tpu.memory_space<hbm>> -> memref<1x128x128xf32, #tpu.memory_space<hbm>>
      %dma_wait3A_84 = tpu.memref_squeeze %dma_wait3A_83 : memref<1x128x128xf32, #tpu.memory_space<hbm>> -> memref<128x128xf32, #tpu.memory_space<hbm>>
      %dma_wait3A_85 = arith.constant 0 : i32
      %dma_wait3A_86 = tpu.memref_slice %arg5[%arg0, %add3A_59, %dma_wait3A_85] : memref<2x10240x128xf32, #tpu.memory_space<hbm>> -> memref<1x128x128xf32, #tpu.memory_space<hbm>>
      %dma_wait3A_87 = tpu.memref_squeeze %dma_wait3A_86 : memref<1x128x128xf32, #tpu.memory_space<hbm>> -> memref<128x128xf32, #tpu.memory_space<hbm>>
      tpu.wait_dma2 semaphore(%run_scoped3A_76 : memref<!tpu.dma_semaphore, #tpu.memory_space<semaphore_mem>>) src(%arg8 : memref<128x128xf32, #tpu.memory_space<vmem>>) dst(%dma_wait3A_87 : memref<128x128xf32, #tpu.memory_space<hbm>>)
      tpu.yield
    }) : () -> ()
    %mul3A_60 = arith.constant 640 : i32
    %mul3A_61 = arith.muli %arg1, %mul3A_60 : i32
    %add3A_62 = arith.constant 128 : i32
    %add3A_63 = arith.addi %mul3A_61, %add3A_62 : i32
    "tpu.region"() ({
      %run_scoped3A_76 = tpu.sem_alloc : memref<!tpu.dma_semaphore, #tpu.memory_space<semaphore_mem>>
      %dma_start3A_77 = arith.constant 0 : i32
      %dma_start3A_78 = tpu.memref_slice %arg10[%add3A_63, %dma_start3A_77] : memref<10240x128xf32, #tpu.memory_space<vmem_shared>> -> memref<128x128xf32, #tpu.memory_space<vmem_shared>>
      %dma_start3A_79 = arith.constant 0 : i32
      %dma_start3A_80 = tpu.memref_slice %arg10[%add3A_63, %dma_start3A_79] : memref<10240x128xf32, #tpu.memory_space<vmem_shared>> -> memref<128x128xf32, #tpu.memory_space<vmem_shared>>
      tpu.enqueue_dma source(%dma_start3A_80 : memref<128x128xf32, #tpu.memory_space<vmem_shared>>) target(%arg8 : memref<128x128xf32, #tpu.memory_space<vmem>>) target_semaphore(%run_scoped3A_76 : memref<!tpu.dma_semaphore, #tpu.memory_space<semaphore_mem>>)
      %dma_wait3A = arith.constant 0 : i32
      %dma_wait3A_81 = tpu.memref_slice %arg10[%add3A_63, %dma_wait3A] : memref<10240x128xf32, #tpu.memory_space<vmem_shared>> -> memref<128x128xf32, #tpu.memory_space<vmem_shared>>
      %dma_wait3A_82 = arith.constant 0 : i32
      %dma_wait3A_83 = tpu.memref_slice %arg10[%add3A_63, %dma_wait3A_82] : memref<10240x128xf32, #tpu.memory_space<vmem_shared>> -> memref<128x128xf32, #tpu.memory_space<vmem_shared>>
      tpu.wait_dma2 semaphore(%run_scoped3A_76 : memref<!tpu.dma_semaphore, #tpu.memory_space<semaphore_mem>>) src(%dma_wait3A_83 : memref<128x128xf32, #tpu.memory_space<vmem_shared>>) dst(%arg8 : memref<128x128xf32, #tpu.memory_space<vmem>>)
      tpu.yield
    }) : () -> ()
    "tpu.region"() ({
      %run_scoped3A_76 = tpu.sem_alloc : memref<!tpu.dma_semaphore, #tpu.memory_space<semaphore_mem>>
      %dma_start3A_77 = arith.constant 0 : i32
      %dma_start3A_78 = tpu.memref_slice %arg5[%arg0, %add3A_63, %dma_start3A_77] : memref<2x10240x128xf32, #tpu.memory_space<hbm>> -> memref<1x128x128xf32, #tpu.memory_space<hbm>>
      %dma_start3A_79 = tpu.memref_squeeze %dma_start3A_78 : memref<1x128x128xf32, #tpu.memory_space<hbm>> -> memref<128x128xf32, #tpu.memory_space<hbm>>
      %dma_start3A_80 = arith.constant 0 : i32
      %dma_start3A_81 = tpu.memref_slice %arg5[%arg0, %add3A_63, %dma_start3A_80] : memref<2x10240x128xf32, #tpu.memory_space<hbm>> -> memref<1x128x128xf32, #tpu.memory_space<hbm>>
      %dma_start3A_82 = tpu.memref_squeeze %dma_start3A_81 : memref<1x128x128xf32, #tpu.memory_space<hbm>> -> memref<128x128xf32, #tpu.memory_space<hbm>>
      tpu.enqueue_dma source(%arg8 : memref<128x128xf32, #tpu.memory_space<vmem>>) target(%dma_start3A_82 : memref<128x128xf32, #tpu.memory_space<hbm>>) target_semaphore(%run_scoped3A_76 : memref<!tpu.dma_semaphore, #tpu.memory_space<semaphore_mem>>)
      %dma_wait3A = arith.constant 0 : i32
      %dma_wait3A_83 = tpu.memref_slice %arg5[%arg0, %add3A_63, %dma_wait3A] : memref<2x10240x128xf32, #tpu.memory_space<hbm>> -> memref<1x128x128xf32, #tpu.memory_space<hbm>>
      %dma_wait3A_84 = tpu.memref_squeeze %dma_wait3A_83 : memref<1x128x128xf32, #tpu.memory_space<hbm>> -> memref<128x128xf32, #tpu.memory_space<hbm>>
      %dma_wait3A_85 = arith.constant 0 : i32
      %dma_wait3A_86 = tpu.memref_slice %arg5[%arg0, %add3A_63, %dma_wait3A_85] : memref<2x10240x128xf32, #tpu.memory_space<hbm>> -> memref<1x128x128xf32, #tpu.memory_space<hbm>>
      %dma_wait3A_87 = tpu.memref_squeeze %dma_wait3A_86 : memref<1x128x128xf32, #tpu.memory_space<hbm>> -> memref<128x128xf32, #tpu.memory_space<hbm>>
      tpu.wait_dma2 semaphore(%run_scoped3A_76 : memref<!tpu.dma_semaphore, #tpu.memory_space<semaphore_mem>>) src(%arg8 : memref<128x128xf32, #tpu.memory_space<vmem>>) dst(%dma_wait3A_87 : memref<128x128xf32, #tpu.memory_space<hbm>>)
      tpu.yield
    }) : () -> ()
    %mul3A_64 = arith.constant 640 : i32
    %mul3A_65 = arith.muli %arg1, %mul3A_64 : i32
    %add3A_66 = arith.constant 256 : i32
    %add3A_67 = arith.addi %mul3A_65, %add3A_66 : i32
    "tpu.region"() ({
      %run_scoped3A_76 = tpu.sem_alloc : memref<!tpu.dma_semaphore, #tpu.memory_space<semaphore_mem>>
      %dma_start3A_77 = arith.constant 0 : i32
      %dma_start3A_78 = tpu.memref_slice %arg10[%add3A_67, %dma_start3A_77] : memref<10240x128xf32, #tpu.memory_space<vmem_shared>> -> memref<128x128xf32, #tpu.memory_space<vmem_shared>>
      %dma_start3A_79 = arith.constant 0 : i32
      %dma_start3A_80 = tpu.memref_slice %arg10[%add3A_67, %dma_start3A_79] : memref<10240x128xf32, #tpu.memory_space<vmem_shared>> -> memref<128x128xf32, #tpu.memory_space<vmem_shared>>
      tpu.enqueue_dma source(%dma_start3A_80 : memref<128x128xf32, #tpu.memory_space<vmem_shared>>) target(%arg8 : memref<128x128xf32, #tpu.memory_space<vmem>>) target_semaphore(%run_scoped3A_76 : memref<!tpu.dma_semaphore, #tpu.memory_space<semaphore_mem>>)
      %dma_wait3A = arith.constant 0 : i32
      %dma_wait3A_81 = tpu.memref_slice %arg10[%add3A_67, %dma_wait3A] : memref<10240x128xf32, #tpu.memory_space<vmem_shared>> -> memref<128x128xf32, #tpu.memory_space<vmem_shared>>
      %dma_wait3A_82 = arith.constant 0 : i32
      %dma_wait3A_83 = tpu.memref_slice %arg10[%add3A_67, %dma_wait3A_82] : memref<10240x128xf32, #tpu.memory_space<vmem_shared>> -> memref<128x128xf32, #tpu.memory_space<vmem_shared>>
      tpu.wait_dma2 semaphore(%run_scoped3A_76 : memref<!tpu.dma_semaphore, #tpu.memory_space<semaphore_mem>>) src(%dma_wait3A_83 : memref<128x128xf32, #tpu.memory_space<vmem_shared>>) dst(%arg8 : memref<128x128xf32, #tpu.memory_space<vmem>>)
      tpu.yield
    }) : () -> ()
    "tpu.region"() ({
      %run_scoped3A_76 = tpu.sem_alloc : memref<!tpu.dma_semaphore, #tpu.memory_space<semaphore_mem>>
      %dma_start3A_77 = arith.constant 0 : i32
      %dma_start3A_78 = tpu.memref_slice %arg5[%arg0, %add3A_67, %dma_start3A_77] : memref<2x10240x128xf32, #tpu.memory_space<hbm>> -> memref<1x128x128xf32, #tpu.memory_space<hbm>>
      %dma_start3A_79 = tpu.memref_squeeze %dma_start3A_78 : memref<1x128x128xf32, #tpu.memory_space<hbm>> -> memref<128x128xf32, #tpu.memory_space<hbm>>
      %dma_start3A_80 = arith.constant 0 : i32
      %dma_start3A_81 = tpu.memref_slice %arg5[%arg0, %add3A_67, %dma_start3A_80] : memref<2x10240x128xf32, #tpu.memory_space<hbm>> -> memref<1x128x128xf32, #tpu.memory_space<hbm>>
      %dma_start3A_82 = tpu.memref_squeeze %dma_start3A_81 : memref<1x128x128xf32, #tpu.memory_space<hbm>> -> memref<128x128xf32, #tpu.memory_space<hbm>>
      tpu.enqueue_dma source(%arg8 : memref<128x128xf32, #tpu.memory_space<vmem>>) target(%dma_start3A_82 : memref<128x128xf32, #tpu.memory_space<hbm>>) target_semaphore(%run_scoped3A_76 : memref<!tpu.dma_semaphore, #tpu.memory_space<semaphore_mem>>)
      %dma_wait3A = arith.constant 0 : i32
      %dma_wait3A_83 = tpu.memref_slice %arg5[%arg0, %add3A_67, %dma_wait3A] : memref<2x10240x128xf32, #tpu.memory_space<hbm>> -> memref<1x128x128xf32, #tpu.memory_space<hbm>>
      %dma_wait3A_84 = tpu.memref_squeeze %dma_wait3A_83 : memref<1x128x128xf32, #tpu.memory_space<hbm>> -> memref<128x128xf32, #tpu.memory_space<hbm>>
      %dma_wait3A_85 = arith.constant 0 : i32
      %dma_wait3A_86 = tpu.memref_slice %arg5[%arg0, %add3A_67, %dma_wait3A_85] : memref<2x10240x128xf32, #tpu.memory_space<hbm>> -> memref<1x128x128xf32, #tpu.memory_space<hbm>>
      %dma_wait3A_87 = tpu.memref_squeeze %dma_wait3A_86 : memref<1x128x128xf32, #tpu.memory_space<hbm>> -> memref<128x128xf32, #tpu.memory_space<hbm>>
      tpu.wait_dma2 semaphore(%run_scoped3A_76 : memref<!tpu.dma_semaphore, #tpu.memory_space<semaphore_mem>>) src(%arg8 : memref<128x128xf32, #tpu.memory_space<vmem>>) dst(%dma_wait3A_87 : memref<128x128xf32, #tpu.memory_space<hbm>>)
      tpu.yield
    }) : () -> ()
    %mul3A_68 = arith.constant 640 : i32
    %mul3A_69 = arith.muli %arg1, %mul3A_68 : i32
    %add3A_70 = arith.constant 384 : i32
    %add3A_71 = arith.addi %mul3A_69, %add3A_70 : i32
    "tpu.region"() ({
      %run_scoped3A_76 = tpu.sem_alloc : memref<!tpu.dma_semaphore, #tpu.memory_space<semaphore_mem>>
      %dma_start3A_77 = arith.constant 0 : i32
      %dma_start3A_78 = tpu.memref_slice %arg10[%add3A_71, %dma_start3A_77] : memref<10240x128xf32, #tpu.memory_space<vmem_shared>> -> memref<128x128xf32, #tpu.memory_space<vmem_shared>>
      %dma_start3A_79 = arith.constant 0 : i32
      %dma_start3A_80 = tpu.memref_slice %arg10[%add3A_71, %dma_start3A_79] : memref<10240x128xf32, #tpu.memory_space<vmem_shared>> -> memref<128x128xf32, #tpu.memory_space<vmem_shared>>
      tpu.enqueue_dma source(%dma_start3A_80 : memref<128x128xf32, #tpu.memory_space<vmem_shared>>) target(%arg8 : memref<128x128xf32, #tpu.memory_space<vmem>>) target_semaphore(%run_scoped3A_76 : memref<!tpu.dma_semaphore, #tpu.memory_space<semaphore_mem>>)
      %dma_wait3A = arith.constant 0 : i32
      %dma_wait3A_81 = tpu.memref_slice %arg10[%add3A_71, %dma_wait3A] : memref<10240x128xf32, #tpu.memory_space<vmem_shared>> -> memref<128x128xf32, #tpu.memory_space<vmem_shared>>
      %dma_wait3A_82 = arith.constant 0 : i32
      %dma_wait3A_83 = tpu.memref_slice %arg10[%add3A_71, %dma_wait3A_82] : memref<10240x128xf32, #tpu.memory_space<vmem_shared>> -> memref<128x128xf32, #tpu.memory_space<vmem_shared>>
      tpu.wait_dma2 semaphore(%run_scoped3A_76 : memref<!tpu.dma_semaphore, #tpu.memory_space<semaphore_mem>>) src(%dma_wait3A_83 : memref<128x128xf32, #tpu.memory_space<vmem_shared>>) dst(%arg8 : memref<128x128xf32, #tpu.memory_space<vmem>>)
      tpu.yield
    }) : () -> ()
    "tpu.region"() ({
      %run_scoped3A_76 = tpu.sem_alloc : memref<!tpu.dma_semaphore, #tpu.memory_space<semaphore_mem>>
      %dma_start3A_77 = arith.constant 0 : i32
      %dma_start3A_78 = tpu.memref_slice %arg5[%arg0, %add3A_71, %dma_start3A_77] : memref<2x10240x128xf32, #tpu.memory_space<hbm>> -> memref<1x128x128xf32, #tpu.memory_space<hbm>>
      %dma_start3A_79 = tpu.memref_squeeze %dma_start3A_78 : memref<1x128x128xf32, #tpu.memory_space<hbm>> -> memref<128x128xf32, #tpu.memory_space<hbm>>
      %dma_start3A_80 = arith.constant 0 : i32
      %dma_start3A_81 = tpu.memref_slice %arg5[%arg0, %add3A_71, %dma_start3A_80] : memref<2x10240x128xf32, #tpu.memory_space<hbm>> -> memref<1x128x128xf32, #tpu.memory_space<hbm>>
      %dma_start3A_82 = tpu.memref_squeeze %dma_start3A_81 : memref<1x128x128xf32, #tpu.memory_space<hbm>> -> memref<128x128xf32, #tpu.memory_space<hbm>>
      tpu.enqueue_dma source(%arg8 : memref<128x128xf32, #tpu.memory_space<vmem>>) target(%dma_start3A_82 : memref<128x128xf32, #tpu.memory_space<hbm>>) target_semaphore(%run_scoped3A_76 : memref<!tpu.dma_semaphore, #tpu.memory_space<semaphore_mem>>)
      %dma_wait3A = arith.constant 0 : i32
      %dma_wait3A_83 = tpu.memref_slice %arg5[%arg0, %add3A_71, %dma_wait3A] : memref<2x10240x128xf32, #tpu.memory_space<hbm>> -> memref<1x128x128xf32, #tpu.memory_space<hbm>>
      %dma_wait3A_84 = tpu.memref_squeeze %dma_wait3A_83 : memref<1x128x128xf32, #tpu.memory_space<hbm>> -> memref<128x128xf32, #tpu.memory_space<hbm>>
      %dma_wait3A_85 = arith.constant 0 : i32
      %dma_wait3A_86 = tpu.memref_slice %arg5[%arg0, %add3A_71, %dma_wait3A_85] : memref<2x10240x128xf32, #tpu.memory_space<hbm>> -> memref<1x128x128xf32, #tpu.memory_space<hbm>>
      %dma_wait3A_87 = tpu.memref_squeeze %dma_wait3A_86 : memref<1x128x128xf32, #tpu.memory_space<hbm>> -> memref<128x128xf32, #tpu.memory_space<hbm>>
      tpu.wait_dma2 semaphore(%run_scoped3A_76 : memref<!tpu.dma_semaphore, #tpu.memory_space<semaphore_mem>>) src(%arg8 : memref<128x128xf32, #tpu.memory_space<vmem>>) dst(%dma_wait3A_87 : memref<128x128xf32, #tpu.memory_space<hbm>>)
      tpu.yield
    }) : () -> ()
    %mul3A_72 = arith.constant 640 : i32
    %mul3A_73 = arith.muli %arg1, %mul3A_72 : i32
    %add3A_74 = arith.constant 512 : i32
    %add3A_75 = arith.addi %mul3A_73, %add3A_74 : i32
    "tpu.region"() ({
      %run_scoped3A_76 = tpu.sem_alloc : memref<!tpu.dma_semaphore, #tpu.memory_space<semaphore_mem>>
      %dma_start3A_77 = arith.constant 0 : i32
      %dma_start3A_78 = tpu.memref_slice %arg10[%add3A_75, %dma_start3A_77] : memref<10240x128xf32, #tpu.memory_space<vmem_shared>> -> memref<128x128xf32, #tpu.memory_space<vmem_shared>>
      %dma_start3A_79 = arith.constant 0 : i32
      %dma_start3A_80 = tpu.memref_slice %arg10[%add3A_75, %dma_start3A_79] : memref<10240x128xf32, #tpu.memory_space<vmem_shared>> -> memref<128x128xf32, #tpu.memory_space<vmem_shared>>
      tpu.enqueue_dma source(%dma_start3A_80 : memref<128x128xf32, #tpu.memory_space<vmem_shared>>) target(%arg8 : memref<128x128xf32, #tpu.memory_space<vmem>>) target_semaphore(%run_scoped3A_76 : memref<!tpu.dma_semaphore, #tpu.memory_space<semaphore_mem>>)
      %dma_wait3A = arith.constant 0 : i32
      %dma_wait3A_81 = tpu.memref_slice %arg10[%add3A_75, %dma_wait3A] : memref<10240x128xf32, #tpu.memory_space<vmem_shared>> -> memref<128x128xf32, #tpu.memory_space<vmem_shared>>
      %dma_wait3A_82 = arith.constant 0 : i32
      %dma_wait3A_83 = tpu.memref_slice %arg10[%add3A_75, %dma_wait3A_82] : memref<10240x128xf32, #tpu.memory_space<vmem_shared>> -> memref<128x128xf32, #tpu.memory_space<vmem_shared>>
      tpu.wait_dma2 semaphore(%run_scoped3A_76 : memref<!tpu.dma_semaphore, #tpu.memory_space<semaphore_mem>>) src(%dma_wait3A_83 : memref<128x128xf32, #tpu.memory_space<vmem_shared>>) dst(%arg8 : memref<128x128xf32, #tpu.memory_space<vmem>>)
      tpu.yield
    }) : () -> ()
    "tpu.region"() ({
      %run_scoped3A_76 = tpu.sem_alloc : memref<!tpu.dma_semaphore, #tpu.memory_space<semaphore_mem>>
      %dma_start3A_77 = arith.constant 0 : i32
      %dma_start3A_78 = tpu.memref_slice %arg5[%arg0, %add3A_75, %dma_start3A_77] : memref<2x10240x128xf32, #tpu.memory_space<hbm>> -> memref<1x128x128xf32, #tpu.memory_space<hbm>>
      %dma_start3A_79 = tpu.memref_squeeze %dma_start3A_78 : memref<1x128x128xf32, #tpu.memory_space<hbm>> -> memref<128x128xf32, #tpu.memory_space<hbm>>
      %dma_start3A_80 = arith.constant 0 : i32
      %dma_start3A_81 = tpu.memref_slice %arg5[%arg0, %add3A_75, %dma_start3A_80] : memref<2x10240x128xf32, #tpu.memory_space<hbm>> -> memref<1x128x128xf32, #tpu.memory_space<hbm>>
      %dma_start3A_82 = tpu.memref_squeeze %dma_start3A_81 : memref<1x128x128xf32, #tpu.memory_space<hbm>> -> memref<128x128xf32, #tpu.memory_space<hbm>>
      tpu.enqueue_dma source(%arg8 : memref<128x128xf32, #tpu.memory_space<vmem>>) target(%dma_start3A_82 : memref<128x128xf32, #tpu.memory_space<hbm>>) target_semaphore(%run_scoped3A_76 : memref<!tpu.dma_semaphore, #tpu.memory_space<semaphore_mem>>)
      %dma_wait3A = arith.constant 0 : i32
      %dma_wait3A_83 = tpu.memref_slice %arg5[%arg0, %add3A_75, %dma_wait3A] : memref<2x10240x128xf32, #tpu.memory_space<hbm>> -> memref<1x128x128xf32, #tpu.memory_space<hbm>>
      %dma_wait3A_84 = tpu.memref_squeeze %dma_wait3A_83 : memref<1x128x128xf32, #tpu.memory_space<hbm>> -> memref<128x128xf32, #tpu.memory_space<hbm>>
      %dma_wait3A_85 = arith.constant 0 : i32
      %dma_wait3A_86 = tpu.memref_slice %arg5[%arg0, %add3A_75, %dma_wait3A_85] : memref<2x10240x128xf32, #tpu.memory_space<hbm>> -> memref<1x128x128xf32, #tpu.memory_space<hbm>>
      %dma_wait3A_87 = tpu.memref_squeeze %dma_wait3A_86 : memref<1x128x128xf32, #tpu.memory_space<hbm>> -> memref<128x128xf32, #tpu.memory_space<hbm>>
      tpu.wait_dma2 semaphore(%run_scoped3A_76 : memref<!tpu.dma_semaphore, #tpu.memory_space<semaphore_mem>>) src(%arg8 : memref<128x128xf32, #tpu.memory_space<vmem>>) dst(%dma_wait3A_87 : memref<128x128xf32, #tpu.memory_space<hbm>>)
      tpu.yield
    }) : () -> ()
    return
  }
}

#map = affine_map<(d0, d1) -> (0, 0, 0, 0)>
#map1 = affine_map<(d0, d1) -> (0, 0)>
module attributes {stable_mosaic.version = 14 : i64} {
  func.func @_deg_body(%arg0: i32, %arg1: i32, %arg2: memref<32x2x42x128xi32, #tpu.memory_space<hbm>>, %arg3: memref<2x10240xf32, #tpu.memory_space<hbm>>, %arg4: memref<42x128xi32, #tpu.memory_space<vmem>>, %arg5: memref<128xf32, #tpu.memory_space<vmem>>, %arg6: memref<640xf32, #tpu.memory_space<vmem>>, %arg7: memref<640xf32, #tpu.memory_space<vmem>>, %arg8: memref<10240xf32, #tpu.memory_space<vmem_shared>>) attributes {dimension_semantics = [#tpu.dimension_semantics<core_parallel>, #tpu.dimension_semantics<subcore_parallel>], iteration_bounds = array<i64: 2, 16>, scalar_prefetch = 0 : i64, scratch_operands = 5 : i64, tpu.core_type = #tpu.core_type<sc_vector_subcore>, window_params = [{transform_indices = #map}, {transform_indices = #map1}]} {
    %mul3A = arith.constant 2 : i32
    %mul3A_0 = arith.muli %arg1, %mul3A : i32
    %add3A = arith.addi %mul3A_0, %arg0 : i32
    %broadcast_in_dim3A = arith.constant 0.000000e+00 : f32
    %broadcast_in_dim3A_1 = vector.broadcast %broadcast_in_dim3A : f32 to vector<16xf32>
    %broadcast_in_dim3A_2 = arith.constant 1.000000e+00 : f32
    %broadcast_in_dim3A_3 = vector.broadcast %broadcast_in_dim3A_2 : f32 to vector<16xf32>
    %swap3A = arith.constant 0 : index
    %swap3A_4 = tpu.vector_load %arg5[%swap3A] {strides = array<i32>} : memref<128xf32, #tpu.memory_space<vmem>>, vector<16xf32>,
    %swap3A_5 = vector.shape_cast %swap3A_4 : vector<16xf32> to vector<16xf32>
    %swap3A_6 = vector.shape_cast %broadcast_in_dim3A_3 : vector<16xf32> to vector<16xf32>
    tpu.vector_store %arg5[%swap3A], %swap3A_6 {strides = array<i32>} : memref<128xf32, #tpu.memory_space<vmem>>, vector<16xf32>,
    %swap3A_7 = arith.constant 16 : index
    %swap3A_8 = tpu.vector_load %arg5[%swap3A_7] {strides = array<i32>} : memref<128xf32, #tpu.memory_space<vmem>>, vector<16xf32>,
    %swap3A_9 = vector.shape_cast %swap3A_8 : vector<16xf32> to vector<16xf32>
    %swap3A_10 = vector.shape_cast %broadcast_in_dim3A_3 : vector<16xf32> to vector<16xf32>
    tpu.vector_store %arg5[%swap3A_7], %swap3A_10 {strides = array<i32>} : memref<128xf32, #tpu.memory_space<vmem>>, vector<16xf32>,
    %swap3A_11 = arith.constant 32 : index
    %swap3A_12 = tpu.vector_load %arg5[%swap3A_11] {strides = array<i32>} : memref<128xf32, #tpu.memory_space<vmem>>, vector<16xf32>,
    %swap3A_13 = vector.shape_cast %swap3A_12 : vector<16xf32> to vector<16xf32>
    %swap3A_14 = vector.shape_cast %broadcast_in_dim3A_3 : vector<16xf32> to vector<16xf32>
    tpu.vector_store %arg5[%swap3A_11], %swap3A_14 {strides = array<i32>} : memref<128xf32, #tpu.memory_space<vmem>>, vector<16xf32>,
    %swap3A_15 = arith.constant 48 : index
    %swap3A_16 = tpu.vector_load %arg5[%swap3A_15] {strides = array<i32>} : memref<128xf32, #tpu.memory_space<vmem>>, vector<16xf32>,
    %swap3A_17 = vector.shape_cast %swap3A_16 : vector<16xf32> to vector<16xf32>
    %swap3A_18 = vector.shape_cast %broadcast_in_dim3A_3 : vector<16xf32> to vector<16xf32>
    tpu.vector_store %arg5[%swap3A_15], %swap3A_18 {strides = array<i32>} : memref<128xf32, #tpu.memory_space<vmem>>, vector<16xf32>,
    %swap3A_19 = arith.constant 64 : index
    %swap3A_20 = tpu.vector_load %arg5[%swap3A_19] {strides = array<i32>} : memref<128xf32, #tpu.memory_space<vmem>>, vector<16xf32>,
    %swap3A_21 = vector.shape_cast %swap3A_20 : vector<16xf32> to vector<16xf32>
    %swap3A_22 = vector.shape_cast %broadcast_in_dim3A_3 : vector<16xf32> to vector<16xf32>
    tpu.vector_store %arg5[%swap3A_19], %swap3A_22 {strides = array<i32>} : memref<128xf32, #tpu.memory_space<vmem>>, vector<16xf32>,
    %swap3A_23 = arith.constant 80 : index
    %swap3A_24 = tpu.vector_load %arg5[%swap3A_23] {strides = array<i32>} : memref<128xf32, #tpu.memory_space<vmem>>, vector<16xf32>,
    %swap3A_25 = vector.shape_cast %swap3A_24 : vector<16xf32> to vector<16xf32>
    %swap3A_26 = vector.shape_cast %broadcast_in_dim3A_3 : vector<16xf32> to vector<16xf32>
    tpu.vector_store %arg5[%swap3A_23], %swap3A_26 {strides = array<i32>} : memref<128xf32, #tpu.memory_space<vmem>>, vector<16xf32>,
    %swap3A_27 = arith.constant 96 : index
    %swap3A_28 = tpu.vector_load %arg5[%swap3A_27] {strides = array<i32>} : memref<128xf32, #tpu.memory_space<vmem>>, vector<16xf32>,
    %swap3A_29 = vector.shape_cast %swap3A_28 : vector<16xf32> to vector<16xf32>
    %swap3A_30 = vector.shape_cast %broadcast_in_dim3A_3 : vector<16xf32> to vector<16xf32>
    tpu.vector_store %arg5[%swap3A_27], %swap3A_30 {strides = array<i32>} : memref<128xf32, #tpu.memory_space<vmem>>, vector<16xf32>,
    %swap3A_31 = arith.constant 112 : index
    %swap3A_32 = tpu.vector_load %arg5[%swap3A_31] {strides = array<i32>} : memref<128xf32, #tpu.memory_space<vmem>>, vector<16xf32>,
    %swap3A_33 = vector.shape_cast %swap3A_32 : vector<16xf32> to vector<16xf32>
    %swap3A_34 = vector.shape_cast %broadcast_in_dim3A_3 : vector<16xf32> to vector<16xf32>
    tpu.vector_store %arg5[%swap3A_31], %swap3A_34 {strides = array<i32>} : memref<128xf32, #tpu.memory_space<vmem>>, vector<16xf32>,
    %scan3A = arith.constant 0 : i32
    %scan3A_35 = arith.constant 0 : i32
    %scan3A_36 = arith.constant 40 : i32
    %scan3A_37 = arith.addi %scan3A_35, %scan3A_36 : i32
    %scan3A_38 = arith.constant 1 : i32
    scf.for %scan3A_60 = %scan3A_35 to %scan3A_37 step %scan3A_38  : i32 {
      %mul3A_61 = arith.constant 16 : i32
      %mul3A_62 = arith.muli %scan3A_60, %mul3A_61 : i32
      %swap3A_63 = arith.index_cast %mul3A_62 : i32 to index
      %swap3A_64 = tpu.vector_load %arg6[%swap3A_63] {strides = array<i32>} : memref<640xf32, #tpu.memory_space<vmem>>, vector<16xf32>,
      %swap3A_65 = vector.shape_cast %swap3A_64 : vector<16xf32> to vector<16xf32>
      %swap3A_66 = vector.shape_cast %broadcast_in_dim3A_1 : vector<16xf32> to vector<16xf32>
      tpu.vector_store %arg6[%swap3A_63], %swap3A_66 {strides = array<i32>} : memref<640xf32, #tpu.memory_space<vmem>>, vector<16xf32>,
    }
    %scan3A_39 = arith.constant 40 : i32
    %mul3A_40 = arith.constant 640 : i32
    %mul3A_41 = arith.muli %arg1, %mul3A_40 : i32
    "tpu.region"() ({
      %run_scoped3A_60 = tpu.sem_alloc : memref<!tpu.dma_semaphore, #tpu.memory_space<semaphore_mem>>
      %dma_start3A = tpu.memref_slice %arg8[%mul3A_41] : memref<10240xf32, #tpu.memory_space<vmem_shared>> -> memref<640xf32, #tpu.memory_space<vmem_shared>>
      %dma_start3A_61 = tpu.memref_slice %arg8[%mul3A_41] : memref<10240xf32, #tpu.memory_space<vmem_shared>> -> memref<640xf32, #tpu.memory_space<vmem_shared>>
      tpu.enqueue_dma source(%arg6 : memref<640xf32, #tpu.memory_space<vmem>>) target(%dma_start3A_61 : memref<640xf32, #tpu.memory_space<vmem_shared>>) target_semaphore(%run_scoped3A_60 : memref<!tpu.dma_semaphore, #tpu.memory_space<semaphore_mem>>)
      %dma_wait3A = tpu.memref_slice %arg8[%mul3A_41] : memref<10240xf32, #tpu.memory_space<vmem_shared>> -> memref<640xf32, #tpu.memory_space<vmem_shared>>
      %dma_wait3A_62 = tpu.memref_slice %arg8[%mul3A_41] : memref<10240xf32, #tpu.memory_space<vmem_shared>> -> memref<640xf32, #tpu.memory_space<vmem_shared>>
      tpu.wait_dma2 semaphore(%run_scoped3A_60 : memref<!tpu.dma_semaphore, #tpu.memory_space<semaphore_mem>>) src(%arg6 : memref<640xf32, #tpu.memory_space<vmem>>) dst(%dma_wait3A_62 : memref<640xf32, #tpu.memory_space<vmem_shared>>)
      tpu.yield
    }) : () -> ()
    %barrier3A = arith.constant 0 : index
    tpu.barrier barrier_id(%barrier3A)
    %run_scoped3A = arith.constant 0 : i32
    "tpu.region"() ({
      %run_scoped3A_60 = tpu.sem_alloc : memref<!tpu.dma_semaphore, #tpu.memory_space<semaphore_mem>>
      %dma_start3A = arith.constant 0 : i32
      %dma_start3A_61 = arith.constant 0 : i32
      %dma_start3A_62 = tpu.memref_slice %arg2[%add3A, %run_scoped3A, %dma_start3A, %dma_start3A_61] : memref<32x2x42x128xi32, #tpu.memory_space<hbm>> -> memref<1x1x42x128xi32, #tpu.memory_space<hbm>>
      %dma_start3A_63 = tpu.memref_squeeze %dma_start3A_62 : memref<1x1x42x128xi32, #tpu.memory_space<hbm>> -> memref<42x128xi32, #tpu.memory_space<hbm>>
      %dma_start3A_64 = arith.constant 0 : i32
      %dma_start3A_65 = arith.constant 0 : i32
      %dma_start3A_66 = tpu.memref_slice %arg2[%add3A, %run_scoped3A, %dma_start3A_64, %dma_start3A_65] : memref<32x2x42x128xi32, #tpu.memory_space<hbm>> -> memref<1x1x42x128xi32, #tpu.memory_space<hbm>>
      %dma_start3A_67 = tpu.memref_squeeze %dma_start3A_66 : memref<1x1x42x128xi32, #tpu.memory_space<hbm>> -> memref<42x128xi32, #tpu.memory_space<hbm>>
      tpu.enqueue_dma source(%dma_start3A_67 : memref<42x128xi32, #tpu.memory_space<hbm>>) target(%arg4 : memref<42x128xi32, #tpu.memory_space<vmem>>) target_semaphore(%run_scoped3A_60 : memref<!tpu.dma_semaphore, #tpu.memory_space<semaphore_mem>>)
      %dma_wait3A = arith.constant 0 : i32
      %dma_wait3A_68 = arith.constant 0 : i32
      %dma_wait3A_69 = tpu.memref_slice %arg2[%add3A, %run_scoped3A, %dma_wait3A, %dma_wait3A_68] : memref<32x2x42x128xi32, #tpu.memory_space<hbm>> -> memref<1x1x42x128xi32, #tpu.memory_space<hbm>>
      %dma_wait3A_70 = tpu.memref_squeeze %dma_wait3A_69 : memref<1x1x42x128xi32, #tpu.memory_space<hbm>> -> memref<42x128xi32, #tpu.memory_space<hbm>>
      %dma_wait3A_71 = arith.constant 0 : i32
      %dma_wait3A_72 = arith.constant 0 : i32
      %dma_wait3A_73 = tpu.memref_slice %arg2[%add3A, %run_scoped3A, %dma_wait3A_71, %dma_wait3A_72] : memref<32x2x42x128xi32, #tpu.memory_space<hbm>> -> memref<1x1x42x128xi32, #tpu.memory_space<hbm>>
      %dma_wait3A_74 = tpu.memref_squeeze %dma_wait3A_73 : memref<1x1x42x128xi32, #tpu.memory_space<hbm>> -> memref<42x128xi32, #tpu.memory_space<hbm>>
      tpu.wait_dma2 semaphore(%run_scoped3A_60 : memref<!tpu.dma_semaphore, #tpu.memory_space<semaphore_mem>>) src(%dma_wait3A_74 : memref<42x128xi32, #tpu.memory_space<hbm>>) dst(%arg4 : memref<42x128xi32, #tpu.memory_space<vmem>>)
      tpu.yield
    }) : () -> ()
    %scan3A_42 = arith.constant 0 : i32
    %scan3A_43 = arith.constant 0 : i32
    %scan3A_44 = arith.constant 42 : i32
    %scan3A_45 = arith.addi %scan3A_43, %scan3A_44 : i32
    %scan3A_46 = arith.constant 1 : i32
    scf.for %scan3A_60 = %scan3A_43 to %scan3A_45 step %scan3A_46  : i32 {
      "tpu.region"() ({
        %run_scoped3A_61 = tpu.sem_alloc : memref<!tpu.dma_semaphore, #tpu.memory_space<semaphore_mem>>
        %dma_start3A = arith.constant 0 : i32
        %dma_start3A_62 = tpu.memref_slice %arg4[%scan3A_60, %dma_start3A] : memref<42x128xi32, #tpu.memory_space<vmem>> -> memref<1x128xi32, #tpu.memory_space<vmem>>
        %dma_start3A_63 = tpu.memref_squeeze %dma_start3A_62 : memref<1x128xi32, #tpu.memory_space<vmem>> -> memref<128xi32, #tpu.memory_space<vmem>>
        %dma_start3A_64 = arith.constant 0 : i32
        %dma_start3A_65 = tpu.memref_slice %arg8[%dma_start3A_64] : memref<10240xf32, #tpu.memory_space<vmem_shared>> -> memref<10240xf32, #tpu.memory_space<vmem_shared>>
        tpu.enqueue_indirect_dma source(%arg5 : memref<128xf32, #tpu.memory_space<vmem>>) target(%dma_start3A_65 : memref<10240xf32, #tpu.memory_space<vmem_shared>>) offsets(%dma_start3A_63 : memref<128xi32, #tpu.memory_space<vmem>>) semaphore(%run_scoped3A_61 : memref<!tpu.dma_semaphore, #tpu.memory_space<semaphore_mem>>) {add = true}
        %dma_wait3A = arith.constant 0 : i32
        %dma_wait3A_66 = tpu.memref_slice %arg4[%scan3A_60, %dma_wait3A] : memref<42x128xi32, #tpu.memory_space<vmem>> -> memref<1x128xi32, #tpu.memory_space<vmem>>
        %dma_wait3A_67 = tpu.memref_squeeze %dma_wait3A_66 : memref<1x128xi32, #tpu.memory_space<vmem>> -> memref<128xi32, #tpu.memory_space<vmem>>
        %dma_wait3A_68 = arith.constant 0 : i32
        %dma_wait3A_69 = tpu.memref_slice %arg8[%dma_wait3A_68] : memref<10240xf32, #tpu.memory_space<vmem_shared>> -> memref<10240xf32, #tpu.memory_space<vmem_shared>>
        tpu.wait_indirect_dma semaphore(%run_scoped3A_61 : memref<!tpu.dma_semaphore, #tpu.memory_space<semaphore_mem>>) src(%arg5 : memref<128xf32, #tpu.memory_space<vmem>>) dst(%dma_wait3A_69 : memref<10240xf32, #tpu.memory_space<vmem_shared>>)
        tpu.yield
      }) : () -> ()
    }
    %scan3A_47 = arith.constant 42 : i32
    %run_scoped3A_48 = arith.constant 1 : i32
    "tpu.region"() ({
      %run_scoped3A_60 = tpu.sem_alloc : memref<!tpu.dma_semaphore, #tpu.memory_space<semaphore_mem>>
      %dma_start3A = arith.constant 0 : i32
      %dma_start3A_61 = arith.constant 0 : i32
      %dma_start3A_62 = tpu.memref_slice %arg2[%add3A, %run_scoped3A_48, %dma_start3A, %dma_start3A_61] : memref<32x2x42x128xi32, #tpu.memory_space<hbm>> -> memref<1x1x42x128xi32, #tpu.memory_space<hbm>>
      %dma_start3A_63 = tpu.memref_squeeze %dma_start3A_62 : memref<1x1x42x128xi32, #tpu.memory_space<hbm>> -> memref<42x128xi32, #tpu.memory_space<hbm>>
      %dma_start3A_64 = arith.constant 0 : i32
      %dma_start3A_65 = arith.constant 0 : i32
      %dma_start3A_66 = tpu.memref_slice %arg2[%add3A, %run_scoped3A_48, %dma_start3A_64, %dma_start3A_65] : memref<32x2x42x128xi32, #tpu.memory_space<hbm>> -> memref<1x1x42x128xi32, #tpu.memory_space<hbm>>
      %dma_start3A_67 = tpu.memref_squeeze %dma_start3A_66 : memref<1x1x42x128xi32, #tpu.memory_space<hbm>> -> memref<42x128xi32, #tpu.memory_space<hbm>>
      tpu.enqueue_dma source(%dma_start3A_67 : memref<42x128xi32, #tpu.memory_space<hbm>>) target(%arg4 : memref<42x128xi32, #tpu.memory_space<vmem>>) target_semaphore(%run_scoped3A_60 : memref<!tpu.dma_semaphore, #tpu.memory_space<semaphore_mem>>)
      %dma_wait3A = arith.constant 0 : i32
      %dma_wait3A_68 = arith.constant 0 : i32
      %dma_wait3A_69 = tpu.memref_slice %arg2[%add3A, %run_scoped3A_48, %dma_wait3A, %dma_wait3A_68] : memref<32x2x42x128xi32, #tpu.memory_space<hbm>> -> memref<1x1x42x128xi32, #tpu.memory_space<hbm>>
      %dma_wait3A_70 = tpu.memref_squeeze %dma_wait3A_69 : memref<1x1x42x128xi32, #tpu.memory_space<hbm>> -> memref<42x128xi32, #tpu.memory_space<hbm>>
      %dma_wait3A_71 = arith.constant 0 : i32
      %dma_wait3A_72 = arith.constant 0 : i32
      %dma_wait3A_73 = tpu.memref_slice %arg2[%add3A, %run_scoped3A_48, %dma_wait3A_71, %dma_wait3A_72] : memref<32x2x42x128xi32, #tpu.memory_space<hbm>> -> memref<1x1x42x128xi32, #tpu.memory_space<hbm>>
      %dma_wait3A_74 = tpu.memref_squeeze %dma_wait3A_73 : memref<1x1x42x128xi32, #tpu.memory_space<hbm>> -> memref<42x128xi32, #tpu.memory_space<hbm>>
      tpu.wait_dma2 semaphore(%run_scoped3A_60 : memref<!tpu.dma_semaphore, #tpu.memory_space<semaphore_mem>>) src(%dma_wait3A_74 : memref<42x128xi32, #tpu.memory_space<hbm>>) dst(%arg4 : memref<42x128xi32, #tpu.memory_space<vmem>>)
      tpu.yield
    }) : () -> ()
    %scan3A_49 = arith.constant 0 : i32
    %scan3A_50 = arith.constant 0 : i32
    %scan3A_51 = arith.constant 42 : i32
    %scan3A_52 = arith.addi %scan3A_50, %scan3A_51 : i32
    %scan3A_53 = arith.constant 1 : i32
    scf.for %scan3A_60 = %scan3A_50 to %scan3A_52 step %scan3A_53  : i32 {
      "tpu.region"() ({
        %run_scoped3A_61 = tpu.sem_alloc : memref<!tpu.dma_semaphore, #tpu.memory_space<semaphore_mem>>
        %dma_start3A = arith.constant 0 : i32
        %dma_start3A_62 = tpu.memref_slice %arg4[%scan3A_60, %dma_start3A] : memref<42x128xi32, #tpu.memory_space<vmem>> -> memref<1x128xi32, #tpu.memory_space<vmem>>
        %dma_start3A_63 = tpu.memref_squeeze %dma_start3A_62 : memref<1x128xi32, #tpu.memory_space<vmem>> -> memref<128xi32, #tpu.memory_space<vmem>>
        %dma_start3A_64 = arith.constant 0 : i32
        %dma_start3A_65 = tpu.memref_slice %arg8[%dma_start3A_64] : memref<10240xf32, #tpu.memory_space<vmem_shared>> -> memref<10240xf32, #tpu.memory_space<vmem_shared>>
        tpu.enqueue_indirect_dma source(%arg5 : memref<128xf32, #tpu.memory_space<vmem>>) target(%dma_start3A_65 : memref<10240xf32, #tpu.memory_space<vmem_shared>>) offsets(%dma_start3A_63 : memref<128xi32, #tpu.memory_space<vmem>>) semaphore(%run_scoped3A_61 : memref<!tpu.dma_semaphore, #tpu.memory_space<semaphore_mem>>) {add = true}
        %dma_wait3A = arith.constant 0 : i32
        %dma_wait3A_66 = tpu.memref_slice %arg4[%scan3A_60, %dma_wait3A] : memref<42x128xi32, #tpu.memory_space<vmem>> -> memref<1x128xi32, #tpu.memory_space<vmem>>
        %dma_wait3A_67 = tpu.memref_squeeze %dma_wait3A_66 : memref<1x128xi32, #tpu.memory_space<vmem>> -> memref<128xi32, #tpu.memory_space<vmem>>
        %dma_wait3A_68 = arith.constant 0 : i32
        %dma_wait3A_69 = tpu.memref_slice %arg8[%dma_wait3A_68] : memref<10240xf32, #tpu.memory_space<vmem_shared>> -> memref<10240xf32, #tpu.memory_space<vmem_shared>>
        tpu.wait_indirect_dma semaphore(%run_scoped3A_61 : memref<!tpu.dma_semaphore, #tpu.memory_space<semaphore_mem>>) src(%arg5 : memref<128xf32, #tpu.memory_space<vmem>>) dst(%dma_wait3A_69 : memref<10240xf32, #tpu.memory_space<vmem_shared>>)
        tpu.yield
      }) : () -> ()
    }
    %scan3A_54 = arith.constant 42 : i32
    %barrier3A_55 = arith.constant 0 : index
    tpu.barrier barrier_id(%barrier3A_55)
    %mul3A_56 = arith.constant 640 : i32
    %mul3A_57 = arith.muli %arg1, %mul3A_56 : i32
    "tpu.region"() ({
      %run_scoped3A_60 = tpu.sem_alloc : memref<!tpu.dma_semaphore, #tpu.memory_space<semaphore_mem>>
      %dma_start3A = tpu.memref_slice %arg8[%mul3A_57] : memref<10240xf32, #tpu.memory_space<vmem_shared>> -> memref<640xf32, #tpu.memory_space<vmem_shared>>
      %dma_start3A_61 = tpu.memref_slice %arg8[%mul3A_57] : memref<10240xf32, #tpu.memory_space<vmem_shared>> -> memref<640xf32, #tpu.memory_space<vmem_shared>>
      tpu.enqueue_dma source(%dma_start3A_61 : memref<640xf32, #tpu.memory_space<vmem_shared>>) target(%arg7 : memref<640xf32, #tpu.memory_space<vmem>>) target_semaphore(%run_scoped3A_60 : memref<!tpu.dma_semaphore, #tpu.memory_space<semaphore_mem>>)
      %dma_wait3A = tpu.memref_slice %arg8[%mul3A_57] : memref<10240xf32, #tpu.memory_space<vmem_shared>> -> memref<640xf32, #tpu.memory_space<vmem_shared>>
      %dma_wait3A_62 = tpu.memref_slice %arg8[%mul3A_57] : memref<10240xf32, #tpu.memory_space<vmem_shared>> -> memref<640xf32, #tpu.memory_space<vmem_shared>>
      tpu.wait_dma2 semaphore(%run_scoped3A_60 : memref<!tpu.dma_semaphore, #tpu.memory_space<semaphore_mem>>) src(%dma_wait3A_62 : memref<640xf32, #tpu.memory_space<vmem_shared>>) dst(%arg7 : memref<640xf32, #tpu.memory_space<vmem>>)
      tpu.yield
    }) : () -> ()
    %mul3A_58 = arith.constant 640 : i32
    %mul3A_59 = arith.muli %arg1, %mul3A_58 : i32
    "tpu.region"() ({
      %run_scoped3A_60 = tpu.sem_alloc : memref<!tpu.dma_semaphore, #tpu.memory_space<semaphore_mem>>
      %dma_start3A = tpu.memref_slice %arg3[%arg0, %mul3A_59] : memref<2x10240xf32, #tpu.memory_space<hbm>> -> memref<1x640xf32, #tpu.memory_space<hbm>>
      %dma_start3A_61 = tpu.memref_squeeze %dma_start3A : memref<1x640xf32, #tpu.memory_space<hbm>> -> memref<640xf32, #tpu.memory_space<hbm>>
      %dma_start3A_62 = tpu.memref_slice %arg3[%arg0, %mul3A_59] : memref<2x10240xf32, #tpu.memory_space<hbm>> -> memref<1x640xf32, #tpu.memory_space<hbm>>
      %dma_start3A_63 = tpu.memref_squeeze %dma_start3A_62 : memref<1x640xf32, #tpu.memory_space<hbm>> -> memref<640xf32, #tpu.memory_space<hbm>>
      tpu.enqueue_dma source(%arg7 : memref<640xf32, #tpu.memory_space<vmem>>) target(%dma_start3A_63 : memref<640xf32, #tpu.memory_space<hbm>>) target_semaphore(%run_scoped3A_60 : memref<!tpu.dma_semaphore, #tpu.memory_space<semaphore_mem>>)
      %dma_wait3A = tpu.memref_slice %arg3[%arg0, %mul3A_59] : memref<2x10240xf32, #tpu.memory_space<hbm>> -> memref<1x640xf32, #tpu.memory_space<hbm>>
      %dma_wait3A_64 = tpu.memref_squeeze %dma_wait3A : memref<1x640xf32, #tpu.memory_space<hbm>> -> memref<640xf32, #tpu.memory_space<hbm>>
      %dma_wait3A_65 = tpu.memref_slice %arg3[%arg0, %mul3A_59] : memref<2x10240xf32, #tpu.memory_space<hbm>> -> memref<1x640xf32, #tpu.memory_space<hbm>>
      %dma_wait3A_66 = tpu.memref_squeeze %dma_wait3A_65 : memref<1x640xf32, #tpu.memory_space<hbm>> -> memref<640xf32, #tpu.memory_space<hbm>>
      tpu.wait_dma2 semaphore(%run_scoped3A_60 : memref<!tpu.dma_semaphore, #tpu.memory_space<semaphore_mem>>) src(%arg7 : memref<640xf32, #tpu.memory_space<vmem>>) dst(%dma_wait3A_66 : memref<640xf32, #tpu.memory_space<hbm>>)
      tpu.yield
    }) : () -> ()
    return
  }
}

module attributes {stable_mosaic.version = 14 : i64} {
  func.func @_init_tc(%arg0: i32, %arg1: memref<2x320x1xf32, #tpu.memory_space<vmem>>, %arg2: memref<320x128xf32, #tpu.memory_space<vmem>>, %arg3: memref<320x1xf32, #tpu.memory_space<vmem>>, %arg4: memref<320x128xf32, #tpu.memory_space<vmem>>) attributes {dimension_semantics = [#tpu.dimension_semantics<arbitrary>], iteration_bounds = array<i64: 32>, scalar_prefetch = 0 : i64, scratch_operands = 0 : i64, tpu.core_type = #tpu.core_type<tc>, window_params = [{transform_indices = @transform_0, window_bounds = array<i64: 2, 320, 1>}, {transform_indices = @transform_1, window_bounds = array<i64: 320, 128>}, {transform_indices = @transform_2, window_bounds = array<i64: 320, 1>}, {transform_indices = @transform_3, window_bounds = array<i64: 320, 128>}]} {
    %get3A = arith.constant 0 : index
    %get3A_0 = arith.constant 0 : index
    %get3A_1 = arith.constant 0 : index
    %get3A_2 = vector.load %arg1[%get3A, %get3A_0, %get3A_1] : memref<2x320x1xf32, #tpu.memory_space<vmem>>, vector<1x320x1xf32>
    %get3A_3 = vector.shape_cast %get3A_2 : vector<1x320x1xf32> to vector<320x1xf32>
    %get3A_4 = arith.constant 1 : index
    %get3A_5 = arith.constant 0 : index
    %get3A_6 = arith.constant 0 : index
    %get3A_7 = vector.load %arg1[%get3A_4, %get3A_5, %get3A_6] : memref<2x320x1xf32, #tpu.memory_space<vmem>>, vector<1x320x1xf32>
    %get3A_8 = vector.shape_cast %get3A_7 : vector<1x320x1xf32> to vector<320x1xf32>
    %add3A = arith.addf %get3A_3, %get3A_8 : vector<320x1xf32>
    %max3A = arith.constant 1.000000e+00 : f32
    %max3A_9 = vector.broadcast %max3A : f32 to vector<320x1xf32>
    %max3A_10 = arith.maximumf %add3A, %max3A_9 : vector<320x1xf32>
    %rsqrt3A = math.rsqrt %max3A_10 : vector<320x1xf32>
    %swap3A = arith.constant 0 : index
    %swap3A_11 = arith.constant 0 : index
    %swap3A_12 = vector.load %arg3[%swap3A, %swap3A_11] : memref<320x1xf32, #tpu.memory_space<vmem>>, vector<320x1xf32>
    tpu.vector_store %arg3[%swap3A, %swap3A_11], %rsqrt3A {strides = array<i32>} : memref<320x1xf32, #tpu.memory_space<vmem>>, vector<320x1xf32>,
    %get3A_13 = arith.constant 0 : index
    %get3A_14 = arith.constant 0 : index
    %get3A_15 = vector.load %arg2[%get3A_13, %get3A_14] : memref<320x128xf32, #tpu.memory_space<vmem>>, vector<320x128xf32>
    %mul3A = vector.broadcast %rsqrt3A : vector<320x1xf32> to vector<320x128xf32>
    %mul3A_16 = arith.mulf %get3A_15, %mul3A : vector<320x128xf32>
    %swap3A_17 = arith.constant 0 : index
    %swap3A_18 = arith.constant 0 : index
    %swap3A_19 = vector.load %arg4[%swap3A_17, %swap3A_18] : memref<320x128xf32, #tpu.memory_space<vmem>>, vector<320x128xf32>
    tpu.vector_store %arg4[%swap3A_17, %swap3A_18], %mul3A_16 {strides = array<i32>} : memref<320x128xf32, #tpu.memory_space<vmem>>, vector<320x128xf32>,
    return
  }
  func.func @transform_0(%arg0: i32) -> (i32, i32, i32) {
    %c0_i32 = arith.constant 0 : i32
    %c0_i32_0 = arith.constant 0 : i32
    %c0_i32_1 = arith.constant 0 : i32
    return %c0_i32, %arg0, %c0_i32_0 : i32, i32, i32
  }
  func.func @transform_1(%arg0: i32) -> (i32, i32) {
    %c0_i32 = arith.constant 0 : i32
    %c0_i32_0 = arith.constant 0 : i32
    return %arg0, %c0_i32 : i32, i32
  }
  func.func @transform_2(%arg0: i32) -> (i32, i32) {
    %c0_i32 = arith.constant 0 : i32
    %c0_i32_0 = arith.constant 0 : i32
    return %arg0, %c0_i32 : i32, i32
  }
  func.func @transform_3(%arg0: i32) -> (i32, i32) {
    %c0_i32 = arith.constant 0 : i32
    %c0_i32_0 = arith.constant 0 : i32
    return %arg0, %c0_i32 : i32, i32
  }
}

module attributes {stable_mosaic.version = 14 : i64} {
  func.func @_mid_tc(%arg0: i32, %arg1: memref<2x320x128xf32, #tpu.memory_space<vmem>>, %arg2: memref<320x128xf32, #tpu.memory_space<vmem>>, %arg3: memref<320x1xf32, #tpu.memory_space<vmem>>, %arg4: memref<320x128xf32, #tpu.memory_space<vmem>>, %arg5: memref<320x128xf32, #tpu.memory_space<vmem>>) attributes {dimension_semantics = [#tpu.dimension_semantics<arbitrary>], iteration_bounds = array<i64: 32>, scalar_prefetch = 0 : i64, scratch_operands = 0 : i64, tpu.core_type = #tpu.core_type<tc>, window_params = [{transform_indices = @transform_0, window_bounds = array<i64: 2, 320, 128>}, {transform_indices = @transform_1, window_bounds = array<i64: 320, 128>}, {transform_indices = @transform_2, window_bounds = array<i64: 320, 1>}, {transform_indices = @transform_3, window_bounds = array<i64: 320, 128>}, {transform_indices = @transform_4, window_bounds = array<i64: 320, 128>}]} {
    %get3A = arith.constant 0 : index
    %get3A_0 = arith.constant 0 : index
    %get3A_1 = vector.load %arg3[%get3A, %get3A_0] : memref<320x1xf32, #tpu.memory_space<vmem>>, vector<320x1xf32>
    %get3A_2 = arith.constant 0 : index
    %get3A_3 = arith.constant 0 : index
    %get3A_4 = arith.constant 0 : index
    %get3A_5 = vector.load %arg1[%get3A_2, %get3A_3, %get3A_4] : memref<2x320x128xf32, #tpu.memory_space<vmem>>, vector<1x320x128xf32>
    %get3A_6 = vector.shape_cast %get3A_5 : vector<1x320x128xf32> to vector<320x128xf32>
    %get3A_7 = arith.constant 1 : index
    %get3A_8 = arith.constant 0 : index
    %get3A_9 = arith.constant 0 : index
    %get3A_10 = vector.load %arg1[%get3A_7, %get3A_8, %get3A_9] : memref<2x320x128xf32, #tpu.memory_space<vmem>>, vector<1x320x128xf32>
    %get3A_11 = vector.shape_cast %get3A_10 : vector<1x320x128xf32> to vector<320x128xf32>
    %add3A = arith.addf %get3A_6, %get3A_11 : vector<320x128xf32>
    %mul3A = vector.broadcast %get3A_1 : vector<320x1xf32> to vector<320x128xf32>
    %mul3A_12 = arith.mulf %add3A, %mul3A : vector<320x128xf32>
    %get3A_13 = arith.constant 0 : index
    %get3A_14 = arith.constant 0 : index
    %get3A_15 = vector.load %arg2[%get3A_13, %get3A_14] : memref<320x128xf32, #tpu.memory_space<vmem>>, vector<320x128xf32>
    %add3A_16 = arith.addf %get3A_15, %mul3A_12 : vector<320x128xf32>
    %swap3A = arith.constant 0 : index
    %swap3A_17 = arith.constant 0 : index
    %swap3A_18 = vector.load %arg4[%swap3A, %swap3A_17] : memref<320x128xf32, #tpu.memory_space<vmem>>, vector<320x128xf32>
    tpu.vector_store %arg4[%swap3A, %swap3A_17], %add3A_16 {strides = array<i32>} : memref<320x128xf32, #tpu.memory_space<vmem>>, vector<320x128xf32>,
    %mul3A_19 = vector.broadcast %get3A_1 : vector<320x1xf32> to vector<320x128xf32>
    %mul3A_20 = arith.mulf %mul3A_12, %mul3A_19 : vector<320x128xf32>
    %swap3A_21 = arith.constant 0 : index
    %swap3A_22 = arith.constant 0 : index
    %swap3A_23 = vector.load %arg5[%swap3A_21, %swap3A_22] : memref<320x128xf32, #tpu.memory_space<vmem>>, vector<320x128xf32>
    tpu.vector_store %arg5[%swap3A_21, %swap3A_22], %mul3A_20 {strides = array<i32>} : memref<320x128xf32, #tpu.memory_space<vmem>>, vector<320x128xf32>,
    return
  }
  func.func @transform_0(%arg0: i32) -> (i32, i32, i32) {
    %c0_i32 = arith.constant 0 : i32
    %c0_i32_0 = arith.constant 0 : i32
    %c0_i32_1 = arith.constant 0 : i32
    return %c0_i32, %arg0, %c0_i32_0 : i32, i32, i32
  }
  func.func @transform_1(%arg0: i32) -> (i32, i32) {
    %c0_i32 = arith.constant 0 : i32
    %c0_i32_0 = arith.constant 0 : i32
    return %arg0, %c0_i32 : i32, i32
  }
  func.func @transform_2(%arg0: i32) -> (i32, i32) {
    %c0_i32 = arith.constant 0 : i32
    %c0_i32_0 = arith.constant 0 : i32
    return %arg0, %c0_i32 : i32, i32
  }
  func.func @transform_3(%arg0: i32) -> (i32, i32) {
    %c0_i32 = arith.constant 0 : i32
    %c0_i32_0 = arith.constant 0 : i32
    return %arg0, %c0_i32 : i32, i32
  }
  func.func @transform_4(%arg0: i32) -> (i32, i32) {
    %c0_i32 = arith.constant 0 : i32
    %c0_i32_0 = arith.constant 0 : i32
    return %arg0, %c0_i32 : i32, i32
  }
}

module attributes {stable_mosaic.version = 14 : i64} {
  func.func @_fin_tc(%arg0: i32, %arg1: memref<2x320x128xf32, #tpu.memory_space<vmem>>, %arg2: memref<320x128xf32, #tpu.memory_space<vmem>>, %arg3: memref<320x1xf32, #tpu.memory_space<vmem>>, %arg4: memref<320x128xf32, #tpu.memory_space<vmem>>) attributes {dimension_semantics = [#tpu.dimension_semantics<arbitrary>], iteration_bounds = array<i64: 32>, scalar_prefetch = 0 : i64, scratch_operands = 0 : i64, tpu.core_type = #tpu.core_type<tc>, window_params = [{transform_indices = @transform_0, window_bounds = array<i64: 2, 320, 128>}, {transform_indices = @transform_1, window_bounds = array<i64: 320, 128>}, {transform_indices = @transform_2, window_bounds = array<i64: 320, 1>}, {transform_indices = @transform_3, window_bounds = array<i64: 320, 128>}]} {
    %get3A = arith.constant 0 : index
    %get3A_0 = arith.constant 0 : index
    %get3A_1 = arith.constant 0 : index
    %get3A_2 = vector.load %arg1[%get3A, %get3A_0, %get3A_1] : memref<2x320x128xf32, #tpu.memory_space<vmem>>, vector<1x320x128xf32>
    %get3A_3 = vector.shape_cast %get3A_2 : vector<1x320x128xf32> to vector<320x128xf32>
    %get3A_4 = arith.constant 1 : index
    %get3A_5 = arith.constant 0 : index
    %get3A_6 = arith.constant 0 : index
    %get3A_7 = vector.load %arg1[%get3A_4, %get3A_5, %get3A_6] : memref<2x320x128xf32, #tpu.memory_space<vmem>>, vector<1x320x128xf32>
    %get3A_8 = vector.shape_cast %get3A_7 : vector<1x320x128xf32> to vector<320x128xf32>
    %add3A = arith.addf %get3A_3, %get3A_8 : vector<320x128xf32>
    %get3A_9 = arith.constant 0 : index
    %get3A_10 = arith.constant 0 : index
    %get3A_11 = vector.load %arg3[%get3A_9, %get3A_10] : memref<320x1xf32, #tpu.memory_space<vmem>>, vector<320x1xf32>
    %mul3A = vector.broadcast %get3A_11 : vector<320x1xf32> to vector<320x128xf32>
    %mul3A_12 = arith.mulf %add3A, %mul3A : vector<320x128xf32>
    %get3A_13 = arith.constant 0 : index
    %get3A_14 = arith.constant 0 : index
    %get3A_15 = vector.load %arg2[%get3A_13, %get3A_14] : memref<320x128xf32, #tpu.memory_space<vmem>>, vector<320x128xf32>
    %add3A_16 = arith.addf %get3A_15, %mul3A_12 : vector<320x128xf32>
    %mul3A_17 = arith.constant 2.500000e-01 : f32
    %mul3A_18 = vector.broadcast %mul3A_17 : f32 to vector<320x128xf32>
    %mul3A_19 = arith.mulf %add3A_16, %mul3A_18 : vector<320x128xf32>
    %swap3A = arith.constant 0 : index
    %swap3A_20 = arith.constant 0 : index
    %swap3A_21 = vector.load %arg4[%swap3A, %swap3A_20] : memref<320x128xf32, #tpu.memory_space<vmem>>, vector<320x128xf32>
    tpu.vector_store %arg4[%swap3A, %swap3A_20], %mul3A_19 {strides = array<i32>} : memref<320x128xf32, #tpu.memory_space<vmem>>, vector<320x128xf32>,
    return
  }
  func.func @transform_0(%arg0: i32) -> (i32, i32, i32) {
    %c0_i32 = arith.constant 0 : i32
    %c0_i32_0 = arith.constant 0 : i32
    %c0_i32_1 = arith.constant 0 : i32
    return %c0_i32, %arg0, %c0_i32_0 : i32, i32, i32
  }
  func.func @transform_1(%arg0: i32) -> (i32, i32) {
    %c0_i32 = arith.constant 0 : i32
    %c0_i32_0 = arith.constant 0 : i32
    return %arg0, %c0_i32 : i32, i32
  }
  func.func @transform_2(%arg0: i32) -> (i32, i32) {
    %c0_i32 = arith.constant 0 : i32
    %c0_i32_0 = arith.constant 0 : i32
    return %arg0, %c0_i32 : i32, i32
  }
  func.func @transform_3(%arg0: i32) -> (i32, i32) {
    %c0_i32 = arith.constant 0 : i32
    %c0_i32_0 = arith.constant 0 : i32
    return %arg0, %c0_i32 : i32, i32
  }
}

</mosaic_0001>

<sc_bundles>
// kernel: kernel.10.cloned.1.call-start
scs
__scs_entry_jumppad:
0x0: {  	(pc) =	sbr.rel $0x88, $3  }
0x1: {  	(tag) =	ssettag $0x0;
	lr =	simm.s32 $0x1  }
0x2: {  	[smem:$0x3F9F] =	sst lr;
	_ =	strace $0xD0000000  }
0x3: {  	_ = 	snop  }
0x4: {  	_ = 	snop  }
0x5: {  	_ = 	snop  }
0x6: {  	_ = 	snop  }
0x7: {  	_ = 	snop  }
__scs_overlays_trampoline_lowered:
0x8: {  	[smem:$0x3FAE] =	sst s0  }
0x9: {  	[smem:$0x3FAF] =	sst s1  }
0xa: {  	[smem:$0x3FB0] =	sst s2  }
0xb: {  	[smem:$0x3FB1] =	sst s3  }
0xc: {  	[smem:$0x3FB2] =	sst s4  }
0xd: {  	[smem:$0x3FB3] =	sst s5  }
0xe: {  	[smem:$0x3FB4] =	sst s6  }
0xf: {  	[smem:$0x3FB5] =	sst s7  }
0x10: {  	[smem:$0x3FB6] =	sst s8  }
0x11: {  	[smem:$0x3FB7] =	sst s9;
	s0 =	simm.s32 @!p0 $0x0  }
0x12: {  	s1 =	sld [smem:$0x3F9D];
	s0 =	simm.s32 @p0 $0x1  }
0x13: {  	[smem:$0x3FB8] =	sst s0;
	s0 =	simm.s32 @!p1 $0x0  }
0x14: {  	s2 =	sld [smem:$0x3F9C];
	s0 =	simm.s32 @p1 $0x1  }
0x15: {  	[smem:$0x3FB9] =	sst s0;
	s0 =	simm.s32 @!p2 $0x0  }
0x16: {  	s3 =	sld [smem:$0x3FDB];
	s0 =	simm.s32 @p2 $0x1  }
0x17: {  	s4 =	simm.s32 $0x1BF5;
	[smem:$0x3FBB] =	sst s0  }
0x18: {  	s0 =	sld [smem:$0x3F9E];
	_ =	swait.ge [sflag:s4], $0x0  }
0x19: {  	s7 =	sld [smem:$0x3F9F]  }
0x1a: {  	s8 =	sadd.s32 $0xFFFFE003, lr  }
0x1b: {  	s9 =	sadd.s32 $0xFFFFFEF7, lr;
	s5 =	simm.s32 $0xFFFFFFFF;
	p2 =	slt.u32 s8, $0xFFFFF086  }
0x1c: {  	p1 =	slt.u32 s9, $0xF7A;
	s5 =	simm.s32 @!p2 $0x0  }
0x1d: {  	s5 =	simm.s32 @p1 $0x1;
	p0 =	seq.s32 s7, s2  }
0x1e: {  	s7 =	smul.u32 @!p0 $0xF7A, s2;
	p2 =	seq.s32 @!p0 s5, $0x0  }
0x1f: {  	s9 =	smul.u32 $0xF7A, s1;
	s8 =	simm.s32 @!p0 $0x1BF5;
	p2 =	por !p2, p0  }
0x20: {  	[sflag:s8] =	ssyncset.s32 @!p0 $0xFFFFF086;
	s6 =	sadd.s32 @!p0 s3, s7;
	s7 =	simm.s32 @!p0 $0x108  }
0x21: {  	s3 =	sadd.s32 s3, s9;
	s6 =	sadd.s32 @!p0 $0x88, s6;
	s7 =	simm.s32 @p2 $0x1082  }
0x22: {  	[simem:s7], [sflag:s8] =	dma.local @!p0 [hbm:s6], $0xF7A  }
0x23: {  	s9 =	sor.u32 $0xD0000000, s2;
	s6 =	simm.s32 $0x108;
	_ =	swait.ge @!p0 [sflag:s8], $0x0  }
0x24: {  	s3 =	sadd.s32 $0x88, s3;
	s6 =	simm.s32 @!p1 $0x1082;
	[sflag:s4] =	ssyncset.s32 $0xFFFFF086  }
0x25: {  	[simem:s6], [sflag:s4] =	dma.local [hbm:s3], $0xF7A  }
0x26: {  	[smem:$0x3F9F] =	sst s1;
	(tag) =	ssettag s2;
	_ =	strace s9  }
0x27: {  	s1 =	sld [smem:$0x3FAF]  }
0x28: {  	s2 =	sld [smem:$0x3FB0]  }
0x29: {  	s4 =	sld [smem:$0x3FB2]  }
0x2a: {  	p0 =	seq.s32 s5, $0x0;
	s5 =	sld [smem:$0x3FB3]  }
0x2b: {  	s6 =	sld [smem:$0x3FB4]  }
0x2c: {  	s7 =	sld [smem:$0x3FB5]  }
0x2d: {  	s3 =	simm.s32 $0x108;
	s8 =	sld [smem:$0x3FB6]  }
0x2e: {  	s3 =	simm.s32 @!p0 $0x1082;
	s9 =	sld [smem:$0x3FB7]  }
0x2f: {  	lr =	sadd.s32 s0, s3;
	s0 =	sld [smem:$0x3FAE]  }
0x30: {  	s3 =	sld [smem:$0x3FB1]  }
0x31: {  	[smem:$0x3FBA] =	sst s10  }
0x32: {  	s10 =	sld [smem:$0x3FB8];
	_ =	sdelay $0x3  }
0x33: {  	p0 =	seq.s32 s10, $0x1;
	s10 =	sld [smem:$0x3FBA];
	_ =	sdelay $0x3  }
0x34: {  	[smem:$0x3FBA] =	sst s10  }
0x35: {  	s10 =	sld [smem:$0x3FB9];
	_ =	sdelay $0x3  }
0x36: {  	p1 =	seq.s32 s10, $0x1;
	s10 =	sld [smem:$0x3FBA];
	_ =	sdelay $0x3  }
0x37: {  	[smem:$0x3FBA] =	sst s10  }
0x38: {  	s10 =	sld [smem:$0x3FBB]  }
0x39: {  	_ = 	snop;
	(pc) =	sbr.ind lr, $3  }
0x3a: {  	_ = 	snop  }
0x3b: {  	_ = 	snop  }
0x3c: {  	p2 =	seq.s32 s10, $0x1;
	s10 =	sld [smem:$0x3FBA]  }
0x3d: {  	_ =	shalt  }
0x3e: {  	_ =	shalt  }
0x3f: {  	_ =	shalt  }
0x40: {  	_ =	shalt  }
0x41: {  	_ =	shalt  }
0x42: {  	_ =	shalt  }
0x43: {  	_ =	shalt  }
0x44: {  	_ =	shalt  }
0x45: {  	_ =	shalt  }
0x46: {  	_ =	shalt  }
0x47: {  	_ =	shalt  }
0x48: {  	_ =	shalt  }
0x49: {  	_ =	shalt  }
0x4a: {  	_ =	shalt  }
0x4b: {  	_ =	shalt  }
0x4c: {  	_ =	shalt  }
0x4d: {  	_ =	shalt  }
0x4e: {  	_ =	shalt  }
0x4f: {  	_ =	shalt  }
0x50: {  	_ =	shalt  }
0x51: {  	_ =	shalt  }
0x52: {  	_ =	shalt  }
0x53: {  	_ =	shalt  }
0x54: {  	_ =	shalt  }
0x55: {  	_ =	shalt  }
0x56: {  	_ =	shalt  }
0x57: {  	_ =	shalt  }
0x58: {  	_ =	shalt  }
0x59: {  	_ =	shalt  }
0x5a: {  	_ =	shalt  }
0x5b: {  	_ =	shalt  }
0x5c: {  	_ =	shalt  }
0x5d: {  	_ =	shalt  }
0x5e: {  	_ =	shalt  }
0x5f: {  	_ =	shalt  }
0x60: {  	_ =	shalt  }
0x61: {  	_ =	shalt  }
0x62: {  	_ =	shalt  }
0x63: {  	_ =	shalt  }
0x64: {  	_ =	shalt  }
0x65: {  	_ =	shalt  }
0x66: {  	_ =	shalt  }
0x67: {  	_ =	shalt  }
0x68: {  	_ =	shalt  }
0x69: {  	_ =	shalt  }
0x6a: {  	_ =	shalt  }
0x6b: {  	_ =	shalt  }
0x6c: {  	_ =	shalt  }
0x6d: {  	_ =	shalt  }
0x6e: {  	_ =	shalt  }
0x6f: {  	_ =	shalt  }
0x70: {  	_ =	shalt  }
0x71: {  	_ =	shalt  }
0x72: {  	_ =	shalt  }
0x73: {  	_ =	shalt  }
0x74: {  	_ =	shalt  }
0x75: {  	_ =	shalt  }
0x76: {  	_ =	shalt  }
0x77: {  	_ =	shalt  }
0x78: {  	_ =	shalt  }
0x79: {  	_ =	shalt  }
0x7a: {  	_ =	shalt  }
0x7b: {  	_ =	shalt  }
0x7c: {  	_ =	shalt  }
0x7d: {  	_ =	shalt  }
0x7e: {  	_ =	shalt  }
0x7f: {  	_ =	shalt  }
0x80: {  	_ =	shalt  }
0x81: {  	_ =	shalt  }
0x82: {  	_ =	shalt  }
0x83: {  	_ =	shalt  }
0x84: {  	_ =	shalt  }
0x85: {  	_ =	shalt  }
0x86: {  	_ =	shalt  }
0x87: {  	_ =	shalt  }
.Lfunc_end0:
.L_simem_size_0:
called_computation_lowered:
.L_overlay_start_0:
0x88: {  	s2 =	sld [smem:$0x3FD9]  }
0x89: {  	s3 =	sld [smem:$0x3FFE];
	_ =	sdelay $0x1  }
0x8a: {  	s1 =	srdreg.scid  }
0x8b: {  	s0 =	sand.u32 $0x1, s1  }
0x8c: {  	s17 =	sshll.u32 s0, $0xA;
	s2 =	sadd.s32 s3, s2  }
0x8d: {  	s2 =	sadd.s32 s2, s17  }
0x8e: {  	[smem:$0x3FC6] =	sst s2  }
0x8f: {  	_ = 	snop  }
0x90: {  	s2 =	sld [smem:$0x3FD0];
	(tm) =	ssettm $0x1  }
0x91: {  	s18 =	sld [smem:$0x3FFB];
	_ =	sdelay $0x3  }
0x92: {  	_ =	strace s18  }
0x93: {  	s3 =	sld [smem:$0x3FFC];
	_ =	sdelay $0x3  }
0x94: {  	_ =	strace s3  }
0x95: {  	s3 =	sld [smem:$0x3FFD];
	_ =	sdelay $0x3  }
0x96: {  	_ =	strace s3  }
0x97: {  	_ =	strace $0x8FFFFFFF  }
0x98: {  	s19 =	sld [smem:$0x3FDB];
	_ =	sdelay $0x1  }
0x99: {  	s4 =	simm.s32 $_scs_section_size  }
0x9a: {  	s5 =	simm.s32 $_size__tile_overlayer_lowered;
	s6 =	simm.s32 $_tile_overlayer_lowered  }
0x9b: {  	s22 =	simm.s32 $0x1BFF;
	s21 =	sshll.u32 s6, $0x1;
	s3 =	sadd.s32 s4, s19  }
0x9c: {  	s7 =	simm.s32 $0x0;
	s20 =	sshll.u32 s5, $0x1;
	s5 =	sadd.s32 s21, s3  }
0x9d: {  	[timem:s7], [sflag:s22] =	dma.local [hbm:s5], s20  }
0x9e: {  	_ =	swait.ge [sflag:s22], s20  }
0x9f: {  	s4 =	ssub.s32 $0x0, s20;
	[sflag:s22] =	ssyncset.done $0x0  }
0xa0: {  	[sflag:s22] =	ssyncadd.s32 s4;
	_ =	sdelay $0x1  }
0xa1: {  	s23 =	simm.s32 $0x1B8B  }
0xa2: {  	_ =	swait.ge [sflag:s23], $0x1  }
0xa3: {  	[sflag:s23] =	ssyncset.done $0x0  }
0xa4: {  	s25 =	simm.s32 $0x1B8E;
	s24 =	sld [smem:$0x3FFE];
	[sflag:s23] =	ssyncadd.s32 $0xFFFFFFFF  }
0xa5: {  	s26 =	simm.s32 $execute0_lowered;
	[smem:$0x3FD2] =	sst s25  }
0xa6: {  	s5 =	sshll.u32 s26, $0x1;
	_ =	strace $0x80000046;
	[dreg:$0x1] =	wrdreg $0xFFFFFFFF  }
0xa7: {  	s28 =	simm.s32 $_size_execute0_lowered;
	s3 =	sadd.s32 s3, s5;
	[dreg:$0x0] =	wrdreg $0x0  }
0xa8: {  	s5 =	sshll.u32 s28, $0x1;
	[dreg:$0x2] =	wrdreg s3  }
0xa9: {  	[dreg:$0x3] =	wrdreg s5  }
0xaa: {  	[dreg:$0x4] =	wrdreg $0xC0  }
0xab: {  	_ =	task [dreg:s7], $0x5FFFF  }
0xac: {  	[dreg:$0x1] =	wrdreg $0xFFFFFFFF  }
0xad: {  	[dreg:$0x0] =	wrdreg $0x60  }
0xae: {  	[dreg:$0x2] =	wrdreg s2  }
0xaf: {  	[dreg:$0x3] =	wrdreg s24  }
0xb0: {  	[dreg:$0x4] =	wrdreg $0x1D800  }
0xb1: {  	[dreg:$0x5] =	wrdreg $0x9  }
0xb2: {  	_ =	task.clear_ibuf [dreg:s7], $0x6FFFF;
	_ =	strace $0x90000046  }
0xb3: {  	s29 =	simm.s32 $0x9;
	_ =	strace $0x80000048  }
0xb4: {  	_ =	swait.ge [sflag:s29], $0x1  }
0xb5: {  	[sflag:s29] =	ssyncadd.s32 $0xFFFFFFFF  }
0xb6: {  	_ =	strace $0x90000048  }
0xb7: {  	_ =	sfence  }
0xb8: {  	s30 =	sld [smem:$0x0];
	_ =	sdelay $0x2  }
0xb9: {  	s31 =	sshll.u32 s1, $0xD;
	s1 =	sshrl.u32 s1, $0x2  }
0xba: {  	s3 =	sand.u32 $0x4000, s31;
	s1 =	sadd.s32 s1, s30  }
0xbb: {  	s0 =	sor.u32 s3, s0;
	s1 =	sshll.u32 s1, $0x11  }
0xbc: {  	s0 =	sor.u32 s1, s0  }
0xbd: {  	s0 =	sadd.s32 $0x8F2B, s0  }
0xbe: {  	[sflag:s0] =	ssyncadd.remote.s32 $0x1  }
0xbf: {  	_ =	sfence.sel $0xFFFF  }
0xc0: {  	[dreg:$0x0] =	wrdreg $0xFFFFFFFF;
	(pc) =	sbr.abs _section_cstart, $3  }
0xc1: {  	[dreg:$0x1] =	wrdreg $0xFFFFFFFF  }
0xc2: {  	_ =	task.clear_ibuf [dreg:s7], $0x2FFFF;
	_ =	strace $0x9FFFFFFF  }
0xc3: {  	(tm) =	ssettm $0x7FFFFFFF  }
tec
execute0_lowered:
.L_overlay_start_1:
0x0: {  	(tag) =	ssettag $0x1  }
0x1: {  	s4 =	rddreg [dreg:$0x0]  }
0x2: {  	s5 =	rddreg [dreg:$0x1]  }
0x3: {  	s2 =	rddreg [dreg:$0x2]  }
0x4: {  	s0 =	rddreg [dreg:$0x3]  }
0x5: {  	s3 =	srdreg.scid;
	s1 =	stileid.u32  }
0x6: {  	s10 =	simm.s32 $0x1;
	s11 =	simm.s32 $0x80;
	s12 =	simm.s32 $0x1800  }
0x7: {  	s13 =	simm.s32 $0x1B00;
	s14 =	simm.s32 $0x100;
	s15 =	simm.s32 $0x0  }
0x8: {  	s6 =	sand.u32 $0x1, s3;
	s7 =	smul.u32 $0x500, s1;
	s8 =	sshll.u32 s1, $0x1  }
0x9: {  	s3 =	simm.s32 $0x0;
	s28 =	smul.u32 $0xA00, s1;
	s9 =	sshll.u32 s6, $0x7  }
0xa: {  	s8 =	sor.u32 s6, s8;
	[smem:$0x7FF] =	sst s3;
	s29 =	ssub.s32 $0x2, s6  }
0xb: {  	s7 =	sor.u32 s9, s7;
	s8 =	smul.u32 $0x3000, s8;
	_ =	strace $0x80000047  }
0xc: {  	s31 =	sshrl.u32 s29, $0x1;
	s9 =	sshrl.u32 s28, $0x2;
	s7 =	sshrl.u32 s7, $0x3  }
0xd: {  	s7 =	sadd.s32 s7, s5;
	s30 =	sshrl.u32 s8, $0x3;
	s8 =	ssub.s32 s29, s31  }
0xe: {  	s5 =	sadd.s32 s9, s2;
	s9 =	simm.s32 $0x1880;
	s4 =	sadd.s32 s4, s30  }
0xf: {  	v0 =	vimm.f32 $1.000000000e+00;
	v1 =	vimm.f32 $0.0e+00;
	s7 =	sadd.s32 $0x1C00, s7;
	s8 =	smax.u32 s8, $0x1;
	s6 =	sadd.s32 $0x300, s4  }
.LBB2_1:
0x10: {  	[tilespmem:$0x1800] =	vst v0  }
0x11: {  	[tilespmem:$0x1810] =	vst v0  }
0x12: {  	[tilespmem:$0x1820] =	vst v0  }
0x13: {  	[tilespmem:$0x1830] =	vst v0  }
0x14: {  	[tilespmem:$0x1840] =	vst v0  }
0x15: {  	[tilespmem:$0x1850] =	vst v0  }
0x16: {  	[tilespmem:$0x1860] =	vst v0  }
0x17: {  	[tilespmem:$0x1870] =	vst v0  }
0x18: {  	[tilespmem:$0x1880] =	vst v1  }
0x19: {  	[tilespmem:$0x1890] =	vst v1  }
0x1a: {  	[tilespmem:$0x18A0] =	vst v1  }
0x1b: {  	[tilespmem:$0x18B0] =	vst v1  }
0x1c: {  	[tilespmem:$0x18C0] =	vst v1  }
0x1d: {  	[tilespmem:$0x18D0] =	vst v1  }
0x1e: {  	[tilespmem:$0x18E0] =	vst v1  }
0x1f: {  	[tilespmem:$0x18F0] =	vst v1  }
0x20: {  	[tilespmem:$0x1900] =	vst v1  }
0x21: {  	[tilespmem:$0x1910] =	vst v1  }
0x22: {  	[tilespmem:$0x1920] =	vst v1  }
0x23: {  	[tilespmem:$0x1930] =	vst v1  }
0x24: {  	[tilespmem:$0x1940] =	vst v1  }
0x25: {  	[tilespmem:$0x1950] =	vst v1  }
0x26: {  	[tilespmem:$0x1960] =	vst v1  }
0x27: {  	[tilespmem:$0x1970] =	vst v1  }
0x28: {  	[tilespmem:$0x1980] =	vst v1  }
0x29: {  	[tilespmem:$0x1990] =	vst v1  }
0x2a: {  	[tilespmem:$0x19A0] =	vst v1  }
0x2b: {  	[tilespmem:$0x19B0] =	vst v1  }
0x2c: {  	[tilespmem:$0x19C0] =	vst v1  }
0x2d: {  	[tilespmem:$0x19D0] =	vst v1  }
0x2e: {  	[tilespmem:$0x19E0] =	vst v1  }
0x2f: {  	[tilespmem:$0x19F0] =	vst v1  }
0x30: {  	[tilespmem:$0x1A00] =	vst v1  }
0x31: {  	[tilespmem:$0x1A10] =	vst v1  }
0x32: {  	[tilespmem:$0x1A20] =	vst v1  }
0x33: {  	[tilespmem:$0x1A30] =	vst v1  }
0x34: {  	[tilespmem:$0x1A40] =	vst v1  }
0x35: {  	[tilespmem:$0x1A50] =	vst v1  }
0x36: {  	[tilespmem:$0x1A60] =	vst v1  }
0x37: {  	[tilespmem:$0x1A70] =	vst v1  }
0x38: {  	[tilespmem:$0x1A80] =	vst v1  }
0x39: {  	[tilespmem:$0x1A90] =	vst v1  }
0x3a: {  	[tilespmem:$0x1AA0] =	vst v1  }
0x3b: {  	[tilespmem:$0x1AB0] =	vst v1  }
0x3c: {  	[tilespmem:$0x1AC0] =	vst v1  }
0x3d: {  	[tilespmem:$0x1AD0] =	vst v1  }
0x3e: {  	[tilespmem:$0x1AE0] =	vst v1  }
0x3f: {  	[tilespmem:$0x1AF0] =	vst v1  }
0x40: {  	[spmem:s5] =	stream.linear.scatter [tilespmem:s9], [sflag:$0x1], $0x280, $0x38;
	[tilespmem:$0x2000] =	vst v63  }
0x41: {  	_ =	swait.ge [sflag:s10], $0x280  }
0x42: {  	[sflag:s10] =	ssyncset.done $0x0  }
0x43: {  	[sflag:s10] =	ssyncadd.s32 $0xFFFFFD80  }
0x44: {  	[bflag:$0x0] =	sbarrier.arrive $0xFFFF  }
0x45: {  	[tilespmem:s3], [sflag:$0x1] =	stream.linear.gather [hbm4b:s4+s3], $0x1500, $0x38;
	[tilespmem:$0x2000] =	vst v63  }
0x46: {  	_ =	swait.ge [sflag:s10], $0x1500  }
0x47: {  	[sflag:s10] =	ssyncset.done $0x0  }
0x48: {  	s16 =	simm.s32 $0x0;
	[sflag:s10] =	ssyncadd.s32 $0xFFFFEB00  }
0x49: {  	[spmem:s2] =	stream.indirect.scatter.add.f32 [tilespmem:s12], [sflag:$0x1], $0x1, s16, s11, $0xb8;
	[tilespmem:$0x2000] =	vst v63  }
0x4a: {  	_ =	swait.ge [sflag:s10], $0x80  }
0x4b: {  	s16 =	simm.s32 $0x200;
	[sflag:s10] =	ssyncset.done $0x0  }
.LBB2_2:
0x4c: {  	s17 =	sshra.s32 s16, $0x2;
	[sflag:s10] =	ssyncadd.s32 $0xFFFFFF80;
	p0 =	sne.s32 s16, $0x5200  }
0x4d: {  	[spmem:s2] =	stream.indirect.scatter.add.f32 [tilespmem:s12], [sflag:$0x1], $0x1, s17, s11, $0xb8;
	[tilespmem:$0x2000] =	vst v63  }
.Ltmp0:
0x4e: {  	_ = 	snop;
	(pc) =	sbr.rel @p0 .LBB2_2-.Ltmp0, $4  }
0x4f: {  	_ = 	snop  }
0x50: {  	s16 =	sadd.s32 $0x200, s16  }
0x51: {  	_ =	swait.ge [sflag:s10], $0x80  }
0x52: {  	[sflag:s10] =	ssyncset.done $0x0  }
0x53: {  	[sflag:s10] =	ssyncadd.s32 $0xFFFFFF80;
	s16 =	simm.s32 $0x0  }
0x54: {  	[tilespmem:s16], [sflag:$0x1] =	stream.linear.gather [hbm4b:s6+s16], $0x1500, $0x38;
	[tilespmem:$0x2000] =	vst v63  }
0x55: {  	_ =	swait.ge [sflag:s10], $0x1500  }
0x56: {  	[sflag:s10] =	ssyncset.done $0x0  }
0x57: {  	s31 =	simm.s32 $0x0;
	[sflag:s10] =	ssyncadd.s32 $0xFFFFEB00  }
0x58: {  	[spmem:s2] =	stream.indirect.scatter.add.f32 [tilespmem:s12], [sflag:$0x1], $0x1, s31, s11, $0xb8;
	[tilespmem:$0x2000] =	vst v63  }
0x59: {  	_ =	swait.ge [sflag:s10], $0x80  }
0x5a: {  	s16 =	simm.s32 $0x200;
	[sflag:s10] =	ssyncset.done $0x0  }
.LBB2_4:
0x5b: {  	s17 =	sshra.s32 s16, $0x2;
	[sflag:s10] =	ssyncadd.s32 $0xFFFFFF80;
	p0 =	sne.s32 s16, $0x5200  }
0x5c: {  	[spmem:s2] =	stream.indirect.scatter.add.f32 [tilespmem:s12], [sflag:$0x1], $0x1, s17, s11, $0xb8;
	[tilespmem:$0x2000] =	vst v63  }
.Ltmp1:
0x5d: {  	_ = 	snop;
	(pc) =	sbr.rel @p0 .LBB2_4-.Ltmp1, $4  }
0x5e: {  	_ = 	snop  }
0x5f: {  	s16 =	sadd.s32 $0x200, s16  }
0x60: {  	_ =	swait.ge [sflag:s10], $0x80  }
0x61: {  	[sflag:s10] =	ssyncset.done $0x0  }
0x62: {  	[sflag:s10] =	ssyncadd.s32 $0xFFFFFF80  }
0x63: {  	[bflag:$0x0] =	sbarrier.arrive $0xFFFF  }
0x64: {  	[tilespmem:s13], [sflag:$0x1] =	stream.linear.gather [spmem:s5], $0x280, $0x38;
	[tilespmem:$0x2000] =	vst v63  }
0x65: {  	s15 =	sadd.s32 $0x1, s15;
	_ =	swait.ge [sflag:s10], $0x280  }
0x66: {  	p0 =	sne.s32 s15, s8;
	[sflag:s10] =	ssyncset.done $0x0  }
.Ltmp2:
0x67: {  	[sflag:s10] =	ssyncadd.s32 $0xFFFFFD80;
	(pc) =	sbr.rel @p0 .LBB2_1-.Ltmp2, $4  }
0x68: {  	[hbm4b:s7+s11] =	stream.strided.scatter [tilespmem:s13], [sflag:$0x1], $0x280, s14, s11, $0x38;
	[tilespmem:$0x2000] =	vst v63  }
0x69: {  	_ =	swait.ge [sflag:s10], $0x280  }
0x6a: {  	[sflag:s10] =	ssyncset.done $0x0  }
0x6b: {  	[sflag:s10] =	ssyncadd.s32 $0xFFFFFD80  }
0x6c: {  	_ =	sfence.sel $0x180000  }
0x6d: {  	[bflag:$0x0] =	sbarrier.arrive $0xFFFF  }
0x6e: {  	p0 =	sne.s32 s1, $0x0;
	_ =	strace $0x90000047  }
0x6f: {  	s0 =	sadd.s32 @!p0 $0x100000, s0;
	[bflag:$0x2] =	sbarrier.arrive $0xFFFF  }
0x70: {  	[sflag:s0] =	ssyncadd.tile.s32 @!p0 $0x1;
	_ =	shalt  }
.Lfunc_end2:
_tile_overlayer_lowered:
.L_overlay_start_2:
0x71: {  	(tag) =	ssettag $0x2  }
0x72: {  	s0 =	rddreg [dreg:$0x0];
	s2 =	stileid.u32  }
0x73: {  	s1 =	rddreg [dreg:$0x1];
	p0 =	sne.s32 s2, $0x0  }
0x74: {  	s3 =	rddreg [dreg:$0x2];
	[bflag:$0x3] =	sbarrier.arrive $0xFFFF;
	s2 =	simm.s32 @!p0 $0x1C01  }
0x75: {  	[timem:s3], [sflag:s2] =	dma.local @!p0 [hbm:s0], s1  }
0x76: {  	s0 =	simm.s32 @!p0 $0x1  }
0x77: {  	_ =	swait.ge @!p0 [sflag:s0], s1  }
0x78: {  	s1 =	ssub.s32 @!p0 $0x0, s1;
	[sflag:s0] =	ssyncset.done @!p0 $0x0  }
0x79: {  	[sflag:s0] =	ssyncadd.s32 @!p0 s1  }
0x7a: {  	[bflag:$0x3] =	sbarrier.arrive $0xFFFF  }
0x7b: {  	_ =	shalt  }

// kernel: kernel.13.cloned.1.call-start
scs
__scs_entry_jumppad:
0x0: {  	(pc) =	sbr.rel $0x88, $3  }
0x1: {  	(tag) =	ssettag $0x0;
	lr =	simm.s32 $0x1  }
0x2: {  	[smem:$0x3F9F] =	sst lr;
	_ =	strace $0xD0000000  }
0x3: {  	_ = 	snop  }
0x4: {  	_ = 	snop  }
0x5: {  	_ = 	snop  }
0x6: {  	_ = 	snop  }
0x7: {  	_ = 	snop  }
__scs_overlays_trampoline_lowered:
0x8: {  	[smem:$0x3FAE] =	sst s0  }
0x9: {  	[smem:$0x3FAF] =	sst s1  }
0xa: {  	[smem:$0x3FB0] =	sst s2  }
0xb: {  	[smem:$0x3FB1] =	sst s3  }
0xc: {  	[smem:$0x3FB2] =	sst s4  }
0xd: {  	[smem:$0x3FB3] =	sst s5  }
0xe: {  	[smem:$0x3FB4] =	sst s6  }
0xf: {  	[smem:$0x3FB5] =	sst s7  }
0x10: {  	[smem:$0x3FB6] =	sst s8  }
0x11: {  	[smem:$0x3FB7] =	sst s9;
	s0 =	simm.s32 @!p0 $0x0  }
0x12: {  	s1 =	sld [smem:$0x3F9D];
	s0 =	simm.s32 @p0 $0x1  }
0x13: {  	[smem:$0x3FB8] =	sst s0;
	s0 =	simm.s32 @!p1 $0x0  }
0x14: {  	s2 =	sld [smem:$0x3F9C];
	s0 =	simm.s32 @p1 $0x1  }
0x15: {  	[smem:$0x3FB9] =	sst s0;
	s0 =	simm.s32 @!p2 $0x0  }
0x16: {  	s3 =	sld [smem:$0x3FDB];
	s0 =	simm.s32 @p2 $0x1  }
0x17: {  	s4 =	simm.s32 $0x1BF5;
	[smem:$0x3FBB] =	sst s0  }
0x18: {  	s0 =	sld [smem:$0x3F9E];
	_ =	swait.ge [sflag:s4], $0x0  }
0x19: {  	s7 =	sld [smem:$0x3F9F]  }
0x1a: {  	s8 =	sadd.s32 $0xFFFFE003, lr  }
0x1b: {  	s9 =	sadd.s32 $0xFFFFFEF7, lr;
	s5 =	simm.s32 $0xFFFFFFFF;
	p2 =	slt.u32 s8, $0xFFFFF086  }
0x1c: {  	p1 =	slt.u32 s9, $0xF7A;
	s5 =	simm.s32 @!p2 $0x0  }
0x1d: {  	s5 =	simm.s32 @p1 $0x1;
	p0 =	seq.s32 s7, s2  }
0x1e: {  	s7 =	smul.u32 @!p0 $0xF7A, s2;
	p2 =	seq.s32 @!p0 s5, $0x0  }
0x1f: {  	s9 =	smul.u32 $0xF7A, s1;
	s8 =	simm.s32 @!p0 $0x1BF5;
	p2 =	por !p2, p0  }
0x20: {  	[sflag:s8] =	ssyncset.s32 @!p0 $0xFFFFF086;
	s6 =	sadd.s32 @!p0 s3, s7;
	s7 =	simm.s32 @!p0 $0x108  }
0x21: {  	s3 =	sadd.s32 s3, s9;
	s6 =	sadd.s32 @!p0 $0x88, s6;
	s7 =	simm.s32 @p2 $0x1082  }
0x22: {  	[simem:s7], [sflag:s8] =	dma.local @!p0 [hbm:s6], $0xF7A  }
0x23: {  	s9 =	sor.u32 $0xD0000000, s2;
	s6 =	simm.s32 $0x108;
	_ =	swait.ge @!p0 [sflag:s8], $0x0  }
0x24: {  	s3 =	sadd.s32 $0x88, s3;
	s6 =	simm.s32 @!p1 $0x1082;
	[sflag:s4] =	ssyncset.s32 $0xFFFFF086  }
0x25: {  	[simem:s6], [sflag:s4] =	dma.local [hbm:s3], $0xF7A  }
0x26: {  	[smem:$0x3F9F] =	sst s1;
	(tag) =	ssettag s2;
	_ =	strace s9  }
0x27: {  	s1 =	sld [smem:$0x3FAF]  }
0x28: {  	s2 =	sld [smem:$0x3FB0]  }
0x29: {  	s4 =	sld [smem:$0x3FB2]  }
0x2a: {  	p0 =	seq.s32 s5, $0x0;
	s5 =	sld [smem:$0x3FB3]  }
0x2b: {  	s6 =	sld [smem:$0x3FB4]  }
0x2c: {  	s7 =	sld [smem:$0x3FB5]  }
0x2d: {  	s3 =	simm.s32 $0x108;
	s8 =	sld [smem:$0x3FB6]  }
0x2e: {  	s3 =	simm.s32 @!p0 $0x1082;
	s9 =	sld [smem:$0x3FB7]  }
0x2f: {  	lr =	sadd.s32 s0, s3;
	s0 =	sld [smem:$0x3FAE]  }
0x30: {  	s3 =	sld [smem:$0x3FB1]  }
0x31: {  	[smem:$0x3FBA] =	sst s10  }
0x32: {  	s10 =	sld [smem:$0x3FB8];
	_ =	sdelay $0x3  }
0x33: {  	p0 =	seq.s32 s10, $0x1;
	s10 =	sld [smem:$0x3FBA];
	_ =	sdelay $0x3  }
0x34: {  	[smem:$0x3FBA] =	sst s10  }
0x35: {  	s10 =	sld [smem:$0x3FB9];
	_ =	sdelay $0x3  }
0x36: {  	p1 =	seq.s32 s10, $0x1;
	s10 =	sld [smem:$0x3FBA];
	_ =	sdelay $0x3  }
0x37: {  	[smem:$0x3FBA] =	sst s10  }
0x38: {  	s10 =	sld [smem:$0x3FBB]  }
0x39: {  	_ = 	snop;
	(pc) =	sbr.ind lr, $3  }
0x3a: {  	_ = 	snop  }
0x3b: {  	_ = 	snop  }
0x3c: {  	p2 =	seq.s32 s10, $0x1;
	s10 =	sld [smem:$0x3FBA]  }
0x3d: {  	_ =	shalt  }
0x3e: {  	_ =	shalt  }
0x3f: {  	_ =	shalt  }
0x40: {  	_ =	shalt  }
0x41: {  	_ =	shalt  }
0x42: {  	_ =	shalt  }
0x43: {  	_ =	shalt  }
0x44: {  	_ =	shalt  }
0x45: {  	_ =	shalt  }
0x46: {  	_ =	shalt  }
0x47: {  	_ =	shalt  }
0x48: {  	_ =	shalt  }
0x49: {  	_ =	shalt  }
0x4a: {  	_ =	shalt  }
0x4b: {  	_ =	shalt  }
0x4c: {  	_ =	shalt  }
0x4d: {  	_ =	shalt  }
0x4e: {  	_ =	shalt  }
0x4f: {  	_ =	shalt  }
0x50: {  	_ =	shalt  }
0x51: {  	_ =	shalt  }
0x52: {  	_ =	shalt  }
0x53: {  	_ =	shalt  }
0x54: {  	_ =	shalt  }
0x55: {  	_ =	shalt  }
0x56: {  	_ =	shalt  }
0x57: {  	_ =	shalt  }
0x58: {  	_ =	shalt  }
0x59: {  	_ =	shalt  }
0x5a: {  	_ =	shalt  }
0x5b: {  	_ =	shalt  }
0x5c: {  	_ =	shalt  }
0x5d: {  	_ =	shalt  }
0x5e: {  	_ =	shalt  }
0x5f: {  	_ =	shalt  }
0x60: {  	_ =	shalt  }
0x61: {  	_ =	shalt  }
0x62: {  	_ =	shalt  }
0x63: {  	_ =	shalt  }
0x64: {  	_ =	shalt  }
0x65: {  	_ =	shalt  }
0x66: {  	_ =	shalt  }
0x67: {  	_ =	shalt  }
0x68: {  	_ =	shalt  }
0x69: {  	_ =	shalt  }
0x6a: {  	_ =	shalt  }
0x6b: {  	_ =	shalt  }
0x6c: {  	_ =	shalt  }
0x6d: {  	_ =	shalt  }
0x6e: {  	_ =	shalt  }
0x6f: {  	_ =	shalt  }
0x70: {  	_ =	shalt  }
0x71: {  	_ =	shalt  }
0x72: {  	_ =	shalt  }
0x73: {  	_ =	shalt  }
0x74: {  	_ =	shalt  }
0x75: {  	_ =	shalt  }
0x76: {  	_ =	shalt  }
0x77: {  	_ =	shalt  }
0x78: {  	_ =	shalt  }
0x79: {  	_ =	shalt  }
0x7a: {  	_ =	shalt  }
0x7b: {  	_ =	shalt  }
0x7c: {  	_ =	shalt  }
0x7d: {  	_ =	shalt  }
0x7e: {  	_ =	shalt  }
0x7f: {  	_ =	shalt  }
0x80: {  	_ =	shalt  }
0x81: {  	_ =	shalt  }
0x82: {  	_ =	shalt  }
0x83: {  	_ =	shalt  }
0x84: {  	_ =	shalt  }
0x85: {  	_ =	shalt  }
0x86: {  	_ =	shalt  }
0x87: {  	_ =	shalt  }
.Lfunc_end0:
.L_simem_size_0:
called_computation.1_lowered:
.L_overlay_start_0:
0x88: {  	s2 =	sld [smem:$0x3FD9]  }
0x89: {  	s3 =	sld [smem:$0x3FFE];
	_ =	sdelay $0x1  }
0x8a: {  	s1 =	srdreg.scid  }
0x8b: {  	s0 =	sand.u32 $0x1, s1  }
0x8c: {  	s17 =	sshll.u32 s0, $0xA;
	s2 =	sadd.s32 s3, s2  }
0x8d: {  	s2 =	sadd.s32 s2, s17  }
0x8e: {  	[smem:$0x3FC6] =	sst s2  }
0x8f: {  	_ = 	snop  }
0x90: {  	s2 =	sld [smem:$0x3FD0];
	(tm) =	ssettm $0x1  }
0x91: {  	s18 =	sld [smem:$0x3FFB];
	_ =	sdelay $0x3  }
0x92: {  	_ =	strace s18  }
0x93: {  	s3 =	sld [smem:$0x3FFC];
	_ =	sdelay $0x3  }
0x94: {  	_ =	strace s3  }
0x95: {  	s3 =	sld [smem:$0x3FFD];
	_ =	sdelay $0x3  }
0x96: {  	_ =	strace s3  }
0x97: {  	_ =	strace $0x8FFFFFFF  }
0x98: {  	s19 =	sld [smem:$0x3FDB];
	_ =	sdelay $0x1  }
0x99: {  	s4 =	simm.s32 $_scs_section_size  }
0x9a: {  	s5 =	simm.s32 $_size__tile_overlayer_lowered;
	s6 =	simm.s32 $_tile_overlayer_lowered  }
0x9b: {  	s22 =	simm.s32 $0x1BFF;
	s21 =	sshll.u32 s6, $0x1;
	s3 =	sadd.s32 s4, s19  }
0x9c: {  	s7 =	simm.s32 $0x0;
	s20 =	sshll.u32 s5, $0x1;
	s5 =	sadd.s32 s21, s3  }
0x9d: {  	[timem:s7], [sflag:s22] =	dma.local [hbm:s5], s20  }
0x9e: {  	_ =	swait.ge [sflag:s22], s20  }
0x9f: {  	s4 =	ssub.s32 $0x0, s20;
	[sflag:s22] =	ssyncset.done $0x0  }
0xa0: {  	[sflag:s22] =	ssyncadd.s32 s4;
	_ =	sdelay $0x1  }
0xa1: {  	s23 =	simm.s32 $0x1B8B  }
0xa2: {  	_ =	swait.ge [sflag:s23], $0x1  }
0xa3: {  	[sflag:s23] =	ssyncset.done $0x0  }
0xa4: {  	s25 =	simm.s32 $0x1B8E;
	s24 =	sld [smem:$0x3FFE];
	[sflag:s23] =	ssyncadd.s32 $0xFFFFFFFF  }
0xa5: {  	s26 =	simm.s32 $execute0_lowered;
	[smem:$0x3FD2] =	sst s25  }
0xa6: {  	s5 =	sshll.u32 s26, $0x1;
	_ =	strace $0x80000049;
	[dreg:$0x1] =	wrdreg $0xFFFFFFFF  }
0xa7: {  	s28 =	simm.s32 $_size_execute0_lowered;
	s3 =	sadd.s32 s3, s5;
	[dreg:$0x0] =	wrdreg $0x0  }
0xa8: {  	s5 =	sshll.u32 s28, $0x1;
	[dreg:$0x2] =	wrdreg s3  }
0xa9: {  	[dreg:$0x3] =	wrdreg s5  }
0xaa: {  	[dreg:$0x4] =	wrdreg $0xC0  }
0xab: {  	_ =	task [dreg:s7], $0x5FFFF  }
0xac: {  	[dreg:$0x1] =	wrdreg $0xFFFFFFFF  }
0xad: {  	[dreg:$0x0] =	wrdreg $0x60  }
0xae: {  	[dreg:$0x2] =	wrdreg s24  }
0xaf: {  	[dreg:$0x3] =	wrdreg s2  }
0xb0: {  	[dreg:$0x4] =	wrdreg $0xB0000  }
0xb1: {  	[dreg:$0x5] =	wrdreg $0x9  }
0xb2: {  	_ =	task.clear_ibuf [dreg:s7], $0x6FFFF;
	_ =	strace $0x90000049  }
0xb3: {  	s29 =	simm.s32 $0x9;
	_ =	strace $0x8000004B  }
0xb4: {  	_ =	swait.ge [sflag:s29], $0x1  }
0xb5: {  	[sflag:s29] =	ssyncadd.s32 $0xFFFFFFFF  }
0xb6: {  	_ =	strace $0x9000004B  }
0xb7: {  	_ =	sfence  }
0xb8: {  	s30 =	sld [smem:$0x0];
	_ =	sdelay $0x2  }
0xb9: {  	s31 =	sshll.u32 s1, $0xD;
	s1 =	sshrl.u32 s1, $0x2  }
0xba: {  	s3 =	sand.u32 $0x4000, s31;
	s1 =	sadd.s32 s1, s30  }
0xbb: {  	s0 =	sor.u32 s3, s0;
	s1 =	sshll.u32 s1, $0x11  }
0xbc: {  	s0 =	sor.u32 s1, s0  }
0xbd: {  	s0 =	sadd.s32 $0x8F2B, s0  }
0xbe: {  	[sflag:s0] =	ssyncadd.remote.s32 $0x1  }
0xbf: {  	_ =	sfence.sel $0xFFFF  }
0xc0: {  	[dreg:$0x0] =	wrdreg $0xFFFFFFFF;
	(pc) =	sbr.abs _section_cstart, $3  }
0xc1: {  	[dreg:$0x1] =	wrdreg $0xFFFFFFFF  }
0xc2: {  	_ =	task.clear_ibuf [dreg:s7], $0x2FFFF;
	_ =	strace $0x9FFFFFFF  }
0xc3: {  	(tm) =	ssettm $0x7FFFFFFF  }
tec
execute0_lowered:
.L_overlay_start_1:
0x0: {  	(tag) =	ssettag $0x1  }
0x1: {  	s0 =	rddreg [dreg:$0x0]  }
0x2: {  	s3 =	rddreg [dreg:$0x1]  }
0x3: {  	s1 =	rddreg [dreg:$0x2];
	s2 =	simm.s32 $0x0;
	s5 =	srdreg.scid  }
0x4: {  	s8 =	stileid.u32;
	s28 =	simm.s32 $0x1480;
	s29 =	simm.s32 $0x2C00  }
0x5: {  	s30 =	simm.s32 $0x2C80;
	s31 =	simm.s32 $0x0;
	[smem:$0x7FF] =	sst s2  }
0x6: {  	s4 =	sadd.s32 $0xE600, s0;
	s9 =	sand.u32 $0x1, s5;
	s6 =	smul.u32 $0x50000, s8  }
0x7: {  	s12 =	sadd.s32 $0x2600, s0;
	s0 =	sadd.s32 $0x36600, s0;
	s13 =	smul.u32 $0x14000, s8  }
0x8: {  	s21 =	sshll.u32 s8, $0x1;
	_ =	strace $0x8000004A;
	s5 =	ssub.s32 $0x2, s9  }
0x9: {  	s22 =	sor.u32 s9, s21;
	s20 =	smul.u32 $0x140000, s9;
	s7 =	sshrl.u32 s5, $0x1  }
0xa: {  	s6 =	sshrl.u32 s6, $0x2;
	s14 =	sadd.s32 $0x4000, s13;
	s16 =	sadd.s32 $0x8000, s13  }
0xb: {  	s17 =	sadd.s32 $0xC000, s13;
	s10 =	smul.u32 $0x3000, s22;
	s18 =	sadd.s32 $0x10000, s13  }
0xc: {  	s19 =	ssub.s32 s5, s7;
	s5 =	sadd.s32 s6, s1;
	s6 =	sadd.s32 s14, s1  }
0xd: {  	s7 =	sadd.s32 s16, s1;
	s8 =	sadd.s32 s17, s1;
	s9 =	sadd.s32 s18, s1  }
0xe: {  	s13 =	sadd.s32 s13, s20;
	s14 =	sadd.s32 s20, s14;
	s23 =	sadd.s32 s20, s16  }
0xf: {  	s24 =	sadd.s32 s20, s17;
	s25 =	sadd.s32 s20, s18;
	s15 =	sshrl.u32 s10, $0x3  }
0x10: {  	s21 =	sshrl.u32 s13, $0x3;
	s22 =	sshrl.u32 s14, $0x3;
	s26 =	sshrl.u32 s24, $0x3  }
0x11: {  	s20 =	sshrl.u32 s25, $0x3;
	s19 =	smax.u32 s19, $0x1;
	s24 =	simm.s32 $0x1  }
0x12: {  	s25 =	simm.s32 $0x7000;
	s10 =	sadd.s32 s12, s15;
	s11 =	sadd.s32 s3, s15  }
0x13: {  	s15 =	sadd.s32 $0x300, s15;
	s14 =	sadd.s32 s0, s21;
	s17 =	sadd.s32 s0, s26  }
0x14: {  	s18 =	sadd.s32 s0, s20;
	s20 =	simm.s32 $0x3000;
	s21 =	simm.s32 $0x3  }
0x15: {  	s26 =	simm.s32 $0x2;
	[dreg:$0x4] =	wrdreg s10;
	s12 =	sadd.s32 s12, s15  }
0x16: {  	s13 =	sadd.s32 s3, s15;
	s15 =	sadd.s32 s0, s22;
	s3 =	sshrl.u32 s23, $0x3  }
0x17: {  	v0 =	vimm.f32 $0.0e+00;
	s22 =	simm.s32 $0x1800;
	s23 =	simm.s32 $0x80;
	s16 =	sadd.s32 s0, s3  }
.LBB2_1:
0x18: {  	s0 =	simm.s32 $0x0;
	s3 =	simm.s32 $0x200  }
.LBB2_2:
0x19: {  	p0 =	sne.s32 s3, $0xFE00;
	[tilespmem:s0+$0x3070] =	vst v0  }
0x1a: {  	[tilespmem:s0+$0x3000] =	vst v0  }
0x1b: {  	[tilespmem:s0+$0x3010] =	vst v0  }
.Ltmp0:
0x1c: {  	[tilespmem:s0+$0x3020] =	vst v0;
	(pc) =	sbr.rel @p0 .LBB2_2-.Ltmp0, $4  }
0x1d: {  	[tilespmem:s0+$0x3030] =	vst v0  }
0x1e: {  	[tilespmem:s0+$0x3040] =	vst v0  }
0x1f: {  	[tilespmem:s0+$0x3050] =	vst v0  }
0x20: {  	[tilespmem:s0+$0x3060] =	vst v0;
	s0 =	sshra.s32 s3, $0x2;
	s3 =	sadd.s32 $0x200, s3  }
0x21: {  	[tilespmem:s0+$0x3070] =	vst v0  }
0x22: {  	[tilespmem:s0+$0x3000] =	vst v0  }
0x23: {  	[tilespmem:s0+$0x3010] =	vst v0  }
0x24: {  	[tilespmem:s0+$0x3020] =	vst v0  }
0x25: {  	[tilespmem:s0+$0x3030] =	vst v0  }
0x26: {  	[tilespmem:s0+$0x3040] =	vst v0  }
0x27: {  	[tilespmem:s0+$0x3050] =	vst v0  }
0x28: {  	[tilespmem:s0+$0x3060] =	vst v0  }
0x29: {  	[spmem:s5] =	stream.linear.scatter [tilespmem:s20], [sflag:$0x3], $0x4000, $0x38;
	[tilespmem:$0x1F000] =	vst v63  }
0x2a: {  	_ =	swait.ge [sflag:s21], $0x4000  }
0x2b: {  	[sflag:s21] =	ssyncset.done $0x0  }
0x2c: {  	[sflag:s21] =	ssyncadd.s32 $0xFFFFC000  }
0x2d: {  	[spmem:s6] =	stream.linear.scatter [tilespmem:s20], [sflag:$0x3], $0x4000, $0x38;
	[tilespmem:$0x1F000] =	vst v63  }
0x2e: {  	_ =	swait.ge [sflag:s21], $0x4000  }
0x2f: {  	[sflag:s21] =	ssyncset.done $0x0  }
0x30: {  	[sflag:s21] =	ssyncadd.s32 $0xFFFFC000  }
0x31: {  	[spmem:s7] =	stream.linear.scatter [tilespmem:s20], [sflag:$0x3], $0x4000, $0x38;
	[tilespmem:$0x1F000] =	vst v63  }
0x32: {  	_ =	swait.ge [sflag:s21], $0x4000  }
0x33: {  	[sflag:s21] =	ssyncset.done $0x0  }
0x34: {  	[sflag:s21] =	ssyncadd.s32 $0xFFFFC000  }
0x35: {  	[spmem:s8] =	stream.linear.scatter [tilespmem:s20], [sflag:$0x3], $0x4000, $0x38;
	[tilespmem:$0x1F000] =	vst v63  }
0x36: {  	_ =	swait.ge [sflag:s21], $0x4000  }
0x37: {  	[sflag:s21] =	ssyncset.done $0x0  }
0x38: {  	[sflag:s21] =	ssyncadd.s32 $0xFFFFC000  }
0x39: {  	[spmem:s9] =	stream.linear.scatter [tilespmem:s20], [sflag:$0x3], $0x4000, $0x38;
	[tilespmem:$0x1F000] =	vst v63  }
0x3a: {  	_ =	swait.ge [sflag:s21], $0x4000  }
0x3b: {  	[sflag:s21] =	ssyncset.done $0x0  }
0x3c: {  	[sflag:s21] =	ssyncadd.s32 $0xFFFFC000  }
0x3d: {  	[bflag:$0x0] =	sbarrier.arrive $0xFFFF  }
0x3e: {  	s10 =	simm.s32 $0x0;
	s3 =	rddreg [dreg:$0x4]  }
0x3f: {  	[tilespmem:s10], [sflag:$0x3] =	stream.linear.gather [hbm4b:s3+s10], $0x1500, $0x38;
	[tilespmem:$0x1F000] =	vst v63  }
0x40: {  	_ =	swait.ge [sflag:s21], $0x1500  }
0x41: {  	[sflag:s21] =	ssyncset.done $0x0  }
0x42: {  	[sflag:s21] =	ssyncadd.s32 $0xFFFFEB00  }
0x43: {  	[tilespmem:s22], [sflag:$0x3] =	stream.linear.gather [hbm4b:s11+s10], $0x1500, $0x38;
	[tilespmem:$0x1F000] =	vst v63  }
0x44: {  	_ =	swait.ge [sflag:s21], $0x1500  }
0x45: {  	[sflag:s21] =	ssyncset.done $0x0  }
0x46: {  	[sflag:s21] =	ssyncadd.s32 $0xFFFFEB00  }
0x47: {  	[tilespmem:s20], [sflag:$0x1] =	stream.indirect.gather [hbm4b:s4+s23], $0x80, s10, s23, $0xb8;
	[tilespmem:$0x1F000] =	vst v63  }
0x48: {  	_ =	swait.ge [sflag:s24], $0x4000  }
0x49: {  	[sflag:s24] =	ssyncset.done $0x0  }
0x4a: {  	s3 =	simm.s32 $0x80;
	[sflag:s24] =	ssyncadd.s32 $0xFFFFC000  }
0x4b: {  	[tilespmem:s25], [sflag:$0x2] =	stream.indirect.gather [hbm4b:s4+s23], $0x80, s3, s23, $0xb8;
	[tilespmem:$0x1F000] =	vst v63  }
0x4c: {  	s10 =	simm.s32 $0x1800  }
0x4d: {  	[spmem:s1] =	stream.indirect.scatter.add.f32 [tilespmem:s20], [sflag:$0x3], $0x80, s10, s23, $0xb8;
	[tilespmem:$0x1F000] =	vst v63  }
0x4e: {  	_ =	swait.ge [sflag:s21], $0x4000  }
0x4f: {  	[sflag:s21] =	ssyncset.done $0x0  }
0x50: {  	[sflag:s21] =	ssyncadd.s32 $0xFFFFC000  }
0x51: {  	_ =	swait.ge [sflag:s26], $0x4000  }
0x52: {  	[sflag:s26] =	ssyncset.done $0x0  }
0x53: {  	s3 =	simm.s32 $0x100;
	[sflag:s26] =	ssyncadd.s32 $0xFFFFC000  }
0x54: {  	[tilespmem:s20], [sflag:$0x1] =	stream.indirect.gather [hbm4b:s4+s23], $0x80, s3, s23, $0xb8;
	[tilespmem:$0x1F000] =	vst v63  }
0x55: {  	s10 =	simm.s32 $0x1880  }
0x56: {  	[spmem:s1] =	stream.indirect.scatter.add.f32 [tilespmem:s25], [sflag:$0x3], $0x80, s10, s23, $0xb8;
	[tilespmem:$0x1F000] =	vst v63  }
0x57: {  	_ =	swait.ge [sflag:s21], $0x4000  }
0x58: {  	s0 =	simm.s32 $0x400;
	[sflag:s21] =	ssyncset.done $0x0  }
.LBB2_4:
0x59: {  	p0 =	sne.s32 s0, $0x4C00  }
0x5a: {  	[sflag:s21] =	ssyncadd.s32 $0xFFFFC000;
	s3 =	smov.u32 s0;
	s0 =	sadd.s32 $0x400, s0  }
0x5b: {  	_ = 	snop  }
0x5c: {  	_ =	swait.ge [sflag:s24], $0x4000  }
0x5d: {  	s3 =	sshra.s32 s3, $0x2;
	[sflag:s24] =	ssyncset.done $0x0  }
0x5e: {  	s10 =	sadd.s32 $0x80, s3;
	[sflag:s24] =	ssyncadd.s32 $0xFFFFC000  }
0x5f: {  	[tilespmem:s25], [sflag:$0x2] =	stream.indirect.gather [hbm4b:s4+s23], $0x80, s10, s23, $0xb8;
	[tilespmem:$0x1F000] =	vst v63  }
0x60: {  	s10 =	sadd.s32 $0x1800, s3  }
0x61: {  	[spmem:s1] =	stream.indirect.scatter.add.f32 [tilespmem:s20], [sflag:$0x3], $0x80, s10, s23, $0xb8;
	[tilespmem:$0x1F000] =	vst v63  }
0x62: {  	_ =	swait.ge [sflag:s21], $0x4000  }
0x63: {  	[sflag:s21] =	ssyncset.done $0x0  }
0x64: {  	[sflag:s21] =	ssyncadd.s32 $0xFFFFC000  }
0x65: {  	_ =	swait.ge [sflag:s26], $0x4000  }
0x66: {  	[sflag:s26] =	ssyncset.done $0x0  }
0x67: {  	s10 =	sadd.s32 $0x100, s3;
	[sflag:s26] =	ssyncadd.s32 $0xFFFFC000  }
0x68: {  	[tilespmem:s20], [sflag:$0x1] =	stream.indirect.gather [hbm4b:s4+s23], $0x80, s10, s23, $0xb8;
	[tilespmem:$0x1F000] =	vst v63  }
.Ltmp1:
0x69: {  	_ = 	snop;
	(pc) =	sbr.rel @p0 .LBB2_4-.Ltmp1, $4  }
0x6a: {  	s3 =	sadd.s32 $0x1880, s3  }
0x6b: {  	[spmem:s1] =	stream.indirect.scatter.add.f32 [tilespmem:s25], [sflag:$0x3], $0x80, s3, s23, $0xb8;
	[tilespmem:$0x1F000] =	vst v63  }
0x6c: {  	_ =	swait.ge [sflag:s21], $0x4000  }
0x6d: {  	[sflag:s21] =	ssyncset.done $0x0  }
0x6e: {  	[sflag:s21] =	ssyncadd.s32 $0xFFFFC000  }
0x6f: {  	_ =	swait.ge [sflag:s24], $0x4000  }
0x70: {  	[sflag:s24] =	ssyncset.done $0x0  }
0x71: {  	[sflag:s24] =	ssyncadd.s32 $0xFFFFC000  }
0x72: {  	[tilespmem:s25], [sflag:$0x2] =	stream.indirect.gather [hbm4b:s4+s23], $0x80, s28, s23, $0xb8;
	[tilespmem:$0x1F000] =	vst v63  }
0x73: {  	_ = 	snop  }
0x74: {  	[spmem:s1] =	stream.indirect.scatter.add.f32 [tilespmem:s20], [sflag:$0x3], $0x80, s29, s23, $0xb8;
	[tilespmem:$0x1F000] =	vst v63  }
0x75: {  	_ =	swait.ge [sflag:s21], $0x4000  }
0x76: {  	[sflag:s21] =	ssyncset.done $0x0  }
0x77: {  	[sflag:s21] =	ssyncadd.s32 $0xFFFFC000  }
0x78: {  	_ =	swait.ge [sflag:s26], $0x4000  }
0x79: {  	[sflag:s26] =	ssyncset.done $0x0  }
0x7a: {  	[sflag:s26] =	ssyncadd.s32 $0xFFFFC000  }
0x7b: {  	[spmem:s1] =	stream.indirect.scatter.add.f32 [tilespmem:s25], [sflag:$0x3], $0x80, s30, s23, $0xb8;
	[tilespmem:$0x1F000] =	vst v63  }
0x7c: {  	_ =	swait.ge [sflag:s21], $0x4000  }
0x7d: {  	[sflag:s21] =	ssyncset.done $0x0  }
0x7e: {  	s0 =	simm.s32 $0x0;
	[sflag:s21] =	ssyncadd.s32 $0xFFFFC000  }
0x7f: {  	[tilespmem:s0], [sflag:$0x3] =	stream.linear.gather [hbm4b:s12+s0], $0x1500, $0x38;
	[tilespmem:$0x1F000] =	vst v63  }
0x80: {  	_ =	swait.ge [sflag:s21], $0x1500  }
0x81: {  	[sflag:s21] =	ssyncset.done $0x0  }
0x82: {  	[sflag:s21] =	ssyncadd.s32 $0xFFFFEB00  }
0x83: {  	[tilespmem:s22], [sflag:$0x3] =	stream.linear.gather [hbm4b:s13+s0], $0x1500, $0x38;
	[tilespmem:$0x1F000] =	vst v63  }
0x84: {  	_ =	swait.ge [sflag:s21], $0x1500  }
0x85: {  	[sflag:s21] =	ssyncset.done $0x0  }
0x86: {  	[sflag:s21] =	ssyncadd.s32 $0xFFFFEB00  }
0x87: {  	[tilespmem:s20], [sflag:$0x1] =	stream.indirect.gather [hbm4b:s4+s23], $0x80, s0, s23, $0xb8;
	[tilespmem:$0x1F000] =	vst v63  }
0x88: {  	_ =	swait.ge [sflag:s24], $0x4000  }
0x89: {  	[sflag:s24] =	ssyncset.done $0x0  }
0x8a: {  	s3 =	simm.s32 $0x80;
	[sflag:s24] =	ssyncadd.s32 $0xFFFFC000  }
0x8b: {  	[tilespmem:s25], [sflag:$0x2] =	stream.indirect.gather [hbm4b:s4+s23], $0x80, s3, s23, $0xb8;
	[tilespmem:$0x1F000] =	vst v63  }
0x8c: {  	s10 =	simm.s32 $0x1800  }
0x8d: {  	[spmem:s1] =	stream.indirect.scatter.add.f32 [tilespmem:s20], [sflag:$0x3], $0x80, s10, s23, $0xb8;
	[tilespmem:$0x1F000] =	vst v63  }
0x8e: {  	_ =	swait.ge [sflag:s21], $0x4000  }
0x8f: {  	[sflag:s21] =	ssyncset.done $0x0  }
0x90: {  	[sflag:s21] =	ssyncadd.s32 $0xFFFFC000  }
0x91: {  	_ =	swait.ge [sflag:s26], $0x4000  }
0x92: {  	[sflag:s26] =	ssyncset.done $0x0  }
0x93: {  	s3 =	simm.s32 $0x100;
	[sflag:s26] =	ssyncadd.s32 $0xFFFFC000  }
0x94: {  	[tilespmem:s20], [sflag:$0x1] =	stream.indirect.gather [hbm4b:s4+s23], $0x80, s3, s23, $0xb8;
	[tilespmem:$0x1F000] =	vst v63  }
0x95: {  	s10 =	simm.s32 $0x1880  }
0x96: {  	[spmem:s1] =	stream.indirect.scatter.add.f32 [tilespmem:s25], [sflag:$0x3], $0x80, s10, s23, $0xb8;
	[tilespmem:$0x1F000] =	vst v63  }
0x97: {  	_ =	swait.ge [sflag:s21], $0x4000  }
0x98: {  	s0 =	simm.s32 $0x400;
	[sflag:s21] =	ssyncset.done $0x0  }
.LBB2_6:
0x99: {  	p0 =	sne.s32 s0, $0x4C00  }
0x9a: {  	[sflag:s21] =	ssyncadd.s32 $0xFFFFC000;
	s3 =	smov.u32 s0;
	s0 =	sadd.s32 $0x400, s0  }
0x9b: {  	_ = 	snop  }
0x9c: {  	_ =	swait.ge [sflag:s24], $0x4000  }
0x9d: {  	s3 =	sshra.s32 s3, $0x2;
	[sflag:s24] =	ssyncset.done $0x0  }
0x9e: {  	s10 =	sadd.s32 $0x80, s3;
	[sflag:s24] =	ssyncadd.s32 $0xFFFFC000  }
0x9f: {  	[tilespmem:s25], [sflag:$0x2] =	stream.indirect.gather [hbm4b:s4+s23], $0x80, s10, s23, $0xb8;
	[tilespmem:$0x1F000] =	vst v63  }
0xa0: {  	s10 =	sadd.s32 $0x1800, s3  }
0xa1: {  	[spmem:s1] =	stream.indirect.scatter.add.f32 [tilespmem:s20], [sflag:$0x3], $0x80, s10, s23, $0xb8;
	[tilespmem:$0x1F000] =	vst v63  }
0xa2: {  	_ =	swait.ge [sflag:s21], $0x4000  }
0xa3: {  	[sflag:s21] =	ssyncset.done $0x0  }
0xa4: {  	[sflag:s21] =	ssyncadd.s32 $0xFFFFC000  }
0xa5: {  	_ =	swait.ge [sflag:s26], $0x4000  }
0xa6: {  	[sflag:s26] =	ssyncset.done $0x0  }
0xa7: {  	s10 =	sadd.s32 $0x100, s3;
	[sflag:s26] =	ssyncadd.s32 $0xFFFFC000  }
0xa8: {  	[tilespmem:s20], [sflag:$0x1] =	stream.indirect.gather [hbm4b:s4+s23], $0x80, s10, s23, $0xb8;
	[tilespmem:$0x1F000] =	vst v63  }
.Ltmp2:
0xa9: {  	_ = 	snop;
	(pc) =	sbr.rel @p0 .LBB2_6-.Ltmp2, $4  }
0xaa: {  	s3 =	sadd.s32 $0x1880, s3  }
0xab: {  	[spmem:s1] =	stream.indirect.scatter.add.f32 [tilespmem:s25], [sflag:$0x3], $0x80, s3, s23, $0xb8;
	[tilespmem:$0x1F000] =	vst v63  }
0xac: {  	_ =	swait.ge [sflag:s21], $0x4000  }
0xad: {  	[sflag:s21] =	ssyncset.done $0x0  }
0xae: {  	[sflag:s21] =	ssyncadd.s32 $0xFFFFC000  }
0xaf: {  	_ =	swait.ge [sflag:s24], $0x4000  }
0xb0: {  	[sflag:s24] =	ssyncset.done $0x0  }
0xb1: {  	[sflag:s24] =	ssyncadd.s32 $0xFFFFC000  }
0xb2: {  	[tilespmem:s25], [sflag:$0x2] =	stream.indirect.gather [hbm4b:s4+s23], $0x80, s28, s23, $0xb8;
	[tilespmem:$0x1F000] =	vst v63  }
0xb3: {  	_ = 	snop  }
0xb4: {  	[spmem:s1] =	stream.indirect.scatter.add.f32 [tilespmem:s20], [sflag:$0x3], $0x80, s29, s23, $0xb8;
	[tilespmem:$0x1F000] =	vst v63  }
0xb5: {  	_ =	swait.ge [sflag:s21], $0x4000  }
0xb6: {  	[sflag:s21] =	ssyncset.done $0x0  }
0xb7: {  	[sflag:s21] =	ssyncadd.s32 $0xFFFFC000  }
0xb8: {  	_ =	swait.ge [sflag:s26], $0x4000  }
0xb9: {  	[sflag:s26] =	ssyncset.done $0x0  }
0xba: {  	[sflag:s26] =	ssyncadd.s32 $0xFFFFC000  }
0xbb: {  	[spmem:s1] =	stream.indirect.scatter.add.f32 [tilespmem:s25], [sflag:$0x3], $0x80, s30, s23, $0xb8;
	[tilespmem:$0x1F000] =	vst v63  }
0xbc: {  	_ =	swait.ge [sflag:s21], $0x4000  }
0xbd: {  	[sflag:s21] =	ssyncset.done $0x0  }
0xbe: {  	[sflag:s21] =	ssyncadd.s32 $0xFFFFC000  }
0xbf: {  	[bflag:$0x0] =	sbarrier.arrive $0xFFFF  }
0xc0: {  	[tilespmem:s20], [sflag:$0x3] =	stream.linear.gather [spmem:s5], $0x4000, $0x38;
	[tilespmem:$0x1F000] =	vst v63  }
0xc1: {  	_ =	swait.ge [sflag:s21], $0x4000  }
0xc2: {  	[sflag:s21] =	ssyncset.done $0x0  }
0xc3: {  	[sflag:s21] =	ssyncadd.s32 $0xFFFFC000  }
0xc4: {  	[hbm4b:s14+s2] =	stream.linear.scatter [tilespmem:s20], [sflag:$0x3], $0x4000, $0x38;
	[tilespmem:$0x1F000] =	vst v63  }
0xc5: {  	_ =	swait.ge [sflag:s21], $0x4000  }
0xc6: {  	[sflag:s21] =	ssyncset.done $0x0  }
0xc7: {  	[sflag:s21] =	ssyncadd.s32 $0xFFFFC000  }
0xc8: {  	[tilespmem:s20], [sflag:$0x3] =	stream.linear.gather [spmem:s6], $0x4000, $0x38;
	[tilespmem:$0x1F000] =	vst v63  }
0xc9: {  	_ =	swait.ge [sflag:s21], $0x4000  }
0xca: {  	[sflag:s21] =	ssyncset.done $0x0  }
0xcb: {  	[sflag:s21] =	ssyncadd.s32 $0xFFFFC000  }
0xcc: {  	[hbm4b:s15+s2] =	stream.linear.scatter [tilespmem:s20], [sflag:$0x3], $0x4000, $0x38;
	[tilespmem:$0x1F000] =	vst v63  }
0xcd: {  	_ =	swait.ge [sflag:s21], $0x4000  }
0xce: {  	[sflag:s21] =	ssyncset.done $0x0  }
0xcf: {  	[sflag:s21] =	ssyncadd.s32 $0xFFFFC000  }
0xd0: {  	[tilespmem:s20], [sflag:$0x3] =	stream.linear.gather [spmem:s7], $0x4000, $0x38;
	[tilespmem:$0x1F000] =	vst v63  }
0xd1: {  	_ =	swait.ge [sflag:s21], $0x4000  }
0xd2: {  	[sflag:s21] =	ssyncset.done $0x0  }
0xd3: {  	[sflag:s21] =	ssyncadd.s32 $0xFFFFC000  }
0xd4: {  	[hbm4b:s16+s2] =	stream.linear.scatter [tilespmem:s20], [sflag:$0x3], $0x4000, $0x38;
	[tilespmem:$0x1F000] =	vst v63  }
0xd5: {  	_ =	swait.ge [sflag:s21], $0x4000  }
0xd6: {  	[sflag:s21] =	ssyncset.done $0x0  }
0xd7: {  	[sflag:s21] =	ssyncadd.s32 $0xFFFFC000  }
0xd8: {  	[tilespmem:s20], [sflag:$0x3] =	stream.linear.gather [spmem:s8], $0x4000, $0x38;
	[tilespmem:$0x1F000] =	vst v63  }
0xd9: {  	_ =	swait.ge [sflag:s21], $0x4000  }
0xda: {  	[sflag:s21] =	ssyncset.done $0x0  }
0xdb: {  	[sflag:s21] =	ssyncadd.s32 $0xFFFFC000  }
0xdc: {  	[hbm4b:s17+s2] =	stream.linear.scatter [tilespmem:s20], [sflag:$0x3], $0x4000, $0x38;
	[tilespmem:$0x1F000] =	vst v63  }
0xdd: {  	_ =	swait.ge [sflag:s21], $0x4000  }
0xde: {  	[sflag:s21] =	ssyncset.done $0x0  }
0xdf: {  	[sflag:s21] =	ssyncadd.s32 $0xFFFFC000  }
0xe0: {  	[tilespmem:s20], [sflag:$0x3] =	stream.linear.gather [spmem:s9], $0x4000, $0x38;
	[tilespmem:$0x1F000] =	vst v63  }
0xe1: {  	s31 =	sadd.s32 $0x1, s31;
	_ =	swait.ge [sflag:s21], $0x4000  }
0xe2: {  	p0 =	sne.s32 s31, s19;
	[sflag:s21] =	ssyncset.done $0x0  }
.Ltmp3:
0xe3: {  	[sflag:s21] =	ssyncadd.s32 $0xFFFFC000;
	(pc) =	sbr.rel @p0 .LBB2_1-.Ltmp3, $4  }
0xe4: {  	[hbm4b:s18+s2] =	stream.linear.scatter [tilespmem:s20], [sflag:$0x3], $0x4000, $0x38;
	[tilespmem:$0x1F000] =	vst v63  }
0xe5: {  	_ =	swait.ge [sflag:s21], $0x4000  }
0xe6: {  	[sflag:s21] =	ssyncset.done $0x0  }
0xe7: {  	[sflag:s21] =	ssyncadd.s32 $0xFFFFC000  }
0xe8: {  	_ =	sfence.sel $0x180000  }
0xe9: {  	[bflag:$0x0] =	sbarrier.arrive $0xFFFF  }
0xea: {  	_ =	strace $0x9000004A  }
0xeb: {  	s0 =	stileid.u32;
	[bflag:$0x2] =	sbarrier.arrive $0xFFFF  }
0xec: {  	p0 =	sne.s32 s0, $0x0;
	s0 =	rddreg [dreg:$0x3]  }
0xed: {  	s0 =	sadd.s32 @!p0 $0x100000, s0  }
0xee: {  	[sflag:s0] =	ssyncadd.tile.s32 @!p0 $0x1;
	_ =	shalt  }
.Lfunc_end2:
_tile_overlayer_lowered:
.L_overlay_start_2:
0xef: {  	(tag) =	ssettag $0x2  }
0xf0: {  	s0 =	rddreg [dreg:$0x0];
	s2 =	stileid.u32  }
0xf1: {  	s1 =	rddreg [dreg:$0x1];
	p0 =	sne.s32 s2, $0x0  }
0xf2: {  	s3 =	rddreg [dreg:$0x2];
	[bflag:$0x3] =	sbarrier.arrive $0xFFFF;
	s2 =	simm.s32 @!p0 $0x1C03  }
0xf3: {  	[timem:s3], [sflag:s2] =	dma.local @!p0 [hbm:s0], s1  }
0xf4: {  	s0 =	simm.s32 @!p0 $0x3  }
0xf5: {  	_ =	swait.ge @!p0 [sflag:s0], s1  }
0xf6: {  	s1 =	ssub.s32 @!p0 $0x0, s1;
	[sflag:s0] =	ssyncset.done @!p0 $0x0  }
0xf7: {  	[sflag:s0] =	ssyncadd.s32 @!p0 s1  }
0xf8: {  	[bflag:$0x3] =	sbarrier.arrive $0xFFFF  }
0xf9: {  	_ =	shalt  }

// kernel: kernel.16.cloned.1.call-start
scs
__scs_entry_jumppad:
0x0: {  	(pc) =	sbr.rel $0x88, $3  }
0x1: {  	(tag) =	ssettag $0x0;
	lr =	simm.s32 $0x1  }
0x2: {  	[smem:$0x3F9F] =	sst lr;
	_ =	strace $0xD0000000  }
0x3: {  	_ = 	snop  }
0x4: {  	_ = 	snop  }
0x5: {  	_ = 	snop  }
0x6: {  	_ = 	snop  }
0x7: {  	_ = 	snop  }
__scs_overlays_trampoline_lowered:
0x8: {  	[smem:$0x3FAE] =	sst s0  }
0x9: {  	[smem:$0x3FAF] =	sst s1  }
0xa: {  	[smem:$0x3FB0] =	sst s2  }
0xb: {  	[smem:$0x3FB1] =	sst s3  }
0xc: {  	[smem:$0x3FB2] =	sst s4  }
0xd: {  	[smem:$0x3FB3] =	sst s5  }
0xe: {  	[smem:$0x3FB4] =	sst s6  }
0xf: {  	[smem:$0x3FB5] =	sst s7  }
0x10: {  	[smem:$0x3FB6] =	sst s8  }
0x11: {  	[smem:$0x3FB7] =	sst s9;
	s0 =	simm.s32 @!p0 $0x0  }
0x12: {  	s1 =	sld [smem:$0x3F9D];
	s0 =	simm.s32 @p0 $0x1  }
0x13: {  	[smem:$0x3FB8] =	sst s0;
	s0 =	simm.s32 @!p1 $0x0  }
0x14: {  	s2 =	sld [smem:$0x3F9C];
	s0 =	simm.s32 @p1 $0x1  }
0x15: {  	[smem:$0x3FB9] =	sst s0;
	s0 =	simm.s32 @!p2 $0x0  }
0x16: {  	s3 =	sld [smem:$0x3FDB];
	s0 =	simm.s32 @p2 $0x1  }
0x17: {  	s4 =	simm.s32 $0x1BF5;
	[smem:$0x3FBB] =	sst s0  }
0x18: {  	s0 =	sld [smem:$0x3F9E];
	_ =	swait.ge [sflag:s4], $0x0  }
0x19: {  	s7 =	sld [smem:$0x3F9F]  }
0x1a: {  	s8 =	sadd.s32 $0xFFFFE003, lr  }
0x1b: {  	s9 =	sadd.s32 $0xFFFFFEF7, lr;
	s5 =	simm.s32 $0xFFFFFFFF;
	p2 =	slt.u32 s8, $0xFFFFF086  }
0x1c: {  	p1 =	slt.u32 s9, $0xF7A;
	s5 =	simm.s32 @!p2 $0x0  }
0x1d: {  	s5 =	simm.s32 @p1 $0x1;
	p0 =	seq.s32 s7, s2  }
0x1e: {  	s7 =	smul.u32 @!p0 $0xF7A, s2;
	p2 =	seq.s32 @!p0 s5, $0x0  }
0x1f: {  	s9 =	smul.u32 $0xF7A, s1;
	s8 =	simm.s32 @!p0 $0x1BF5;
	p2 =	por !p2, p0  }
0x20: {  	[sflag:s8] =	ssyncset.s32 @!p0 $0xFFFFF086;
	s6 =	sadd.s32 @!p0 s3, s7;
	s7 =	simm.s32 @!p0 $0x108  }
0x21: {  	s3 =	sadd.s32 s3, s9;
	s6 =	sadd.s32 @!p0 $0x88, s6;
	s7 =	simm.s32 @p2 $0x1082  }
0x22: {  	[simem:s7], [sflag:s8] =	dma.local @!p0 [hbm:s6], $0xF7A  }
0x23: {  	s9 =	sor.u32 $0xD0000000, s2;
	s6 =	simm.s32 $0x108;
	_ =	swait.ge @!p0 [sflag:s8], $0x0  }
0x24: {  	s3 =	sadd.s32 $0x88, s3;
	s6 =	simm.s32 @!p1 $0x1082;
	[sflag:s4] =	ssyncset.s32 $0xFFFFF086  }
0x25: {  	[simem:s6], [sflag:s4] =	dma.local [hbm:s3], $0xF7A  }
0x26: {  	[smem:$0x3F9F] =	sst s1;
	(tag) =	ssettag s2;
	_ =	strace s9  }
0x27: {  	s1 =	sld [smem:$0x3FAF]  }
0x28: {  	s2 =	sld [smem:$0x3FB0]  }
0x29: {  	s4 =	sld [smem:$0x3FB2]  }
0x2a: {  	p0 =	seq.s32 s5, $0x0;
	s5 =	sld [smem:$0x3FB3]  }
0x2b: {  	s6 =	sld [smem:$0x3FB4]  }
0x2c: {  	s7 =	sld [smem:$0x3FB5]  }
0x2d: {  	s3 =	simm.s32 $0x108;
	s8 =	sld [smem:$0x3FB6]  }
0x2e: {  	s3 =	simm.s32 @!p0 $0x1082;
	s9 =	sld [smem:$0x3FB7]  }
0x2f: {  	lr =	sadd.s32 s0, s3;
	s0 =	sld [smem:$0x3FAE]  }
0x30: {  	s3 =	sld [smem:$0x3FB1]  }
0x31: {  	[smem:$0x3FBA] =	sst s10  }
0x32: {  	s10 =	sld [smem:$0x3FB8];
	_ =	sdelay $0x3  }
0x33: {  	p0 =	seq.s32 s10, $0x1;
	s10 =	sld [smem:$0x3FBA];
	_ =	sdelay $0x3  }
0x34: {  	[smem:$0x3FBA] =	sst s10  }
0x35: {  	s10 =	sld [smem:$0x3FB9];
	_ =	sdelay $0x3  }
0x36: {  	p1 =	seq.s32 s10, $0x1;
	s10 =	sld [smem:$0x3FBA];
	_ =	sdelay $0x3  }
0x37: {  	[smem:$0x3FBA] =	sst s10  }
0x38: {  	s10 =	sld [smem:$0x3FBB]  }
0x39: {  	_ = 	snop;
	(pc) =	sbr.ind lr, $3  }
0x3a: {  	_ = 	snop  }
0x3b: {  	_ = 	snop  }
0x3c: {  	p2 =	seq.s32 s10, $0x1;
	s10 =	sld [smem:$0x3FBA]  }
0x3d: {  	_ =	shalt  }
0x3e: {  	_ =	shalt  }
0x3f: {  	_ =	shalt  }
0x40: {  	_ =	shalt  }
0x41: {  	_ =	shalt  }
0x42: {  	_ =	shalt  }
0x43: {  	_ =	shalt  }
0x44: {  	_ =	shalt  }
0x45: {  	_ =	shalt  }
0x46: {  	_ =	shalt  }
0x47: {  	_ =	shalt  }
0x48: {  	_ =	shalt  }
0x49: {  	_ =	shalt  }
0x4a: {  	_ =	shalt  }
0x4b: {  	_ =	shalt  }
0x4c: {  	_ =	shalt  }
0x4d: {  	_ =	shalt  }
0x4e: {  	_ =	shalt  }
0x4f: {  	_ =	shalt  }
0x50: {  	_ =	shalt  }
0x51: {  	_ =	shalt  }
0x52: {  	_ =	shalt  }
0x53: {  	_ =	shalt  }
0x54: {  	_ =	shalt  }
0x55: {  	_ =	shalt  }
0x56: {  	_ =	shalt  }
0x57: {  	_ =	shalt  }
0x58: {  	_ =	shalt  }
0x59: {  	_ =	shalt  }
0x5a: {  	_ =	shalt  }
0x5b: {  	_ =	shalt  }
0x5c: {  	_ =	shalt  }
0x5d: {  	_ =	shalt  }
0x5e: {  	_ =	shalt  }
0x5f: {  	_ =	shalt  }
0x60: {  	_ =	shalt  }
0x61: {  	_ =	shalt  }
0x62: {  	_ =	shalt  }
0x63: {  	_ =	shalt  }
0x64: {  	_ =	shalt  }
0x65: {  	_ =	shalt  }
0x66: {  	_ =	shalt  }
0x67: {  	_ =	shalt  }
0x68: {  	_ =	shalt  }
0x69: {  	_ =	shalt  }
0x6a: {  	_ =	shalt  }
0x6b: {  	_ =	shalt  }
0x6c: {  	_ =	shalt  }
0x6d: {  	_ =	shalt  }
0x6e: {  	_ =	shalt  }
0x6f: {  	_ =	shalt  }
0x70: {  	_ =	shalt  }
0x71: {  	_ =	shalt  }
0x72: {  	_ =	shalt  }
0x73: {  	_ =	shalt  }
0x74: {  	_ =	shalt  }
0x75: {  	_ =	shalt  }
0x76: {  	_ =	shalt  }
0x77: {  	_ =	shalt  }
0x78: {  	_ =	shalt  }
0x79: {  	_ =	shalt  }
0x7a: {  	_ =	shalt  }
0x7b: {  	_ =	shalt  }
0x7c: {  	_ =	shalt  }
0x7d: {  	_ =	shalt  }
0x7e: {  	_ =	shalt  }
0x7f: {  	_ =	shalt  }
0x80: {  	_ =	shalt  }
0x81: {  	_ =	shalt  }
0x82: {  	_ =	shalt  }
0x83: {  	_ =	shalt  }
0x84: {  	_ =	shalt  }
0x85: {  	_ =	shalt  }
0x86: {  	_ =	shalt  }
0x87: {  	_ =	shalt  }
.Lfunc_end0:
.L_simem_size_0:
called_computation.2_lowered:
.L_overlay_start_0:
0x88: {  	s2 =	sld [smem:$0x3FD9]  }
0x89: {  	s3 =	sld [smem:$0x3FFE];
	_ =	sdelay $0x1  }
0x8a: {  	s1 =	srdreg.scid  }
0x8b: {  	s0 =	sand.u32 $0x1, s1  }
0x8c: {  	s17 =	sshll.u32 s0, $0xA;
	s2 =	sadd.s32 s3, s2  }
0x8d: {  	s2 =	sadd.s32 s2, s17  }
0x8e: {  	[smem:$0x3FC6] =	sst s2  }
0x8f: {  	_ = 	snop  }
0x90: {  	s2 =	sld [smem:$0x3FD0];
	(tm) =	ssettm $0x1  }
0x91: {  	s18 =	sld [smem:$0x3FFB];
	_ =	sdelay $0x3  }
0x92: {  	_ =	strace s18  }
0x93: {  	s3 =	sld [smem:$0x3FFC];
	_ =	sdelay $0x3  }
0x94: {  	_ =	strace s3  }
0x95: {  	s3 =	sld [smem:$0x3FFD];
	_ =	sdelay $0x3  }
0x96: {  	_ =	strace s3  }
0x97: {  	_ =	strace $0x8FFFFFFF  }
0x98: {  	s19 =	sld [smem:$0x3FDB];
	_ =	sdelay $0x1  }
0x99: {  	s4 =	simm.s32 $_scs_section_size  }
0x9a: {  	s5 =	simm.s32 $_size__tile_overlayer_lowered;
	s6 =	simm.s32 $_tile_overlayer_lowered  }
0x9b: {  	s22 =	simm.s32 $0x1BFF;
	s21 =	sshll.u32 s6, $0x1;
	s3 =	sadd.s32 s4, s19  }
0x9c: {  	s7 =	simm.s32 $0x0;
	s20 =	sshll.u32 s5, $0x1;
	s5 =	sadd.s32 s21, s3  }
0x9d: {  	[timem:s7], [sflag:s22] =	dma.local [hbm:s5], s20  }
0x9e: {  	_ =	swait.ge [sflag:s22], s20  }
0x9f: {  	s4 =	ssub.s32 $0x0, s20;
	[sflag:s22] =	ssyncset.done $0x0  }
0xa0: {  	[sflag:s22] =	ssyncadd.s32 s4;
	_ =	sdelay $0x1  }
0xa1: {  	s23 =	simm.s32 $0x1B8B  }
0xa2: {  	_ =	swait.ge [sflag:s23], $0x1  }
0xa3: {  	[sflag:s23] =	ssyncset.done $0x0  }
0xa4: {  	s25 =	simm.s32 $0x1B8E;
	s24 =	sld [smem:$0x3FFE];
	[sflag:s23] =	ssyncadd.s32 $0xFFFFFFFF  }
0xa5: {  	s26 =	simm.s32 $execute0_lowered;
	[smem:$0x3FD2] =	sst s25  }
0xa6: {  	s5 =	sshll.u32 s26, $0x1;
	_ =	strace $0x8000004C;
	[dreg:$0x1] =	wrdreg $0xFFFFFFFF  }
0xa7: {  	s28 =	simm.s32 $_size_execute0_lowered;
	s3 =	sadd.s32 s3, s5;
	[dreg:$0x0] =	wrdreg $0x0  }
0xa8: {  	s5 =	sshll.u32 s28, $0x1;
	[dreg:$0x2] =	wrdreg s3  }
0xa9: {  	[dreg:$0x3] =	wrdreg s5  }
0xaa: {  	[dreg:$0x4] =	wrdreg $0xC0  }
0xab: {  	_ =	task [dreg:s7], $0x5FFFF  }
0xac: {  	[dreg:$0x1] =	wrdreg $0xFFFFFFFF  }
0xad: {  	[dreg:$0x0] =	wrdreg $0x60  }
0xae: {  	[dreg:$0x2] =	wrdreg s24  }
0xaf: {  	[dreg:$0x3] =	wrdreg s2  }
0xb0: {  	[dreg:$0x4] =	wrdreg $0xB0000  }
0xb1: {  	[dreg:$0x5] =	wrdreg $0x9  }
0xb2: {  	_ =	task.clear_ibuf [dreg:s7], $0x6FFFF;
	_ =	strace $0x9000004C  }
0xb3: {  	s29 =	simm.s32 $0x9;
	_ =	strace $0x8000004E  }
0xb4: {  	_ =	swait.ge [sflag:s29], $0x1  }
0xb5: {  	[sflag:s29] =	ssyncadd.s32 $0xFFFFFFFF  }
0xb6: {  	_ =	strace $0x9000004E  }
0xb7: {  	_ =	sfence  }
0xb8: {  	s30 =	sld [smem:$0x0];
	_ =	sdelay $0x2  }
0xb9: {  	s31 =	sshll.u32 s1, $0xD;
	s1 =	sshrl.u32 s1, $0x2  }
0xba: {  	s3 =	sand.u32 $0x4000, s31;
	s1 =	sadd.s32 s1, s30  }
0xbb: {  	s0 =	sor.u32 s3, s0;
	s1 =	sshll.u32 s1, $0x11  }
0xbc: {  	s0 =	sor.u32 s1, s0  }
0xbd: {  	s0 =	sadd.s32 $0x8F2B, s0  }
0xbe: {  	[sflag:s0] =	ssyncadd.remote.s32 $0x1  }
0xbf: {  	_ =	sfence.sel $0xFFFF  }
0xc0: {  	[dreg:$0x0] =	wrdreg $0xFFFFFFFF;
	(pc) =	sbr.abs _section_cstart, $3  }
0xc1: {  	[dreg:$0x1] =	wrdreg $0xFFFFFFFF  }
0xc2: {  	_ =	task.clear_ibuf [dreg:s7], $0x2FFFF;
	_ =	strace $0x9FFFFFFF  }
0xc3: {  	(tm) =	ssettm $0x7FFFFFFF  }
tec
execute0_lowered:
.L_overlay_start_1:
0x0: {  	(tag) =	ssettag $0x1  }
0x1: {  	s0 =	rddreg [dreg:$0x0]  }
0x2: {  	s3 =	rddreg [dreg:$0x1]  }
0x3: {  	s1 =	rddreg [dreg:$0x2];
	s2 =	simm.s32 $0x0;
	s5 =	srdreg.scid  }
0x4: {  	s8 =	stileid.u32;
	s28 =	simm.s32 $0x1480;
	s29 =	simm.s32 $0x2C00  }
0x5: {  	s30 =	simm.s32 $0x2C80;
	s31 =	simm.s32 $0x0;
	[smem:$0x7FF] =	sst s2  }
0x6: {  	s4 =	sadd.s32 $0xE600, s0;
	s9 =	sand.u32 $0x1, s5;
	s6 =	smul.u32 $0x50000, s8  }
0x7: {  	s12 =	sadd.s32 $0x2600, s0;
	s0 =	sadd.s32 $0x36600, s0;
	s13 =	smul.u32 $0x14000, s8  }
0x8: {  	s21 =	sshll.u32 s8, $0x1;
	_ =	strace $0x8000004D;
	s5 =	ssub.s32 $0x2, s9  }
0x9: {  	s22 =	sor.u32 s9, s21;
	s20 =	smul.u32 $0x140000, s9;
	s7 =	sshrl.u32 s5, $0x1  }
0xa: {  	s6 =	sshrl.u32 s6, $0x2;
	s14 =	sadd.s32 $0x4000, s13;
	s16 =	sadd.s32 $0x8000, s13  }
0xb: {  	s17 =	sadd.s32 $0xC000, s13;
	s10 =	smul.u32 $0x3000, s22;
	s18 =	sadd.s32 $0x10000, s13  }
0xc: {  	s19 =	ssub.s32 s5, s7;
	s5 =	sadd.s32 s6, s1;
	s6 =	sadd.s32 s14, s1  }
0xd: {  	s7 =	sadd.s32 s16, s1;
	s8 =	sadd.s32 s17, s1;
	s9 =	sadd.s32 s18, s1  }
0xe: {  	s13 =	sadd.s32 s13, s20;
	s14 =	sadd.s32 s20, s14;
	s23 =	sadd.s32 s20, s16  }
0xf: {  	s24 =	sadd.s32 s20, s17;
	s25 =	sadd.s32 s20, s18;
	s15 =	sshrl.u32 s10, $0x3  }
0x10: {  	s21 =	sshrl.u32 s13, $0x3;
	s22 =	sshrl.u32 s14, $0x3;
	s26 =	sshrl.u32 s24, $0x3  }
0x11: {  	s20 =	sshrl.u32 s25, $0x3;
	s19 =	smax.u32 s19, $0x1;
	s24 =	simm.s32 $0x1  }
0x12: {  	s25 =	simm.s32 $0x7000;
	s10 =	sadd.s32 s12, s15;
	s11 =	sadd.s32 s3, s15  }
0x13: {  	s15 =	sadd.s32 $0x300, s15;
	s14 =	sadd.s32 s0, s21;
	s17 =	sadd.s32 s0, s26  }
0x14: {  	s18 =	sadd.s32 s0, s20;
	s20 =	simm.s32 $0x3000;
	s21 =	simm.s32 $0x3  }
0x15: {  	s26 =	simm.s32 $0x2;
	[dreg:$0x4] =	wrdreg s10;
	s12 =	sadd.s32 s12, s15  }
0x16: {  	s13 =	sadd.s32 s3, s15;
	s15 =	sadd.s32 s0, s22;
	s3 =	sshrl.u32 s23, $0x3  }
0x17: {  	v0 =	vimm.f32 $0.0e+00;
	s22 =	simm.s32 $0x1800;
	s23 =	simm.s32 $0x80;
	s16 =	sadd.s32 s0, s3  }
.LBB2_1:
0x18: {  	s0 =	simm.s32 $0x0;
	s3 =	simm.s32 $0x200  }
.LBB2_2:
0x19: {  	p0 =	sne.s32 s3, $0xFE00;
	[tilespmem:s0+$0x3070] =	vst v0  }
0x1a: {  	[tilespmem:s0+$0x3000] =	vst v0  }
0x1b: {  	[tilespmem:s0+$0x3010] =	vst v0  }
.Ltmp0:
0x1c: {  	[tilespmem:s0+$0x3020] =	vst v0;
	(pc) =	sbr.rel @p0 .LBB2_2-.Ltmp0, $4  }
0x1d: {  	[tilespmem:s0+$0x3030] =	vst v0  }
0x1e: {  	[tilespmem:s0+$0x3040] =	vst v0  }
0x1f: {  	[tilespmem:s0+$0x3050] =	vst v0  }
0x20: {  	[tilespmem:s0+$0x3060] =	vst v0;
	s0 =	sshra.s32 s3, $0x2;
	s3 =	sadd.s32 $0x200, s3  }
0x21: {  	[tilespmem:s0+$0x3070] =	vst v0  }
0x22: {  	[tilespmem:s0+$0x3000] =	vst v0  }
0x23: {  	[tilespmem:s0+$0x3010] =	vst v0  }
0x24: {  	[tilespmem:s0+$0x3020] =	vst v0  }
0x25: {  	[tilespmem:s0+$0x3030] =	vst v0  }
0x26: {  	[tilespmem:s0+$0x3040] =	vst v0  }
0x27: {  	[tilespmem:s0+$0x3050] =	vst v0  }
0x28: {  	[tilespmem:s0+$0x3060] =	vst v0  }
0x29: {  	[spmem:s5] =	stream.linear.scatter [tilespmem:s20], [sflag:$0x3], $0x4000, $0x38;
	[tilespmem:$0x1F000] =	vst v63  }
0x2a: {  	_ =	swait.ge [sflag:s21], $0x4000  }
0x2b: {  	[sflag:s21] =	ssyncset.done $0x0  }
0x2c: {  	[sflag:s21] =	ssyncadd.s32 $0xFFFFC000  }
0x2d: {  	[spmem:s6] =	stream.linear.scatter [tilespmem:s20], [sflag:$0x3], $0x4000, $0x38;
	[tilespmem:$0x1F000] =	vst v63  }
0x2e: {  	_ =	swait.ge [sflag:s21], $0x4000  }
0x2f: {  	[sflag:s21] =	ssyncset.done $0x0  }
0x30: {  	[sflag:s21] =	ssyncadd.s32 $0xFFFFC000  }
0x31: {  	[spmem:s7] =	stream.linear.scatter [tilespmem:s20], [sflag:$0x3], $0x4000, $0x38;
	[tilespmem:$0x1F000] =	vst v63  }
0x32: {  	_ =	swait.ge [sflag:s21], $0x4000  }
0x33: {  	[sflag:s21] =	ssyncset.done $0x0  }
0x34: {  	[sflag:s21] =	ssyncadd.s32 $0xFFFFC000  }
0x35: {  	[spmem:s8] =	stream.linear.scatter [tilespmem:s20], [sflag:$0x3], $0x4000, $0x38;
	[tilespmem:$0x1F000] =	vst v63  }
0x36: {  	_ =	swait.ge [sflag:s21], $0x4000  }
0x37: {  	[sflag:s21] =	ssyncset.done $0x0  }
0x38: {  	[sflag:s21] =	ssyncadd.s32 $0xFFFFC000  }
0x39: {  	[spmem:s9] =	stream.linear.scatter [tilespmem:s20], [sflag:$0x3], $0x4000, $0x38;
	[tilespmem:$0x1F000] =	vst v63  }
0x3a: {  	_ =	swait.ge [sflag:s21], $0x4000  }
0x3b: {  	[sflag:s21] =	ssyncset.done $0x0  }
0x3c: {  	[sflag:s21] =	ssyncadd.s32 $0xFFFFC000  }
0x3d: {  	[bflag:$0x0] =	sbarrier.arrive $0xFFFF  }
0x3e: {  	s10 =	simm.s32 $0x0;
	s3 =	rddreg [dreg:$0x4]  }
0x3f: {  	[tilespmem:s10], [sflag:$0x3] =	stream.linear.gather [hbm4b:s3+s10], $0x1500, $0x38;
	[tilespmem:$0x1F000] =	vst v63  }
0x40: {  	_ =	swait.ge [sflag:s21], $0x1500  }
0x41: {  	[sflag:s21] =	ssyncset.done $0x0  }
0x42: {  	[sflag:s21] =	ssyncadd.s32 $0xFFFFEB00  }
0x43: {  	[tilespmem:s22], [sflag:$0x3] =	stream.linear.gather [hbm4b:s11+s10], $0x1500, $0x38;
	[tilespmem:$0x1F000] =	vst v63  }
0x44: {  	_ =	swait.ge [sflag:s21], $0x1500  }
0x45: {  	[sflag:s21] =	ssyncset.done $0x0  }
0x46: {  	[sflag:s21] =	ssyncadd.s32 $0xFFFFEB00  }
0x47: {  	[tilespmem:s20], [sflag:$0x1] =	stream.indirect.gather [hbm4b:s4+s23], $0x80, s10, s23, $0xb8;
	[tilespmem:$0x1F000] =	vst v63  }
0x48: {  	_ =	swait.ge [sflag:s24], $0x4000  }
0x49: {  	[sflag:s24] =	ssyncset.done $0x0  }
0x4a: {  	s3 =	simm.s32 $0x80;
	[sflag:s24] =	ssyncadd.s32 $0xFFFFC000  }
0x4b: {  	[tilespmem:s25], [sflag:$0x2] =	stream.indirect.gather [hbm4b:s4+s23], $0x80, s3, s23, $0xb8;
	[tilespmem:$0x1F000] =	vst v63  }
0x4c: {  	s10 =	simm.s32 $0x1800  }
0x4d: {  	[spmem:s1] =	stream.indirect.scatter.add.f32 [tilespmem:s20], [sflag:$0x3], $0x80, s10, s23, $0xb8;
	[tilespmem:$0x1F000] =	vst v63  }
0x4e: {  	_ =	swait.ge [sflag:s21], $0x4000  }
0x4f: {  	[sflag:s21] =	ssyncset.done $0x0  }
0x50: {  	[sflag:s21] =	ssyncadd.s32 $0xFFFFC000  }
0x51: {  	_ =	swait.ge [sflag:s26], $0x4000  }
0x52: {  	[sflag:s26] =	ssyncset.done $0x0  }
0x53: {  	s3 =	simm.s32 $0x100;
	[sflag:s26] =	ssyncadd.s32 $0xFFFFC000  }
0x54: {  	[tilespmem:s20], [sflag:$0x1] =	stream.indirect.gather [hbm4b:s4+s23], $0x80, s3, s23, $0xb8;
	[tilespmem:$0x1F000] =	vst v63  }
0x55: {  	s10 =	simm.s32 $0x1880  }
0x56: {  	[spmem:s1] =	stream.indirect.scatter.add.f32 [tilespmem:s25], [sflag:$0x3], $0x80, s10, s23, $0xb8;
	[tilespmem:$0x1F000] =	vst v63  }
0x57: {  	_ =	swait.ge [sflag:s21], $0x4000  }
0x58: {  	s0 =	simm.s32 $0x400;
	[sflag:s21] =	ssyncset.done $0x0  }
.LBB2_4:
0x59: {  	p0 =	sne.s32 s0, $0x4C00  }
0x5a: {  	[sflag:s21] =	ssyncadd.s32 $0xFFFFC000;
	s3 =	smov.u32 s0;
	s0 =	sadd.s32 $0x400, s0  }
0x5b: {  	_ = 	snop  }
0x5c: {  	_ =	swait.ge [sflag:s24], $0x4000  }
0x5d: {  	s3 =	sshra.s32 s3, $0x2;
	[sflag:s24] =	ssyncset.done $0x0  }
0x5e: {  	s10 =	sadd.s32 $0x80, s3;
	[sflag:s24] =	ssyncadd.s32 $0xFFFFC000  }
0x5f: {  	[tilespmem:s25], [sflag:$0x2] =	stream.indirect.gather [hbm4b:s4+s23], $0x80, s10, s23, $0xb8;
	[tilespmem:$0x1F000] =	vst v63  }
0x60: {  	s10 =	sadd.s32 $0x1800, s3  }
0x61: {  	[spmem:s1] =	stream.indirect.scatter.add.f32 [tilespmem:s20], [sflag:$0x3], $0x80, s10, s23, $0xb8;
	[tilespmem:$0x1F000] =	vst v63  }
0x62: {  	_ =	swait.ge [sflag:s21], $0x4000  }
0x63: {  	[sflag:s21] =	ssyncset.done $0x0  }
0x64: {  	[sflag:s21] =	ssyncadd.s32 $0xFFFFC000  }
0x65: {  	_ =	swait.ge [sflag:s26], $0x4000  }
0x66: {  	[sflag:s26] =	ssyncset.done $0x0  }
0x67: {  	s10 =	sadd.s32 $0x100, s3;
	[sflag:s26] =	ssyncadd.s32 $0xFFFFC000  }
0x68: {  	[tilespmem:s20], [sflag:$0x1] =	stream.indirect.gather [hbm4b:s4+s23], $0x80, s10, s23, $0xb8;
	[tilespmem:$0x1F000] =	vst v63  }
.Ltmp1:
0x69: {  	_ = 	snop;
	(pc) =	sbr.rel @p0 .LBB2_4-.Ltmp1, $4  }
0x6a: {  	s3 =	sadd.s32 $0x1880, s3  }
0x6b: {  	[spmem:s1] =	stream.indirect.scatter.add.f32 [tilespmem:s25], [sflag:$0x3], $0x80, s3, s23, $0xb8;
	[tilespmem:$0x1F000] =	vst v63  }
0x6c: {  	_ =	swait.ge [sflag:s21], $0x4000  }
0x6d: {  	[sflag:s21] =	ssyncset.done $0x0  }
0x6e: {  	[sflag:s21] =	ssyncadd.s32 $0xFFFFC000  }
0x6f: {  	_ =	swait.ge [sflag:s24], $0x4000  }
0x70: {  	[sflag:s24] =	ssyncset.done $0x0  }
0x71: {  	[sflag:s24] =	ssyncadd.s32 $0xFFFFC000  }
0x72: {  	[tilespmem:s25], [sflag:$0x2] =	stream.indirect.gather [hbm4b:s4+s23], $0x80, s28, s23, $0xb8;
	[tilespmem:$0x1F000] =	vst v63  }
0x73: {  	_ = 	snop  }
0x74: {  	[spmem:s1] =	stream.indirect.scatter.add.f32 [tilespmem:s20], [sflag:$0x3], $0x80, s29, s23, $0xb8;
	[tilespmem:$0x1F000] =	vst v63  }
0x75: {  	_ =	swait.ge [sflag:s21], $0x4000  }
0x76: {  	[sflag:s21] =	ssyncset.done $0x0  }
0x77: {  	[sflag:s21] =	ssyncadd.s32 $0xFFFFC000  }
0x78: {  	_ =	swait.ge [sflag:s26], $0x4000  }
0x79: {  	[sflag:s26] =	ssyncset.done $0x0  }
0x7a: {  	[sflag:s26] =	ssyncadd.s32 $0xFFFFC000  }
0x7b: {  	[spmem:s1] =	stream.indirect.scatter.add.f32 [tilespmem:s25], [sflag:$0x3], $0x80, s30, s23, $0xb8;
	[tilespmem:$0x1F000] =	vst v63  }
0x7c: {  	_ =	swait.ge [sflag:s21], $0x4000  }
0x7d: {  	[sflag:s21] =	ssyncset.done $0x0  }
0x7e: {  	s0 =	simm.s32 $0x0;
	[sflag:s21] =	ssyncadd.s32 $0xFFFFC000  }
0x7f: {  	[tilespmem:s0], [sflag:$0x3] =	stream.linear.gather [hbm4b:s12+s0], $0x1500, $0x38;
	[tilespmem:$0x1F000] =	vst v63  }
0x80: {  	_ =	swait.ge [sflag:s21], $0x1500  }
0x81: {  	[sflag:s21] =	ssyncset.done $0x0  }
0x82: {  	[sflag:s21] =	ssyncadd.s32 $0xFFFFEB00  }
0x83: {  	[tilespmem:s22], [sflag:$0x3] =	stream.linear.gather [hbm4b:s13+s0], $0x1500, $0x38;
	[tilespmem:$0x1F000] =	vst v63  }
0x84: {  	_ =	swait.ge [sflag:s21], $0x1500  }
0x85: {  	[sflag:s21] =	ssyncset.done $0x0  }
0x86: {  	[sflag:s21] =	ssyncadd.s32 $0xFFFFEB00  }
0x87: {  	[tilespmem:s20], [sflag:$0x1] =	stream.indirect.gather [hbm4b:s4+s23], $0x80, s0, s23, $0xb8;
	[tilespmem:$0x1F000] =	vst v63  }
0x88: {  	_ =	swait.ge [sflag:s24], $0x4000  }
0x89: {  	[sflag:s24] =	ssyncset.done $0x0  }
0x8a: {  	s3 =	simm.s32 $0x80;
	[sflag:s24] =	ssyncadd.s32 $0xFFFFC000  }
0x8b: {  	[tilespmem:s25], [sflag:$0x2] =	stream.indirect.gather [hbm4b:s4+s23], $0x80, s3, s23, $0xb8;
	[tilespmem:$0x1F000] =	vst v63  }
0x8c: {  	s10 =	simm.s32 $0x1800  }
0x8d: {  	[spmem:s1] =	stream.indirect.scatter.add.f32 [tilespmem:s20], [sflag:$0x3], $0x80, s10, s23, $0xb8;
	[tilespmem:$0x1F000] =	vst v63  }
0x8e: {  	_ =	swait.ge [sflag:s21], $0x4000  }
0x8f: {  	[sflag:s21] =	ssyncset.done $0x0  }
0x90: {  	[sflag:s21] =	ssyncadd.s32 $0xFFFFC000  }
0x91: {  	_ =	swait.ge [sflag:s26], $0x4000  }
0x92: {  	[sflag:s26] =	ssyncset.done $0x0  }
0x93: {  	s3 =	simm.s32 $0x100;
	[sflag:s26] =	ssyncadd.s32 $0xFFFFC000  }
0x94: {  	[tilespmem:s20], [sflag:$0x1] =	stream.indirect.gather [hbm4b:s4+s23], $0x80, s3, s23, $0xb8;
	[tilespmem:$0x1F000] =	vst v63  }
0x95: {  	s10 =	simm.s32 $0x1880  }
0x96: {  	[spmem:s1] =	stream.indirect.scatter.add.f32 [tilespmem:s25], [sflag:$0x3], $0x80, s10, s23, $0xb8;
	[tilespmem:$0x1F000] =	vst v63  }
0x97: {  	_ =	swait.ge [sflag:s21], $0x4000  }
0x98: {  	s0 =	simm.s32 $0x400;
	[sflag:s21] =	ssyncset.done $0x0  }
.LBB2_6:
0x99: {  	p0 =	sne.s32 s0, $0x4C00  }
0x9a: {  	[sflag:s21] =	ssyncadd.s32 $0xFFFFC000;
	s3 =	smov.u32 s0;
	s0 =	sadd.s32 $0x400, s0  }
0x9b: {  	_ = 	snop  }
0x9c: {  	_ =	swait.ge [sflag:s24], $0x4000  }
0x9d: {  	s3 =	sshra.s32 s3, $0x2;
	[sflag:s24] =	ssyncset.done $0x0  }
0x9e: {  	s10 =	sadd.s32 $0x80, s3;
	[sflag:s24] =	ssyncadd.s32 $0xFFFFC000  }
0x9f: {  	[tilespmem:s25], [sflag:$0x2] =	stream.indirect.gather [hbm4b:s4+s23], $0x80, s10, s23, $0xb8;
	[tilespmem:$0x1F000] =	vst v63  }
0xa0: {  	s10 =	sadd.s32 $0x1800, s3  }
0xa1: {  	[spmem:s1] =	stream.indirect.scatter.add.f32 [tilespmem:s20], [sflag:$0x3], $0x80, s10, s23, $0xb8;
	[tilespmem:$0x1F000] =	vst v63  }
0xa2: {  	_ =	swait.ge [sflag:s21], $0x4000  }
0xa3: {  	[sflag:s21] =	ssyncset.done $0x0  }
0xa4: {  	[sflag:s21] =	ssyncadd.s32 $0xFFFFC000  }
0xa5: {  	_ =	swait.ge [sflag:s26], $0x4000  }
0xa6: {  	[sflag:s26] =	ssyncset.done $0x0  }
0xa7: {  	s10 =	sadd.s32 $0x100, s3;
	[sflag:s26] =	ssyncadd.s32 $0xFFFFC000  }
0xa8: {  	[tilespmem:s20], [sflag:$0x1] =	stream.indirect.gather [hbm4b:s4+s23], $0x80, s10, s23, $0xb8;
	[tilespmem:$0x1F000] =	vst v63  }
.Ltmp2:
0xa9: {  	_ = 	snop;
	(pc) =	sbr.rel @p0 .LBB2_6-.Ltmp2, $4  }
0xaa: {  	s3 =	sadd.s32 $0x1880, s3  }
0xab: {  	[spmem:s1] =	stream.indirect.scatter.add.f32 [tilespmem:s25], [sflag:$0x3], $0x80, s3, s23, $0xb8;
	[tilespmem:$0x1F000] =	vst v63  }
0xac: {  	_ =	swait.ge [sflag:s21], $0x4000  }
0xad: {  	[sflag:s21] =	ssyncset.done $0x0  }
0xae: {  	[sflag:s21] =	ssyncadd.s32 $0xFFFFC000  }
0xaf: {  	_ =	swait.ge [sflag:s24], $0x4000  }
0xb0: {  	[sflag:s24] =	ssyncset.done $0x0  }
0xb1: {  	[sflag:s24] =	ssyncadd.s32 $0xFFFFC000  }
0xb2: {  	[tilespmem:s25], [sflag:$0x2] =	stream.indirect.gather [hbm4b:s4+s23], $0x80, s28, s23, $0xb8;
	[tilespmem:$0x1F000] =	vst v63  }
0xb3: {  	_ = 	snop  }
0xb4: {  	[spmem:s1] =	stream.indirect.scatter.add.f32 [tilespmem:s20], [sflag:$0x3], $0x80, s29, s23, $0xb8;
	[tilespmem:$0x1F000] =	vst v63  }
0xb5: {  	_ =	swait.ge [sflag:s21], $0x4000  }
0xb6: {  	[sflag:s21] =	ssyncset.done $0x0  }
0xb7: {  	[sflag:s21] =	ssyncadd.s32 $0xFFFFC000  }
0xb8: {  	_ =	swait.ge [sflag:s26], $0x4000  }
0xb9: {  	[sflag:s26] =	ssyncset.done $0x0  }
0xba: {  	[sflag:s26] =	ssyncadd.s32 $0xFFFFC000  }
0xbb: {  	[spmem:s1] =	stream.indirect.scatter.add.f32 [tilespmem:s25], [sflag:$0x3], $0x80, s30, s23, $0xb8;
	[tilespmem:$0x1F000] =	vst v63  }
0xbc: {  	_ =	swait.ge [sflag:s21], $0x4000  }
0xbd: {  	[sflag:s21] =	ssyncset.done $0x0  }
0xbe: {  	[sflag:s21] =	ssyncadd.s32 $0xFFFFC000  }
0xbf: {  	[bflag:$0x0] =	sbarrier.arrive $0xFFFF  }
0xc0: {  	[tilespmem:s20], [sflag:$0x3] =	stream.linear.gather [spmem:s5], $0x4000, $0x38;
	[tilespmem:$0x1F000] =	vst v63  }
0xc1: {  	_ =	swait.ge [sflag:s21], $0x4000  }
0xc2: {  	[sflag:s21] =	ssyncset.done $0x0  }
0xc3: {  	[sflag:s21] =	ssyncadd.s32 $0xFFFFC000  }
0xc4: {  	[hbm4b:s14+s2] =	stream.linear.scatter [tilespmem:s20], [sflag:$0x3], $0x4000, $0x38;
	[tilespmem:$0x1F000] =	vst v63  }
0xc5: {  	_ =	swait.ge [sflag:s21], $0x4000  }
0xc6: {  	[sflag:s21] =	ssyncset.done $0x0  }
0xc7: {  	[sflag:s21] =	ssyncadd.s32 $0xFFFFC000  }
0xc8: {  	[tilespmem:s20], [sflag:$0x3] =	stream.linear.gather [spmem:s6], $0x4000, $0x38;
	[tilespmem:$0x1F000] =	vst v63  }
0xc9: {  	_ =	swait.ge [sflag:s21], $0x4000  }
0xca: {  	[sflag:s21] =	ssyncset.done $0x0  }
0xcb: {  	[sflag:s21] =	ssyncadd.s32 $0xFFFFC000  }
0xcc: {  	[hbm4b:s15+s2] =	stream.linear.scatter [tilespmem:s20], [sflag:$0x3], $0x4000, $0x38;
	[tilespmem:$0x1F000] =	vst v63  }
0xcd: {  	_ =	swait.ge [sflag:s21], $0x4000  }
0xce: {  	[sflag:s21] =	ssyncset.done $0x0  }
0xcf: {  	[sflag:s21] =	ssyncadd.s32 $0xFFFFC000  }
0xd0: {  	[tilespmem:s20], [sflag:$0x3] =	stream.linear.gather [spmem:s7], $0x4000, $0x38;
	[tilespmem:$0x1F000] =	vst v63  }
0xd1: {  	_ =	swait.ge [sflag:s21], $0x4000  }
0xd2: {  	[sflag:s21] =	ssyncset.done $0x0  }
0xd3: {  	[sflag:s21] =	ssyncadd.s32 $0xFFFFC000  }
0xd4: {  	[hbm4b:s16+s2] =	stream.linear.scatter [tilespmem:s20], [sflag:$0x3], $0x4000, $0x38;
	[tilespmem:$0x1F000] =	vst v63  }
0xd5: {  	_ =	swait.ge [sflag:s21], $0x4000  }
0xd6: {  	[sflag:s21] =	ssyncset.done $0x0  }
0xd7: {  	[sflag:s21] =	ssyncadd.s32 $0xFFFFC000  }
0xd8: {  	[tilespmem:s20], [sflag:$0x3] =	stream.linear.gather [spmem:s8], $0x4000, $0x38;
	[tilespmem:$0x1F000] =	vst v63  }
0xd9: {  	_ =	swait.ge [sflag:s21], $0x4000  }
0xda: {  	[sflag:s21] =	ssyncset.done $0x0  }
0xdb: {  	[sflag:s21] =	ssyncadd.s32 $0xFFFFC000  }
0xdc: {  	[hbm4b:s17+s2] =	stream.linear.scatter [tilespmem:s20], [sflag:$0x3], $0x4000, $0x38;
	[tilespmem:$0x1F000] =	vst v63  }
0xdd: {  	_ =	swait.ge [sflag:s21], $0x4000  }
0xde: {  	[sflag:s21] =	ssyncset.done $0x0  }
0xdf: {  	[sflag:s21] =	ssyncadd.s32 $0xFFFFC000  }
0xe0: {  	[tilespmem:s20], [sflag:$0x3] =	stream.linear.gather [spmem:s9], $0x4000, $0x38;
	[tilespmem:$0x1F000] =	vst v63  }
0xe1: {  	s31 =	sadd.s32 $0x1, s31;
	_ =	swait.ge [sflag:s21], $0x4000  }
0xe2: {  	p0 =	sne.s32 s31, s19;
	[sflag:s21] =	ssyncset.done $0x0  }
.Ltmp3:
0xe3: {  	[sflag:s21] =	ssyncadd.s32 $0xFFFFC000;
	(pc) =	sbr.rel @p0 .LBB2_1-.Ltmp3, $4  }
0xe4: {  	[hbm4b:s18+s2] =	stream.linear.scatter [tilespmem:s20], [sflag:$0x3], $0x4000, $0x38;
	[tilespmem:$0x1F000] =	vst v63  }
0xe5: {  	_ =	swait.ge [sflag:s21], $0x4000  }
0xe6: {  	[sflag:s21] =	ssyncset.done $0x0  }
0xe7: {  	[sflag:s21] =	ssyncadd.s32 $0xFFFFC000  }
0xe8: {  	_ =	sfence.sel $0x180000  }
0xe9: {  	[bflag:$0x0] =	sbarrier.arrive $0xFFFF  }
0xea: {  	_ =	strace $0x9000004D  }
0xeb: {  	s0 =	stileid.u32;
	[bflag:$0x2] =	sbarrier.arrive $0xFFFF  }
0xec: {  	p0 =	sne.s32 s0, $0x0;
	s0 =	rddreg [dreg:$0x3]  }
0xed: {  	s0 =	sadd.s32 @!p0 $0x100000, s0  }
0xee: {  	[sflag:s0] =	ssyncadd.tile.s32 @!p0 $0x1;
	_ =	shalt  }
.Lfunc_end2:
_tile_overlayer_lowered:
.L_overlay_start_2:
0xef: {  	(tag) =	ssettag $0x2  }
0xf0: {  	s0 =	rddreg [dreg:$0x0];
	s2 =	stileid.u32  }
0xf1: {  	s1 =	rddreg [dreg:$0x1];
	p0 =	sne.s32 s2, $0x0  }
0xf2: {  	s3 =	rddreg [dreg:$0x2];
	[bflag:$0x3] =	sbarrier.arrive $0xFFFF;
	s2 =	simm.s32 @!p0 $0x1C03  }
0xf3: {  	[timem:s3], [sflag:s2] =	dma.local @!p0 [hbm:s0], s1  }
0xf4: {  	s0 =	simm.s32 @!p0 $0x3  }
0xf5: {  	_ =	swait.ge @!p0 [sflag:s0], s1  }
0xf6: {  	s1 =	ssub.s32 @!p0 $0x0, s1;
	[sflag:s0] =	ssyncset.done @!p0 $0x0  }
0xf7: {  	[sflag:s0] =	ssyncadd.s32 @!p0 s1  }
0xf8: {  	[bflag:$0x3] =	sbarrier.arrive $0xFFFF  }
0xf9: {  	_ =	shalt  }

// kernel: kernel.19.cloned.1.call-start
scs
__scs_entry_jumppad:
0x0: {  	(pc) =	sbr.rel $0x88, $3  }
0x1: {  	(tag) =	ssettag $0x0;
	lr =	simm.s32 $0x1  }
0x2: {  	[smem:$0x3F9F] =	sst lr;
	_ =	strace $0xD0000000  }
0x3: {  	_ = 	snop  }
0x4: {  	_ = 	snop  }
0x5: {  	_ = 	snop  }
0x6: {  	_ = 	snop  }
0x7: {  	_ = 	snop  }
__scs_overlays_trampoline_lowered:
0x8: {  	[smem:$0x3FAE] =	sst s0  }
0x9: {  	[smem:$0x3FAF] =	sst s1  }
0xa: {  	[smem:$0x3FB0] =	sst s2  }
0xb: {  	[smem:$0x3FB1] =	sst s3  }
0xc: {  	[smem:$0x3FB2] =	sst s4  }
0xd: {  	[smem:$0x3FB3] =	sst s5  }
0xe: {  	[smem:$0x3FB4] =	sst s6  }
0xf: {  	[smem:$0x3FB5] =	sst s7  }
0x10: {  	[smem:$0x3FB6] =	sst s8  }
0x11: {  	[smem:$0x3FB7] =	sst s9;
	s0 =	simm.s32 @!p0 $0x0  }
0x12: {  	s1 =	sld [smem:$0x3F9D];
	s0 =	simm.s32 @p0 $0x1  }
0x13: {  	[smem:$0x3FB8] =	sst s0;
	s0 =	simm.s32 @!p1 $0x0  }
0x14: {  	s2 =	sld [smem:$0x3F9C];
	s0 =	simm.s32 @p1 $0x1  }
0x15: {  	[smem:$0x3FB9] =	sst s0;
	s0 =	simm.s32 @!p2 $0x0  }
0x16: {  	s3 =	sld [smem:$0x3FDB];
	s0 =	simm.s32 @p2 $0x1  }
0x17: {  	s4 =	simm.s32 $0x1BF5;
	[smem:$0x3FBB] =	sst s0  }
0x18: {  	s0 =	sld [smem:$0x3F9E];
	_ =	swait.ge [sflag:s4], $0x0  }
0x19: {  	s7 =	sld [smem:$0x3F9F]  }
0x1a: {  	s8 =	sadd.s32 $0xFFFFE003, lr  }
0x1b: {  	s9 =	sadd.s32 $0xFFFFFEF7, lr;
	s5 =	simm.s32 $0xFFFFFFFF;
	p2 =	slt.u32 s8, $0xFFFFF086  }
0x1c: {  	p1 =	slt.u32 s9, $0xF7A;
	s5 =	simm.s32 @!p2 $0x0  }
0x1d: {  	s5 =	simm.s32 @p1 $0x1;
	p0 =	seq.s32 s7, s2  }
0x1e: {  	s7 =	smul.u32 @!p0 $0xF7A, s2;
	p2 =	seq.s32 @!p0 s5, $0x0  }
0x1f: {  	s9 =	smul.u32 $0xF7A, s1;
	s8 =	simm.s32 @!p0 $0x1BF5;
	p2 =	por !p2, p0  }
0x20: {  	[sflag:s8] =	ssyncset.s32 @!p0 $0xFFFFF086;
	s6 =	sadd.s32 @!p0 s3, s7;
	s7 =	simm.s32 @!p0 $0x108  }
0x21: {  	s3 =	sadd.s32 s3, s9;
	s6 =	sadd.s32 @!p0 $0x88, s6;
	s7 =	simm.s32 @p2 $0x1082  }
0x22: {  	[simem:s7], [sflag:s8] =	dma.local @!p0 [hbm:s6], $0xF7A  }
0x23: {  	s9 =	sor.u32 $0xD0000000, s2;
	s6 =	simm.s32 $0x108;
	_ =	swait.ge @!p0 [sflag:s8], $0x0  }
0x24: {  	s3 =	sadd.s32 $0x88, s3;
	s6 =	simm.s32 @!p1 $0x1082;
	[sflag:s4] =	ssyncset.s32 $0xFFFFF086  }
0x25: {  	[simem:s6], [sflag:s4] =	dma.local [hbm:s3], $0xF7A  }
0x26: {  	[smem:$0x3F9F] =	sst s1;
	(tag) =	ssettag s2;
	_ =	strace s9  }
0x27: {  	s1 =	sld [smem:$0x3FAF]  }
0x28: {  	s2 =	sld [smem:$0x3FB0]  }
0x29: {  	s4 =	sld [smem:$0x3FB2]  }
0x2a: {  	p0 =	seq.s32 s5, $0x0;
	s5 =	sld [smem:$0x3FB3]  }
0x2b: {  	s6 =	sld [smem:$0x3FB4]  }
0x2c: {  	s7 =	sld [smem:$0x3FB5]  }
0x2d: {  	s3 =	simm.s32 $0x108;
	s8 =	sld [smem:$0x3FB6]  }
0x2e: {  	s3 =	simm.s32 @!p0 $0x1082;
	s9 =	sld [smem:$0x3FB7]  }
0x2f: {  	lr =	sadd.s32 s0, s3;
	s0 =	sld [smem:$0x3FAE]  }
0x30: {  	s3 =	sld [smem:$0x3FB1]  }
0x31: {  	[smem:$0x3FBA] =	sst s10  }
0x32: {  	s10 =	sld [smem:$0x3FB8];
	_ =	sdelay $0x3  }
0x33: {  	p0 =	seq.s32 s10, $0x1;
	s10 =	sld [smem:$0x3FBA];
	_ =	sdelay $0x3  }
0x34: {  	[smem:$0x3FBA] =	sst s10  }
0x35: {  	s10 =	sld [smem:$0x3FB9];
	_ =	sdelay $0x3  }
0x36: {  	p1 =	seq.s32 s10, $0x1;
	s10 =	sld [smem:$0x3FBA];
	_ =	sdelay $0x3  }
0x37: {  	[smem:$0x3FBA] =	sst s10  }
0x38: {  	s10 =	sld [smem:$0x3FBB]  }
0x39: {  	_ = 	snop;
	(pc) =	sbr.ind lr, $3  }
0x3a: {  	_ = 	snop  }
0x3b: {  	_ = 	snop  }
0x3c: {  	p2 =	seq.s32 s10, $0x1;
	s10 =	sld [smem:$0x3FBA]  }
0x3d: {  	_ =	shalt  }
0x3e: {  	_ =	shalt  }
0x3f: {  	_ =	shalt  }
0x40: {  	_ =	shalt  }
0x41: {  	_ =	shalt  }
0x42: {  	_ =	shalt  }
0x43: {  	_ =	shalt  }
0x44: {  	_ =	shalt  }
0x45: {  	_ =	shalt  }
0x46: {  	_ =	shalt  }
0x47: {  	_ =	shalt  }
0x48: {  	_ =	shalt  }
0x49: {  	_ =	shalt  }
0x4a: {  	_ =	shalt  }
0x4b: {  	_ =	shalt  }
0x4c: {  	_ =	shalt  }
0x4d: {  	_ =	shalt  }
0x4e: {  	_ =	shalt  }
0x4f: {  	_ =	shalt  }
0x50: {  	_ =	shalt  }
0x51: {  	_ =	shalt  }
0x52: {  	_ =	shalt  }
0x53: {  	_ =	shalt  }
0x54: {  	_ =	shalt  }
0x55: {  	_ =	shalt  }
0x56: {  	_ =	shalt  }
0x57: {  	_ =	shalt  }
0x58: {  	_ =	shalt  }
0x59: {  	_ =	shalt  }
0x5a: {  	_ =	shalt  }
0x5b: {  	_ =	shalt  }
0x5c: {  	_ =	shalt  }
0x5d: {  	_ =	shalt  }
0x5e: {  	_ =	shalt  }
0x5f: {  	_ =	shalt  }
0x60: {  	_ =	shalt  }
0x61: {  	_ =	shalt  }
0x62: {  	_ =	shalt  }
0x63: {  	_ =	shalt  }
0x64: {  	_ =	shalt  }
0x65: {  	_ =	shalt  }
0x66: {  	_ =	shalt  }
0x67: {  	_ =	shalt  }
0x68: {  	_ =	shalt  }
0x69: {  	_ =	shalt  }
0x6a: {  	_ =	shalt  }
0x6b: {  	_ =	shalt  }
0x6c: {  	_ =	shalt  }
0x6d: {  	_ =	shalt  }
0x6e: {  	_ =	shalt  }
0x6f: {  	_ =	shalt  }
0x70: {  	_ =	shalt  }
0x71: {  	_ =	shalt  }
0x72: {  	_ =	shalt  }
0x73: {  	_ =	shalt  }
0x74: {  	_ =	shalt  }
0x75: {  	_ =	shalt  }
0x76: {  	_ =	shalt  }
0x77: {  	_ =	shalt  }
0x78: {  	_ =	shalt  }
0x79: {  	_ =	shalt  }
0x7a: {  	_ =	shalt  }
0x7b: {  	_ =	shalt  }
0x7c: {  	_ =	shalt  }
0x7d: {  	_ =	shalt  }
0x7e: {  	_ =	shalt  }
0x7f: {  	_ =	shalt  }
0x80: {  	_ =	shalt  }
0x81: {  	_ =	shalt  }
0x82: {  	_ =	shalt  }
0x83: {  	_ =	shalt  }
0x84: {  	_ =	shalt  }
0x85: {  	_ =	shalt  }
0x86: {  	_ =	shalt  }
0x87: {  	_ =	shalt  }
.Lfunc_end0:
.L_simem_size_0:
called_computation.3_lowered:
.L_overlay_start_0:
0x88: {  	s2 =	sld [smem:$0x3FD9]  }
0x89: {  	s3 =	sld [smem:$0x3FFE];
	_ =	sdelay $0x1  }
0x8a: {  	s1 =	srdreg.scid  }
0x8b: {  	s0 =	sand.u32 $0x1, s1  }
0x8c: {  	s17 =	sshll.u32 s0, $0xA;
	s2 =	sadd.s32 s3, s2  }
0x8d: {  	s2 =	sadd.s32 s2, s17  }
0x8e: {  	[smem:$0x3FC6] =	sst s2  }
0x8f: {  	_ = 	snop  }
0x90: {  	s2 =	sld [smem:$0x3FD0];
	(tm) =	ssettm $0x1  }
0x91: {  	s18 =	sld [smem:$0x3FFB];
	_ =	sdelay $0x3  }
0x92: {  	_ =	strace s18  }
0x93: {  	s3 =	sld [smem:$0x3FFC];
	_ =	sdelay $0x3  }
0x94: {  	_ =	strace s3  }
0x95: {  	s3 =	sld [smem:$0x3FFD];
	_ =	sdelay $0x3  }
0x96: {  	_ =	strace s3  }
0x97: {  	_ =	strace $0x8FFFFFFF  }
0x98: {  	s19 =	sld [smem:$0x3FDB];
	_ =	sdelay $0x1  }
0x99: {  	s4 =	simm.s32 $_scs_section_size  }
0x9a: {  	s5 =	simm.s32 $_size__tile_overlayer_lowered;
	s6 =	simm.s32 $_tile_overlayer_lowered  }
0x9b: {  	s22 =	simm.s32 $0x1BFF;
	s21 =	sshll.u32 s6, $0x1;
	s3 =	sadd.s32 s4, s19  }
0x9c: {  	s7 =	simm.s32 $0x0;
	s20 =	sshll.u32 s5, $0x1;
	s5 =	sadd.s32 s21, s3  }
0x9d: {  	[timem:s7], [sflag:s22] =	dma.local [hbm:s5], s20  }
0x9e: {  	_ =	swait.ge [sflag:s22], s20  }
0x9f: {  	s4 =	ssub.s32 $0x0, s20;
	[sflag:s22] =	ssyncset.done $0x0  }
0xa0: {  	[sflag:s22] =	ssyncadd.s32 s4;
	_ =	sdelay $0x1  }
0xa1: {  	s23 =	simm.s32 $0x1B8B  }
0xa2: {  	_ =	swait.ge [sflag:s23], $0x1  }
0xa3: {  	[sflag:s23] =	ssyncset.done $0x0  }
0xa4: {  	s25 =	simm.s32 $0x1B8E;
	s24 =	sld [smem:$0x3FFE];
	[sflag:s23] =	ssyncadd.s32 $0xFFFFFFFF  }
0xa5: {  	s26 =	simm.s32 $execute0_lowered;
	[smem:$0x3FD2] =	sst s25  }
0xa6: {  	s5 =	sshll.u32 s26, $0x1;
	_ =	strace $0x8000004F;
	[dreg:$0x1] =	wrdreg $0xFFFFFFFF  }
0xa7: {  	s28 =	simm.s32 $_size_execute0_lowered;
	s3 =	sadd.s32 s3, s5;
	[dreg:$0x0] =	wrdreg $0x0  }
0xa8: {  	s5 =	sshll.u32 s28, $0x1;
	[dreg:$0x2] =	wrdreg s3  }
0xa9: {  	[dreg:$0x3] =	wrdreg s5  }
0xaa: {  	[dreg:$0x4] =	wrdreg $0xC0  }
0xab: {  	_ =	task [dreg:s7], $0x5FFFF  }
0xac: {  	[dreg:$0x1] =	wrdreg $0xFFFFFFFF  }
0xad: {  	[dreg:$0x0] =	wrdreg $0x60  }
0xae: {  	[dreg:$0x2] =	wrdreg s24  }
0xaf: {  	[dreg:$0x3] =	wrdreg s2  }
0xb0: {  	[dreg:$0x4] =	wrdreg $0xB0000  }
0xb1: {  	[dreg:$0x5] =	wrdreg $0x9  }
0xb2: {  	_ =	task.clear_ibuf [dreg:s7], $0x6FFFF;
	_ =	strace $0x9000004F  }
0xb3: {  	s29 =	simm.s32 $0x9;
	_ =	strace $0x80000051  }
0xb4: {  	_ =	swait.ge [sflag:s29], $0x1  }
0xb5: {  	[sflag:s29] =	ssyncadd.s32 $0xFFFFFFFF  }
0xb6: {  	_ =	strace $0x90000051  }
0xb7: {  	_ =	sfence  }
0xb8: {  	s30 =	sld [smem:$0x0];
	_ =	sdelay $0x2  }
0xb9: {  	s31 =	sshll.u32 s1, $0xD;
	s1 =	sshrl.u32 s1, $0x2  }
0xba: {  	s3 =	sand.u32 $0x4000, s31;
	s1 =	sadd.s32 s1, s30  }
0xbb: {  	s0 =	sor.u32 s3, s0;
	s1 =	sshll.u32 s1, $0x11  }
0xbc: {  	s0 =	sor.u32 s1, s0  }
0xbd: {  	s0 =	sadd.s32 $0x8F2B, s0  }
0xbe: {  	[sflag:s0] =	ssyncadd.remote.s32 $0x1  }
0xbf: {  	_ =	sfence.sel $0xFFFF  }
0xc0: {  	[dreg:$0x0] =	wrdreg $0xFFFFFFFF;
	(pc) =	sbr.abs _section_cstart, $3  }
0xc1: {  	[dreg:$0x1] =	wrdreg $0xFFFFFFFF  }
0xc2: {  	_ =	task.clear_ibuf [dreg:s7], $0x2FFFF;
	_ =	strace $0x9FFFFFFF  }
0xc3: {  	(tm) =	ssettm $0x7FFFFFFF  }
tec
execute0_lowered:
.L_overlay_start_1:
0x0: {  	(tag) =	ssettag $0x1  }
0x1: {  	s0 =	rddreg [dreg:$0x0]  }
0x2: {  	s3 =	rddreg [dreg:$0x1]  }
0x3: {  	s1 =	rddreg [dreg:$0x2];
	s2 =	simm.s32 $0x0;
	s5 =	srdreg.scid  }
0x4: {  	s8 =	stileid.u32;
	s28 =	simm.s32 $0x1480;
	s29 =	simm.s32 $0x2C00  }
0x5: {  	s30 =	simm.s32 $0x2C80;
	s31 =	simm.s32 $0x0;
	[smem:$0x7FF] =	sst s2  }
0x6: {  	s4 =	sadd.s32 $0xE600, s0;
	s9 =	sand.u32 $0x1, s5;
	s6 =	smul.u32 $0x50000, s8  }
0x7: {  	s12 =	sadd.s32 $0x2600, s0;
	s0 =	sadd.s32 $0x36600, s0;
	s13 =	smul.u32 $0x14000, s8  }
0x8: {  	s21 =	sshll.u32 s8, $0x1;
	_ =	strace $0x80000050;
	s5 =	ssub.s32 $0x2, s9  }
0x9: {  	s22 =	sor.u32 s9, s21;
	s20 =	smul.u32 $0x140000, s9;
	s7 =	sshrl.u32 s5, $0x1  }
0xa: {  	s6 =	sshrl.u32 s6, $0x2;
	s14 =	sadd.s32 $0x4000, s13;
	s16 =	sadd.s32 $0x8000, s13  }
0xb: {  	s17 =	sadd.s32 $0xC000, s13;
	s10 =	smul.u32 $0x3000, s22;
	s18 =	sadd.s32 $0x10000, s13  }
0xc: {  	s19 =	ssub.s32 s5, s7;
	s5 =	sadd.s32 s6, s1;
	s6 =	sadd.s32 s14, s1  }
0xd: {  	s7 =	sadd.s32 s16, s1;
	s8 =	sadd.s32 s17, s1;
	s9 =	sadd.s32 s18, s1  }
0xe: {  	s13 =	sadd.s32 s13, s20;
	s14 =	sadd.s32 s20, s14;
	s23 =	sadd.s32 s20, s16  }
0xf: {  	s24 =	sadd.s32 s20, s17;
	s25 =	sadd.s32 s20, s18;
	s15 =	sshrl.u32 s10, $0x3  }
0x10: {  	s21 =	sshrl.u32 s13, $0x3;
	s22 =	sshrl.u32 s14, $0x3;
	s26 =	sshrl.u32 s24, $0x3  }
0x11: {  	s20 =	sshrl.u32 s25, $0x3;
	s19 =	smax.u32 s19, $0x1;
	s24 =	simm.s32 $0x1  }
0x12: {  	s25 =	simm.s32 $0x7000;
	s10 =	sadd.s32 s12, s15;
	s11 =	sadd.s32 s3, s15  }
0x13: {  	s15 =	sadd.s32 $0x300, s15;
	s14 =	sadd.s32 s0, s21;
	s17 =	sadd.s32 s0, s26  }
0x14: {  	s18 =	sadd.s32 s0, s20;
	s20 =	simm.s32 $0x3000;
	s21 =	simm.s32 $0x3  }
0x15: {  	s26 =	simm.s32 $0x2;
	[dreg:$0x4] =	wrdreg s10;
	s12 =	sadd.s32 s12, s15  }
0x16: {  	s13 =	sadd.s32 s3, s15;
	s15 =	sadd.s32 s0, s22;
	s3 =	sshrl.u32 s23, $0x3  }
0x17: {  	v0 =	vimm.f32 $0.0e+00;
	s22 =	simm.s32 $0x1800;
	s23 =	simm.s32 $0x80;
	s16 =	sadd.s32 s0, s3  }
.LBB2_1:
0x18: {  	s0 =	simm.s32 $0x0;
	s3 =	simm.s32 $0x200  }
.LBB2_2:
0x19: {  	p0 =	sne.s32 s3, $0xFE00;
	[tilespmem:s0+$0x3070] =	vst v0  }
0x1a: {  	[tilespmem:s0+$0x3000] =	vst v0  }
0x1b: {  	[tilespmem:s0+$0x3010] =	vst v0  }
.Ltmp0:
0x1c: {  	[tilespmem:s0+$0x3020] =	vst v0;
	(pc) =	sbr.rel @p0 .LBB2_2-.Ltmp0, $4  }
0x1d: {  	[tilespmem:s0+$0x3030] =	vst v0  }
0x1e: {  	[tilespmem:s0+$0x3040] =	vst v0  }
0x1f: {  	[tilespmem:s0+$0x3050] =	vst v0  }
0x20: {  	[tilespmem:s0+$0x3060] =	vst v0;
	s0 =	sshra.s32 s3, $0x2;
	s3 =	sadd.s32 $0x200, s3  }
0x21: {  	[tilespmem:s0+$0x3070] =	vst v0  }
0x22: {  	[tilespmem:s0+$0x3000] =	vst v0  }
0x23: {  	[tilespmem:s0+$0x3010] =	vst v0  }
0x24: {  	[tilespmem:s0+$0x3020] =	vst v0  }
0x25: {  	[tilespmem:s0+$0x3030] =	vst v0  }
0x26: {  	[tilespmem:s0+$0x3040] =	vst v0  }
0x27: {  	[tilespmem:s0+$0x3050] =	vst v0  }
0x28: {  	[tilespmem:s0+$0x3060] =	vst v0  }
0x29: {  	[spmem:s5] =	stream.linear.scatter [tilespmem:s20], [sflag:$0x3], $0x4000, $0x38;
	[tilespmem:$0x1F000] =	vst v63  }
0x2a: {  	_ =	swait.ge [sflag:s21], $0x4000  }
0x2b: {  	[sflag:s21] =	ssyncset.done $0x0  }
0x2c: {  	[sflag:s21] =	ssyncadd.s32 $0xFFFFC000  }
0x2d: {  	[spmem:s6] =	stream.linear.scatter [tilespmem:s20], [sflag:$0x3], $0x4000, $0x38;
	[tilespmem:$0x1F000] =	vst v63  }
0x2e: {  	_ =	swait.ge [sflag:s21], $0x4000  }
0x2f: {  	[sflag:s21] =	ssyncset.done $0x0  }
0x30: {  	[sflag:s21] =	ssyncadd.s32 $0xFFFFC000  }
0x31: {  	[spmem:s7] =	stream.linear.scatter [tilespmem:s20], [sflag:$0x3], $0x4000, $0x38;
	[tilespmem:$0x1F000] =	vst v63  }
0x32: {  	_ =	swait.ge [sflag:s21], $0x4000  }
0x33: {  	[sflag:s21] =	ssyncset.done $0x0  }
0x34: {  	[sflag:s21] =	ssyncadd.s32 $0xFFFFC000  }
0x35: {  	[spmem:s8] =	stream.linear.scatter [tilespmem:s20], [sflag:$0x3], $0x4000, $0x38;
	[tilespmem:$0x1F000] =	vst v63  }
0x36: {  	_ =	swait.ge [sflag:s21], $0x4000  }
0x37: {  	[sflag:s21] =	ssyncset.done $0x0  }
0x38: {  	[sflag:s21] =	ssyncadd.s32 $0xFFFFC000  }
0x39: {  	[spmem:s9] =	stream.linear.scatter [tilespmem:s20], [sflag:$0x3], $0x4000, $0x38;
	[tilespmem:$0x1F000] =	vst v63  }
0x3a: {  	_ =	swait.ge [sflag:s21], $0x4000  }
0x3b: {  	[sflag:s21] =	ssyncset.done $0x0  }
0x3c: {  	[sflag:s21] =	ssyncadd.s32 $0xFFFFC000  }
0x3d: {  	[bflag:$0x0] =	sbarrier.arrive $0xFFFF  }
0x3e: {  	s10 =	simm.s32 $0x0;
	s3 =	rddreg [dreg:$0x4]  }
0x3f: {  	[tilespmem:s10], [sflag:$0x3] =	stream.linear.gather [hbm4b:s3+s10], $0x1500, $0x38;
	[tilespmem:$0x1F000] =	vst v63  }
0x40: {  	_ =	swait.ge [sflag:s21], $0x1500  }
0x41: {  	[sflag:s21] =	ssyncset.done $0x0  }
0x42: {  	[sflag:s21] =	ssyncadd.s32 $0xFFFFEB00  }
0x43: {  	[tilespmem:s22], [sflag:$0x3] =	stream.linear.gather [hbm4b:s11+s10], $0x1500, $0x38;
	[tilespmem:$0x1F000] =	vst v63  }
0x44: {  	_ =	swait.ge [sflag:s21], $0x1500  }
0x45: {  	[sflag:s21] =	ssyncset.done $0x0  }
0x46: {  	[sflag:s21] =	ssyncadd.s32 $0xFFFFEB00  }
0x47: {  	[tilespmem:s20], [sflag:$0x1] =	stream.indirect.gather [hbm4b:s4+s23], $0x80, s10, s23, $0xb8;
	[tilespmem:$0x1F000] =	vst v63  }
0x48: {  	_ =	swait.ge [sflag:s24], $0x4000  }
0x49: {  	[sflag:s24] =	ssyncset.done $0x0  }
0x4a: {  	s3 =	simm.s32 $0x80;
	[sflag:s24] =	ssyncadd.s32 $0xFFFFC000  }
0x4b: {  	[tilespmem:s25], [sflag:$0x2] =	stream.indirect.gather [hbm4b:s4+s23], $0x80, s3, s23, $0xb8;
	[tilespmem:$0x1F000] =	vst v63  }
0x4c: {  	s10 =	simm.s32 $0x1800  }
0x4d: {  	[spmem:s1] =	stream.indirect.scatter.add.f32 [tilespmem:s20], [sflag:$0x3], $0x80, s10, s23, $0xb8;
	[tilespmem:$0x1F000] =	vst v63  }
0x4e: {  	_ =	swait.ge [sflag:s21], $0x4000  }
0x4f: {  	[sflag:s21] =	ssyncset.done $0x0  }
0x50: {  	[sflag:s21] =	ssyncadd.s32 $0xFFFFC000  }
0x51: {  	_ =	swait.ge [sflag:s26], $0x4000  }
0x52: {  	[sflag:s26] =	ssyncset.done $0x0  }
0x53: {  	s3 =	simm.s32 $0x100;
	[sflag:s26] =	ssyncadd.s32 $0xFFFFC000  }
0x54: {  	[tilespmem:s20], [sflag:$0x1] =	stream.indirect.gather [hbm4b:s4+s23], $0x80, s3, s23, $0xb8;
	[tilespmem:$0x1F000] =	vst v63  }
0x55: {  	s10 =	simm.s32 $0x1880  }
0x56: {  	[spmem:s1] =	stream.indirect.scatter.add.f32 [tilespmem:s25], [sflag:$0x3], $0x80, s10, s23, $0xb8;
	[tilespmem:$0x1F000] =	vst v63  }
0x57: {  	_ =	swait.ge [sflag:s21], $0x4000  }
0x58: {  	s0 =	simm.s32 $0x400;
	[sflag:s21] =	ssyncset.done $0x0  }
.LBB2_4:
0x59: {  	p0 =	sne.s32 s0, $0x4C00  }
0x5a: {  	[sflag:s21] =	ssyncadd.s32 $0xFFFFC000;
	s3 =	smov.u32 s0;
	s0 =	sadd.s32 $0x400, s0  }
0x5b: {  	_ = 	snop  }
0x5c: {  	_ =	swait.ge [sflag:s24], $0x4000  }
0x5d: {  	s3 =	sshra.s32 s3, $0x2;
	[sflag:s24] =	ssyncset.done $0x0  }
0x5e: {  	s10 =	sadd.s32 $0x80, s3;
	[sflag:s24] =	ssyncadd.s32 $0xFFFFC000  }
0x5f: {  	[tilespmem:s25], [sflag:$0x2] =	stream.indirect.gather [hbm4b:s4+s23], $0x80, s10, s23, $0xb8;
	[tilespmem:$0x1F000] =	vst v63  }
0x60: {  	s10 =	sadd.s32 $0x1800, s3  }
0x61: {  	[spmem:s1] =	stream.indirect.scatter.add.f32 [tilespmem:s20], [sflag:$0x3], $0x80, s10, s23, $0xb8;
	[tilespmem:$0x1F000] =	vst v63  }
0x62: {  	_ =	swait.ge [sflag:s21], $0x4000  }
0x63: {  	[sflag:s21] =	ssyncset.done $0x0  }
0x64: {  	[sflag:s21] =	ssyncadd.s32 $0xFFFFC000  }
0x65: {  	_ =	swait.ge [sflag:s26], $0x4000  }
0x66: {  	[sflag:s26] =	ssyncset.done $0x0  }
0x67: {  	s10 =	sadd.s32 $0x100, s3;
	[sflag:s26] =	ssyncadd.s32 $0xFFFFC000  }
0x68: {  	[tilespmem:s20], [sflag:$0x1] =	stream.indirect.gather [hbm4b:s4+s23], $0x80, s10, s23, $0xb8;
	[tilespmem:$0x1F000] =	vst v63  }
.Ltmp1:
0x69: {  	_ = 	snop;
	(pc) =	sbr.rel @p0 .LBB2_4-.Ltmp1, $4  }
0x6a: {  	s3 =	sadd.s32 $0x1880, s3  }
0x6b: {  	[spmem:s1] =	stream.indirect.scatter.add.f32 [tilespmem:s25], [sflag:$0x3], $0x80, s3, s23, $0xb8;
	[tilespmem:$0x1F000] =	vst v63  }
0x6c: {  	_ =	swait.ge [sflag:s21], $0x4000  }
0x6d: {  	[sflag:s21] =	ssyncset.done $0x0  }
0x6e: {  	[sflag:s21] =	ssyncadd.s32 $0xFFFFC000  }
0x6f: {  	_ =	swait.ge [sflag:s24], $0x4000  }
0x70: {  	[sflag:s24] =	ssyncset.done $0x0  }
0x71: {  	[sflag:s24] =	ssyncadd.s32 $0xFFFFC000  }
0x72: {  	[tilespmem:s25], [sflag:$0x2] =	stream.indirect.gather [hbm4b:s4+s23], $0x80, s28, s23, $0xb8;
	[tilespmem:$0x1F000] =	vst v63  }
0x73: {  	_ = 	snop  }
0x74: {  	[spmem:s1] =	stream.indirect.scatter.add.f32 [tilespmem:s20], [sflag:$0x3], $0x80, s29, s23, $0xb8;
	[tilespmem:$0x1F000] =	vst v63  }
0x75: {  	_ =	swait.ge [sflag:s21], $0x4000  }
0x76: {  	[sflag:s21] =	ssyncset.done $0x0  }
0x77: {  	[sflag:s21] =	ssyncadd.s32 $0xFFFFC000  }
0x78: {  	_ =	swait.ge [sflag:s26], $0x4000  }
0x79: {  	[sflag:s26] =	ssyncset.done $0x0  }
0x7a: {  	[sflag:s26] =	ssyncadd.s32 $0xFFFFC000  }
0x7b: {  	[spmem:s1] =	stream.indirect.scatter.add.f32 [tilespmem:s25], [sflag:$0x3], $0x80, s30, s23, $0xb8;
	[tilespmem:$0x1F000] =	vst v63  }
0x7c: {  	_ =	swait.ge [sflag:s21], $0x4000  }
0x7d: {  	[sflag:s21] =	ssyncset.done $0x0  }
0x7e: {  	s0 =	simm.s32 $0x0;
	[sflag:s21] =	ssyncadd.s32 $0xFFFFC000  }
0x7f: {  	[tilespmem:s0], [sflag:$0x3] =	stream.linear.gather [hbm4b:s12+s0], $0x1500, $0x38;
	[tilespmem:$0x1F000] =	vst v63  }
0x80: {  	_ =	swait.ge [sflag:s21], $0x1500  }
0x81: {  	[sflag:s21] =	ssyncset.done $0x0  }
0x82: {  	[sflag:s21] =	ssyncadd.s32 $0xFFFFEB00  }
0x83: {  	[tilespmem:s22], [sflag:$0x3] =	stream.linear.gather [hbm4b:s13+s0], $0x1500, $0x38;
	[tilespmem:$0x1F000] =	vst v63  }
0x84: {  	_ =	swait.ge [sflag:s21], $0x1500  }
0x85: {  	[sflag:s21] =	ssyncset.done $0x0  }
0x86: {  	[sflag:s21] =	ssyncadd.s32 $0xFFFFEB00  }
0x87: {  	[tilespmem:s20], [sflag:$0x1] =	stream.indirect.gather [hbm4b:s4+s23], $0x80, s0, s23, $0xb8;
	[tilespmem:$0x1F000] =	vst v63  }
0x88: {  	_ =	swait.ge [sflag:s24], $0x4000  }
0x89: {  	[sflag:s24] =	ssyncset.done $0x0  }
0x8a: {  	s3 =	simm.s32 $0x80;
	[sflag:s24] =	ssyncadd.s32 $0xFFFFC000  }
0x8b: {  	[tilespmem:s25], [sflag:$0x2] =	stream.indirect.gather [hbm4b:s4+s23], $0x80, s3, s23, $0xb8;
	[tilespmem:$0x1F000] =	vst v63  }
0x8c: {  	s10 =	simm.s32 $0x1800  }
0x8d: {  	[spmem:s1] =	stream.indirect.scatter.add.f32 [tilespmem:s20], [sflag:$0x3], $0x80, s10, s23, $0xb8;
	[tilespmem:$0x1F000] =	vst v63  }
0x8e: {  	_ =	swait.ge [sflag:s21], $0x4000  }
0x8f: {  	[sflag:s21] =	ssyncset.done $0x0  }
0x90: {  	[sflag:s21] =	ssyncadd.s32 $0xFFFFC000  }
0x91: {  	_ =	swait.ge [sflag:s26], $0x4000  }
0x92: {  	[sflag:s26] =	ssyncset.done $0x0  }
0x93: {  	s3 =	simm.s32 $0x100;
	[sflag:s26] =	ssyncadd.s32 $0xFFFFC000  }
0x94: {  	[tilespmem:s20], [sflag:$0x1] =	stream.indirect.gather [hbm4b:s4+s23], $0x80, s3, s23, $0xb8;
	[tilespmem:$0x1F000] =	vst v63  }
0x95: {  	s10 =	simm.s32 $0x1880  }
0x96: {  	[spmem:s1] =	stream.indirect.scatter.add.f32 [tilespmem:s25], [sflag:$0x3], $0x80, s10, s23, $0xb8;
	[tilespmem:$0x1F000] =	vst v63  }
0x97: {  	_ =	swait.ge [sflag:s21], $0x4000  }
0x98: {  	s0 =	simm.s32 $0x400;
	[sflag:s21] =	ssyncset.done $0x0  }
.LBB2_6:
0x99: {  	p0 =	sne.s32 s0, $0x4C00  }
0x9a: {  	[sflag:s21] =	ssyncadd.s32 $0xFFFFC000;
	s3 =	smov.u32 s0;
	s0 =	sadd.s32 $0x400, s0  }
0x9b: {  	_ = 	snop  }
0x9c: {  	_ =	swait.ge [sflag:s24], $0x4000  }
0x9d: {  	s3 =	sshra.s32 s3, $0x2;
	[sflag:s24] =	ssyncset.done $0x0  }
0x9e: {  	s10 =	sadd.s32 $0x80, s3;
	[sflag:s24] =	ssyncadd.s32 $0xFFFFC000  }
0x9f: {  	[tilespmem:s25], [sflag:$0x2] =	stream.indirect.gather [hbm4b:s4+s23], $0x80, s10, s23, $0xb8;
	[tilespmem:$0x1F000] =	vst v63  }
0xa0: {  	s10 =	sadd.s32 $0x1800, s3  }
0xa1: {  	[spmem:s1] =	stream.indirect.scatter.add.f32 [tilespmem:s20], [sflag:$0x3], $0x80, s10, s23, $0xb8;
	[tilespmem:$0x1F000] =	vst v63  }
0xa2: {  	_ =	swait.ge [sflag:s21], $0x4000  }
0xa3: {  	[sflag:s21] =	ssyncset.done $0x0  }
0xa4: {  	[sflag:s21] =	ssyncadd.s32 $0xFFFFC000  }
0xa5: {  	_ =	swait.ge [sflag:s26], $0x4000  }
0xa6: {  	[sflag:s26] =	ssyncset.done $0x0  }
0xa7: {  	s10 =	sadd.s32 $0x100, s3;
	[sflag:s26] =	ssyncadd.s32 $0xFFFFC000  }
0xa8: {  	[tilespmem:s20], [sflag:$0x1] =	stream.indirect.gather [hbm4b:s4+s23], $0x80, s10, s23, $0xb8;
	[tilespmem:$0x1F000] =	vst v63  }
.Ltmp2:
0xa9: {  	_ = 	snop;
	(pc) =	sbr.rel @p0 .LBB2_6-.Ltmp2, $4  }
0xaa: {  	s3 =	sadd.s32 $0x1880, s3  }
0xab: {  	[spmem:s1] =	stream.indirect.scatter.add.f32 [tilespmem:s25], [sflag:$0x3], $0x80, s3, s23, $0xb8;
	[tilespmem:$0x1F000] =	vst v63  }
0xac: {  	_ =	swait.ge [sflag:s21], $0x4000  }
0xad: {  	[sflag:s21] =	ssyncset.done $0x0  }
0xae: {  	[sflag:s21] =	ssyncadd.s32 $0xFFFFC000  }
0xaf: {  	_ =	swait.ge [sflag:s24], $0x4000  }
0xb0: {  	[sflag:s24] =	ssyncset.done $0x0  }
0xb1: {  	[sflag:s24] =	ssyncadd.s32 $0xFFFFC000  }
0xb2: {  	[tilespmem:s25], [sflag:$0x2] =	stream.indirect.gather [hbm4b:s4+s23], $0x80, s28, s23, $0xb8;
	[tilespmem:$0x1F000] =	vst v63  }
0xb3: {  	_ = 	snop  }
0xb4: {  	[spmem:s1] =	stream.indirect.scatter.add.f32 [tilespmem:s20], [sflag:$0x3], $0x80, s29, s23, $0xb8;
	[tilespmem:$0x1F000] =	vst v63  }
0xb5: {  	_ =	swait.ge [sflag:s21], $0x4000  }
0xb6: {  	[sflag:s21] =	ssyncset.done $0x0  }
0xb7: {  	[sflag:s21] =	ssyncadd.s32 $0xFFFFC000  }
0xb8: {  	_ =	swait.ge [sflag:s26], $0x4000  }
0xb9: {  	[sflag:s26] =	ssyncset.done $0x0  }
0xba: {  	[sflag:s26] =	ssyncadd.s32 $0xFFFFC000  }
0xbb: {  	[spmem:s1] =	stream.indirect.scatter.add.f32 [tilespmem:s25], [sflag:$0x3], $0x80, s30, s23, $0xb8;
	[tilespmem:$0x1F000] =	vst v63  }
0xbc: {  	_ =	swait.ge [sflag:s21], $0x4000  }
0xbd: {  	[sflag:s21] =	ssyncset.done $0x0  }
0xbe: {  	[sflag:s21] =	ssyncadd.s32 $0xFFFFC000  }
0xbf: {  	[bflag:$0x0] =	sbarrier.arrive $0xFFFF  }
0xc0: {  	[tilespmem:s20], [sflag:$0x3] =	stream.linear.gather [spmem:s5], $0x4000, $0x38;
	[tilespmem:$0x1F000] =	vst v63  }
0xc1: {  	_ =	swait.ge [sflag:s21], $0x4000  }
0xc2: {  	[sflag:s21] =	ssyncset.done $0x0  }
0xc3: {  	[sflag:s21] =	ssyncadd.s32 $0xFFFFC000  }
0xc4: {  	[hbm4b:s14+s2] =	stream.linear.scatter [tilespmem:s20], [sflag:$0x3], $0x4000, $0x38;
	[tilespmem:$0x1F000] =	vst v63  }
0xc5: {  	_ =	swait.ge [sflag:s21], $0x4000  }
0xc6: {  	[sflag:s21] =	ssyncset.done $0x0  }
0xc7: {  	[sflag:s21] =	ssyncadd.s32 $0xFFFFC000  }
0xc8: {  	[tilespmem:s20], [sflag:$0x3] =	stream.linear.gather [spmem:s6], $0x4000, $0x38;
	[tilespmem:$0x1F000] =	vst v63  }
0xc9: {  	_ =	swait.ge [sflag:s21], $0x4000  }
0xca: {  	[sflag:s21] =	ssyncset.done $0x0  }
0xcb: {  	[sflag:s21] =	ssyncadd.s32 $0xFFFFC000  }
0xcc: {  	[hbm4b:s15+s2] =	stream.linear.scatter [tilespmem:s20], [sflag:$0x3], $0x4000, $0x38;
	[tilespmem:$0x1F000] =	vst v63  }
0xcd: {  	_ =	swait.ge [sflag:s21], $0x4000  }
0xce: {  	[sflag:s21] =	ssyncset.done $0x0  }
0xcf: {  	[sflag:s21] =	ssyncadd.s32 $0xFFFFC000  }
0xd0: {  	[tilespmem:s20], [sflag:$0x3] =	stream.linear.gather [spmem:s7], $0x4000, $0x38;
	[tilespmem:$0x1F000] =	vst v63  }
0xd1: {  	_ =	swait.ge [sflag:s21], $0x4000  }
0xd2: {  	[sflag:s21] =	ssyncset.done $0x0  }
0xd3: {  	[sflag:s21] =	ssyncadd.s32 $0xFFFFC000  }
0xd4: {  	[hbm4b:s16+s2] =	stream.linear.scatter [tilespmem:s20], [sflag:$0x3], $0x4000, $0x38;
	[tilespmem:$0x1F000] =	vst v63  }
0xd5: {  	_ =	swait.ge [sflag:s21], $0x4000  }
0xd6: {  	[sflag:s21] =	ssyncset.done $0x0  }
0xd7: {  	[sflag:s21] =	ssyncadd.s32 $0xFFFFC000  }
0xd8: {  	[tilespmem:s20], [sflag:$0x3] =	stream.linear.gather [spmem:s8], $0x4000, $0x38;
	[tilespmem:$0x1F000] =	vst v63  }
0xd9: {  	_ =	swait.ge [sflag:s21], $0x4000  }
0xda: {  	[sflag:s21] =	ssyncset.done $0x0  }
0xdb: {  	[sflag:s21] =	ssyncadd.s32 $0xFFFFC000  }
0xdc: {  	[hbm4b:s17+s2] =	stream.linear.scatter [tilespmem:s20], [sflag:$0x3], $0x4000, $0x38;
	[tilespmem:$0x1F000] =	vst v63  }
0xdd: {  	_ =	swait.ge [sflag:s21], $0x4000  }
0xde: {  	[sflag:s21] =	ssyncset.done $0x0  }
0xdf: {  	[sflag:s21] =	ssyncadd.s32 $0xFFFFC000  }
0xe0: {  	[tilespmem:s20], [sflag:$0x3] =	stream.linear.gather [spmem:s9], $0x4000, $0x38;
	[tilespmem:$0x1F000] =	vst v63  }
0xe1: {  	s31 =	sadd.s32 $0x1, s31;
	_ =	swait.ge [sflag:s21], $0x4000  }
0xe2: {  	p0 =	sne.s32 s31, s19;
	[sflag:s21] =	ssyncset.done $0x0  }
.Ltmp3:
0xe3: {  	[sflag:s21] =	ssyncadd.s32 $0xFFFFC000;
	(pc) =	sbr.rel @p0 .LBB2_1-.Ltmp3, $4  }
0xe4: {  	[hbm4b:s18+s2] =	stream.linear.scatter [tilespmem:s20], [sflag:$0x3], $0x4000, $0x38;
	[tilespmem:$0x1F000] =	vst v63  }
0xe5: {  	_ =	swait.ge [sflag:s21], $0x4000  }
0xe6: {  	[sflag:s21] =	ssyncset.done $0x0  }
0xe7: {  	[sflag:s21] =	ssyncadd.s32 $0xFFFFC000  }
0xe8: {  	_ =	sfence.sel $0x180000  }
0xe9: {  	[bflag:$0x0] =	sbarrier.arrive $0xFFFF  }
0xea: {  	_ =	strace $0x90000050  }
0xeb: {  	s0 =	stileid.u32;
	[bflag:$0x2] =	sbarrier.arrive $0xFFFF  }
0xec: {  	p0 =	sne.s32 s0, $0x0;
	s0 =	rddreg [dreg:$0x3]  }
0xed: {  	s0 =	sadd.s32 @!p0 $0x100000, s0  }
0xee: {  	[sflag:s0] =	ssyncadd.tile.s32 @!p0 $0x1;
	_ =	shalt  }
.Lfunc_end2:
_tile_overlayer_lowered:
.L_overlay_start_2:
0xef: {  	(tag) =	ssettag $0x2  }
0xf0: {  	s0 =	rddreg [dreg:$0x0];
	s2 =	stileid.u32  }
0xf1: {  	s1 =	rddreg [dreg:$0x1];
	p0 =	sne.s32 s2, $0x0  }
0xf2: {  	s3 =	rddreg [dreg:$0x2];
	[bflag:$0x3] =	sbarrier.arrive $0xFFFF;
	s2 =	simm.s32 @!p0 $0x1C03  }
0xf3: {  	[timem:s3], [sflag:s2] =	dma.local @!p0 [hbm:s0], s1  }
0xf4: {  	s0 =	simm.s32 @!p0 $0x3  }
0xf5: {  	_ =	swait.ge @!p0 [sflag:s0], s1  }
0xf6: {  	s1 =	ssub.s32 @!p0 $0x0, s1;
	[sflag:s0] =	ssyncset.done @!p0 $0x0  }
0xf7: {  	[sflag:s0] =	ssyncadd.s32 @!p0 s1  }
0xf8: {  	[bflag:$0x3] =	sbarrier.arrive $0xFFFF  }
0xf9: {  	_ =	shalt  }

</sc_bundles>
